<compile_context>
chip_gen: v7x
topology: tpu7x:2x2x1
jax: 0.10.2.dev20260603
libtpu: 0.0.44.dev20260713+nightly
codegen_flags: <defaults>
</compile_context>

<pallas_src>
import dataclasses
import functools

import jax
import jax.numpy as jnp
from jax import lax
from jax.experimental import pallas as pl
from jax.experimental.pallas import tpu as pltpu
from jax.experimental.pallas import tpu_sc as plsc

N = 10000
E = 320000
D = 128
H = 128

NCORE = 2
NSUB = 16
NTILE = NCORE * NSUB
EPT = E // NTILE
CH = 80
NCHUNK = EPT // CH
N_PAD = 10240

_mesh = plsc.VectorSubcoreMesh(core_axis_name="c", subcore_axis_name="s")

_cp = pltpu.CompilerParams()
if "needs_layout_passes" in pltpu.CompilerParams.__dataclass_fields__:
    _cp = dataclasses.replace(_cp, needs_layout_passes=False)



@functools.partial(
    pl.kernel,
    out_type=jax.ShapeDtypeStruct((NTILE, 1, N_PAD), jnp.float32),
    mesh=_mesh,
    compiler_params=_cp,
    scratch_types=[
        pltpu.VMEM((NCHUNK, 1, CH), jnp.int32),
        pltpu.VMEM((1, N_PAD), jnp.float32),
        pltpu.SemaphoreType.DMA,
    ],
)
def _sc_degree(dst_hbm, out_hbm, idx_v, hist_v, sem):
    c = lax.axis_index("c")
    s = lax.axis_index("s")
    g = c * NSUB + s

    pltpu.async_copy(dst_hbm.at[g], idx_v, sem).wait()

    @pl.loop(0, N_PAD // 16)
    def _(i):
        hist_v[0, pl.ds(i * 16, 16)] = jnp.zeros((16,), jnp.float32)

    zeros16 = jnp.zeros((16,), jnp.int32)
    ones16 = jnp.ones((16,), jnp.float32)

    @pl.loop(0, NCHUNK)
    def _(j):
        @pl.loop(0, CH // 16)
        def _(k):
            idx = idx_v[j, 0, pl.ds(k * 16, 16)]
            plsc.addupdate_scatter(hist_v, [zeros16, idx], ones16)

    pltpu.sync_copy(hist_v, out_hbm.at[g])



@functools.partial(
    pl.kernel,
    out_type=jax.ShapeDtypeStruct((NCORE, N_PAD, H), jnp.float32),
    mesh=_mesh,
    compiler_params=_cp,
    scratch_types=[
        pltpu.VMEM((4, CH), jnp.int32),
        pltpu.VMEM((4, CH), jnp.int32),
        pltpu.VMEM((4, CH, H), jnp.float32),
        pltpu.SemaphoreType.DMA((4,)),
        pltpu.SemaphoreType.DMA((4,)),
        pltpu.SemaphoreType.DMA((4,)),
        pltpu.SemaphoreType.DMA((4,)),
        pltpu.VMEM_SHARED((N_PAD, H), jnp.float32),
    ],
)
def _sc_edge_pass(src_hbm, dst_hbm, y_hbm, zeros_hbm, out_hbm,
                  is_v, id_v, rows_v, semg, semsc, semis, semid, acc_sh):
    c = lax.axis_index("c")
    s = lax.axis_index("s")
    g = c * NSUB + s

    @pl.when(s == 0)
    def _():
        pltpu.sync_copy(zeros_hbm, acc_sh)

    def ld_is(b, j):
        pltpu.async_copy(src_hbm.at[g, j, 0], is_v.at[b], semis.at[b])

    def ld_id(b, j):
        pltpu.async_copy(dst_hbm.at[g, j, 0], id_v.at[b], semid.at[b])

    def wait_is(b):
        pltpu.make_async_copy(src_hbm.at[g, 0, 0], is_v.at[b], semis.at[b]).wait()

    def wait_id(b):
        pltpu.make_async_copy(dst_hbm.at[g, 0, 0], id_v.at[b], semid.at[b]).wait()

    def gather(b):
        pltpu.async_copy(y_hbm.at[is_v.at[b]], rows_v.at[b], semg.at[b])

    def wait_gather(b):
        pltpu.make_async_copy(y_hbm.at[is_v.at[b]], rows_v.at[b],
                              semg.at[b]).wait()

    def scat(b):
        pltpu.async_copy(rows_v.at[b], acc_sh.at[id_v.at[b]], semsc.at[b],
                         add=True)

    def wait_scat(b):
        pltpu.make_async_copy(rows_v.at[b], acc_sh.at[id_v.at[b]],
                              semsc.at[b]).wait()

    for b in range(4):
        ld_is(b, b)
    ld_id(0, 0)
    ld_id(1, 1)
    wait_is(0)
    gather(0)
    wait_is(1)
    gather(1)

    def step(j, b, b2):
        wait_gather(b)

        @pl.when(j + 4 < NCHUNK)
        def _():
            ld_is(b, j + 4)

        wait_id(b)
        scat(b)

        @pl.when(j >= 2)
        def _():
            wait_scat(b2)

        @pl.when(j + 2 < NCHUNK)
        def _():
            ld_id(b2, j + 2)
            wait_is(b2)
            gather(b2)

    @pl.loop(0, NCHUNK // 4)
    def _(t):
        for b in range(4):
            step(4 * t + b, b, (b + 2) % 4)

    step(NCHUNK - 1, (NCHUNK - 1) % 4, (NCHUNK + 1) % 4)

    wait_scat((NCHUNK - 2) % 4)
    wait_scat((NCHUNK - 1) % 4)

    plsc.subcore_barrier()

    @pl.when(s == 0)
    def _():
        pltpu.sync_copy(acc_sh, out_hbm.at[c])



BR = 400


def _tc0_body(degp_ref, dis_ref):
    deg = jnp.sum(degp_ref[...], axis=0) + 1.0
    dis_ref[...] = lax.rsqrt(deg).reshape(N_PAD, 1)


def _tc1_body(x_ref, w_ref, dis_ref, y_ref):
    xw = jnp.dot(x_ref[...], w_ref[...], preferred_element_type=jnp.float32)
    y_ref[...] = xw * dis_ref[...]


def _tc2_body(p_ref, y_ref, dis_ref, b_ref, w_ref, out_ref):
    dis = dis_ref[...]
    pre = (p_ref[0] + p_ref[1] + y_ref[...]) * dis + b_ref[...]
    h = jnp.maximum(pre, 0.0)
    hw = jnp.dot(h, w_ref[...], preferred_element_type=jnp.float32)
    out_ref[...] = hw * dis


def _tcf_body(np_ref, p_ref, y_ref, dis_ref, b2_ref, w_ref, b_ref, out_ref):
    def row(i):
        pre = ((p_ref[0, pl.ds(i, 1), :] + p_ref[1, pl.ds(i, 1), :]
                + y_ref[pl.ds(i, 1), :]) * dis_ref[pl.ds(i, 1), :]
               + b2_ref[...])
        return jnp.maximum(pre, 0.0)

    r0 = row(np_ref[0])
    r1 = row(np_ref[1])
    val = (jnp.sum(r0 * w_ref[0:1, :]) + jnp.sum(r1 * w_ref[1:2, :])
           + b_ref[0, 0])
    out_ref[...] = jnp.broadcast_to(jax.nn.sigmoid(val), (1, 1))


def kernel(x, edge_index, node_pair, W1, b1, W2, b2, Wfc, bfc):
    src = edge_index[0].reshape(NTILE, NCHUNK, 1, CH)
    dst = edge_index[1].reshape(NTILE, NCHUNK, 1, CH)
    b1r = b1.reshape(1, H)
    b2r = b2.reshape(1, H)
    wfc = Wfc.reshape(2, H)
    bfc_r = bfc.reshape(1, 1)
    zeros = jnp.zeros((N_PAD, H), jnp.float32)

    degp = _sc_degree(dst)

    dis = pl.pallas_call(
        _tc0_body,
        in_specs=[pl.BlockSpec((NTILE, 1, N_PAD), lambda: (0, 0, 0))],
        out_specs=pl.BlockSpec((N_PAD, 1), lambda: (0, 0)),
        out_shape=jax.ShapeDtypeStruct((N_PAD, 1), jnp.float32),
    )(degp)

    grid = (N // BR,)
    mat_spec = pl.BlockSpec((BR, H), lambda i: (i, 0))
    w_spec = pl.BlockSpec((D, H), lambda i: (0, 0))
    b_spec = pl.BlockSpec((1, H), lambda i: (0, 0))
    dis_spec = pl.BlockSpec((BR, 1), lambda i: (i, 0))
    p_spec = pl.BlockSpec((NCORE, BR, H), lambda i: (0, i, 0))

    y1 = pl.pallas_call(
        _tc1_body,
        grid=grid,
        in_specs=[mat_spec, w_spec, dis_spec],
        out_specs=mat_spec,
        out_shape=jax.ShapeDtypeStruct((N, H), jnp.float32),
    )(x, W1, dis)

    p1 = _sc_edge_pass(src, dst, y1, zeros)

    y2 = pl.pallas_call(
        _tc2_body,
        grid=grid,
        in_specs=[p_spec, mat_spec, dis_spec, b_spec, w_spec],
        out_specs=mat_spec,
        out_shape=jax.ShapeDtypeStruct((N, H), jnp.float32),
    )(p1, y1, dis, b1r, W2)

    p2 = _sc_edge_pass(src, dst, y2, zeros)

    out = pl.pallas_call(
        _tcf_body,
        in_specs=[
            pl.BlockSpec(memory_space=pltpu.SMEM),
            pl.BlockSpec((NCORE, N_PAD, H), lambda: (0, 0, 0)),
            pl.BlockSpec((N, H), lambda: (0, 0)),
            pl.BlockSpec((N_PAD, 1), lambda: (0, 0)),
            pl.BlockSpec((1, H), lambda: (0, 0)),
            pl.BlockSpec((2, H), lambda: (0, 0)),
            pl.BlockSpec((1, 1), lambda: (0, 0)),
        ],
        out_specs=pl.BlockSpec((1, 1), lambda: (0, 0)),
        out_shape=jax.ShapeDtypeStruct((1, 1), jnp.float32),
    )(node_pair, p2, y2, dis, b2r, wfc, bfc_r)

    return out.reshape(1)

# --- scband reference (transcript-rebuilt; emitter-appended) ---
"""Pipeline reference for scband-gcnlink-predictor-53558242181182 (READ-ONLY COPY).

The authoritative reference and input builder live on the scoring server;
editing this copy changes nothing except your own understanding.
"""

import jax, jax.numpy as jnp
import numpy as np

N = 10000
E = 320000
D = 128
H = 128


def gcn_conv(x, src, dst, W, b):
    n = x.shape[0]
    loop = jnp.arange(n, dtype=src.dtype)
    s = jnp.concatenate([src, loop])
    d = jnp.concatenate([dst, loop])
    deg = jnp.zeros((n,), dtype=x.dtype).at[d].add(1.0)
    deg_inv_sqrt = jnp.where(deg > 0, 1.0 / jnp.sqrt(deg), 0.0)
    norm = deg_inv_sqrt[s] * deg_inv_sqrt[d]
    xw = x @ W
    msg = xw[s] * norm[:, None]
    out = jnp.zeros((n, W.shape[1]), dtype=x.dtype).at[d].add(msg)
    return out + b


def setup_inputs(seed: int = 0) -> dict:
    key = jax.random.key(seed)
    ks = jax.random.split(key, 9)
    x = jax.random.normal(ks[0], (N, D), dtype=jnp.float32)
    edge_index = jax.random.randint(ks[1], (2, E), 0, N, dtype=jnp.int32)
    node_pair = jax.random.randint(ks[2], (2,), 0, N, dtype=jnp.int32)
    W1 = jax.random.normal(ks[3], (D, H), dtype=jnp.float32) * (1.0 / np.sqrt(D))
    b1 = jnp.zeros((H,), dtype=jnp.float32)
    W2 = jax.random.normal(ks[4], (H, H), dtype=jnp.float32) * (1.0 / np.sqrt(H))
    b2 = jnp.zeros((H,), dtype=jnp.float32)
    Wfc = jax.random.normal(ks[5], (2 * H, 1), dtype=jnp.float32) * (1.0 / np.sqrt(2 * H))
    bfc = jnp.zeros((1,), dtype=jnp.float32)
    return {"x": x, "edge_index": edge_index, "node_pair": node_pair,
            "W1": W1, "b1": b1, "W2": W2, "b2": b2, "Wfc": Wfc, "bfc": bfc}


def reference(x, edge_index, node_pair, W1, b1, W2, b2, Wfc, bfc):
    src, dst = edge_index[0], edge_index[1]
    h = gcn_conv(x, src, dst, W1, b1)
    h = jax.nn.relu(h)
    h = gcn_conv(h, src, dst, W2, b2)
    h = jax.nn.relu(h)
    z1 = h[node_pair[0]]
    z2 = h[node_pair[1]]
    z = jnp.concatenate([z1, z2], axis=0)
    return jax.nn.sigmoid(z @ Wfc + bfc)

if __name__ == "__main__":
    import jax
    _d = setup_inputs()
    print(jax.jit(kernel)(*tuple(_d.values())))

</pallas_src>

<mosaic_0001>
#map = affine_map<(d0, d1) -> (0, 0, 0, 0)>
#map1 = affine_map<(d0, d1) -> (0, 0)>
#map2 = affine_map<(d0, d1) -> (0, 0, 0)>
module attributes {stable_mosaic.version = 14 : i64} {
  func.func @_sc_edge_pass(%arg0: i32, %arg1: i32, %arg2: memref<32x125x1x80xi32, #tpu.memory_space<hbm>>, %arg3: memref<32x125x1x80xi32, #tpu.memory_space<hbm>>, %arg4: memref<10000x128xf32, #tpu.memory_space<hbm>>, %arg5: memref<10240x128xf32, #tpu.memory_space<hbm>>, %arg6: memref<2x10240x128xf32, #tpu.memory_space<hbm>>, %arg7: memref<4x80xi32, #tpu.memory_space<vmem>>, %arg8: memref<4x80xi32, #tpu.memory_space<vmem>>, %arg9: memref<4x80x128xf32, #tpu.memory_space<vmem>>, %arg10: memref<4x!tpu.dma_semaphore, #tpu.memory_space<semaphore_mem>>, %arg11: memref<4x!tpu.dma_semaphore, #tpu.memory_space<semaphore_mem>>, %arg12: memref<4x!tpu.dma_semaphore, #tpu.memory_space<semaphore_mem>>, %arg13: memref<4x!tpu.dma_semaphore, #tpu.memory_space<semaphore_mem>>, %arg14: memref<10240x128xf32, #tpu.memory_space<vmem_shared>>) attributes {dimension_semantics = [#tpu.dimension_semantics<core_parallel>, #tpu.dimension_semantics<subcore_parallel>], iteration_bounds = array<i64: 2, 16>, scalar_prefetch = 0 : i64, scratch_operands = 8 : i64, tpu.core_type = #tpu.core_type<sc_vector_subcore>, window_params = [{transform_indices = #map}, {transform_indices = #map}, {transform_indices = #map1}, {transform_indices = #map1}, {transform_indices = #map2}]} {
    %mul3A = arith.constant 16 : i32
    %mul3A_0 = arith.muli %arg0, %mul3A : i32
    %add3A = arith.addi %mul3A_0, %arg1 : i32
    %eq3A = arith.constant 0 : i32
    %eq3A_1 = arith.cmpi eq, %arg1, %eq3A : i32
    %convert_element_type3A = arith.extui %eq3A_1 : i1 to i32
    %cond3A = arith.constant 0 : i32
    %cond3A_2 = arith.cmpi ne, %convert_element_type3A, %cond3A : i32
    scf.if %cond3A_2 {
      "tpu.region"() ({
        %run_scoped3A = tpu.sem_alloc : memref<!tpu.dma_semaphore, #tpu.memory_space<semaphore_mem>>
        tpu.enqueue_dma source(%arg5 : memref<10240x128xf32, #tpu.memory_space<hbm>>) target(%arg14 : memref<10240x128xf32, #tpu.memory_space<vmem_shared>>) target_semaphore(%run_scoped3A : memref<!tpu.dma_semaphore, #tpu.memory_space<semaphore_mem>>)
        tpu.wait_dma2 semaphore(%run_scoped3A : memref<!tpu.dma_semaphore, #tpu.memory_space<semaphore_mem>>) src(%arg5 : memref<10240x128xf32, #tpu.memory_space<hbm>>) dst(%arg14 : memref<10240x128xf32, #tpu.memory_space<vmem_shared>>)
        tpu.yield
      }) : () -> ()
    } else {
    }
    %dma_start3A = arith.constant 0 : i32
    %dma_start3A_3 = arith.constant 0 : i32
    %dma_start3A_4 = arith.constant 0 : i32
    %dma_start3A_5 = arith.constant 0 : i32
    %dma_start3A_6 = arith.constant 0 : i32
    %dma_start3A_7 = tpu.memref_slice %arg7[%dma_start3A_4, %dma_start3A_6] : memref<4x80xi32, #tpu.memory_space<vmem>> -> memref<1x80xi32, #tpu.memory_space<vmem>>
    %dma_start3A_8 = tpu.memref_squeeze %dma_start3A_7 : memref<1x80xi32, #tpu.memory_space<vmem>> -> memref<80xi32, #tpu.memory_space<vmem>>
    %dma_start3A_9 = arith.constant 0 : i32
    %dma_start3A_10 = tpu.memref_slice %arg2[%add3A, %dma_start3A, %dma_start3A_3, %dma_start3A_9] : memref<32x125x1x80xi32, #tpu.memory_space<hbm>> -> memref<1x1x1x80xi32, #tpu.memory_space<hbm>>
    %dma_start3A_11 = tpu.memref_squeeze %dma_start3A_10 : memref<1x1x1x80xi32, #tpu.memory_space<hbm>> -> memref<80xi32, #tpu.memory_space<hbm>>
    %dma_start3A_12 = tpu.memref_slice %arg12[%dma_start3A_5] : memref<4x!tpu.dma_semaphore, #tpu.memory_space<semaphore_mem>> -> memref<1x!tpu.dma_semaphore, #tpu.memory_space<semaphore_mem>>
    %dma_start3A_13 = tpu.memref_squeeze %dma_start3A_12 : memref<1x!tpu.dma_semaphore, #tpu.memory_space<semaphore_mem>> -> memref<!tpu.dma_semaphore, #tpu.memory_space<semaphore_mem>>
    %dma_start3A_14 = arith.constant 0 : i32
    %dma_start3A_15 = tpu.memref_slice %arg7[%dma_start3A_4, %dma_start3A_14] : memref<4x80xi32, #tpu.memory_space<vmem>> -> memref<1x80xi32, #tpu.memory_space<vmem>>
    %dma_start3A_16 = tpu.memref_squeeze %dma_start3A_15 : memref<1x80xi32, #tpu.memory_space<vmem>> -> memref<80xi32, #tpu.memory_space<vmem>>
    %dma_start3A_17 = arith.constant 0 : i32
    %dma_start3A_18 = tpu.memref_slice %arg2[%add3A, %dma_start3A, %dma_start3A_3, %dma_start3A_17] : memref<32x125x1x80xi32, #tpu.memory_space<hbm>> -> memref<1x1x1x80xi32, #tpu.memory_space<hbm>>
    %dma_start3A_19 = tpu.memref_squeeze %dma_start3A_18 : memref<1x1x1x80xi32, #tpu.memory_space<hbm>> -> memref<80xi32, #tpu.memory_space<hbm>>
    tpu.enqueue_dma source(%dma_start3A_19 : memref<80xi32, #tpu.memory_space<hbm>>) target(%dma_start3A_16 : memref<80xi32, #tpu.memory_space<vmem>>) target_semaphore(%dma_start3A_13 : memref<!tpu.dma_semaphore, #tpu.memory_space<semaphore_mem>>)
    %dma_start3A_20 = arith.constant 1 : i32
    %dma_start3A_21 = arith.constant 0 : i32
    %dma_start3A_22 = arith.constant 1 : i32
    %dma_start3A_23 = arith.constant 1 : i32
    %dma_start3A_24 = arith.constant 0 : i32
    %dma_start3A_25 = tpu.memref_slice %arg7[%dma_start3A_22, %dma_start3A_24] : memref<4x80xi32, #tpu.memory_space<vmem>> -> memref<1x80xi32, #tpu.memory_space<vmem>>
    %dma_start3A_26 = tpu.memref_squeeze %dma_start3A_25 : memref<1x80xi32, #tpu.memory_space<vmem>> -> memref<80xi32, #tpu.memory_space<vmem>>
    %dma_start3A_27 = arith.constant 0 : i32
    %dma_start3A_28 = tpu.memref_slice %arg2[%add3A, %dma_start3A_20, %dma_start3A_21, %dma_start3A_27] : memref<32x125x1x80xi32, #tpu.memory_space<hbm>> -> memref<1x1x1x80xi32, #tpu.memory_space<hbm>>
    %dma_start3A_29 = tpu.memref_squeeze %dma_start3A_28 : memref<1x1x1x80xi32, #tpu.memory_space<hbm>> -> memref<80xi32, #tpu.memory_space<hbm>>
    %dma_start3A_30 = tpu.memref_slice %arg12[%dma_start3A_23] : memref<4x!tpu.dma_semaphore, #tpu.memory_space<semaphore_mem>> -> memref<1x!tpu.dma_semaphore, #tpu.memory_space<semaphore_mem>>
    %dma_start3A_31 = tpu.memref_squeeze %dma_start3A_30 : memref<1x!tpu.dma_semaphore, #tpu.memory_space<semaphore_mem>> -> memref<!tpu.dma_semaphore, #tpu.memory_space<semaphore_mem>>
    %dma_start3A_32 = arith.constant 0 : i32
    %dma_start3A_33 = tpu.memref_slice %arg7[%dma_start3A_22, %dma_start3A_32] : memref<4x80xi32, #tpu.memory_space<vmem>> -> memref<1x80xi32, #tpu.memory_space<vmem>>
    %dma_start3A_34 = tpu.memref_squeeze %dma_start3A_33 : memref<1x80xi32, #tpu.memory_space<vmem>> -> memref<80xi32, #tpu.memory_space<vmem>>
    %dma_start3A_35 = arith.constant 0 : i32
    %dma_start3A_36 = tpu.memref_slice %arg2[%add3A, %dma_start3A_20, %dma_start3A_21, %dma_start3A_35] : memref<32x125x1x80xi32, #tpu.memory_space<hbm>> -> memref<1x1x1x80xi32, #tpu.memory_space<hbm>>
    %dma_start3A_37 = tpu.memref_squeeze %dma_start3A_36 : memref<1x1x1x80xi32, #tpu.memory_space<hbm>> -> memref<80xi32, #tpu.memory_space<hbm>>
    tpu.enqueue_dma source(%dma_start3A_37 : memref<80xi32, #tpu.memory_space<hbm>>) target(%dma_start3A_34 : memref<80xi32, #tpu.memory_space<vmem>>) target_semaphore(%dma_start3A_31 : memref<!tpu.dma_semaphore, #tpu.memory_space<semaphore_mem>>)
    %dma_start3A_38 = arith.constant 2 : i32
    %dma_start3A_39 = arith.constant 0 : i32
    %dma_start3A_40 = arith.constant 2 : i32
    %dma_start3A_41 = arith.constant 2 : i32
    %dma_start3A_42 = arith.constant 0 : i32
    %dma_start3A_43 = tpu.memref_slice %arg7[%dma_start3A_40, %dma_start3A_42] : memref<4x80xi32, #tpu.memory_space<vmem>> -> memref<1x80xi32, #tpu.memory_space<vmem>>
    %dma_start3A_44 = tpu.memref_squeeze %dma_start3A_43 : memref<1x80xi32, #tpu.memory_space<vmem>> -> memref<80xi32, #tpu.memory_space<vmem>>
    %dma_start3A_45 = arith.constant 0 : i32
    %dma_start3A_46 = tpu.memref_slice %arg2[%add3A, %dma_start3A_38, %dma_start3A_39, %dma_start3A_45] : memref<32x125x1x80xi32, #tpu.memory_space<hbm>> -> memref<1x1x1x80xi32, #tpu.memory_space<hbm>>
    %dma_start3A_47 = tpu.memref_squeeze %dma_start3A_46 : memref<1x1x1x80xi32, #tpu.memory_space<hbm>> -> memref<80xi32, #tpu.memory_space<hbm>>
    %dma_start3A_48 = tpu.memref_slice %arg12[%dma_start3A_41] : memref<4x!tpu.dma_semaphore, #tpu.memory_space<semaphore_mem>> -> memref<1x!tpu.dma_semaphore, #tpu.memory_space<semaphore_mem>>
    %dma_start3A_49 = tpu.memref_squeeze %dma_start3A_48 : memref<1x!tpu.dma_semaphore, #tpu.memory_space<semaphore_mem>> -> memref<!tpu.dma_semaphore, #tpu.memory_space<semaphore_mem>>
    %dma_start3A_50 = arith.constant 0 : i32
    %dma_start3A_51 = tpu.memref_slice %arg7[%dma_start3A_40, %dma_start3A_50] : memref<4x80xi32, #tpu.memory_space<vmem>> -> memref<1x80xi32, #tpu.memory_space<vmem>>
    %dma_start3A_52 = tpu.memref_squeeze %dma_start3A_51 : memref<1x80xi32, #tpu.memory_space<vmem>> -> memref<80xi32, #tpu.memory_space<vmem>>
    %dma_start3A_53 = arith.constant 0 : i32
    %dma_start3A_54 = tpu.memref_slice %arg2[%add3A, %dma_start3A_38, %dma_start3A_39, %dma_start3A_53] : memref<32x125x1x80xi32, #tpu.memory_space<hbm>> -> memref<1x1x1x80xi32, #tpu.memory_space<hbm>>
    %dma_start3A_55 = tpu.memref_squeeze %dma_start3A_54 : memref<1x1x1x80xi32, #tpu.memory_space<hbm>> -> memref<80xi32, #tpu.memory_space<hbm>>
    tpu.enqueue_dma source(%dma_start3A_55 : memref<80xi32, #tpu.memory_space<hbm>>) target(%dma_start3A_52 : memref<80xi32, #tpu.memory_space<vmem>>) target_semaphore(%dma_start3A_49 : memref<!tpu.dma_semaphore, #tpu.memory_space<semaphore_mem>>)
    %dma_start3A_56 = arith.constant 3 : i32
    %dma_start3A_57 = arith.constant 0 : i32
    %dma_start3A_58 = arith.constant 3 : i32
    %dma_start3A_59 = arith.constant 3 : i32
    %dma_start3A_60 = arith.constant 0 : i32
    %dma_start3A_61 = tpu.memref_slice %arg7[%dma_start3A_58, %dma_start3A_60] : memref<4x80xi32, #tpu.memory_space<vmem>> -> memref<1x80xi32, #tpu.memory_space<vmem>>
    %dma_start3A_62 = tpu.memref_squeeze %dma_start3A_61 : memref<1x80xi32, #tpu.memory_space<vmem>> -> memref<80xi32, #tpu.memory_space<vmem>>
    %dma_start3A_63 = arith.constant 0 : i32
    %dma_start3A_64 = tpu.memref_slice %arg2[%add3A, %dma_start3A_56, %dma_start3A_57, %dma_start3A_63] : memref<32x125x1x80xi32, #tpu.memory_space<hbm>> -> memref<1x1x1x80xi32, #tpu.memory_space<hbm>>
    %dma_start3A_65 = tpu.memref_squeeze %dma_start3A_64 : memref<1x1x1x80xi32, #tpu.memory_space<hbm>> -> memref<80xi32, #tpu.memory_space<hbm>>
    %dma_start3A_66 = tpu.memref_slice %arg12[%dma_start3A_59] : memref<4x!tpu.dma_semaphore, #tpu.memory_space<semaphore_mem>> -> memref<1x!tpu.dma_semaphore, #tpu.memory_space<semaphore_mem>>
    %dma_start3A_67 = tpu.memref_squeeze %dma_start3A_66 : memref<1x!tpu.dma_semaphore, #tpu.memory_space<semaphore_mem>> -> memref<!tpu.dma_semaphore, #tpu.memory_space<semaphore_mem>>
    %dma_start3A_68 = arith.constant 0 : i32
    %dma_start3A_69 = tpu.memref_slice %arg7[%dma_start3A_58, %dma_start3A_68] : memref<4x80xi32, #tpu.memory_space<vmem>> -> memref<1x80xi32, #tpu.memory_space<vmem>>
    %dma_start3A_70 = tpu.memref_squeeze %dma_start3A_69 : memref<1x80xi32, #tpu.memory_space<vmem>> -> memref<80xi32, #tpu.memory_space<vmem>>
    %dma_start3A_71 = arith.constant 0 : i32
    %dma_start3A_72 = tpu.memref_slice %arg2[%add3A, %dma_start3A_56, %dma_start3A_57, %dma_start3A_71] : memref<32x125x1x80xi32, #tpu.memory_space<hbm>> -> memref<1x1x1x80xi32, #tpu.memory_space<hbm>>
    %dma_start3A_73 = tpu.memref_squeeze %dma_start3A_72 : memref<1x1x1x80xi32, #tpu.memory_space<hbm>> -> memref<80xi32, #tpu.memory_space<hbm>>
    tpu.enqueue_dma source(%dma_start3A_73 : memref<80xi32, #tpu.memory_space<hbm>>) target(%dma_start3A_70 : memref<80xi32, #tpu.memory_space<vmem>>) target_semaphore(%dma_start3A_67 : memref<!tpu.dma_semaphore, #tpu.memory_space<semaphore_mem>>)
    %dma_start3A_74 = arith.constant 0 : i32
    %dma_start3A_75 = arith.constant 0 : i32
    %dma_start3A_76 = arith.constant 0 : i32
    %dma_start3A_77 = arith.constant 0 : i32
    %dma_start3A_78 = arith.constant 0 : i32
    %dma_start3A_79 = tpu.memref_slice %arg8[%dma_start3A_76, %dma_start3A_78] : memref<4x80xi32, #tpu.memory_space<vmem>> -> memref<1x80xi32, #tpu.memory_space<vmem>>
    %dma_start3A_80 = tpu.memref_squeeze %dma_start3A_79 : memref<1x80xi32, #tpu.memory_space<vmem>> -> memref<80xi32, #tpu.memory_space<vmem>>
    %dma_start3A_81 = arith.constant 0 : i32
    %dma_start3A_82 = tpu.memref_slice %arg3[%add3A, %dma_start3A_74, %dma_start3A_75, %dma_start3A_81] : memref<32x125x1x80xi32, #tpu.memory_space<hbm>> -> memref<1x1x1x80xi32, #tpu.memory_space<hbm>>
    %dma_start3A_83 = tpu.memref_squeeze %dma_start3A_82 : memref<1x1x1x80xi32, #tpu.memory_space<hbm>> -> memref<80xi32, #tpu.memory_space<hbm>>
    %dma_start3A_84 = tpu.memref_slice %arg13[%dma_start3A_77] : memref<4x!tpu.dma_semaphore, #tpu.memory_space<semaphore_mem>> -> memref<1x!tpu.dma_semaphore, #tpu.memory_space<semaphore_mem>>
    %dma_start3A_85 = tpu.memref_squeeze %dma_start3A_84 : memref<1x!tpu.dma_semaphore, #tpu.memory_space<semaphore_mem>> -> memref<!tpu.dma_semaphore, #tpu.memory_space<semaphore_mem>>
    %dma_start3A_86 = arith.constant 0 : i32
    %dma_start3A_87 = tpu.memref_slice %arg8[%dma_start3A_76, %dma_start3A_86] : memref<4x80xi32, #tpu.memory_space<vmem>> -> memref<1x80xi32, #tpu.memory_space<vmem>>
    %dma_start3A_88 = tpu.memref_squeeze %dma_start3A_87 : memref<1x80xi32, #tpu.memory_space<vmem>> -> memref<80xi32, #tpu.memory_space<vmem>>
    %dma_start3A_89 = arith.constant 0 : i32
    %dma_start3A_90 = tpu.memref_slice %arg3[%add3A, %dma_start3A_74, %dma_start3A_75, %dma_start3A_89] : memref<32x125x1x80xi32, #tpu.memory_space<hbm>> -> memref<1x1x1x80xi32, #tpu.memory_space<hbm>>
    %dma_start3A_91 = tpu.memref_squeeze %dma_start3A_90 : memref<1x1x1x80xi32, #tpu.memory_space<hbm>> -> memref<80xi32, #tpu.memory_space<hbm>>
    tpu.enqueue_dma source(%dma_start3A_91 : memref<80xi32, #tpu.memory_space<hbm>>) target(%dma_start3A_88 : memref<80xi32, #tpu.memory_space<vmem>>) target_semaphore(%dma_start3A_85 : memref<!tpu.dma_semaphore, #tpu.memory_space<semaphore_mem>>)
    %dma_start3A_92 = arith.constant 1 : i32
    %dma_start3A_93 = arith.constant 0 : i32
    %dma_start3A_94 = arith.constant 1 : i32
    %dma_start3A_95 = arith.constant 1 : i32
    %dma_start3A_96 = arith.constant 0 : i32
    %dma_start3A_97 = tpu.memref_slice %arg8[%dma_start3A_94, %dma_start3A_96] : memref<4x80xi32, #tpu.memory_space<vmem>> -> memref<1x80xi32, #tpu.memory_space<vmem>>
    %dma_start3A_98 = tpu.memref_squeeze %dma_start3A_97 : memref<1x80xi32, #tpu.memory_space<vmem>> -> memref<80xi32, #tpu.memory_space<vmem>>
    %dma_start3A_99 = arith.constant 0 : i32
    %dma_start3A_100 = tpu.memref_slice %arg3[%add3A, %dma_start3A_92, %dma_start3A_93, %dma_start3A_99] : memref<32x125x1x80xi32, #tpu.memory_space<hbm>> -> memref<1x1x1x80xi32, #tpu.memory_space<hbm>>
    %dma_start3A_101 = tpu.memref_squeeze %dma_start3A_100 : memref<1x1x1x80xi32, #tpu.memory_space<hbm>> -> memref<80xi32, #tpu.memory_space<hbm>>
    %dma_start3A_102 = tpu.memref_slice %arg13[%dma_start3A_95] : memref<4x!tpu.dma_semaphore, #tpu.memory_space<semaphore_mem>> -> memref<1x!tpu.dma_semaphore, #tpu.memory_space<semaphore_mem>>
    %dma_start3A_103 = tpu.memref_squeeze %dma_start3A_102 : memref<1x!tpu.dma_semaphore, #tpu.memory_space<semaphore_mem>> -> memref<!tpu.dma_semaphore, #tpu.memory_space<semaphore_mem>>
    %dma_start3A_104 = arith.constant 0 : i32
    %dma_start3A_105 = tpu.memref_slice %arg8[%dma_start3A_94, %dma_start3A_104] : memref<4x80xi32, #tpu.memory_space<vmem>> -> memref<1x80xi32, #tpu.memory_space<vmem>>
    %dma_start3A_106 = tpu.memref_squeeze %dma_start3A_105 : memref<1x80xi32, #tpu.memory_space<vmem>> -> memref<80xi32, #tpu.memory_space<vmem>>
    %dma_start3A_107 = arith.constant 0 : i32
    %dma_start3A_108 = tpu.memref_slice %arg3[%add3A, %dma_start3A_92, %dma_start3A_93, %dma_start3A_107] : memref<32x125x1x80xi32, #tpu.memory_space<hbm>> -> memref<1x1x1x80xi32, #tpu.memory_space<hbm>>
    %dma_start3A_109 = tpu.memref_squeeze %dma_start3A_108 : memref<1x1x1x80xi32, #tpu.memory_space<hbm>> -> memref<80xi32, #tpu.memory_space<hbm>>
    tpu.enqueue_dma source(%dma_start3A_109 : memref<80xi32, #tpu.memory_space<hbm>>) target(%dma_start3A_106 : memref<80xi32, #tpu.memory_space<vmem>>) target_semaphore(%dma_start3A_103 : memref<!tpu.dma_semaphore, #tpu.memory_space<semaphore_mem>>)
    %dma_wait3A = arith.constant 0 : i32
    %dma_wait3A_110 = arith.constant 0 : i32
    %dma_wait3A_111 = arith.constant 0 : i32
    %dma_wait3A_112 = arith.constant 0 : i32
    %dma_wait3A_113 = arith.constant 0 : i32
    %dma_wait3A_114 = tpu.memref_slice %arg7[%dma_wait3A_111, %dma_wait3A_113] : memref<4x80xi32, #tpu.memory_space<vmem>> -> memref<1x80xi32, #tpu.memory_space<vmem>>
    %dma_wait3A_115 = tpu.memref_squeeze %dma_wait3A_114 : memref<1x80xi32, #tpu.memory_space<vmem>> -> memref<80xi32, #tpu.memory_space<vmem>>
    %dma_wait3A_116 = arith.constant 0 : i32
    %dma_wait3A_117 = tpu.memref_slice %arg2[%add3A, %dma_wait3A, %dma_wait3A_110, %dma_wait3A_116] : memref<32x125x1x80xi32, #tpu.memory_space<hbm>> -> memref<1x1x1x80xi32, #tpu.memory_space<hbm>>
    %dma_wait3A_118 = tpu.memref_squeeze %dma_wait3A_117 : memref<1x1x1x80xi32, #tpu.memory_space<hbm>> -> memref<80xi32, #tpu.memory_space<hbm>>
    %dma_wait3A_119 = tpu.memref_slice %arg12[%dma_wait3A_112] : memref<4x!tpu.dma_semaphore, #tpu.memory_space<semaphore_mem>> -> memref<1x!tpu.dma_semaphore, #tpu.memory_space<semaphore_mem>>
    %dma_wait3A_120 = tpu.memref_squeeze %dma_wait3A_119 : memref<1x!tpu.dma_semaphore, #tpu.memory_space<semaphore_mem>> -> memref<!tpu.dma_semaphore, #tpu.memory_space<semaphore_mem>>
    %dma_wait3A_121 = arith.constant 0 : i32
    %dma_wait3A_122 = tpu.memref_slice %arg7[%dma_wait3A_111, %dma_wait3A_121] : memref<4x80xi32, #tpu.memory_space<vmem>> -> memref<1x80xi32, #tpu.memory_space<vmem>>
    %dma_wait3A_123 = tpu.memref_squeeze %dma_wait3A_122 : memref<1x80xi32, #tpu.memory_space<vmem>> -> memref<80xi32, #tpu.memory_space<vmem>>
    %dma_wait3A_124 = arith.constant 0 : i32
    %dma_wait3A_125 = tpu.memref_slice %arg2[%add3A, %dma_wait3A, %dma_wait3A_110, %dma_wait3A_124] : memref<32x125x1x80xi32, #tpu.memory_space<hbm>> -> memref<1x1x1x80xi32, #tpu.memory_space<hbm>>
    %dma_wait3A_126 = tpu.memref_squeeze %dma_wait3A_125 : memref<1x1x1x80xi32, #tpu.memory_space<hbm>> -> memref<80xi32, #tpu.memory_space<hbm>>
    tpu.wait_dma2 semaphore(%dma_wait3A_120 : memref<!tpu.dma_semaphore, #tpu.memory_space<semaphore_mem>>) src(%dma_wait3A_126 : memref<80xi32, #tpu.memory_space<hbm>>) dst(%dma_wait3A_123 : memref<80xi32, #tpu.memory_space<vmem>>)
    %dma_start3A_127 = arith.constant 0 : i32
    %dma_start3A_128 = arith.constant 0 : i32
    %dma_start3A_129 = arith.constant 0 : i32
    %dma_start3A_130 = arith.constant 0 : i32
    %dma_start3A_131 = arith.constant 0 : i32
    %dma_start3A_132 = tpu.memref_slice %arg9[%dma_start3A_128, %dma_start3A_130, %dma_start3A_131] : memref<4x80x128xf32, #tpu.memory_space<vmem>> -> memref<1x80x128xf32, #tpu.memory_space<vmem>>
    %dma_start3A_133 = tpu.memref_squeeze %dma_start3A_132 : memref<1x80x128xf32, #tpu.memory_space<vmem>> -> memref<80x128xf32, #tpu.memory_space<vmem>>
    %dma_start3A_134 = arith.constant 0 : i32
    %dma_start3A_135 = tpu.memref_slice %arg7[%dma_start3A_127, %dma_start3A_134] : memref<4x80xi32, #tpu.memory_space<vmem>> -> memref<1x80xi32, #tpu.memory_space<vmem>>
    %dma_start3A_136 = tpu.memref_squeeze %dma_start3A_135 : memref<1x80xi32, #tpu.memory_space<vmem>> -> memref<80xi32, #tpu.memory_space<vmem>>
    %dma_start3A_137 = arith.constant 0 : i32
    %dma_start3A_138 = arith.constant 0 : i32
    %dma_start3A_139 = tpu.memref_slice %arg4[%dma_start3A_137, %dma_start3A_138] : memref<10000x128xf32, #tpu.memory_space<hbm>> -> memref<10000x128xf32, #tpu.memory_space<hbm>>
    %dma_start3A_140 = tpu.memref_slice %arg10[%dma_start3A_129] : memref<4x!tpu.dma_semaphore, #tpu.memory_space<semaphore_mem>> -> memref<1x!tpu.dma_semaphore, #tpu.memory_space<semaphore_mem>>
    %dma_start3A_141 = tpu.memref_squeeze %dma_start3A_140 : memref<1x!tpu.dma_semaphore, #tpu.memory_space<semaphore_mem>> -> memref<!tpu.dma_semaphore, #tpu.memory_space<semaphore_mem>>
    tpu.enqueue_indirect_dma source(%dma_start3A_139 : memref<10000x128xf32, #tpu.memory_space<hbm>>) target(%dma_start3A_133 : memref<80x128xf32, #tpu.memory_space<vmem>>) offsets(%dma_start3A_136 : memref<80xi32, #tpu.memory_space<vmem>>) semaphore(%dma_start3A_141 : memref<!tpu.dma_semaphore, #tpu.memory_space<semaphore_mem>>)
    %dma_wait3A_142 = arith.constant 0 : i32
    %dma_wait3A_143 = arith.constant 0 : i32
    %dma_wait3A_144 = arith.constant 1 : i32
    %dma_wait3A_145 = arith.constant 1 : i32
    %dma_wait3A_146 = arith.constant 0 : i32
    %dma_wait3A_147 = tpu.memref_slice %arg7[%dma_wait3A_144, %dma_wait3A_146] : memref<4x80xi32, #tpu.memory_space<vmem>> -> memref<1x80xi32, #tpu.memory_space<vmem>>
    %dma_wait3A_148 = tpu.memref_squeeze %dma_wait3A_147 : memref<1x80xi32, #tpu.memory_space<vmem>> -> memref<80xi32, #tpu.memory_space<vmem>>
    %dma_wait3A_149 = arith.constant 0 : i32
    %dma_wait3A_150 = tpu.memref_slice %arg2[%add3A, %dma_wait3A_142, %dma_wait3A_143, %dma_wait3A_149] : memref<32x125x1x80xi32, #tpu.memory_space<hbm>> -> memref<1x1x1x80xi32, #tpu.memory_space<hbm>>
    %dma_wait3A_151 = tpu.memref_squeeze %dma_wait3A_150 : memref<1x1x1x80xi32, #tpu.memory_space<hbm>> -> memref<80xi32, #tpu.memory_space<hbm>>
    %dma_wait3A_152 = tpu.memref_slice %arg12[%dma_wait3A_145] : memref<4x!tpu.dma_semaphore, #tpu.memory_space<semaphore_mem>> -> memref<1x!tpu.dma_semaphore, #tpu.memory_space<semaphore_mem>>
    %dma_wait3A_153 = tpu.memref_squeeze %dma_wait3A_152 : memref<1x!tpu.dma_semaphore, #tpu.memory_space<semaphore_mem>> -> memref<!tpu.dma_semaphore, #tpu.memory_space<semaphore_mem>>
    %dma_wait3A_154 = arith.constant 0 : i32
    %dma_wait3A_155 = tpu.memref_slice %arg7[%dma_wait3A_144, %dma_wait3A_154] : memref<4x80xi32, #tpu.memory_space<vmem>> -> memref<1x80xi32, #tpu.memory_space<vmem>>
    %dma_wait3A_156 = tpu.memref_squeeze %dma_wait3A_155 : memref<1x80xi32, #tpu.memory_space<vmem>> -> memref<80xi32, #tpu.memory_space<vmem>>
    %dma_wait3A_157 = arith.constant 0 : i32
    %dma_wait3A_158 = tpu.memref_slice %arg2[%add3A, %dma_wait3A_142, %dma_wait3A_143, %dma_wait3A_157] : memref<32x125x1x80xi32, #tpu.memory_space<hbm>> -> memref<1x1x1x80xi32, #tpu.memory_space<hbm>>
    %dma_wait3A_159 = tpu.memref_squeeze %dma_wait3A_158 : memref<1x1x1x80xi32, #tpu.memory_space<hbm>> -> memref<80xi32, #tpu.memory_space<hbm>>
    tpu.wait_dma2 semaphore(%dma_wait3A_153 : memref<!tpu.dma_semaphore, #tpu.memory_space<semaphore_mem>>) src(%dma_wait3A_159 : memref<80xi32, #tpu.memory_space<hbm>>) dst(%dma_wait3A_156 : memref<80xi32, #tpu.memory_space<vmem>>)
    %dma_start3A_160 = arith.constant 1 : i32
    %dma_start3A_161 = arith.constant 1 : i32
    %dma_start3A_162 = arith.constant 1 : i32
    %dma_start3A_163 = arith.constant 0 : i32
    %dma_start3A_164 = arith.constant 0 : i32
    %dma_start3A_165 = tpu.memref_slice %arg9[%dma_start3A_161, %dma_start3A_163, %dma_start3A_164] : memref<4x80x128xf32, #tpu.memory_space<vmem>> -> memref<1x80x128xf32, #tpu.memory_space<vmem>>
    %dma_start3A_166 = tpu.memref_squeeze %dma_start3A_165 : memref<1x80x128xf32, #tpu.memory_space<vmem>> -> memref<80x128xf32, #tpu.memory_space<vmem>>
    %dma_start3A_167 = arith.constant 0 : i32
    %dma_start3A_168 = tpu.memref_slice %arg7[%dma_start3A_160, %dma_start3A_167] : memref<4x80xi32, #tpu.memory_space<vmem>> -> memref<1x80xi32, #tpu.memory_space<vmem>>
    %dma_start3A_169 = tpu.memref_squeeze %dma_start3A_168 : memref<1x80xi32, #tpu.memory_space<vmem>> -> memref<80xi32, #tpu.memory_space<vmem>>
    %dma_start3A_170 = arith.constant 0 : i32
    %dma_start3A_171 = arith.constant 0 : i32
    %dma_start3A_172 = tpu.memref_slice %arg4[%dma_start3A_170, %dma_start3A_171] : memref<10000x128xf32, #tpu.memory_space<hbm>> -> memref<10000x128xf32, #tpu.memory_space<hbm>>
    %dma_start3A_173 = tpu.memref_slice %arg10[%dma_start3A_162] : memref<4x!tpu.dma_semaphore, #tpu.memory_space<semaphore_mem>> -> memref<1x!tpu.dma_semaphore, #tpu.memory_space<semaphore_mem>>
    %dma_start3A_174 = tpu.memref_squeeze %dma_start3A_173 : memref<1x!tpu.dma_semaphore, #tpu.memory_space<semaphore_mem>> -> memref<!tpu.dma_semaphore, #tpu.memory_space<semaphore_mem>>
    tpu.enqueue_indirect_dma source(%dma_start3A_172 : memref<10000x128xf32, #tpu.memory_space<hbm>>) target(%dma_start3A_166 : memref<80x128xf32, #tpu.memory_space<vmem>>) offsets(%dma_start3A_169 : memref<80xi32, #tpu.memory_space<vmem>>) semaphore(%dma_start3A_174 : memref<!tpu.dma_semaphore, #tpu.memory_space<semaphore_mem>>)
    %scan3A = arith.constant 0 : i32
    %scan3A_175 = arith.constant 31 : i32
    %scan3A_176 = arith.addi %scan3A, %scan3A_175 : i32
    %scan3A_177 = arith.constant 1 : i32
    scf.for %scan3A_277 = %scan3A to %scan3A_176 step %scan3A_177  : i32 {
      %mul3A_278 = arith.constant 1 : i32
      %mul3A_279 = arith.muli %scan3A_277, %mul3A_278 : i32
      %add3A_280 = arith.constant 0 : i32
      %add3A_281 = arith.addi %add3A_280, %mul3A_279 : i32
      %mul3A_282 = arith.constant 4 : i32
      %mul3A_283 = arith.muli %mul3A_282, %add3A_281 : i32
      %add3A_284 = arith.constant 0 : i32
      %add3A_285 = arith.addi %mul3A_283, %add3A_284 : i32
      %dma_wait3A_286 = arith.constant 0 : i32
      %dma_wait3A_287 = arith.constant 0 : i32
      %dma_wait3A_288 = arith.constant 0 : i32
      %dma_wait3A_289 = arith.constant 0 : i32
      %dma_wait3A_290 = arith.constant 0 : i32
      %dma_wait3A_291 = tpu.memref_slice %arg9[%dma_wait3A_287, %dma_wait3A_289, %dma_wait3A_290] : memref<4x80x128xf32, #tpu.memory_space<vmem>> -> memref<1x80x128xf32, #tpu.memory_space<vmem>>
      %dma_wait3A_292 = tpu.memref_squeeze %dma_wait3A_291 : memref<1x80x128xf32, #tpu.memory_space<vmem>> -> memref<80x128xf32, #tpu.memory_space<vmem>>
      %dma_wait3A_293 = arith.constant 0 : i32
      %dma_wait3A_294 = tpu.memref_slice %arg7[%dma_wait3A_286, %dma_wait3A_293] : memref<4x80xi32, #tpu.memory_space<vmem>> -> memref<1x80xi32, #tpu.memory_space<vmem>>
      %dma_wait3A_295 = tpu.memref_squeeze %dma_wait3A_294 : memref<1x80xi32, #tpu.memory_space<vmem>> -> memref<80xi32, #tpu.memory_space<vmem>>
      %dma_wait3A_296 = arith.constant 0 : i32
      %dma_wait3A_297 = arith.constant 0 : i32
      %dma_wait3A_298 = tpu.memref_slice %arg4[%dma_wait3A_296, %dma_wait3A_297] : memref<10000x128xf32, #tpu.memory_space<hbm>> -> memref<10000x128xf32, #tpu.memory_space<hbm>>
      %dma_wait3A_299 = tpu.memref_slice %arg10[%dma_wait3A_288] : memref<4x!tpu.dma_semaphore, #tpu.memory_space<semaphore_mem>> -> memref<1x!tpu.dma_semaphore, #tpu.memory_space<semaphore_mem>>
      %dma_wait3A_300 = tpu.memref_squeeze %dma_wait3A_299 : memref<1x!tpu.dma_semaphore, #tpu.memory_space<semaphore_mem>> -> memref<!tpu.dma_semaphore, #tpu.memory_space<semaphore_mem>>
      tpu.wait_indirect_dma semaphore(%dma_wait3A_300 : memref<!tpu.dma_semaphore, #tpu.memory_space<semaphore_mem>>) src(%dma_wait3A_298 : memref<10000x128xf32, #tpu.memory_space<hbm>>) dst(%dma_wait3A_292 : memref<80x128xf32, #tpu.memory_space<vmem>>)
      %add3A_301 = arith.constant 4 : i32
      %add3A_302 = arith.addi %add3A_285, %add3A_301 : i32
      %lt3A = arith.constant 125 : i32
      %lt3A_303 = arith.cmpi slt, %add3A_302, %lt3A : i32
      %convert_element_type3A_304 = arith.extui %lt3A_303 : i1 to i32
      %cond3A_305 = arith.constant 0 : i32
      %cond3A_306 = arith.cmpi ne, %convert_element_type3A_304, %cond3A_305 : i32
      scf.if %cond3A_306 {
        %add3A_564 = arith.constant 4 : i32
        %add3A_565 = arith.addi %add3A_285, %add3A_564 : i32
        %dma_start3A_566 = arith.constant 0 : i32
        %dma_start3A_567 = arith.constant 0 : i32
        %dma_start3A_568 = arith.constant 0 : i32
        %dma_start3A_569 = arith.constant 0 : i32
        %dma_start3A_570 = tpu.memref_slice %arg7[%dma_start3A_567, %dma_start3A_569] : memref<4x80xi32, #tpu.memory_space<vmem>> -> memref<1x80xi32, #tpu.memory_space<vmem>>
        %dma_start3A_571 = tpu.memref_squeeze %dma_start3A_570 : memref<1x80xi32, #tpu.memory_space<vmem>> -> memref<80xi32, #tpu.memory_space<vmem>>
        %dma_start3A_572 = arith.constant 0 : i32
        %dma_start3A_573 = tpu.memref_slice %arg2[%add3A, %add3A_565, %dma_start3A_566, %dma_start3A_572] : memref<32x125x1x80xi32, #tpu.memory_space<hbm>> -> memref<1x1x1x80xi32, #tpu.memory_space<hbm>>
        %dma_start3A_574 = tpu.memref_squeeze %dma_start3A_573 : memref<1x1x1x80xi32, #tpu.memory_space<hbm>> -> memref<80xi32, #tpu.memory_space<hbm>>
        %dma_start3A_575 = tpu.memref_slice %arg12[%dma_start3A_568] : memref<4x!tpu.dma_semaphore, #tpu.memory_space<semaphore_mem>> -> memref<1x!tpu.dma_semaphore, #tpu.memory_space<semaphore_mem>>
        %dma_start3A_576 = tpu.memref_squeeze %dma_start3A_575 : memref<1x!tpu.dma_semaphore, #tpu.memory_space<semaphore_mem>> -> memref<!tpu.dma_semaphore, #tpu.memory_space<semaphore_mem>>
        %dma_start3A_577 = arith.constant 0 : i32
        %dma_start3A_578 = tpu.memref_slice %arg7[%dma_start3A_567, %dma_start3A_577] : memref<4x80xi32, #tpu.memory_space<vmem>> -> memref<1x80xi32, #tpu.memory_space<vmem>>
        %dma_start3A_579 = tpu.memref_squeeze %dma_start3A_578 : memref<1x80xi32, #tpu.memory_space<vmem>> -> memref<80xi32, #tpu.memory_space<vmem>>
        %dma_start3A_580 = arith.constant 0 : i32
        %dma_start3A_581 = tpu.memref_slice %arg2[%add3A, %add3A_565, %dma_start3A_566, %dma_start3A_580] : memref<32x125x1x80xi32, #tpu.memory_space<hbm>> -> memref<1x1x1x80xi32, #tpu.memory_space<hbm>>
        %dma_start3A_582 = tpu.memref_squeeze %dma_start3A_581 : memref<1x1x1x80xi32, #tpu.memory_space<hbm>> -> memref<80xi32, #tpu.memory_space<hbm>>
        tpu.enqueue_dma source(%dma_start3A_582 : memref<80xi32, #tpu.memory_space<hbm>>) target(%dma_start3A_579 : memref<80xi32, #tpu.memory_space<vmem>>) target_semaphore(%dma_start3A_576 : memref<!tpu.dma_semaphore, #tpu.memory_space<semaphore_mem>>)
      } else {
      }
      %dma_wait3A_307 = arith.constant 0 : i32
      %dma_wait3A_308 = arith.constant 0 : i32
      %dma_wait3A_309 = arith.constant 0 : i32
      %dma_wait3A_310 = arith.constant 0 : i32
      %dma_wait3A_311 = arith.constant 0 : i32
      %dma_wait3A_312 = tpu.memref_slice %arg8[%dma_wait3A_309, %dma_wait3A_311] : memref<4x80xi32, #tpu.memory_space<vmem>> -> memref<1x80xi32, #tpu.memory_space<vmem>>
      %dma_wait3A_313 = tpu.memref_squeeze %dma_wait3A_312 : memref<1x80xi32, #tpu.memory_space<vmem>> -> memref<80xi32, #tpu.memory_space<vmem>>
      %dma_wait3A_314 = arith.constant 0 : i32
      %dma_wait3A_315 = tpu.memref_slice %arg3[%add3A, %dma_wait3A_307, %dma_wait3A_308, %dma_wait3A_314] : memref<32x125x1x80xi32, #tpu.memory_space<hbm>> -> memref<1x1x1x80xi32, #tpu.memory_space<hbm>>
      %dma_wait3A_316 = tpu.memref_squeeze %dma_wait3A_315 : memref<1x1x1x80xi32, #tpu.memory_space<hbm>> -> memref<80xi32, #tpu.memory_space<hbm>>
      %dma_wait3A_317 = tpu.memref_slice %arg13[%dma_wait3A_310] : memref<4x!tpu.dma_semaphore, #tpu.memory_space<semaphore_mem>> -> memref<1x!tpu.dma_semaphore, #tpu.memory_space<semaphore_mem>>
      %dma_wait3A_318 = tpu.memref_squeeze %dma_wait3A_317 : memref<1x!tpu.dma_semaphore, #tpu.memory_space<semaphore_mem>> -> memref<!tpu.dma_semaphore, #tpu.memory_space<semaphore_mem>>
      %dma_wait3A_319 = arith.constant 0 : i32
      %dma_wait3A_320 = tpu.memref_slice %arg8[%dma_wait3A_309, %dma_wait3A_319] : memref<4x80xi32, #tpu.memory_space<vmem>> -> memref<1x80xi32, #tpu.memory_space<vmem>>
      %dma_wait3A_321 = tpu.memref_squeeze %dma_wait3A_320 : memref<1x80xi32, #tpu.memory_space<vmem>> -> memref<80xi32, #tpu.memory_space<vmem>>
      %dma_wait3A_322 = arith.constant 0 : i32
      %dma_wait3A_323 = tpu.memref_slice %arg3[%add3A, %dma_wait3A_307, %dma_wait3A_308, %dma_wait3A_322] : memref<32x125x1x80xi32, #tpu.memory_space<hbm>> -> memref<1x1x1x80xi32, #tpu.memory_space<hbm>>
      %dma_wait3A_324 = tpu.memref_squeeze %dma_wait3A_323 : memref<1x1x1x80xi32, #tpu.memory_space<hbm>> -> memref<80xi32, #tpu.memory_space<hbm>>
      tpu.wait_dma2 semaphore(%dma_wait3A_318 : memref<!tpu.dma_semaphore, #tpu.memory_space<semaphore_mem>>) src(%dma_wait3A_324 : memref<80xi32, #tpu.memory_space<hbm>>) dst(%dma_wait3A_321 : memref<80xi32, #tpu.memory_space<vmem>>)
      %dma_start3A_325 = arith.constant 0 : i32
      %dma_start3A_326 = arith.constant 0 : i32
      %dma_start3A_327 = arith.constant 0 : i32
      %dma_start3A_328 = arith.constant 0 : i32
      %dma_start3A_329 = arith.constant 0 : i32
      %dma_start3A_330 = tpu.memref_slice %arg9[%dma_start3A_325, %dma_start3A_328, %dma_start3A_329] : memref<4x80x128xf32, #tpu.memory_space<vmem>> -> memref<1x80x128xf32, #tpu.memory_space<vmem>>
      %dma_start3A_331 = tpu.memref_squeeze %dma_start3A_330 : memref<1x80x128xf32, #tpu.memory_space<vmem>> -> memref<80x128xf32, #tpu.memory_space<vmem>>
      %dma_start3A_332 = arith.constant 0 : i32
      %dma_start3A_333 = tpu.memref_slice %arg8[%dma_start3A_326, %dma_start3A_332] : memref<4x80xi32, #tpu.memory_space<vmem>> -> memref<1x80xi32, #tpu.memory_space<vmem>>
      %dma_start3A_334 = tpu.memref_squeeze %dma_start3A_333 : memref<1x80xi32, #tpu.memory_space<vmem>> -> memref<80xi32, #tpu.memory_space<vmem>>
      %dma_start3A_335 = arith.constant 0 : i32
      %dma_start3A_336 = arith.constant 0 : i32
      %dma_start3A_337 = tpu.memref_slice %arg14[%dma_start3A_335, %dma_start3A_336] : memref<10240x128xf32, #tpu.memory_space<vmem_shared>> -> memref<10240x128xf32, #tpu.memory_space<vmem_shared>>
      %dma_start3A_338 = tpu.memref_slice %arg11[%dma_start3A_327] : memref<4x!tpu.dma_semaphore, #tpu.memory_space<semaphore_mem>> -> memref<1x!tpu.dma_semaphore, #tpu.memory_space<semaphore_mem>>
      %dma_start3A_339 = tpu.memref_squeeze %dma_start3A_338 : memref<1x!tpu.dma_semaphore, #tpu.memory_space<semaphore_mem>> -> memref<!tpu.dma_semaphore, #tpu.memory_space<semaphore_mem>>
      tpu.enqueue_indirect_dma source(%dma_start3A_331 : memref<80x128xf32, #tpu.memory_space<vmem>>) target(%dma_start3A_337 : memref<10240x128xf32, #tpu.memory_space<vmem_shared>>) offsets(%dma_start3A_334 : memref<80xi32, #tpu.memory_space<vmem>>) semaphore(%dma_start3A_339 : memref<!tpu.dma_semaphore, #tpu.memory_space<semaphore_mem>>) {add = true}
      %ge3A = arith.constant 2 : i32
      %ge3A_340 = arith.cmpi sge, %add3A_285, %ge3A : i32
      %convert_element_type3A_341 = arith.extui %ge3A_340 : i1 to i32
      %cond3A_342 = arith.constant 0 : i32
      %cond3A_343 = arith.cmpi ne, %convert_element_type3A_341, %cond3A_342 : i32
      scf.if %cond3A_343 {
        %dma_wait3A_564 = arith.constant 2 : i32
        %dma_wait3A_565 = arith.constant 2 : i32
        %dma_wait3A_566 = arith.constant 2 : i32
        %dma_wait3A_567 = arith.constant 0 : i32
        %dma_wait3A_568 = arith.constant 0 : i32
        %dma_wait3A_569 = tpu.memref_slice %arg9[%dma_wait3A_564, %dma_wait3A_567, %dma_wait3A_568] : memref<4x80x128xf32, #tpu.memory_space<vmem>> -> memref<1x80x128xf32, #tpu.memory_space<vmem>>
        %dma_wait3A_570 = tpu.memref_squeeze %dma_wait3A_569 : memref<1x80x128xf32, #tpu.memory_space<vmem>> -> memref<80x128xf32, #tpu.memory_space<vmem>>
        %dma_wait3A_571 = arith.constant 0 : i32
        %dma_wait3A_572 = tpu.memref_slice %arg8[%dma_wait3A_565, %dma_wait3A_571] : memref<4x80xi32, #tpu.memory_space<vmem>> -> memref<1x80xi32, #tpu.memory_space<vmem>>
        %dma_wait3A_573 = tpu.memref_squeeze %dma_wait3A_572 : memref<1x80xi32, #tpu.memory_space<vmem>> -> memref<80xi32, #tpu.memory_space<vmem>>
        %dma_wait3A_574 = arith.constant 0 : i32
        %dma_wait3A_575 = arith.constant 0 : i32
        %dma_wait3A_576 = tpu.memref_slice %arg14[%dma_wait3A_574, %dma_wait3A_575] : memref<10240x128xf32, #tpu.memory_space<vmem_shared>> -> memref<10240x128xf32, #tpu.memory_space<vmem_shared>>
        %dma_wait3A_577 = tpu.memref_slice %arg11[%dma_wait3A_566] : memref<4x!tpu.dma_semaphore, #tpu.memory_space<semaphore_mem>> -> memref<1x!tpu.dma_semaphore, #tpu.memory_space<semaphore_mem>>
        %dma_wait3A_578 = tpu.memref_squeeze %dma_wait3A_577 : memref<1x!tpu.dma_semaphore, #tpu.memory_space<semaphore_mem>> -> memref<!tpu.dma_semaphore, #tpu.memory_space<semaphore_mem>>
        tpu.wait_indirect_dma semaphore(%dma_wait3A_578 : memref<!tpu.dma_semaphore, #tpu.memory_space<semaphore_mem>>) src(%dma_wait3A_570 : memref<80x128xf32, #tpu.memory_space<vmem>>) dst(%dma_wait3A_576 : memref<10240x128xf32, #tpu.memory_space<vmem_shared>>)
      } else {
      }
      %add3A_344 = arith.constant 2 : i32
      %add3A_345 = arith.addi %add3A_285, %add3A_344 : i32
      %lt3A_346 = arith.constant 125 : i32
      %lt3A_347 = arith.cmpi slt, %add3A_345, %lt3A_346 : i32
      %convert_element_type3A_348 = arith.extui %lt3A_347 : i1 to i32
      %cond3A_349 = arith.constant 0 : i32
      %cond3A_350 = arith.cmpi ne, %convert_element_type3A_348, %cond3A_349 : i32
      scf.if %cond3A_350 {
        %add3A_564 = arith.constant 2 : i32
        %add3A_565 = arith.addi %add3A_285, %add3A_564 : i32
        %dma_start3A_566 = arith.constant 0 : i32
        %dma_start3A_567 = arith.constant 2 : i32
        %dma_start3A_568 = arith.constant 2 : i32
        %dma_start3A_569 = arith.constant 0 : i32
        %dma_start3A_570 = tpu.memref_slice %arg8[%dma_start3A_567, %dma_start3A_569] : memref<4x80xi32, #tpu.memory_space<vmem>> -> memref<1x80xi32, #tpu.memory_space<vmem>>
        %dma_start3A_571 = tpu.memref_squeeze %dma_start3A_570 : memref<1x80xi32, #tpu.memory_space<vmem>> -> memref<80xi32, #tpu.memory_space<vmem>>
        %dma_start3A_572 = arith.constant 0 : i32
        %dma_start3A_573 = tpu.memref_slice %arg3[%add3A, %add3A_565, %dma_start3A_566, %dma_start3A_572] : memref<32x125x1x80xi32, #tpu.memory_space<hbm>> -> memref<1x1x1x80xi32, #tpu.memory_space<hbm>>
        %dma_start3A_574 = tpu.memref_squeeze %dma_start3A_573 : memref<1x1x1x80xi32, #tpu.memory_space<hbm>> -> memref<80xi32, #tpu.memory_space<hbm>>
        %dma_start3A_575 = tpu.memref_slice %arg13[%dma_start3A_568] : memref<4x!tpu.dma_semaphore, #tpu.memory_space<semaphore_mem>> -> memref<1x!tpu.dma_semaphore, #tpu.memory_space<semaphore_mem>>
        %dma_start3A_576 = tpu.memref_squeeze %dma_start3A_575 : memref<1x!tpu.dma_semaphore, #tpu.memory_space<semaphore_mem>> -> memref<!tpu.dma_semaphore, #tpu.memory_space<semaphore_mem>>
        %dma_start3A_577 = arith.constant 0 : i32
        %dma_start3A_578 = tpu.memref_slice %arg8[%dma_start3A_567, %dma_start3A_577] : memref<4x80xi32, #tpu.memory_space<vmem>> -> memref<1x80xi32, #tpu.memory_space<vmem>>
        %dma_start3A_579 = tpu.memref_squeeze %dma_start3A_578 : memref<1x80xi32, #tpu.memory_space<vmem>> -> memref<80xi32, #tpu.memory_space<vmem>>
        %dma_start3A_580 = arith.constant 0 : i32
        %dma_start3A_581 = tpu.memref_slice %arg3[%add3A, %add3A_565, %dma_start3A_566, %dma_start3A_580] : memref<32x125x1x80xi32, #tpu.memory_space<hbm>> -> memref<1x1x1x80xi32, #tpu.memory_space<hbm>>
        %dma_start3A_582 = tpu.memref_squeeze %dma_start3A_581 : memref<1x1x1x80xi32, #tpu.memory_space<hbm>> -> memref<80xi32, #tpu.memory_space<hbm>>
        tpu.enqueue_dma source(%dma_start3A_582 : memref<80xi32, #tpu.memory_space<hbm>>) target(%dma_start3A_579 : memref<80xi32, #tpu.memory_space<vmem>>) target_semaphore(%dma_start3A_576 : memref<!tpu.dma_semaphore, #tpu.memory_space<semaphore_mem>>)
        %dma_wait3A_583 = arith.constant 0 : i32
        %dma_wait3A_584 = arith.constant 0 : i32
        %dma_wait3A_585 = arith.constant 2 : i32
        %dma_wait3A_586 = arith.constant 2 : i32
        %dma_wait3A_587 = arith.constant 0 : i32
        %dma_wait3A_588 = tpu.memref_slice %arg7[%dma_wait3A_585, %dma_wait3A_587] : memref<4x80xi32, #tpu.memory_space<vmem>> -> memref<1x80xi32, #tpu.memory_space<vmem>>
        %dma_wait3A_589 = tpu.memref_squeeze %dma_wait3A_588 : memref<1x80xi32, #tpu.memory_space<vmem>> -> memref<80xi32, #tpu.memory_space<vmem>>
        %dma_wait3A_590 = arith.constant 0 : i32
        %dma_wait3A_591 = tpu.memref_slice %arg2[%add3A, %dma_wait3A_583, %dma_wait3A_584, %dma_wait3A_590] : memref<32x125x1x80xi32, #tpu.memory_space<hbm>> -> memref<1x1x1x80xi32, #tpu.memory_space<hbm>>
        %dma_wait3A_592 = tpu.memref_squeeze %dma_wait3A_591 : memref<1x1x1x80xi32, #tpu.memory_space<hbm>> -> memref<80xi32, #tpu.memory_space<hbm>>
        %dma_wait3A_593 = tpu.memref_slice %arg12[%dma_wait3A_586] : memref<4x!tpu.dma_semaphore, #tpu.memory_space<semaphore_mem>> -> memref<1x!tpu.dma_semaphore, #tpu.memory_space<semaphore_mem>>
        %dma_wait3A_594 = tpu.memref_squeeze %dma_wait3A_593 : memref<1x!tpu.dma_semaphore, #tpu.memory_space<semaphore_mem>> -> memref<!tpu.dma_semaphore, #tpu.memory_space<semaphore_mem>>
        %dma_wait3A_595 = arith.constant 0 : i32
        %dma_wait3A_596 = tpu.memref_slice %arg7[%dma_wait3A_585, %dma_wait3A_595] : memref<4x80xi32, #tpu.memory_space<vmem>> -> memref<1x80xi32, #tpu.memory_space<vmem>>
        %dma_wait3A_597 = tpu.memref_squeeze %dma_wait3A_596 : memref<1x80xi32, #tpu.memory_space<vmem>> -> memref<80xi32, #tpu.memory_space<vmem>>
        %dma_wait3A_598 = arith.constant 0 : i32
        %dma_wait3A_599 = tpu.memref_slice %arg2[%add3A, %dma_wait3A_583, %dma_wait3A_584, %dma_wait3A_598] : memref<32x125x1x80xi32, #tpu.memory_space<hbm>> -> memref<1x1x1x80xi32, #tpu.memory_space<hbm>>
        %dma_wait3A_600 = tpu.memref_squeeze %dma_wait3A_599 : memref<1x1x1x80xi32, #tpu.memory_space<hbm>> -> memref<80xi32, #tpu.memory_space<hbm>>
        tpu.wait_dma2 semaphore(%dma_wait3A_594 : memref<!tpu.dma_semaphore, #tpu.memory_space<semaphore_mem>>) src(%dma_wait3A_600 : memref<80xi32, #tpu.memory_space<hbm>>) dst(%dma_wait3A_597 : memref<80xi32, #tpu.memory_space<vmem>>)
        %dma_start3A_601 = arith.constant 2 : i32
        %dma_start3A_602 = arith.constant 2 : i32
        %dma_start3A_603 = arith.constant 2 : i32
        %dma_start3A_604 = arith.constant 0 : i32
        %dma_start3A_605 = arith.constant 0 : i32
        %dma_start3A_606 = tpu.memref_slice %arg9[%dma_start3A_602, %dma_start3A_604, %dma_start3A_605] : memref<4x80x128xf32, #tpu.memory_space<vmem>> -> memref<1x80x128xf32, #tpu.memory_space<vmem>>
        %dma_start3A_607 = tpu.memref_squeeze %dma_start3A_606 : memref<1x80x128xf32, #tpu.memory_space<vmem>> -> memref<80x128xf32, #tpu.memory_space<vmem>>
        %dma_start3A_608 = arith.constant 0 : i32
        %dma_start3A_609 = tpu.memref_slice %arg7[%dma_start3A_601, %dma_start3A_608] : memref<4x80xi32, #tpu.memory_space<vmem>> -> memref<1x80xi32, #tpu.memory_space<vmem>>
        %dma_start3A_610 = tpu.memref_squeeze %dma_start3A_609 : memref<1x80xi32, #tpu.memory_space<vmem>> -> memref<80xi32, #tpu.memory_space<vmem>>
        %dma_start3A_611 = arith.constant 0 : i32
        %dma_start3A_612 = arith.constant 0 : i32
        %dma_start3A_613 = tpu.memref_slice %arg4[%dma_start3A_611, %dma_start3A_612] : memref<10000x128xf32, #tpu.memory_space<hbm>> -> memref<10000x128xf32, #tpu.memory_space<hbm>>
        %dma_start3A_614 = tpu.memref_slice %arg10[%dma_start3A_603] : memref<4x!tpu.dma_semaphore, #tpu.memory_space<semaphore_mem>> -> memref<1x!tpu.dma_semaphore, #tpu.memory_space<semaphore_mem>>
        %dma_start3A_615 = tpu.memref_squeeze %dma_start3A_614 : memref<1x!tpu.dma_semaphore, #tpu.memory_space<semaphore_mem>> -> memref<!tpu.dma_semaphore, #tpu.memory_space<semaphore_mem>>
        tpu.enqueue_indirect_dma source(%dma_start3A_613 : memref<10000x128xf32, #tpu.memory_space<hbm>>) target(%dma_start3A_607 : memref<80x128xf32, #tpu.memory_space<vmem>>) offsets(%dma_start3A_610 : memref<80xi32, #tpu.memory_space<vmem>>) semaphore(%dma_start3A_615 : memref<!tpu.dma_semaphore, #tpu.memory_space<semaphore_mem>>)
      } else {
      }
      %mul3A_351 = arith.constant 4 : i32
      %mul3A_352 = arith.muli %mul3A_351, %add3A_281 : i32
      %add3A_353 = arith.constant 1 : i32
      %add3A_354 = arith.addi %mul3A_352, %add3A_353 : i32
      %dma_wait3A_355 = arith.constant 1 : i32
      %dma_wait3A_356 = arith.constant 1 : i32
      %dma_wait3A_357 = arith.constant 1 : i32
      %dma_wait3A_358 = arith.constant 0 : i32
      %dma_wait3A_359 = arith.constant 0 : i32
      %dma_wait3A_360 = tpu.memref_slice %arg9[%dma_wait3A_356, %dma_wait3A_358, %dma_wait3A_359] : memref<4x80x128xf32, #tpu.memory_space<vmem>> -> memref<1x80x128xf32, #tpu.memory_space<vmem>>
      %dma_wait3A_361 = tpu.memref_squeeze %dma_wait3A_360 : memref<1x80x128xf32, #tpu.memory_space<vmem>> -> memref<80x128xf32, #tpu.memory_space<vmem>>
      %dma_wait3A_362 = arith.constant 0 : i32
      %dma_wait3A_363 = tpu.memref_slice %arg7[%dma_wait3A_355, %dma_wait3A_362] : memref<4x80xi32, #tpu.memory_space<vmem>> -> memref<1x80xi32, #tpu.memory_space<vmem>>
      %dma_wait3A_364 = tpu.memref_squeeze %dma_wait3A_363 : memref<1x80xi32, #tpu.memory_space<vmem>> -> memref<80xi32, #tpu.memory_space<vmem>>
      %dma_wait3A_365 = arith.constant 0 : i32
      %dma_wait3A_366 = arith.constant 0 : i32
      %dma_wait3A_367 = tpu.memref_slice %arg4[%dma_wait3A_365, %dma_wait3A_366] : memref<10000x128xf32, #tpu.memory_space<hbm>> -> memref<10000x128xf32, #tpu.memory_space<hbm>>
      %dma_wait3A_368 = tpu.memref_slice %arg10[%dma_wait3A_357] : memref<4x!tpu.dma_semaphore, #tpu.memory_space<semaphore_mem>> -> memref<1x!tpu.dma_semaphore, #tpu.memory_space<semaphore_mem>>
      %dma_wait3A_369 = tpu.memref_squeeze %dma_wait3A_368 : memref<1x!tpu.dma_semaphore, #tpu.memory_space<semaphore_mem>> -> memref<!tpu.dma_semaphore, #tpu.memory_space<semaphore_mem>>
      tpu.wait_indirect_dma semaphore(%dma_wait3A_369 : memref<!tpu.dma_semaphore, #tpu.memory_space<semaphore_mem>>) src(%dma_wait3A_367 : memref<10000x128xf32, #tpu.memory_space<hbm>>) dst(%dma_wait3A_361 : memref<80x128xf32, #tpu.memory_space<vmem>>)
      %add3A_370 = arith.constant 4 : i32
      %add3A_371 = arith.addi %add3A_354, %add3A_370 : i32
      %lt3A_372 = arith.constant 125 : i32
      %lt3A_373 = arith.cmpi slt, %add3A_371, %lt3A_372 : i32
      %convert_element_type3A_374 = arith.extui %lt3A_373 : i1 to i32
      %cond3A_375 = arith.constant 0 : i32
      %cond3A_376 = arith.cmpi ne, %convert_element_type3A_374, %cond3A_375 : i32
      scf.if %cond3A_376 {
        %add3A_564 = arith.constant 4 : i32
        %add3A_565 = arith.addi %add3A_354, %add3A_564 : i32
        %dma_start3A_566 = arith.constant 0 : i32
        %dma_start3A_567 = arith.constant 1 : i32
        %dma_start3A_568 = arith.constant 1 : i32
        %dma_start3A_569 = arith.constant 0 : i32
        %dma_start3A_570 = tpu.memref_slice %arg7[%dma_start3A_567, %dma_start3A_569] : memref<4x80xi32, #tpu.memory_space<vmem>> -> memref<1x80xi32, #tpu.memory_space<vmem>>
        %dma_start3A_571 = tpu.memref_squeeze %dma_start3A_570 : memref<1x80xi32, #tpu.memory_space<vmem>> -> memref<80xi32, #tpu.memory_space<vmem>>
        %dma_start3A_572 = arith.constant 0 : i32
        %dma_start3A_573 = tpu.memref_slice %arg2[%add3A, %add3A_565, %dma_start3A_566, %dma_start3A_572] : memref<32x125x1x80xi32, #tpu.memory_space<hbm>> -> memref<1x1x1x80xi32, #tpu.memory_space<hbm>>
        %dma_start3A_574 = tpu.memref_squeeze %dma_start3A_573 : memref<1x1x1x80xi32, #tpu.memory_space<hbm>> -> memref<80xi32, #tpu.memory_space<hbm>>
        %dma_start3A_575 = tpu.memref_slice %arg12[%dma_start3A_568] : memref<4x!tpu.dma_semaphore, #tpu.memory_space<semaphore_mem>> -> memref<1x!tpu.dma_semaphore, #tpu.memory_space<semaphore_mem>>
        %dma_start3A_576 = tpu.memref_squeeze %dma_start3A_575 : memref<1x!tpu.dma_semaphore, #tpu.memory_space<semaphore_mem>> -> memref<!tpu.dma_semaphore, #tpu.memory_space<semaphore_mem>>
        %dma_start3A_577 = arith.constant 0 : i32
        %dma_start3A_578 = tpu.memref_slice %arg7[%dma_start3A_567, %dma_start3A_577] : memref<4x80xi32, #tpu.memory_space<vmem>> -> memref<1x80xi32, #tpu.memory_space<vmem>>
        %dma_start3A_579 = tpu.memref_squeeze %dma_start3A_578 : memref<1x80xi32, #tpu.memory_space<vmem>> -> memref<80xi32, #tpu.memory_space<vmem>>
        %dma_start3A_580 = arith.constant 0 : i32
        %dma_start3A_581 = tpu.memref_slice %arg2[%add3A, %add3A_565, %dma_start3A_566, %dma_start3A_580] : memref<32x125x1x80xi32, #tpu.memory_space<hbm>> -> memref<1x1x1x80xi32, #tpu.memory_space<hbm>>
        %dma_start3A_582 = tpu.memref_squeeze %dma_start3A_581 : memref<1x1x1x80xi32, #tpu.memory_space<hbm>> -> memref<80xi32, #tpu.memory_space<hbm>>
        tpu.enqueue_dma source(%dma_start3A_582 : memref<80xi32, #tpu.memory_space<hbm>>) target(%dma_start3A_579 : memref<80xi32, #tpu.memory_space<vmem>>) target_semaphore(%dma_start3A_576 : memref<!tpu.dma_semaphore, #tpu.memory_space<semaphore_mem>>)
      } else {
      }
      %dma_wait3A_377 = arith.constant 0 : i32
      %dma_wait3A_378 = arith.constant 0 : i32
      %dma_wait3A_379 = arith.constant 1 : i32
      %dma_wait3A_380 = arith.constant 1 : i32
      %dma_wait3A_381 = arith.constant 0 : i32
      %dma_wait3A_382 = tpu.memref_slice %arg8[%dma_wait3A_379, %dma_wait3A_381] : memref<4x80xi32, #tpu.memory_space<vmem>> -> memref<1x80xi32, #tpu.memory_space<vmem>>
      %dma_wait3A_383 = tpu.memref_squeeze %dma_wait3A_382 : memref<1x80xi32, #tpu.memory_space<vmem>> -> memref<80xi32, #tpu.memory_space<vmem>>
      %dma_wait3A_384 = arith.constant 0 : i32
      %dma_wait3A_385 = tpu.memref_slice %arg3[%add3A, %dma_wait3A_377, %dma_wait3A_378, %dma_wait3A_384] : memref<32x125x1x80xi32, #tpu.memory_space<hbm>> -> memref<1x1x1x80xi32, #tpu.memory_space<hbm>>
      %dma_wait3A_386 = tpu.memref_squeeze %dma_wait3A_385 : memref<1x1x1x80xi32, #tpu.memory_space<hbm>> -> memref<80xi32, #tpu.memory_space<hbm>>
      %dma_wait3A_387 = tpu.memref_slice %arg13[%dma_wait3A_380] : memref<4x!tpu.dma_semaphore, #tpu.memory_space<semaphore_mem>> -> memref<1x!tpu.dma_semaphore, #tpu.memory_space<semaphore_mem>>
      %dma_wait3A_388 = tpu.memref_squeeze %dma_wait3A_387 : memref<1x!tpu.dma_semaphore, #tpu.memory_space<semaphore_mem>> -> memref<!tpu.dma_semaphore, #tpu.memory_space<semaphore_mem>>
      %dma_wait3A_389 = arith.constant 0 : i32
      %dma_wait3A_390 = tpu.memref_slice %arg8[%dma_wait3A_379, %dma_wait3A_389] : memref<4x80xi32, #tpu.memory_space<vmem>> -> memref<1x80xi32, #tpu.memory_space<vmem>>
      %dma_wait3A_391 = tpu.memref_squeeze %dma_wait3A_390 : memref<1x80xi32, #tpu.memory_space<vmem>> -> memref<80xi32, #tpu.memory_space<vmem>>
      %dma_wait3A_392 = arith.constant 0 : i32
      %dma_wait3A_393 = tpu.memref_slice %arg3[%add3A, %dma_wait3A_377, %dma_wait3A_378, %dma_wait3A_392] : memref<32x125x1x80xi32, #tpu.memory_space<hbm>> -> memref<1x1x1x80xi32, #tpu.memory_space<hbm>>
      %dma_wait3A_394 = tpu.memref_squeeze %dma_wait3A_393 : memref<1x1x1x80xi32, #tpu.memory_space<hbm>> -> memref<80xi32, #tpu.memory_space<hbm>>
      tpu.wait_dma2 semaphore(%dma_wait3A_388 : memref<!tpu.dma_semaphore, #tpu.memory_space<semaphore_mem>>) src(%dma_wait3A_394 : memref<80xi32, #tpu.memory_space<hbm>>) dst(%dma_wait3A_391 : memref<80xi32, #tpu.memory_space<vmem>>)
      %dma_start3A_395 = arith.constant 1 : i32
      %dma_start3A_396 = arith.constant 1 : i32
      %dma_start3A_397 = arith.constant 1 : i32
      %dma_start3A_398 = arith.constant 0 : i32
      %dma_start3A_399 = arith.constant 0 : i32
      %dma_start3A_400 = tpu.memref_slice %arg9[%dma_start3A_395, %dma_start3A_398, %dma_start3A_399] : memref<4x80x128xf32, #tpu.memory_space<vmem>> -> memref<1x80x128xf32, #tpu.memory_space<vmem>>
      %dma_start3A_401 = tpu.memref_squeeze %dma_start3A_400 : memref<1x80x128xf32, #tpu.memory_space<vmem>> -> memref<80x128xf32, #tpu.memory_space<vmem>>
      %dma_start3A_402 = arith.constant 0 : i32
      %dma_start3A_403 = tpu.memref_slice %arg8[%dma_start3A_396, %dma_start3A_402] : memref<4x80xi32, #tpu.memory_space<vmem>> -> memref<1x80xi32, #tpu.memory_space<vmem>>
      %dma_start3A_404 = tpu.memref_squeeze %dma_start3A_403 : memref<1x80xi32, #tpu.memory_space<vmem>> -> memref<80xi32, #tpu.memory_space<vmem>>
      %dma_start3A_405 = arith.constant 0 : i32
      %dma_start3A_406 = arith.constant 0 : i32
      %dma_start3A_407 = tpu.memref_slice %arg14[%dma_start3A_405, %dma_start3A_406] : memref<10240x128xf32, #tpu.memory_space<vmem_shared>> -> memref<10240x128xf32, #tpu.memory_space<vmem_shared>>
      %dma_start3A_408 = tpu.memref_slice %arg11[%dma_start3A_397] : memref<4x!tpu.dma_semaphore, #tpu.memory_space<semaphore_mem>> -> memref<1x!tpu.dma_semaphore, #tpu.memory_space<semaphore_mem>>
      %dma_start3A_409 = tpu.memref_squeeze %dma_start3A_408 : memref<1x!tpu.dma_semaphore, #tpu.memory_space<semaphore_mem>> -> memref<!tpu.dma_semaphore, #tpu.memory_space<semaphore_mem>>
      tpu.enqueue_indirect_dma source(%dma_start3A_401 : memref<80x128xf32, #tpu.memory_space<vmem>>) target(%dma_start3A_407 : memref<10240x128xf32, #tpu.memory_space<vmem_shared>>) offsets(%dma_start3A_404 : memref<80xi32, #tpu.memory_space<vmem>>) semaphore(%dma_start3A_409 : memref<!tpu.dma_semaphore, #tpu.memory_space<semaphore_mem>>) {add = true}
      %ge3A_410 = arith.constant 2 : i32
      %ge3A_411 = arith.cmpi sge, %add3A_354, %ge3A_410 : i32
      %convert_element_type3A_412 = arith.extui %ge3A_411 : i1 to i32
      %cond3A_413 = arith.constant 0 : i32
      %cond3A_414 = arith.cmpi ne, %convert_element_type3A_412, %cond3A_413 : i32
      scf.if %cond3A_414 {
        %dma_wait3A_564 = arith.constant 3 : i32
        %dma_wait3A_565 = arith.constant 3 : i32
        %dma_wait3A_566 = arith.constant 3 : i32
        %dma_wait3A_567 = arith.constant 0 : i32
        %dma_wait3A_568 = arith.constant 0 : i32
        %dma_wait3A_569 = tpu.memref_slice %arg9[%dma_wait3A_564, %dma_wait3A_567, %dma_wait3A_568] : memref<4x80x128xf32, #tpu.memory_space<vmem>> -> memref<1x80x128xf32, #tpu.memory_space<vmem>>
        %dma_wait3A_570 = tpu.memref_squeeze %dma_wait3A_569 : memref<1x80x128xf32, #tpu.memory_space<vmem>> -> memref<80x128xf32, #tpu.memory_space<vmem>>
        %dma_wait3A_571 = arith.constant 0 : i32
        %dma_wait3A_572 = tpu.memref_slice %arg8[%dma_wait3A_565, %dma_wait3A_571] : memref<4x80xi32, #tpu.memory_space<vmem>> -> memref<1x80xi32, #tpu.memory_space<vmem>>
        %dma_wait3A_573 = tpu.memref_squeeze %dma_wait3A_572 : memref<1x80xi32, #tpu.memory_space<vmem>> -> memref<80xi32, #tpu.memory_space<vmem>>
        %dma_wait3A_574 = arith.constant 0 : i32
        %dma_wait3A_575 = arith.constant 0 : i32
        %dma_wait3A_576 = tpu.memref_slice %arg14[%dma_wait3A_574, %dma_wait3A_575] : memref<10240x128xf32, #tpu.memory_space<vmem_shared>> -> memref<10240x128xf32, #tpu.memory_space<vmem_shared>>
        %dma_wait3A_577 = tpu.memref_slice %arg11[%dma_wait3A_566] : memref<4x!tpu.dma_semaphore, #tpu.memory_space<semaphore_mem>> -> memref<1x!tpu.dma_semaphore, #tpu.memory_space<semaphore_mem>>
        %dma_wait3A_578 = tpu.memref_squeeze %dma_wait3A_577 : memref<1x!tpu.dma_semaphore, #tpu.memory_space<semaphore_mem>> -> memref<!tpu.dma_semaphore, #tpu.memory_space<semaphore_mem>>
        tpu.wait_indirect_dma semaphore(%dma_wait3A_578 : memref<!tpu.dma_semaphore, #tpu.memory_space<semaphore_mem>>) src(%dma_wait3A_570 : memref<80x128xf32, #tpu.memory_space<vmem>>) dst(%dma_wait3A_576 : memref<10240x128xf32, #tpu.memory_space<vmem_shared>>)
      } else {
      }
      %add3A_415 = arith.constant 2 : i32
      %add3A_416 = arith.addi %add3A_354, %add3A_415 : i32
      %lt3A_417 = arith.constant 125 : i32
      %lt3A_418 = arith.cmpi slt, %add3A_416, %lt3A_417 : i32
      %convert_element_type3A_419 = arith.extui %lt3A_418 : i1 to i32
      %cond3A_420 = arith.constant 0 : i32
      %cond3A_421 = arith.cmpi ne, %convert_element_type3A_419, %cond3A_420 : i32
      scf.if %cond3A_421 {
        %add3A_564 = arith.constant 2 : i32
        %add3A_565 = arith.addi %add3A_354, %add3A_564 : i32
        %dma_start3A_566 = arith.constant 0 : i32
        %dma_start3A_567 = arith.constant 3 : i32
        %dma_start3A_568 = arith.constant 3 : i32
        %dma_start3A_569 = arith.constant 0 : i32
        %dma_start3A_570 = tpu.memref_slice %arg8[%dma_start3A_567, %dma_start3A_569] : memref<4x80xi32, #tpu.memory_space<vmem>> -> memref<1x80xi32, #tpu.memory_space<vmem>>
        %dma_start3A_571 = tpu.memref_squeeze %dma_start3A_570 : memref<1x80xi32, #tpu.memory_space<vmem>> -> memref<80xi32, #tpu.memory_space<vmem>>
        %dma_start3A_572 = arith.constant 0 : i32
        %dma_start3A_573 = tpu.memref_slice %arg3[%add3A, %add3A_565, %dma_start3A_566, %dma_start3A_572] : memref<32x125x1x80xi32, #tpu.memory_space<hbm>> -> memref<1x1x1x80xi32, #tpu.memory_space<hbm>>
        %dma_start3A_574 = tpu.memref_squeeze %dma_start3A_573 : memref<1x1x1x80xi32, #tpu.memory_space<hbm>> -> memref<80xi32, #tpu.memory_space<hbm>>
        %dma_start3A_575 = tpu.memref_slice %arg13[%dma_start3A_568] : memref<4x!tpu.dma_semaphore, #tpu.memory_space<semaphore_mem>> -> memref<1x!tpu.dma_semaphore, #tpu.memory_space<semaphore_mem>>
        %dma_start3A_576 = tpu.memref_squeeze %dma_start3A_575 : memref<1x!tpu.dma_semaphore, #tpu.memory_space<semaphore_mem>> -> memref<!tpu.dma_semaphore, #tpu.memory_space<semaphore_mem>>
        %dma_start3A_577 = arith.constant 0 : i32
        %dma_start3A_578 = tpu.memref_slice %arg8[%dma_start3A_567, %dma_start3A_577] : memref<4x80xi32, #tpu.memory_space<vmem>> -> memref<1x80xi32, #tpu.memory_space<vmem>>
        %dma_start3A_579 = tpu.memref_squeeze %dma_start3A_578 : memref<1x80xi32, #tpu.memory_space<vmem>> -> memref<80xi32, #tpu.memory_space<vmem>>
        %dma_start3A_580 = arith.constant 0 : i32
        %dma_start3A_581 = tpu.memref_slice %arg3[%add3A, %add3A_565, %dma_start3A_566, %dma_start3A_580] : memref<32x125x1x80xi32, #tpu.memory_space<hbm>> -> memref<1x1x1x80xi32, #tpu.memory_space<hbm>>
        %dma_start3A_582 = tpu.memref_squeeze %dma_start3A_581 : memref<1x1x1x80xi32, #tpu.memory_space<hbm>> -> memref<80xi32, #tpu.memory_space<hbm>>
        tpu.enqueue_dma source(%dma_start3A_582 : memref<80xi32, #tpu.memory_space<hbm>>) target(%dma_start3A_579 : memref<80xi32, #tpu.memory_space<vmem>>) target_semaphore(%dma_start3A_576 : memref<!tpu.dma_semaphore, #tpu.memory_space<semaphore_mem>>)
        %dma_wait3A_583 = arith.constant 0 : i32
        %dma_wait3A_584 = arith.constant 0 : i32
        %dma_wait3A_585 = arith.constant 3 : i32
        %dma_wait3A_586 = arith.constant 3 : i32
        %dma_wait3A_587 = arith.constant 0 : i32
        %dma_wait3A_588 = tpu.memref_slice %arg7[%dma_wait3A_585, %dma_wait3A_587] : memref<4x80xi32, #tpu.memory_space<vmem>> -> memref<1x80xi32, #tpu.memory_space<vmem>>
        %dma_wait3A_589 = tpu.memref_squeeze %dma_wait3A_588 : memref<1x80xi32, #tpu.memory_space<vmem>> -> memref<80xi32, #tpu.memory_space<vmem>>
        %dma_wait3A_590 = arith.constant 0 : i32
        %dma_wait3A_591 = tpu.memref_slice %arg2[%add3A, %dma_wait3A_583, %dma_wait3A_584, %dma_wait3A_590] : memref<32x125x1x80xi32, #tpu.memory_space<hbm>> -> memref<1x1x1x80xi32, #tpu.memory_space<hbm>>
        %dma_wait3A_592 = tpu.memref_squeeze %dma_wait3A_591 : memref<1x1x1x80xi32, #tpu.memory_space<hbm>> -> memref<80xi32, #tpu.memory_space<hbm>>
        %dma_wait3A_593 = tpu.memref_slice %arg12[%dma_wait3A_586] : memref<4x!tpu.dma_semaphore, #tpu.memory_space<semaphore_mem>> -> memref<1x!tpu.dma_semaphore, #tpu.memory_space<semaphore_mem>>
        %dma_wait3A_594 = tpu.memref_squeeze %dma_wait3A_593 : memref<1x!tpu.dma_semaphore, #tpu.memory_space<semaphore_mem>> -> memref<!tpu.dma_semaphore, #tpu.memory_space<semaphore_mem>>
        %dma_wait3A_595 = arith.constant 0 : i32
        %dma_wait3A_596 = tpu.memref_slice %arg7[%dma_wait3A_585, %dma_wait3A_595] : memref<4x80xi32, #tpu.memory_space<vmem>> -> memref<1x80xi32, #tpu.memory_space<vmem>>
        %dma_wait3A_597 = tpu.memref_squeeze %dma_wait3A_596 : memref<1x80xi32, #tpu.memory_space<vmem>> -> memref<80xi32, #tpu.memory_space<vmem>>
        %dma_wait3A_598 = arith.constant 0 : i32
        %dma_wait3A_599 = tpu.memref_slice %arg2[%add3A, %dma_wait3A_583, %dma_wait3A_584, %dma_wait3A_598] : memref<32x125x1x80xi32, #tpu.memory_space<hbm>> -> memref<1x1x1x80xi32, #tpu.memory_space<hbm>>
        %dma_wait3A_600 = tpu.memref_squeeze %dma_wait3A_599 : memref<1x1x1x80xi32, #tpu.memory_space<hbm>> -> memref<80xi32, #tpu.memory_space<hbm>>
        tpu.wait_dma2 semaphore(%dma_wait3A_594 : memref<!tpu.dma_semaphore, #tpu.memory_space<semaphore_mem>>) src(%dma_wait3A_600 : memref<80xi32, #tpu.memory_space<hbm>>) dst(%dma_wait3A_597 : memref<80xi32, #tpu.memory_space<vmem>>)
        %dma_start3A_601 = arith.constant 3 : i32
        %dma_start3A_602 = arith.constant 3 : i32
        %dma_start3A_603 = arith.constant 3 : i32
        %dma_start3A_604 = arith.constant 0 : i32
        %dma_start3A_605 = arith.constant 0 : i32
        %dma_start3A_606 = tpu.memref_slice %arg9[%dma_start3A_602, %dma_start3A_604, %dma_start3A_605] : memref<4x80x128xf32, #tpu.memory_space<vmem>> -> memref<1x80x128xf32, #tpu.memory_space<vmem>>
        %dma_start3A_607 = tpu.memref_squeeze %dma_start3A_606 : memref<1x80x128xf32, #tpu.memory_space<vmem>> -> memref<80x128xf32, #tpu.memory_space<vmem>>
        %dma_start3A_608 = arith.constant 0 : i32
        %dma_start3A_609 = tpu.memref_slice %arg7[%dma_start3A_601, %dma_start3A_608] : memref<4x80xi32, #tpu.memory_space<vmem>> -> memref<1x80xi32, #tpu.memory_space<vmem>>
        %dma_start3A_610 = tpu.memref_squeeze %dma_start3A_609 : memref<1x80xi32, #tpu.memory_space<vmem>> -> memref<80xi32, #tpu.memory_space<vmem>>
        %dma_start3A_611 = arith.constant 0 : i32
        %dma_start3A_612 = arith.constant 0 : i32
        %dma_start3A_613 = tpu.memref_slice %arg4[%dma_start3A_611, %dma_start3A_612] : memref<10000x128xf32, #tpu.memory_space<hbm>> -> memref<10000x128xf32, #tpu.memory_space<hbm>>
        %dma_start3A_614 = tpu.memref_slice %arg10[%dma_start3A_603] : memref<4x!tpu.dma_semaphore, #tpu.memory_space<semaphore_mem>> -> memref<1x!tpu.dma_semaphore, #tpu.memory_space<semaphore_mem>>
        %dma_start3A_615 = tpu.memref_squeeze %dma_start3A_614 : memref<1x!tpu.dma_semaphore, #tpu.memory_space<semaphore_mem>> -> memref<!tpu.dma_semaphore, #tpu.memory_space<semaphore_mem>>
        tpu.enqueue_indirect_dma source(%dma_start3A_613 : memref<10000x128xf32, #tpu.memory_space<hbm>>) target(%dma_start3A_607 : memref<80x128xf32, #tpu.memory_space<vmem>>) offsets(%dma_start3A_610 : memref<80xi32, #tpu.memory_space<vmem>>) semaphore(%dma_start3A_615 : memref<!tpu.dma_semaphore, #tpu.memory_space<semaphore_mem>>)
      } else {
      }
      %mul3A_422 = arith.constant 4 : i32
      %mul3A_423 = arith.muli %mul3A_422, %add3A_281 : i32
      %add3A_424 = arith.constant 2 : i32
      %add3A_425 = arith.addi %mul3A_423, %add3A_424 : i32
      %dma_wait3A_426 = arith.constant 2 : i32
      %dma_wait3A_427 = arith.constant 2 : i32
      %dma_wait3A_428 = arith.constant 2 : i32
      %dma_wait3A_429 = arith.constant 0 : i32
      %dma_wait3A_430 = arith.constant 0 : i32
      %dma_wait3A_431 = tpu.memref_slice %arg9[%dma_wait3A_427, %dma_wait3A_429, %dma_wait3A_430] : memref<4x80x128xf32, #tpu.memory_space<vmem>> -> memref<1x80x128xf32, #tpu.memory_space<vmem>>
      %dma_wait3A_432 = tpu.memref_squeeze %dma_wait3A_431 : memref<1x80x128xf32, #tpu.memory_space<vmem>> -> memref<80x128xf32, #tpu.memory_space<vmem>>
      %dma_wait3A_433 = arith.constant 0 : i32
      %dma_wait3A_434 = tpu.memref_slice %arg7[%dma_wait3A_426, %dma_wait3A_433] : memref<4x80xi32, #tpu.memory_space<vmem>> -> memref<1x80xi32, #tpu.memory_space<vmem>>
      %dma_wait3A_435 = tpu.memref_squeeze %dma_wait3A_434 : memref<1x80xi32, #tpu.memory_space<vmem>> -> memref<80xi32, #tpu.memory_space<vmem>>
      %dma_wait3A_436 = arith.constant 0 : i32
      %dma_wait3A_437 = arith.constant 0 : i32
      %dma_wait3A_438 = tpu.memref_slice %arg4[%dma_wait3A_436, %dma_wait3A_437] : memref<10000x128xf32, #tpu.memory_space<hbm>> -> memref<10000x128xf32, #tpu.memory_space<hbm>>
      %dma_wait3A_439 = tpu.memref_slice %arg10[%dma_wait3A_428] : memref<4x!tpu.dma_semaphore, #tpu.memory_space<semaphore_mem>> -> memref<1x!tpu.dma_semaphore, #tpu.memory_space<semaphore_mem>>
      %dma_wait3A_440 = tpu.memref_squeeze %dma_wait3A_439 : memref<1x!tpu.dma_semaphore, #tpu.memory_space<semaphore_mem>> -> memref<!tpu.dma_semaphore, #tpu.memory_space<semaphore_mem>>
      tpu.wait_indirect_dma semaphore(%dma_wait3A_440 : memref<!tpu.dma_semaphore, #tpu.memory_space<semaphore_mem>>) src(%dma_wait3A_438 : memref<10000x128xf32, #tpu.memory_space<hbm>>) dst(%dma_wait3A_432 : memref<80x128xf32, #tpu.memory_space<vmem>>)
      %add3A_441 = arith.constant 4 : i32
      %add3A_442 = arith.addi %add3A_425, %add3A_441 : i32
      %lt3A_443 = arith.constant 125 : i32
      %lt3A_444 = arith.cmpi slt, %add3A_442, %lt3A_443 : i32
      %convert_element_type3A_445 = arith.extui %lt3A_444 : i1 to i32
      %cond3A_446 = arith.constant 0 : i32
      %cond3A_447 = arith.cmpi ne, %convert_element_type3A_445, %cond3A_446 : i32
      scf.if %cond3A_447 {
        %add3A_564 = arith.constant 4 : i32
        %add3A_565 = arith.addi %add3A_425, %add3A_564 : i32
        %dma_start3A_566 = arith.constant 0 : i32
        %dma_start3A_567 = arith.constant 2 : i32
        %dma_start3A_568 = arith.constant 2 : i32
        %dma_start3A_569 = arith.constant 0 : i32
        %dma_start3A_570 = tpu.memref_slice %arg7[%dma_start3A_567, %dma_start3A_569] : memref<4x80xi32, #tpu.memory_space<vmem>> -> memref<1x80xi32, #tpu.memory_space<vmem>>
        %dma_start3A_571 = tpu.memref_squeeze %dma_start3A_570 : memref<1x80xi32, #tpu.memory_space<vmem>> -> memref<80xi32, #tpu.memory_space<vmem>>
        %dma_start3A_572 = arith.constant 0 : i32
        %dma_start3A_573 = tpu.memref_slice %arg2[%add3A, %add3A_565, %dma_start3A_566, %dma_start3A_572] : memref<32x125x1x80xi32, #tpu.memory_space<hbm>> -> memref<1x1x1x80xi32, #tpu.memory_space<hbm>>
        %dma_start3A_574 = tpu.memref_squeeze %dma_start3A_573 : memref<1x1x1x80xi32, #tpu.memory_space<hbm>> -> memref<80xi32, #tpu.memory_space<hbm>>
        %dma_start3A_575 = tpu.memref_slice %arg12[%dma_start3A_568] : memref<4x!tpu.dma_semaphore, #tpu.memory_space<semaphore_mem>> -> memref<1x!tpu.dma_semaphore, #tpu.memory_space<semaphore_mem>>
        %dma_start3A_576 = tpu.memref_squeeze %dma_start3A_575 : memref<1x!tpu.dma_semaphore, #tpu.memory_space<semaphore_mem>> -> memref<!tpu.dma_semaphore, #tpu.memory_space<semaphore_mem>>
        %dma_start3A_577 = arith.constant 0 : i32
        %dma_start3A_578 = tpu.memref_slice %arg7[%dma_start3A_567, %dma_start3A_577] : memref<4x80xi32, #tpu.memory_space<vmem>> -> memref<1x80xi32, #tpu.memory_space<vmem>>
        %dma_start3A_579 = tpu.memref_squeeze %dma_start3A_578 : memref<1x80xi32, #tpu.memory_space<vmem>> -> memref<80xi32, #tpu.memory_space<vmem>>
        %dma_start3A_580 = arith.constant 0 : i32
        %dma_start3A_581 = tpu.memref_slice %arg2[%add3A, %add3A_565, %dma_start3A_566, %dma_start3A_580] : memref<32x125x1x80xi32, #tpu.memory_space<hbm>> -> memref<1x1x1x80xi32, #tpu.memory_space<hbm>>
        %dma_start3A_582 = tpu.memref_squeeze %dma_start3A_581 : memref<1x1x1x80xi32, #tpu.memory_space<hbm>> -> memref<80xi32, #tpu.memory_space<hbm>>
        tpu.enqueue_dma source(%dma_start3A_582 : memref<80xi32, #tpu.memory_space<hbm>>) target(%dma_start3A_579 : memref<80xi32, #tpu.memory_space<vmem>>) target_semaphore(%dma_start3A_576 : memref<!tpu.dma_semaphore, #tpu.memory_space<semaphore_mem>>)
      } else {
      }
      %dma_wait3A_448 = arith.constant 0 : i32
      %dma_wait3A_449 = arith.constant 0 : i32
      %dma_wait3A_450 = arith.constant 2 : i32
      %dma_wait3A_451 = arith.constant 2 : i32
      %dma_wait3A_452 = arith.constant 0 : i32
      %dma_wait3A_453 = tpu.memref_slice %arg8[%dma_wait3A_450, %dma_wait3A_452] : memref<4x80xi32, #tpu.memory_space<vmem>> -> memref<1x80xi32, #tpu.memory_space<vmem>>
      %dma_wait3A_454 = tpu.memref_squeeze %dma_wait3A_453 : memref<1x80xi32, #tpu.memory_space<vmem>> -> memref<80xi32, #tpu.memory_space<vmem>>
      %dma_wait3A_455 = arith.constant 0 : i32
      %dma_wait3A_456 = tpu.memref_slice %arg3[%add3A, %dma_wait3A_448, %dma_wait3A_449, %dma_wait3A_455] : memref<32x125x1x80xi32, #tpu.memory_space<hbm>> -> memref<1x1x1x80xi32, #tpu.memory_space<hbm>>
      %dma_wait3A_457 = tpu.memref_squeeze %dma_wait3A_456 : memref<1x1x1x80xi32, #tpu.memory_space<hbm>> -> memref<80xi32, #tpu.memory_space<hbm>>
      %dma_wait3A_458 = tpu.memref_slice %arg13[%dma_wait3A_451] : memref<4x!tpu.dma_semaphore, #tpu.memory_space<semaphore_mem>> -> memref<1x!tpu.dma_semaphore, #tpu.memory_space<semaphore_mem>>
      %dma_wait3A_459 = tpu.memref_squeeze %dma_wait3A_458 : memref<1x!tpu.dma_semaphore, #tpu.memory_space<semaphore_mem>> -> memref<!tpu.dma_semaphore, #tpu.memory_space<semaphore_mem>>
      %dma_wait3A_460 = arith.constant 0 : i32
      %dma_wait3A_461 = tpu.memref_slice %arg8[%dma_wait3A_450, %dma_wait3A_460] : memref<4x80xi32, #tpu.memory_space<vmem>> -> memref<1x80xi32, #tpu.memory_space<vmem>>
      %dma_wait3A_462 = tpu.memref_squeeze %dma_wait3A_461 : memref<1x80xi32, #tpu.memory_space<vmem>> -> memref<80xi32, #tpu.memory_space<vmem>>
      %dma_wait3A_463 = arith.constant 0 : i32
      %dma_wait3A_464 = tpu.memref_slice %arg3[%add3A, %dma_wait3A_448, %dma_wait3A_449, %dma_wait3A_463] : memref<32x125x1x80xi32, #tpu.memory_space<hbm>> -> memref<1x1x1x80xi32, #tpu.memory_space<hbm>>
      %dma_wait3A_465 = tpu.memref_squeeze %dma_wait3A_464 : memref<1x1x1x80xi32, #tpu.memory_space<hbm>> -> memref<80xi32, #tpu.memory_space<hbm>>
      tpu.wait_dma2 semaphore(%dma_wait3A_459 : memref<!tpu.dma_semaphore, #tpu.memory_space<semaphore_mem>>) src(%dma_wait3A_465 : memref<80xi32, #tpu.memory_space<hbm>>) dst(%dma_wait3A_462 : memref<80xi32, #tpu.memory_space<vmem>>)
      %dma_start3A_466 = arith.constant 2 : i32
      %dma_start3A_467 = arith.constant 2 : i32
      %dma_start3A_468 = arith.constant 2 : i32
      %dma_start3A_469 = arith.constant 0 : i32
      %dma_start3A_470 = arith.constant 0 : i32
      %dma_start3A_471 = tpu.memref_slice %arg9[%dma_start3A_466, %dma_start3A_469, %dma_start3A_470] : memref<4x80x128xf32, #tpu.memory_space<vmem>> -> memref<1x80x128xf32, #tpu.memory_space<vmem>>
      %dma_start3A_472 = tpu.memref_squeeze %dma_start3A_471 : memref<1x80x128xf32, #tpu.memory_space<vmem>> -> memref<80x128xf32, #tpu.memory_space<vmem>>
      %dma_start3A_473 = arith.constant 0 : i32
      %dma_start3A_474 = tpu.memref_slice %arg8[%dma_start3A_467, %dma_start3A_473] : memref<4x80xi32, #tpu.memory_space<vmem>> -> memref<1x80xi32, #tpu.memory_space<vmem>>
      %dma_start3A_475 = tpu.memref_squeeze %dma_start3A_474 : memref<1x80xi32, #tpu.memory_space<vmem>> -> memref<80xi32, #tpu.memory_space<vmem>>
      %dma_start3A_476 = arith.constant 0 : i32
      %dma_start3A_477 = arith.constant 0 : i32
      %dma_start3A_478 = tpu.memref_slice %arg14[%dma_start3A_476, %dma_start3A_477] : memref<10240x128xf32, #tpu.memory_space<vmem_shared>> -> memref<10240x128xf32, #tpu.memory_space<vmem_shared>>
      %dma_start3A_479 = tpu.memref_slice %arg11[%dma_start3A_468] : memref<4x!tpu.dma_semaphore, #tpu.memory_space<semaphore_mem>> -> memref<1x!tpu.dma_semaphore, #tpu.memory_space<semaphore_mem>>
      %dma_start3A_480 = tpu.memref_squeeze %dma_start3A_479 : memref<1x!tpu.dma_semaphore, #tpu.memory_space<semaphore_mem>> -> memref<!tpu.dma_semaphore, #tpu.memory_space<semaphore_mem>>
      tpu.enqueue_indirect_dma source(%dma_start3A_472 : memref<80x128xf32, #tpu.memory_space<vmem>>) target(%dma_start3A_478 : memref<10240x128xf32, #tpu.memory_space<vmem_shared>>) offsets(%dma_start3A_475 : memref<80xi32, #tpu.memory_space<vmem>>) semaphore(%dma_start3A_480 : memref<!tpu.dma_semaphore, #tpu.memory_space<semaphore_mem>>) {add = true}
      %ge3A_481 = arith.constant 2 : i32
      %ge3A_482 = arith.cmpi sge, %add3A_425, %ge3A_481 : i32
      %convert_element_type3A_483 = arith.extui %ge3A_482 : i1 to i32
      %cond3A_484 = arith.constant 0 : i32
      %cond3A_485 = arith.cmpi ne, %convert_element_type3A_483, %cond3A_484 : i32
      scf.if %cond3A_485 {
        %dma_wait3A_564 = arith.constant 0 : i32
        %dma_wait3A_565 = arith.constant 0 : i32
        %dma_wait3A_566 = arith.constant 0 : i32
        %dma_wait3A_567 = arith.constant 0 : i32
        %dma_wait3A_568 = arith.constant 0 : i32
        %dma_wait3A_569 = tpu.memref_slice %arg9[%dma_wait3A_564, %dma_wait3A_567, %dma_wait3A_568] : memref<4x80x128xf32, #tpu.memory_space<vmem>> -> memref<1x80x128xf32, #tpu.memory_space<vmem>>
        %dma_wait3A_570 = tpu.memref_squeeze %dma_wait3A_569 : memref<1x80x128xf32, #tpu.memory_space<vmem>> -> memref<80x128xf32, #tpu.memory_space<vmem>>
        %dma_wait3A_571 = arith.constant 0 : i32
        %dma_wait3A_572 = tpu.memref_slice %arg8[%dma_wait3A_565, %dma_wait3A_571] : memref<4x80xi32, #tpu.memory_space<vmem>> -> memref<1x80xi32, #tpu.memory_space<vmem>>
        %dma_wait3A_573 = tpu.memref_squeeze %dma_wait3A_572 : memref<1x80xi32, #tpu.memory_space<vmem>> -> memref<80xi32, #tpu.memory_space<vmem>>
        %dma_wait3A_574 = arith.constant 0 : i32
        %dma_wait3A_575 = arith.constant 0 : i32
        %dma_wait3A_576 = tpu.memref_slice %arg14[%dma_wait3A_574, %dma_wait3A_575] : memref<10240x128xf32, #tpu.memory_space<vmem_shared>> -> memref<10240x128xf32, #tpu.memory_space<vmem_shared>>
        %dma_wait3A_577 = tpu.memref_slice %arg11[%dma_wait3A_566] : memref<4x!tpu.dma_semaphore, #tpu.memory_space<semaphore_mem>> -> memref<1x!tpu.dma_semaphore, #tpu.memory_space<semaphore_mem>>
        %dma_wait3A_578 = tpu.memref_squeeze %dma_wait3A_577 : memref<1x!tpu.dma_semaphore, #tpu.memory_space<semaphore_mem>> -> memref<!tpu.dma_semaphore, #tpu.memory_space<semaphore_mem>>
        tpu.wait_indirect_dma semaphore(%dma_wait3A_578 : memref<!tpu.dma_semaphore, #tpu.memory_space<semaphore_mem>>) src(%dma_wait3A_570 : memref<80x128xf32, #tpu.memory_space<vmem>>) dst(%dma_wait3A_576 : memref<10240x128xf32, #tpu.memory_space<vmem_shared>>)
      } else {
      }
      %add3A_486 = arith.constant 2 : i32
      %add3A_487 = arith.addi %add3A_425, %add3A_486 : i32
      %lt3A_488 = arith.constant 125 : i32
      %lt3A_489 = arith.cmpi slt, %add3A_487, %lt3A_488 : i32
      %convert_element_type3A_490 = arith.extui %lt3A_489 : i1 to i32
      %cond3A_491 = arith.constant 0 : i32
      %cond3A_492 = arith.cmpi ne, %convert_element_type3A_490, %cond3A_491 : i32
      scf.if %cond3A_492 {
        %add3A_564 = arith.constant 2 : i32
        %add3A_565 = arith.addi %add3A_425, %add3A_564 : i32
        %dma_start3A_566 = arith.constant 0 : i32
        %dma_start3A_567 = arith.constant 0 : i32
        %dma_start3A_568 = arith.constant 0 : i32
        %dma_start3A_569 = arith.constant 0 : i32
        %dma_start3A_570 = tpu.memref_slice %arg8[%dma_start3A_567, %dma_start3A_569] : memref<4x80xi32, #tpu.memory_space<vmem>> -> memref<1x80xi32, #tpu.memory_space<vmem>>
        %dma_start3A_571 = tpu.memref_squeeze %dma_start3A_570 : memref<1x80xi32, #tpu.memory_space<vmem>> -> memref<80xi32, #tpu.memory_space<vmem>>
        %dma_start3A_572 = arith.constant 0 : i32
        %dma_start3A_573 = tpu.memref_slice %arg3[%add3A, %add3A_565, %dma_start3A_566, %dma_start3A_572] : memref<32x125x1x80xi32, #tpu.memory_space<hbm>> -> memref<1x1x1x80xi32, #tpu.memory_space<hbm>>
        %dma_start3A_574 = tpu.memref_squeeze %dma_start3A_573 : memref<1x1x1x80xi32, #tpu.memory_space<hbm>> -> memref<80xi32, #tpu.memory_space<hbm>>
        %dma_start3A_575 = tpu.memref_slice %arg13[%dma_start3A_568] : memref<4x!tpu.dma_semaphore, #tpu.memory_space<semaphore_mem>> -> memref<1x!tpu.dma_semaphore, #tpu.memory_space<semaphore_mem>>
        %dma_start3A_576 = tpu.memref_squeeze %dma_start3A_575 : memref<1x!tpu.dma_semaphore, #tpu.memory_space<semaphore_mem>> -> memref<!tpu.dma_semaphore, #tpu.memory_space<semaphore_mem>>
        %dma_start3A_577 = arith.constant 0 : i32
        %dma_start3A_578 = tpu.memref_slice %arg8[%dma_start3A_567, %dma_start3A_577] : memref<4x80xi32, #tpu.memory_space<vmem>> -> memref<1x80xi32, #tpu.memory_space<vmem>>
        %dma_start3A_579 = tpu.memref_squeeze %dma_start3A_578 : memref<1x80xi32, #tpu.memory_space<vmem>> -> memref<80xi32, #tpu.memory_space<vmem>>
        %dma_start3A_580 = arith.constant 0 : i32
        %dma_start3A_581 = tpu.memref_slice %arg3[%add3A, %add3A_565, %dma_start3A_566, %dma_start3A_580] : memref<32x125x1x80xi32, #tpu.memory_space<hbm>> -> memref<1x1x1x80xi32, #tpu.memory_space<hbm>>
        %dma_start3A_582 = tpu.memref_squeeze %dma_start3A_581 : memref<1x1x1x80xi32, #tpu.memory_space<hbm>> -> memref<80xi32, #tpu.memory_space<hbm>>
        tpu.enqueue_dma source(%dma_start3A_582 : memref<80xi32, #tpu.memory_space<hbm>>) target(%dma_start3A_579 : memref<80xi32, #tpu.memory_space<vmem>>) target_semaphore(%dma_start3A_576 : memref<!tpu.dma_semaphore, #tpu.memory_space<semaphore_mem>>)
        %dma_wait3A_583 = arith.constant 0 : i32
        %dma_wait3A_584 = arith.constant 0 : i32
        %dma_wait3A_585 = arith.constant 0 : i32
        %dma_wait3A_586 = arith.constant 0 : i32
        %dma_wait3A_587 = arith.constant 0 : i32
        %dma_wait3A_588 = tpu.memref_slice %arg7[%dma_wait3A_585, %dma_wait3A_587] : memref<4x80xi32, #tpu.memory_space<vmem>> -> memref<1x80xi32, #tpu.memory_space<vmem>>
        %dma_wait3A_589 = tpu.memref_squeeze %dma_wait3A_588 : memref<1x80xi32, #tpu.memory_space<vmem>> -> memref<80xi32, #tpu.memory_space<vmem>>
        %dma_wait3A_590 = arith.constant 0 : i32
        %dma_wait3A_591 = tpu.memref_slice %arg2[%add3A, %dma_wait3A_583, %dma_wait3A_584, %dma_wait3A_590] : memref<32x125x1x80xi32, #tpu.memory_space<hbm>> -> memref<1x1x1x80xi32, #tpu.memory_space<hbm>>
        %dma_wait3A_592 = tpu.memref_squeeze %dma_wait3A_591 : memref<1x1x1x80xi32, #tpu.memory_space<hbm>> -> memref<80xi32, #tpu.memory_space<hbm>>
        %dma_wait3A_593 = tpu.memref_slice %arg12[%dma_wait3A_586] : memref<4x!tpu.dma_semaphore, #tpu.memory_space<semaphore_mem>> -> memref<1x!tpu.dma_semaphore, #tpu.memory_space<semaphore_mem>>
        %dma_wait3A_594 = tpu.memref_squeeze %dma_wait3A_593 : memref<1x!tpu.dma_semaphore, #tpu.memory_space<semaphore_mem>> -> memref<!tpu.dma_semaphore, #tpu.memory_space<semaphore_mem>>
        %dma_wait3A_595 = arith.constant 0 : i32
        %dma_wait3A_596 = tpu.memref_slice %arg7[%dma_wait3A_585, %dma_wait3A_595] : memref<4x80xi32, #tpu.memory_space<vmem>> -> memref<1x80xi32, #tpu.memory_space<vmem>>
        %dma_wait3A_597 = tpu.memref_squeeze %dma_wait3A_596 : memref<1x80xi32, #tpu.memory_space<vmem>> -> memref<80xi32, #tpu.memory_space<vmem>>
        %dma_wait3A_598 = arith.constant 0 : i32
        %dma_wait3A_599 = tpu.memref_slice %arg2[%add3A, %dma_wait3A_583, %dma_wait3A_584, %dma_wait3A_598] : memref<32x125x1x80xi32, #tpu.memory_space<hbm>> -> memref<1x1x1x80xi32, #tpu.memory_space<hbm>>
        %dma_wait3A_600 = tpu.memref_squeeze %dma_wait3A_599 : memref<1x1x1x80xi32, #tpu.memory_space<hbm>> -> memref<80xi32, #tpu.memory_space<hbm>>
        tpu.wait_dma2 semaphore(%dma_wait3A_594 : memref<!tpu.dma_semaphore, #tpu.memory_space<semaphore_mem>>) src(%dma_wait3A_600 : memref<80xi32, #tpu.memory_space<hbm>>) dst(%dma_wait3A_597 : memref<80xi32, #tpu.memory_space<vmem>>)
        %dma_start3A_601 = arith.constant 0 : i32
        %dma_start3A_602 = arith.constant 0 : i32
        %dma_start3A_603 = arith.constant 0 : i32
        %dma_start3A_604 = arith.constant 0 : i32
        %dma_start3A_605 = arith.constant 0 : i32
        %dma_start3A_606 = tpu.memref_slice %arg9[%dma_start3A_602, %dma_start3A_604, %dma_start3A_605] : memref<4x80x128xf32, #tpu.memory_space<vmem>> -> memref<1x80x128xf32, #tpu.memory_space<vmem>>
        %dma_start3A_607 = tpu.memref_squeeze %dma_start3A_606 : memref<1x80x128xf32, #tpu.memory_space<vmem>> -> memref<80x128xf32, #tpu.memory_space<vmem>>
        %dma_start3A_608 = arith.constant 0 : i32
        %dma_start3A_609 = tpu.memref_slice %arg7[%dma_start3A_601, %dma_start3A_608] : memref<4x80xi32, #tpu.memory_space<vmem>> -> memref<1x80xi32, #tpu.memory_space<vmem>>
        %dma_start3A_610 = tpu.memref_squeeze %dma_start3A_609 : memref<1x80xi32, #tpu.memory_space<vmem>> -> memref<80xi32, #tpu.memory_space<vmem>>
        %dma_start3A_611 = arith.constant 0 : i32
        %dma_start3A_612 = arith.constant 0 : i32
        %dma_start3A_613 = tpu.memref_slice %arg4[%dma_start3A_611, %dma_start3A_612] : memref<10000x128xf32, #tpu.memory_space<hbm>> -> memref<10000x128xf32, #tpu.memory_space<hbm>>
        %dma_start3A_614 = tpu.memref_slice %arg10[%dma_start3A_603] : memref<4x!tpu.dma_semaphore, #tpu.memory_space<semaphore_mem>> -> memref<1x!tpu.dma_semaphore, #tpu.memory_space<semaphore_mem>>
        %dma_start3A_615 = tpu.memref_squeeze %dma_start3A_614 : memref<1x!tpu.dma_semaphore, #tpu.memory_space<semaphore_mem>> -> memref<!tpu.dma_semaphore, #tpu.memory_space<semaphore_mem>>
        tpu.enqueue_indirect_dma source(%dma_start3A_613 : memref<10000x128xf32, #tpu.memory_space<hbm>>) target(%dma_start3A_607 : memref<80x128xf32, #tpu.memory_space<vmem>>) offsets(%dma_start3A_610 : memref<80xi32, #tpu.memory_space<vmem>>) semaphore(%dma_start3A_615 : memref<!tpu.dma_semaphore, #tpu.memory_space<semaphore_mem>>)
      } else {
      }
      %mul3A_493 = arith.constant 4 : i32
      %mul3A_494 = arith.muli %mul3A_493, %add3A_281 : i32
      %add3A_495 = arith.constant 3 : i32
      %add3A_496 = arith.addi %mul3A_494, %add3A_495 : i32
      %dma_wait3A_497 = arith.constant 3 : i32
      %dma_wait3A_498 = arith.constant 3 : i32
      %dma_wait3A_499 = arith.constant 3 : i32
      %dma_wait3A_500 = arith.constant 0 : i32
      %dma_wait3A_501 = arith.constant 0 : i32
      %dma_wait3A_502 = tpu.memref_slice %arg9[%dma_wait3A_498, %dma_wait3A_500, %dma_wait3A_501] : memref<4x80x128xf32, #tpu.memory_space<vmem>> -> memref<1x80x128xf32, #tpu.memory_space<vmem>>
      %dma_wait3A_503 = tpu.memref_squeeze %dma_wait3A_502 : memref<1x80x128xf32, #tpu.memory_space<vmem>> -> memref<80x128xf32, #tpu.memory_space<vmem>>
      %dma_wait3A_504 = arith.constant 0 : i32
      %dma_wait3A_505 = tpu.memref_slice %arg7[%dma_wait3A_497, %dma_wait3A_504] : memref<4x80xi32, #tpu.memory_space<vmem>> -> memref<1x80xi32, #tpu.memory_space<vmem>>
      %dma_wait3A_506 = tpu.memref_squeeze %dma_wait3A_505 : memref<1x80xi32, #tpu.memory_space<vmem>> -> memref<80xi32, #tpu.memory_space<vmem>>
      %dma_wait3A_507 = arith.constant 0 : i32
      %dma_wait3A_508 = arith.constant 0 : i32
      %dma_wait3A_509 = tpu.memref_slice %arg4[%dma_wait3A_507, %dma_wait3A_508] : memref<10000x128xf32, #tpu.memory_space<hbm>> -> memref<10000x128xf32, #tpu.memory_space<hbm>>
      %dma_wait3A_510 = tpu.memref_slice %arg10[%dma_wait3A_499] : memref<4x!tpu.dma_semaphore, #tpu.memory_space<semaphore_mem>> -> memref<1x!tpu.dma_semaphore, #tpu.memory_space<semaphore_mem>>
      %dma_wait3A_511 = tpu.memref_squeeze %dma_wait3A_510 : memref<1x!tpu.dma_semaphore, #tpu.memory_space<semaphore_mem>> -> memref<!tpu.dma_semaphore, #tpu.memory_space<semaphore_mem>>
      tpu.wait_indirect_dma semaphore(%dma_wait3A_511 : memref<!tpu.dma_semaphore, #tpu.memory_space<semaphore_mem>>) src(%dma_wait3A_509 : memref<10000x128xf32, #tpu.memory_space<hbm>>) dst(%dma_wait3A_503 : memref<80x128xf32, #tpu.memory_space<vmem>>)
      %add3A_512 = arith.constant 4 : i32
      %add3A_513 = arith.addi %add3A_496, %add3A_512 : i32
      %lt3A_514 = arith.constant 125 : i32
      %lt3A_515 = arith.cmpi slt, %add3A_513, %lt3A_514 : i32
      %convert_element_type3A_516 = arith.extui %lt3A_515 : i1 to i32
      %cond3A_517 = arith.constant 0 : i32
      %cond3A_518 = arith.cmpi ne, %convert_element_type3A_516, %cond3A_517 : i32
      scf.if %cond3A_518 {
        %add3A_564 = arith.constant 4 : i32
        %add3A_565 = arith.addi %add3A_496, %add3A_564 : i32
        %dma_start3A_566 = arith.constant 0 : i32
        %dma_start3A_567 = arith.constant 3 : i32
        %dma_start3A_568 = arith.constant 3 : i32
        %dma_start3A_569 = arith.constant 0 : i32
        %dma_start3A_570 = tpu.memref_slice %arg7[%dma_start3A_567, %dma_start3A_569] : memref<4x80xi32, #tpu.memory_space<vmem>> -> memref<1x80xi32, #tpu.memory_space<vmem>>
        %dma_start3A_571 = tpu.memref_squeeze %dma_start3A_570 : memref<1x80xi32, #tpu.memory_space<vmem>> -> memref<80xi32, #tpu.memory_space<vmem>>
        %dma_start3A_572 = arith.constant 0 : i32
        %dma_start3A_573 = tpu.memref_slice %arg2[%add3A, %add3A_565, %dma_start3A_566, %dma_start3A_572] : memref<32x125x1x80xi32, #tpu.memory_space<hbm>> -> memref<1x1x1x80xi32, #tpu.memory_space<hbm>>
        %dma_start3A_574 = tpu.memref_squeeze %dma_start3A_573 : memref<1x1x1x80xi32, #tpu.memory_space<hbm>> -> memref<80xi32, #tpu.memory_space<hbm>>
        %dma_start3A_575 = tpu.memref_slice %arg12[%dma_start3A_568] : memref<4x!tpu.dma_semaphore, #tpu.memory_space<semaphore_mem>> -> memref<1x!tpu.dma_semaphore, #tpu.memory_space<semaphore_mem>>
        %dma_start3A_576 = tpu.memref_squeeze %dma_start3A_575 : memref<1x!tpu.dma_semaphore, #tpu.memory_space<semaphore_mem>> -> memref<!tpu.dma_semaphore, #tpu.memory_space<semaphore_mem>>
        %dma_start3A_577 = arith.constant 0 : i32
        %dma_start3A_578 = tpu.memref_slice %arg7[%dma_start3A_567, %dma_start3A_577] : memref<4x80xi32, #tpu.memory_space<vmem>> -> memref<1x80xi32, #tpu.memory_space<vmem>>
        %dma_start3A_579 = tpu.memref_squeeze %dma_start3A_578 : memref<1x80xi32, #tpu.memory_space<vmem>> -> memref<80xi32, #tpu.memory_space<vmem>>
        %dma_start3A_580 = arith.constant 0 : i32
        %dma_start3A_581 = tpu.memref_slice %arg2[%add3A, %add3A_565, %dma_start3A_566, %dma_start3A_580] : memref<32x125x1x80xi32, #tpu.memory_space<hbm>> -> memref<1x1x1x80xi32, #tpu.memory_space<hbm>>
        %dma_start3A_582 = tpu.memref_squeeze %dma_start3A_581 : memref<1x1x1x80xi32, #tpu.memory_space<hbm>> -> memref<80xi32, #tpu.memory_space<hbm>>
        tpu.enqueue_dma source(%dma_start3A_582 : memref<80xi32, #tpu.memory_space<hbm>>) target(%dma_start3A_579 : memref<80xi32, #tpu.memory_space<vmem>>) target_semaphore(%dma_start3A_576 : memref<!tpu.dma_semaphore, #tpu.memory_space<semaphore_mem>>)
      } else {
      }
      %dma_wait3A_519 = arith.constant 0 : i32
      %dma_wait3A_520 = arith.constant 0 : i32
      %dma_wait3A_521 = arith.constant 3 : i32
      %dma_wait3A_522 = arith.constant 3 : i32
      %dma_wait3A_523 = arith.constant 0 : i32
      %dma_wait3A_524 = tpu.memref_slice %arg8[%dma_wait3A_521, %dma_wait3A_523] : memref<4x80xi32, #tpu.memory_space<vmem>> -> memref<1x80xi32, #tpu.memory_space<vmem>>
      %dma_wait3A_525 = tpu.memref_squeeze %dma_wait3A_524 : memref<1x80xi32, #tpu.memory_space<vmem>> -> memref<80xi32, #tpu.memory_space<vmem>>
      %dma_wait3A_526 = arith.constant 0 : i32
      %dma_wait3A_527 = tpu.memref_slice %arg3[%add3A, %dma_wait3A_519, %dma_wait3A_520, %dma_wait3A_526] : memref<32x125x1x80xi32, #tpu.memory_space<hbm>> -> memref<1x1x1x80xi32, #tpu.memory_space<hbm>>
      %dma_wait3A_528 = tpu.memref_squeeze %dma_wait3A_527 : memref<1x1x1x80xi32, #tpu.memory_space<hbm>> -> memref<80xi32, #tpu.memory_space<hbm>>
      %dma_wait3A_529 = tpu.memref_slice %arg13[%dma_wait3A_522] : memref<4x!tpu.dma_semaphore, #tpu.memory_space<semaphore_mem>> -> memref<1x!tpu.dma_semaphore, #tpu.memory_space<semaphore_mem>>
      %dma_wait3A_530 = tpu.memref_squeeze %dma_wait3A_529 : memref<1x!tpu.dma_semaphore, #tpu.memory_space<semaphore_mem>> -> memref<!tpu.dma_semaphore, #tpu.memory_space<semaphore_mem>>
      %dma_wait3A_531 = arith.constant 0 : i32
      %dma_wait3A_532 = tpu.memref_slice %arg8[%dma_wait3A_521, %dma_wait3A_531] : memref<4x80xi32, #tpu.memory_space<vmem>> -> memref<1x80xi32, #tpu.memory_space<vmem>>
      %dma_wait3A_533 = tpu.memref_squeeze %dma_wait3A_532 : memref<1x80xi32, #tpu.memory_space<vmem>> -> memref<80xi32, #tpu.memory_space<vmem>>
      %dma_wait3A_534 = arith.constant 0 : i32
      %dma_wait3A_535 = tpu.memref_slice %arg3[%add3A, %dma_wait3A_519, %dma_wait3A_520, %dma_wait3A_534] : memref<32x125x1x80xi32, #tpu.memory_space<hbm>> -> memref<1x1x1x80xi32, #tpu.memory_space<hbm>>
      %dma_wait3A_536 = tpu.memref_squeeze %dma_wait3A_535 : memref<1x1x1x80xi32, #tpu.memory_space<hbm>> -> memref<80xi32, #tpu.memory_space<hbm>>
      tpu.wait_dma2 semaphore(%dma_wait3A_530 : memref<!tpu.dma_semaphore, #tpu.memory_space<semaphore_mem>>) src(%dma_wait3A_536 : memref<80xi32, #tpu.memory_space<hbm>>) dst(%dma_wait3A_533 : memref<80xi32, #tpu.memory_space<vmem>>)
      %dma_start3A_537 = arith.constant 3 : i32
      %dma_start3A_538 = arith.constant 3 : i32
      %dma_start3A_539 = arith.constant 3 : i32
      %dma_start3A_540 = arith.constant 0 : i32
      %dma_start3A_541 = arith.constant 0 : i32
      %dma_start3A_542 = tpu.memref_slice %arg9[%dma_start3A_537, %dma_start3A_540, %dma_start3A_541] : memref<4x80x128xf32, #tpu.memory_space<vmem>> -> memref<1x80x128xf32, #tpu.memory_space<vmem>>
      %dma_start3A_543 = tpu.memref_squeeze %dma_start3A_542 : memref<1x80x128xf32, #tpu.memory_space<vmem>> -> memref<80x128xf32, #tpu.memory_space<vmem>>
      %dma_start3A_544 = arith.constant 0 : i32
      %dma_start3A_545 = tpu.memref_slice %arg8[%dma_start3A_538, %dma_start3A_544] : memref<4x80xi32, #tpu.memory_space<vmem>> -> memref<1x80xi32, #tpu.memory_space<vmem>>
      %dma_start3A_546 = tpu.memref_squeeze %dma_start3A_545 : memref<1x80xi32, #tpu.memory_space<vmem>> -> memref<80xi32, #tpu.memory_space<vmem>>
      %dma_start3A_547 = arith.constant 0 : i32
      %dma_start3A_548 = arith.constant 0 : i32
      %dma_start3A_549 = tpu.memref_slice %arg14[%dma_start3A_547, %dma_start3A_548] : memref<10240x128xf32, #tpu.memory_space<vmem_shared>> -> memref<10240x128xf32, #tpu.memory_space<vmem_shared>>
      %dma_start3A_550 = tpu.memref_slice %arg11[%dma_start3A_539] : memref<4x!tpu.dma_semaphore, #tpu.memory_space<semaphore_mem>> -> memref<1x!tpu.dma_semaphore, #tpu.memory_space<semaphore_mem>>
      %dma_start3A_551 = tpu.memref_squeeze %dma_start3A_550 : memref<1x!tpu.dma_semaphore, #tpu.memory_space<semaphore_mem>> -> memref<!tpu.dma_semaphore, #tpu.memory_space<semaphore_mem>>
      tpu.enqueue_indirect_dma source(%dma_start3A_543 : memref<80x128xf32, #tpu.memory_space<vmem>>) target(%dma_start3A_549 : memref<10240x128xf32, #tpu.memory_space<vmem_shared>>) offsets(%dma_start3A_546 : memref<80xi32, #tpu.memory_space<vmem>>) semaphore(%dma_start3A_551 : memref<!tpu.dma_semaphore, #tpu.memory_space<semaphore_mem>>) {add = true}
      %ge3A_552 = arith.constant 2 : i32
      %ge3A_553 = arith.cmpi sge, %add3A_496, %ge3A_552 : i32
      %convert_element_type3A_554 = arith.extui %ge3A_553 : i1 to i32
      %cond3A_555 = arith.constant 0 : i32
      %cond3A_556 = arith.cmpi ne, %convert_element_type3A_554, %cond3A_555 : i32
      scf.if %cond3A_556 {
        %dma_wait3A_564 = arith.constant 1 : i32
        %dma_wait3A_565 = arith.constant 1 : i32
        %dma_wait3A_566 = arith.constant 1 : i32
        %dma_wait3A_567 = arith.constant 0 : i32
        %dma_wait3A_568 = arith.constant 0 : i32
        %dma_wait3A_569 = tpu.memref_slice %arg9[%dma_wait3A_564, %dma_wait3A_567, %dma_wait3A_568] : memref<4x80x128xf32, #tpu.memory_space<vmem>> -> memref<1x80x128xf32, #tpu.memory_space<vmem>>
        %dma_wait3A_570 = tpu.memref_squeeze %dma_wait3A_569 : memref<1x80x128xf32, #tpu.memory_space<vmem>> -> memref<80x128xf32, #tpu.memory_space<vmem>>
        %dma_wait3A_571 = arith.constant 0 : i32
        %dma_wait3A_572 = tpu.memref_slice %arg8[%dma_wait3A_565, %dma_wait3A_571] : memref<4x80xi32, #tpu.memory_space<vmem>> -> memref<1x80xi32, #tpu.memory_space<vmem>>
        %dma_wait3A_573 = tpu.memref_squeeze %dma_wait3A_572 : memref<1x80xi32, #tpu.memory_space<vmem>> -> memref<80xi32, #tpu.memory_space<vmem>>
        %dma_wait3A_574 = arith.constant 0 : i32
        %dma_wait3A_575 = arith.constant 0 : i32
        %dma_wait3A_576 = tpu.memref_slice %arg14[%dma_wait3A_574, %dma_wait3A_575] : memref<10240x128xf32, #tpu.memory_space<vmem_shared>> -> memref<10240x128xf32, #tpu.memory_space<vmem_shared>>
        %dma_wait3A_577 = tpu.memref_slice %arg11[%dma_wait3A_566] : memref<4x!tpu.dma_semaphore, #tpu.memory_space<semaphore_mem>> -> memref<1x!tpu.dma_semaphore, #tpu.memory_space<semaphore_mem>>
        %dma_wait3A_578 = tpu.memref_squeeze %dma_wait3A_577 : memref<1x!tpu.dma_semaphore, #tpu.memory_space<semaphore_mem>> -> memref<!tpu.dma_semaphore, #tpu.memory_space<semaphore_mem>>
        tpu.wait_indirect_dma semaphore(%dma_wait3A_578 : memref<!tpu.dma_semaphore, #tpu.memory_space<semaphore_mem>>) src(%dma_wait3A_570 : memref<80x128xf32, #tpu.memory_space<vmem>>) dst(%dma_wait3A_576 : memref<10240x128xf32, #tpu.memory_space<vmem_shared>>)
      } else {
      }
      %add3A_557 = arith.constant 2 : i32
      %add3A_558 = arith.addi %add3A_496, %add3A_557 : i32
      %lt3A_559 = arith.constant 125 : i32
      %lt3A_560 = arith.cmpi slt, %add3A_558, %lt3A_559 : i32
      %convert_element_type3A_561 = arith.extui %lt3A_560 : i1 to i32
      %cond3A_562 = arith.constant 0 : i32
      %cond3A_563 = arith.cmpi ne, %convert_element_type3A_561, %cond3A_562 : i32
      scf.if %cond3A_563 {
        %add3A_564 = arith.constant 2 : i32
        %add3A_565 = arith.addi %add3A_496, %add3A_564 : i32
        %dma_start3A_566 = arith.constant 0 : i32
        %dma_start3A_567 = arith.constant 1 : i32
        %dma_start3A_568 = arith.constant 1 : i32
        %dma_start3A_569 = arith.constant 0 : i32
        %dma_start3A_570 = tpu.memref_slice %arg8[%dma_start3A_567, %dma_start3A_569] : memref<4x80xi32, #tpu.memory_space<vmem>> -> memref<1x80xi32, #tpu.memory_space<vmem>>
        %dma_start3A_571 = tpu.memref_squeeze %dma_start3A_570 : memref<1x80xi32, #tpu.memory_space<vmem>> -> memref<80xi32, #tpu.memory_space<vmem>>
        %dma_start3A_572 = arith.constant 0 : i32
        %dma_start3A_573 = tpu.memref_slice %arg3[%add3A, %add3A_565, %dma_start3A_566, %dma_start3A_572] : memref<32x125x1x80xi32, #tpu.memory_space<hbm>> -> memref<1x1x1x80xi32, #tpu.memory_space<hbm>>
        %dma_start3A_574 = tpu.memref_squeeze %dma_start3A_573 : memref<1x1x1x80xi32, #tpu.memory_space<hbm>> -> memref<80xi32, #tpu.memory_space<hbm>>
        %dma_start3A_575 = tpu.memref_slice %arg13[%dma_start3A_568] : memref<4x!tpu.dma_semaphore, #tpu.memory_space<semaphore_mem>> -> memref<1x!tpu.dma_semaphore, #tpu.memory_space<semaphore_mem>>
        %dma_start3A_576 = tpu.memref_squeeze %dma_start3A_575 : memref<1x!tpu.dma_semaphore, #tpu.memory_space<semaphore_mem>> -> memref<!tpu.dma_semaphore, #tpu.memory_space<semaphore_mem>>
        %dma_start3A_577 = arith.constant 0 : i32
        %dma_start3A_578 = tpu.memref_slice %arg8[%dma_start3A_567, %dma_start3A_577] : memref<4x80xi32, #tpu.memory_space<vmem>> -> memref<1x80xi32, #tpu.memory_space<vmem>>
        %dma_start3A_579 = tpu.memref_squeeze %dma_start3A_578 : memref<1x80xi32, #tpu.memory_space<vmem>> -> memref<80xi32, #tpu.memory_space<vmem>>
        %dma_start3A_580 = arith.constant 0 : i32
        %dma_start3A_581 = tpu.memref_slice %arg3[%add3A, %add3A_565, %dma_start3A_566, %dma_start3A_580] : memref<32x125x1x80xi32, #tpu.memory_space<hbm>> -> memref<1x1x1x80xi32, #tpu.memory_space<hbm>>
        %dma_start3A_582 = tpu.memref_squeeze %dma_start3A_581 : memref<1x1x1x80xi32, #tpu.memory_space<hbm>> -> memref<80xi32, #tpu.memory_space<hbm>>
        tpu.enqueue_dma source(%dma_start3A_582 : memref<80xi32, #tpu.memory_space<hbm>>) target(%dma_start3A_579 : memref<80xi32, #tpu.memory_space<vmem>>) target_semaphore(%dma_start3A_576 : memref<!tpu.dma_semaphore, #tpu.memory_space<semaphore_mem>>)
        %dma_wait3A_583 = arith.constant 0 : i32
        %dma_wait3A_584 = arith.constant 0 : i32
        %dma_wait3A_585 = arith.constant 1 : i32
        %dma_wait3A_586 = arith.constant 1 : i32
        %dma_wait3A_587 = arith.constant 0 : i32
        %dma_wait3A_588 = tpu.memref_slice %arg7[%dma_wait3A_585, %dma_wait3A_587] : memref<4x80xi32, #tpu.memory_space<vmem>> -> memref<1x80xi32, #tpu.memory_space<vmem>>
        %dma_wait3A_589 = tpu.memref_squeeze %dma_wait3A_588 : memref<1x80xi32, #tpu.memory_space<vmem>> -> memref<80xi32, #tpu.memory_space<vmem>>
        %dma_wait3A_590 = arith.constant 0 : i32
        %dma_wait3A_591 = tpu.memref_slice %arg2[%add3A, %dma_wait3A_583, %dma_wait3A_584, %dma_wait3A_590] : memref<32x125x1x80xi32, #tpu.memory_space<hbm>> -> memref<1x1x1x80xi32, #tpu.memory_space<hbm>>
        %dma_wait3A_592 = tpu.memref_squeeze %dma_wait3A_591 : memref<1x1x1x80xi32, #tpu.memory_space<hbm>> -> memref<80xi32, #tpu.memory_space<hbm>>
        %dma_wait3A_593 = tpu.memref_slice %arg12[%dma_wait3A_586] : memref<4x!tpu.dma_semaphore, #tpu.memory_space<semaphore_mem>> -> memref<1x!tpu.dma_semaphore, #tpu.memory_space<semaphore_mem>>
        %dma_wait3A_594 = tpu.memref_squeeze %dma_wait3A_593 : memref<1x!tpu.dma_semaphore, #tpu.memory_space<semaphore_mem>> -> memref<!tpu.dma_semaphore, #tpu.memory_space<semaphore_mem>>
        %dma_wait3A_595 = arith.constant 0 : i32
        %dma_wait3A_596 = tpu.memref_slice %arg7[%dma_wait3A_585, %dma_wait3A_595] : memref<4x80xi32, #tpu.memory_space<vmem>> -> memref<1x80xi32, #tpu.memory_space<vmem>>
        %dma_wait3A_597 = tpu.memref_squeeze %dma_wait3A_596 : memref<1x80xi32, #tpu.memory_space<vmem>> -> memref<80xi32, #tpu.memory_space<vmem>>
        %dma_wait3A_598 = arith.constant 0 : i32
        %dma_wait3A_599 = tpu.memref_slice %arg2[%add3A, %dma_wait3A_583, %dma_wait3A_584, %dma_wait3A_598] : memref<32x125x1x80xi32, #tpu.memory_space<hbm>> -> memref<1x1x1x80xi32, #tpu.memory_space<hbm>>
        %dma_wait3A_600 = tpu.memref_squeeze %dma_wait3A_599 : memref<1x1x1x80xi32, #tpu.memory_space<hbm>> -> memref<80xi32, #tpu.memory_space<hbm>>
        tpu.wait_dma2 semaphore(%dma_wait3A_594 : memref<!tpu.dma_semaphore, #tpu.memory_space<semaphore_mem>>) src(%dma_wait3A_600 : memref<80xi32, #tpu.memory_space<hbm>>) dst(%dma_wait3A_597 : memref<80xi32, #tpu.memory_space<vmem>>)
        %dma_start3A_601 = arith.constant 1 : i32
        %dma_start3A_602 = arith.constant 1 : i32
        %dma_start3A_603 = arith.constant 1 : i32
        %dma_start3A_604 = arith.constant 0 : i32
        %dma_start3A_605 = arith.constant 0 : i32
        %dma_start3A_606 = tpu.memref_slice %arg9[%dma_start3A_602, %dma_start3A_604, %dma_start3A_605] : memref<4x80x128xf32, #tpu.memory_space<vmem>> -> memref<1x80x128xf32, #tpu.memory_space<vmem>>
        %dma_start3A_607 = tpu.memref_squeeze %dma_start3A_606 : memref<1x80x128xf32, #tpu.memory_space<vmem>> -> memref<80x128xf32, #tpu.memory_space<vmem>>
        %dma_start3A_608 = arith.constant 0 : i32
        %dma_start3A_609 = tpu.memref_slice %arg7[%dma_start3A_601, %dma_start3A_608] : memref<4x80xi32, #tpu.memory_space<vmem>> -> memref<1x80xi32, #tpu.memory_space<vmem>>
        %dma_start3A_610 = tpu.memref_squeeze %dma_start3A_609 : memref<1x80xi32, #tpu.memory_space<vmem>> -> memref<80xi32, #tpu.memory_space<vmem>>
        %dma_start3A_611 = arith.constant 0 : i32
        %dma_start3A_612 = arith.constant 0 : i32
        %dma_start3A_613 = tpu.memref_slice %arg4[%dma_start3A_611, %dma_start3A_612] : memref<10000x128xf32, #tpu.memory_space<hbm>> -> memref<10000x128xf32, #tpu.memory_space<hbm>>
        %dma_start3A_614 = tpu.memref_slice %arg10[%dma_start3A_603] : memref<4x!tpu.dma_semaphore, #tpu.memory_space<semaphore_mem>> -> memref<1x!tpu.dma_semaphore, #tpu.memory_space<semaphore_mem>>
        %dma_start3A_615 = tpu.memref_squeeze %dma_start3A_614 : memref<1x!tpu.dma_semaphore, #tpu.memory_space<semaphore_mem>> -> memref<!tpu.dma_semaphore, #tpu.memory_space<semaphore_mem>>
        tpu.enqueue_indirect_dma source(%dma_start3A_613 : memref<10000x128xf32, #tpu.memory_space<hbm>>) target(%dma_start3A_607 : memref<80x128xf32, #tpu.memory_space<vmem>>) offsets(%dma_start3A_610 : memref<80xi32, #tpu.memory_space<vmem>>) semaphore(%dma_start3A_615 : memref<!tpu.dma_semaphore, #tpu.memory_space<semaphore_mem>>)
      } else {
      }
    }
    %scan3A_178 = arith.constant 31 : i32
    %dma_wait3A_179 = arith.constant 0 : i32
    %dma_wait3A_180 = arith.constant 0 : i32
    %dma_wait3A_181 = arith.constant 0 : i32
    %dma_wait3A_182 = arith.constant 0 : i32
    %dma_wait3A_183 = arith.constant 0 : i32
    %dma_wait3A_184 = tpu.memref_slice %arg9[%dma_wait3A_180, %dma_wait3A_182, %dma_wait3A_183] : memref<4x80x128xf32, #tpu.memory_space<vmem>> -> memref<1x80x128xf32, #tpu.memory_space<vmem>>
    %dma_wait3A_185 = tpu.memref_squeeze %dma_wait3A_184 : memref<1x80x128xf32, #tpu.memory_space<vmem>> -> memref<80x128xf32, #tpu.memory_space<vmem>>
    %dma_wait3A_186 = arith.constant 0 : i32
    %dma_wait3A_187 = tpu.memref_slice %arg7[%dma_wait3A_179, %dma_wait3A_186] : memref<4x80xi32, #tpu.memory_space<vmem>> -> memref<1x80xi32, #tpu.memory_space<vmem>>
    %dma_wait3A_188 = tpu.memref_squeeze %dma_wait3A_187 : memref<1x80xi32, #tpu.memory_space<vmem>> -> memref<80xi32, #tpu.memory_space<vmem>>
    %dma_wait3A_189 = arith.constant 0 : i32
    %dma_wait3A_190 = arith.constant 0 : i32
    %dma_wait3A_191 = tpu.memref_slice %arg4[%dma_wait3A_189, %dma_wait3A_190] : memref<10000x128xf32, #tpu.memory_space<hbm>> -> memref<10000x128xf32, #tpu.memory_space<hbm>>
    %dma_wait3A_192 = tpu.memref_slice %arg10[%dma_wait3A_181] : memref<4x!tpu.dma_semaphore, #tpu.memory_space<semaphore_mem>> -> memref<1x!tpu.dma_semaphore, #tpu.memory_space<semaphore_mem>>
    %dma_wait3A_193 = tpu.memref_squeeze %dma_wait3A_192 : memref<1x!tpu.dma_semaphore, #tpu.memory_space<semaphore_mem>> -> memref<!tpu.dma_semaphore, #tpu.memory_space<semaphore_mem>>
    tpu.wait_indirect_dma semaphore(%dma_wait3A_193 : memref<!tpu.dma_semaphore, #tpu.memory_space<semaphore_mem>>) src(%dma_wait3A_191 : memref<10000x128xf32, #tpu.memory_space<hbm>>) dst(%dma_wait3A_185 : memref<80x128xf32, #tpu.memory_space<vmem>>)
    %dma_wait3A_194 = arith.constant 0 : i32
    %dma_wait3A_195 = arith.constant 0 : i32
    %dma_wait3A_196 = arith.constant 0 : i32
    %dma_wait3A_197 = arith.constant 0 : i32
    %dma_wait3A_198 = arith.constant 0 : i32
    %dma_wait3A_199 = tpu.memref_slice %arg8[%dma_wait3A_196, %dma_wait3A_198] : memref<4x80xi32, #tpu.memory_space<vmem>> -> memref<1x80xi32, #tpu.memory_space<vmem>>
    %dma_wait3A_200 = tpu.memref_squeeze %dma_wait3A_199 : memref<1x80xi32, #tpu.memory_space<vmem>> -> memref<80xi32, #tpu.memory_space<vmem>>
    %dma_wait3A_201 = arith.constant 0 : i32
    %dma_wait3A_202 = tpu.memref_slice %arg3[%add3A, %dma_wait3A_194, %dma_wait3A_195, %dma_wait3A_201] : memref<32x125x1x80xi32, #tpu.memory_space<hbm>> -> memref<1x1x1x80xi32, #tpu.memory_space<hbm>>
    %dma_wait3A_203 = tpu.memref_squeeze %dma_wait3A_202 : memref<1x1x1x80xi32, #tpu.memory_space<hbm>> -> memref<80xi32, #tpu.memory_space<hbm>>
    %dma_wait3A_204 = tpu.memref_slice %arg13[%dma_wait3A_197] : memref<4x!tpu.dma_semaphore, #tpu.memory_space<semaphore_mem>> -> memref<1x!tpu.dma_semaphore, #tpu.memory_space<semaphore_mem>>
    %dma_wait3A_205 = tpu.memref_squeeze %dma_wait3A_204 : memref<1x!tpu.dma_semaphore, #tpu.memory_space<semaphore_mem>> -> memref<!tpu.dma_semaphore, #tpu.memory_space<semaphore_mem>>
    %dma_wait3A_206 = arith.constant 0 : i32
    %dma_wait3A_207 = tpu.memref_slice %arg8[%dma_wait3A_196, %dma_wait3A_206] : memref<4x80xi32, #tpu.memory_space<vmem>> -> memref<1x80xi32, #tpu.memory_space<vmem>>
    %dma_wait3A_208 = tpu.memref_squeeze %dma_wait3A_207 : memref<1x80xi32, #tpu.memory_space<vmem>> -> memref<80xi32, #tpu.memory_space<vmem>>
    %dma_wait3A_209 = arith.constant 0 : i32
    %dma_wait3A_210 = tpu.memref_slice %arg3[%add3A, %dma_wait3A_194, %dma_wait3A_195, %dma_wait3A_209] : memref<32x125x1x80xi32, #tpu.memory_space<hbm>> -> memref<1x1x1x80xi32, #tpu.memory_space<hbm>>
    %dma_wait3A_211 = tpu.memref_squeeze %dma_wait3A_210 : memref<1x1x1x80xi32, #tpu.memory_space<hbm>> -> memref<80xi32, #tpu.memory_space<hbm>>
    tpu.wait_dma2 semaphore(%dma_wait3A_205 : memref<!tpu.dma_semaphore, #tpu.memory_space<semaphore_mem>>) src(%dma_wait3A_211 : memref<80xi32, #tpu.memory_space<hbm>>) dst(%dma_wait3A_208 : memref<80xi32, #tpu.memory_space<vmem>>)
    %dma_start3A_212 = arith.constant 0 : i32
    %dma_start3A_213 = arith.constant 0 : i32
    %dma_start3A_214 = arith.constant 0 : i32
    %dma_start3A_215 = arith.constant 0 : i32
    %dma_start3A_216 = arith.constant 0 : i32
    %dma_start3A_217 = tpu.memref_slice %arg9[%dma_start3A_212, %dma_start3A_215, %dma_start3A_216] : memref<4x80x128xf32, #tpu.memory_space<vmem>> -> memref<1x80x128xf32, #tpu.memory_space<vmem>>
    %dma_start3A_218 = tpu.memref_squeeze %dma_start3A_217 : memref<1x80x128xf32, #tpu.memory_space<vmem>> -> memref<80x128xf32, #tpu.memory_space<vmem>>
    %dma_start3A_219 = arith.constant 0 : i32
    %dma_start3A_220 = tpu.memref_slice %arg8[%dma_start3A_213, %dma_start3A_219] : memref<4x80xi32, #tpu.memory_space<vmem>> -> memref<1x80xi32, #tpu.memory_space<vmem>>
    %dma_start3A_221 = tpu.memref_squeeze %dma_start3A_220 : memref<1x80xi32, #tpu.memory_space<vmem>> -> memref<80xi32, #tpu.memory_space<vmem>>
    %dma_start3A_222 = arith.constant 0 : i32
    %dma_start3A_223 = arith.constant 0 : i32
    %dma_start3A_224 = tpu.memref_slice %arg14[%dma_start3A_222, %dma_start3A_223] : memref<10240x128xf32, #tpu.memory_space<vmem_shared>> -> memref<10240x128xf32, #tpu.memory_space<vmem_shared>>
    %dma_start3A_225 = tpu.memref_slice %arg11[%dma_start3A_214] : memref<4x!tpu.dma_semaphore, #tpu.memory_space<semaphore_mem>> -> memref<1x!tpu.dma_semaphore, #tpu.memory_space<semaphore_mem>>
    %dma_start3A_226 = tpu.memref_squeeze %dma_start3A_225 : memref<1x!tpu.dma_semaphore, #tpu.memory_space<semaphore_mem>> -> memref<!tpu.dma_semaphore, #tpu.memory_space<semaphore_mem>>
    tpu.enqueue_indirect_dma source(%dma_start3A_218 : memref<80x128xf32, #tpu.memory_space<vmem>>) target(%dma_start3A_224 : memref<10240x128xf32, #tpu.memory_space<vmem_shared>>) offsets(%dma_start3A_221 : memref<80xi32, #tpu.memory_space<vmem>>) semaphore(%dma_start3A_226 : memref<!tpu.dma_semaphore, #tpu.memory_space<semaphore_mem>>) {add = true}
    %dma_wait3A_227 = arith.constant 2 : i32
    %dma_wait3A_228 = arith.constant 2 : i32
    %dma_wait3A_229 = arith.constant 2 : i32
    %dma_wait3A_230 = arith.constant 0 : i32
    %dma_wait3A_231 = arith.constant 0 : i32
    %dma_wait3A_232 = tpu.memref_slice %arg9[%dma_wait3A_227, %dma_wait3A_230, %dma_wait3A_231] : memref<4x80x128xf32, #tpu.memory_space<vmem>> -> memref<1x80x128xf32, #tpu.memory_space<vmem>>
    %dma_wait3A_233 = tpu.memref_squeeze %dma_wait3A_232 : memref<1x80x128xf32, #tpu.memory_space<vmem>> -> memref<80x128xf32, #tpu.memory_space<vmem>>
    %dma_wait3A_234 = arith.constant 0 : i32
    %dma_wait3A_235 = tpu.memref_slice %arg8[%dma_wait3A_228, %dma_wait3A_234] : memref<4x80xi32, #tpu.memory_space<vmem>> -> memref<1x80xi32, #tpu.memory_space<vmem>>
    %dma_wait3A_236 = tpu.memref_squeeze %dma_wait3A_235 : memref<1x80xi32, #tpu.memory_space<vmem>> -> memref<80xi32, #tpu.memory_space<vmem>>
    %dma_wait3A_237 = arith.constant 0 : i32
    %dma_wait3A_238 = arith.constant 0 : i32
    %dma_wait3A_239 = tpu.memref_slice %arg14[%dma_wait3A_237, %dma_wait3A_238] : memref<10240x128xf32, #tpu.memory_space<vmem_shared>> -> memref<10240x128xf32, #tpu.memory_space<vmem_shared>>
    %dma_wait3A_240 = tpu.memref_slice %arg11[%dma_wait3A_229] : memref<4x!tpu.dma_semaphore, #tpu.memory_space<semaphore_mem>> -> memref<1x!tpu.dma_semaphore, #tpu.memory_space<semaphore_mem>>
    %dma_wait3A_241 = tpu.memref_squeeze %dma_wait3A_240 : memref<1x!tpu.dma_semaphore, #tpu.memory_space<semaphore_mem>> -> memref<!tpu.dma_semaphore, #tpu.memory_space<semaphore_mem>>
    tpu.wait_indirect_dma semaphore(%dma_wait3A_241 : memref<!tpu.dma_semaphore, #tpu.memory_space<semaphore_mem>>) src(%dma_wait3A_233 : memref<80x128xf32, #tpu.memory_space<vmem>>) dst(%dma_wait3A_239 : memref<10240x128xf32, #tpu.memory_space<vmem_shared>>)
    %dma_wait3A_242 = arith.constant 3 : i32
    %dma_wait3A_243 = arith.constant 3 : i32
    %dma_wait3A_244 = arith.constant 3 : i32
    %dma_wait3A_245 = arith.constant 0 : i32
    %dma_wait3A_246 = arith.constant 0 : i32
    %dma_wait3A_247 = tpu.memref_slice %arg9[%dma_wait3A_242, %dma_wait3A_245, %dma_wait3A_246] : memref<4x80x128xf32, #tpu.memory_space<vmem>> -> memref<1x80x128xf32, #tpu.memory_space<vmem>>
    %dma_wait3A_248 = tpu.memref_squeeze %dma_wait3A_247 : memref<1x80x128xf32, #tpu.memory_space<vmem>> -> memref<80x128xf32, #tpu.memory_space<vmem>>
    %dma_wait3A_249 = arith.constant 0 : i32
    %dma_wait3A_250 = tpu.memref_slice %arg8[%dma_wait3A_243, %dma_wait3A_249] : memref<4x80xi32, #tpu.memory_space<vmem>> -> memref<1x80xi32, #tpu.memory_space<vmem>>
    %dma_wait3A_251 = tpu.memref_squeeze %dma_wait3A_250 : memref<1x80xi32, #tpu.memory_space<vmem>> -> memref<80xi32, #tpu.memory_space<vmem>>
    %dma_wait3A_252 = arith.constant 0 : i32
    %dma_wait3A_253 = arith.constant 0 : i32
    %dma_wait3A_254 = tpu.memref_slice %arg14[%dma_wait3A_252, %dma_wait3A_253] : memref<10240x128xf32, #tpu.memory_space<vmem_shared>> -> memref<10240x128xf32, #tpu.memory_space<vmem_shared>>
    %dma_wait3A_255 = tpu.memref_slice %arg11[%dma_wait3A_244] : memref<4x!tpu.dma_semaphore, #tpu.memory_space<semaphore_mem>> -> memref<1x!tpu.dma_semaphore, #tpu.memory_space<semaphore_mem>>
    %dma_wait3A_256 = tpu.memref_squeeze %dma_wait3A_255 : memref<1x!tpu.dma_semaphore, #tpu.memory_space<semaphore_mem>> -> memref<!tpu.dma_semaphore, #tpu.memory_space<semaphore_mem>>
    tpu.wait_indirect_dma semaphore(%dma_wait3A_256 : memref<!tpu.dma_semaphore, #tpu.memory_space<semaphore_mem>>) src(%dma_wait3A_248 : memref<80x128xf32, #tpu.memory_space<vmem>>) dst(%dma_wait3A_254 : memref<10240x128xf32, #tpu.memory_space<vmem_shared>>)
    %dma_wait3A_257 = arith.constant 0 : i32
    %dma_wait3A_258 = arith.constant 0 : i32
    %dma_wait3A_259 = arith.constant 0 : i32
    %dma_wait3A_260 = arith.constant 0 : i32
    %dma_wait3A_261 = arith.constant 0 : i32
    %dma_wait3A_262 = tpu.memref_slice %arg9[%dma_wait3A_257, %dma_wait3A_260, %dma_wait3A_261] : memref<4x80x128xf32, #tpu.memory_space<vmem>> -> memref<1x80x128xf32, #tpu.memory_space<vmem>>
    %dma_wait3A_263 = tpu.memref_squeeze %dma_wait3A_262 : memref<1x80x128xf32, #tpu.memory_space<vmem>> -> memref<80x128xf32, #tpu.memory_space<vmem>>
    %dma_wait3A_264 = arith.constant 0 : i32
    %dma_wait3A_265 = tpu.memref_slice %arg8[%dma_wait3A_258, %dma_wait3A_264] : memref<4x80xi32, #tpu.memory_space<vmem>> -> memref<1x80xi32, #tpu.memory_space<vmem>>
    %dma_wait3A_266 = tpu.memref_squeeze %dma_wait3A_265 : memref<1x80xi32, #tpu.memory_space<vmem>> -> memref<80xi32, #tpu.memory_space<vmem>>
    %dma_wait3A_267 = arith.constant 0 : i32
    %dma_wait3A_268 = arith.constant 0 : i32
    %dma_wait3A_269 = tpu.memref_slice %arg14[%dma_wait3A_267, %dma_wait3A_268] : memref<10240x128xf32, #tpu.memory_space<vmem_shared>> -> memref<10240x128xf32, #tpu.memory_space<vmem_shared>>
    %dma_wait3A_270 = tpu.memref_slice %arg11[%dma_wait3A_259] : memref<4x!tpu.dma_semaphore, #tpu.memory_space<semaphore_mem>> -> memref<1x!tpu.dma_semaphore, #tpu.memory_space<semaphore_mem>>
    %dma_wait3A_271 = tpu.memref_squeeze %dma_wait3A_270 : memref<1x!tpu.dma_semaphore, #tpu.memory_space<semaphore_mem>> -> memref<!tpu.dma_semaphore, #tpu.memory_space<semaphore_mem>>
    tpu.wait_indirect_dma semaphore(%dma_wait3A_271 : memref<!tpu.dma_semaphore, #tpu.memory_space<semaphore_mem>>) src(%dma_wait3A_263 : memref<80x128xf32, #tpu.memory_space<vmem>>) dst(%dma_wait3A_269 : memref<10240x128xf32, #tpu.memory_space<vmem_shared>>)
    %barrier3A = arith.constant 0 : index
    tpu.barrier barrier_id(%barrier3A)
    %eq3A_272 = arith.constant 0 : i32
    %eq3A_273 = arith.cmpi eq, %arg1, %eq3A_272 : i32
    %convert_element_type3A_274 = arith.extui %eq3A_273 : i1 to i32
    %cond3A_275 = arith.constant 0 : i32
    %cond3A_276 = arith.cmpi ne, %convert_element_type3A_274, %cond3A_275 : i32
    scf.if %cond3A_276 {
      "tpu.region"() ({
        %run_scoped3A = tpu.sem_alloc : memref<!tpu.dma_semaphore, #tpu.memory_space<semaphore_mem>>
        %dma_start3A_277 = arith.constant 0 : i32
        %dma_start3A_278 = arith.constant 0 : i32
        %dma_start3A_279 = tpu.memref_slice %arg6[%arg0, %dma_start3A_277, %dma_start3A_278] : memref<2x10240x128xf32, #tpu.memory_space<hbm>> -> memref<1x10240x128xf32, #tpu.memory_space<hbm>>
        %dma_start3A_280 = tpu.memref_squeeze %dma_start3A_279 : memref<1x10240x128xf32, #tpu.memory_space<hbm>> -> memref<10240x128xf32, #tpu.memory_space<hbm>>
        tpu.enqueue_dma source(%arg14 : memref<10240x128xf32, #tpu.memory_space<vmem_shared>>) target(%dma_start3A_280 : memref<10240x128xf32, #tpu.memory_space<hbm>>) target_semaphore(%run_scoped3A : memref<!tpu.dma_semaphore, #tpu.memory_space<semaphore_mem>>)
        %dma_wait3A_281 = arith.constant 0 : i32
        %dma_wait3A_282 = arith.constant 0 : i32
        %dma_wait3A_283 = tpu.memref_slice %arg6[%arg0, %dma_wait3A_281, %dma_wait3A_282] : memref<2x10240x128xf32, #tpu.memory_space<hbm>> -> memref<1x10240x128xf32, #tpu.memory_space<hbm>>
        %dma_wait3A_284 = tpu.memref_squeeze %dma_wait3A_283 : memref<1x10240x128xf32, #tpu.memory_space<hbm>> -> memref<10240x128xf32, #tpu.memory_space<hbm>>
        tpu.wait_dma2 semaphore(%run_scoped3A : memref<!tpu.dma_semaphore, #tpu.memory_space<semaphore_mem>>) src(%arg14 : memref<10240x128xf32, #tpu.memory_space<vmem_shared>>) dst(%dma_wait3A_284 : memref<10240x128xf32, #tpu.memory_space<hbm>>)
        tpu.yield
      }) : () -> ()
    } else {
    }
    return
  }
}

#map = affine_map<(d0, d1) -> (0, 0, 0, 0)>
#map1 = affine_map<(d0, d1) -> (0, 0, 0)>
module attributes {stable_mosaic.version = 14 : i64} {
  func.func @_sc_degree(%arg0: i32, %arg1: i32, %arg2: memref<32x125x1x80xi32, #tpu.memory_space<hbm>>, %arg3: memref<32x1x10240xf32, #tpu.memory_space<hbm>>, %arg4: memref<125x1x80xi32, #tpu.memory_space<vmem>>, %arg5: memref<1x10240xf32, #tpu.memory_space<vmem>>, %arg6: memref<!tpu.dma_semaphore, #tpu.memory_space<semaphore_mem>>) attributes {dimension_semantics = [#tpu.dimension_semantics<core_parallel>, #tpu.dimension_semantics<subcore_parallel>], iteration_bounds = array<i64: 2, 16>, scalar_prefetch = 0 : i64, scratch_operands = 3 : i64, tpu.core_type = #tpu.core_type<sc_vector_subcore>, window_params = [{transform_indices = #map}, {transform_indices = #map1}]} {
    %mul3A = arith.constant 16 : i32
    %mul3A_0 = arith.muli %arg0, %mul3A : i32
    %add3A = arith.addi %mul3A_0, %arg1 : i32
    %dma_start3A = arith.constant 0 : i32
    %dma_start3A_1 = arith.constant 0 : i32
    %dma_start3A_2 = arith.constant 0 : i32
    %dma_start3A_3 = tpu.memref_slice %arg2[%add3A, %dma_start3A, %dma_start3A_1, %dma_start3A_2] : memref<32x125x1x80xi32, #tpu.memory_space<hbm>> -> memref<1x125x1x80xi32, #tpu.memory_space<hbm>>
    %dma_start3A_4 = tpu.memref_squeeze %dma_start3A_3 : memref<1x125x1x80xi32, #tpu.memory_space<hbm>> -> memref<125x1x80xi32, #tpu.memory_space<hbm>>
    %dma_start3A_5 = arith.constant 0 : i32
    %dma_start3A_6 = arith.constant 0 : i32
    %dma_start3A_7 = arith.constant 0 : i32
    %dma_start3A_8 = tpu.memref_slice %arg2[%add3A, %dma_start3A_5, %dma_start3A_6, %dma_start3A_7] : memref<32x125x1x80xi32, #tpu.memory_space<hbm>> -> memref<1x125x1x80xi32, #tpu.memory_space<hbm>>
    %dma_start3A_9 = tpu.memref_squeeze %dma_start3A_8 : memref<1x125x1x80xi32, #tpu.memory_space<hbm>> -> memref<125x1x80xi32, #tpu.memory_space<hbm>>
    tpu.enqueue_dma source(%dma_start3A_9 : memref<125x1x80xi32, #tpu.memory_space<hbm>>) target(%arg4 : memref<125x1x80xi32, #tpu.memory_space<vmem>>) target_semaphore(%arg6 : memref<!tpu.dma_semaphore, #tpu.memory_space<semaphore_mem>>)
    %dma_wait3A = arith.constant 0 : i32
    %dma_wait3A_10 = arith.constant 0 : i32
    %dma_wait3A_11 = arith.constant 0 : i32
    %dma_wait3A_12 = tpu.memref_slice %arg2[%add3A, %dma_wait3A, %dma_wait3A_10, %dma_wait3A_11] : memref<32x125x1x80xi32, #tpu.memory_space<hbm>> -> memref<1x125x1x80xi32, #tpu.memory_space<hbm>>
    %dma_wait3A_13 = tpu.memref_squeeze %dma_wait3A_12 : memref<1x125x1x80xi32, #tpu.memory_space<hbm>> -> memref<125x1x80xi32, #tpu.memory_space<hbm>>
    %dma_wait3A_14 = arith.constant 0 : i32
    %dma_wait3A_15 = arith.constant 0 : i32
    %dma_wait3A_16 = arith.constant 0 : i32
    %dma_wait3A_17 = tpu.memref_slice %arg2[%add3A, %dma_wait3A_14, %dma_wait3A_15, %dma_wait3A_16] : memref<32x125x1x80xi32, #tpu.memory_space<hbm>> -> memref<1x125x1x80xi32, #tpu.memory_space<hbm>>
    %dma_wait3A_18 = tpu.memref_squeeze %dma_wait3A_17 : memref<1x125x1x80xi32, #tpu.memory_space<hbm>> -> memref<125x1x80xi32, #tpu.memory_space<hbm>>
    tpu.wait_dma2 semaphore(%arg6 : memref<!tpu.dma_semaphore, #tpu.memory_space<semaphore_mem>>) src(%dma_wait3A_18 : memref<125x1x80xi32, #tpu.memory_space<hbm>>) dst(%arg4 : memref<125x1x80xi32, #tpu.memory_space<vmem>>)
    %scan3A = arith.constant 0 : i32
    %scan3A_19 = arith.constant 640 : i32
    %scan3A_20 = arith.addi %scan3A, %scan3A_19 : i32
    %scan3A_21 = arith.constant 1 : i32
    scf.for %scan3A_31 = %scan3A to %scan3A_20 step %scan3A_21  : i32 {
      %mul3A_32 = arith.constant 1 : i32
      %mul3A_33 = arith.muli %scan3A_31, %mul3A_32 : i32
      %add3A_34 = arith.constant 0 : i32
      %add3A_35 = arith.addi %add3A_34, %mul3A_33 : i32
      %broadcast_in_dim3A_36 = arith.constant 0.000000e+00 : f32
      %broadcast_in_dim3A_37 = vector.broadcast %broadcast_in_dim3A_36 : f32 to vector<16xf32>
      %mul3A_38 = arith.constant 16 : i32
      %mul3A_39 = arith.muli %add3A_35, %mul3A_38 : i32
      %swap3A = arith.constant 0 : i32
      %swap3A_40 = arith.index_cast %swap3A : i32 to index
      %swap3A_41 = arith.index_cast %mul3A_39 : i32 to index
      %swap3A_42 = tpu.vector_load %arg5[%swap3A_40, %swap3A_41] {strides = array<i32>} : memref<1x10240xf32, #tpu.memory_space<vmem>>, vector<16xf32>,
      tpu.vector_store %arg5[%swap3A_40, %swap3A_41], %broadcast_in_dim3A_37 {strides = array<i32>} : memref<1x10240xf32, #tpu.memory_space<vmem>>, vector<16xf32>,
    }
    %scan3A_22 = arith.constant 640 : i32
    %broadcast_in_dim3A = arith.constant 0 : i32
    %broadcast_in_dim3A_23 = vector.broadcast %broadcast_in_dim3A : i32 to vector<16xi32>
    %broadcast_in_dim3A_24 = arith.constant 1.000000e+00 : f32
    %broadcast_in_dim3A_25 = vector.broadcast %broadcast_in_dim3A_24 : f32 to vector<16xf32>
    %scan3A_26 = arith.constant 0 : i32
    %scan3A_27 = arith.constant 125 : i32
    %scan3A_28 = arith.addi %scan3A_26, %scan3A_27 : i32
    %scan3A_29 = arith.constant 1 : i32
    scf.for %scan3A_31 = %scan3A_26 to %scan3A_28 step %scan3A_29  : i32 {
      %mul3A_32 = arith.constant 1 : i32
      %mul3A_33 = arith.muli %scan3A_31, %mul3A_32 : i32
      %add3A_34 = arith.constant 0 : i32
      %add3A_35 = arith.addi %add3A_34, %mul3A_33 : i32
      %scan3A_36 = arith.constant 0 : i32
      %scan3A_37 = arith.constant 5 : i32
      %scan3A_38 = arith.addi %scan3A_36, %scan3A_37 : i32
      %scan3A_39 = arith.constant 1 : i32
      scf.for %scan3A_41 = %scan3A_36 to %scan3A_38 step %scan3A_39  : i32 {
        %mul3A_42 = arith.constant 1 : i32
        %mul3A_43 = arith.muli %scan3A_41, %mul3A_42 : i32
        %add3A_44 = arith.constant 0 : i32
        %add3A_45 = arith.addi %add3A_44, %mul3A_43 : i32
        %mul3A_46 = arith.constant 16 : i32
        %mul3A_47 = arith.muli %add3A_45, %mul3A_46 : i32
        %get3A = arith.constant 0 : i32
        %get3A_48 = arith.index_cast %add3A_35 : i32 to index
        %get3A_49 = arith.index_cast %get3A : i32 to index
        %get3A_50 = arith.index_cast %mul3A_47 : i32 to index
        %get3A_51 = tpu.vector_load %arg4[%get3A_48, %get3A_49, %get3A_50] {strides = array<i32>} : memref<125x1x80xi32, #tpu.memory_space<vmem>>, vector<16xi32>,
        tpu.vector_store_idx %arg5[%broadcast_in_dim3A_23, %get3A_51], %broadcast_in_dim3A_25 {add = true} : memref<1x10240xf32, #tpu.memory_space<vmem>>[vector<16xi32>, vector<16xi32>], vector<16xf32>,
      }
      %scan3A_40 = arith.constant 5 : i32
    }
    %scan3A_30 = arith.constant 125 : i32
    "tpu.region"() ({
      %run_scoped3A = tpu.sem_alloc : memref<!tpu.dma_semaphore, #tpu.memory_space<semaphore_mem>>
      %dma_start3A_31 = arith.constant 0 : i32
      %dma_start3A_32 = arith.constant 0 : i32
      %dma_start3A_33 = tpu.memref_slice %arg3[%add3A, %dma_start3A_31, %dma_start3A_32] : memref<32x1x10240xf32, #tpu.memory_space<hbm>> -> memref<1x1x10240xf32, #tpu.memory_space<hbm>>
      %dma_start3A_34 = tpu.memref_squeeze %dma_start3A_33 : memref<1x1x10240xf32, #tpu.memory_space<hbm>> -> memref<1x10240xf32, #tpu.memory_space<hbm>>
      %dma_start3A_35 = arith.constant 0 : i32
      %dma_start3A_36 = arith.constant 0 : i32
      %dma_start3A_37 = tpu.memref_slice %arg3[%add3A, %dma_start3A_35, %dma_start3A_36] : memref<32x1x10240xf32, #tpu.memory_space<hbm>> -> memref<1x1x10240xf32, #tpu.memory_space<hbm>>
      %dma_start3A_38 = tpu.memref_squeeze %dma_start3A_37 : memref<1x1x10240xf32, #tpu.memory_space<hbm>> -> memref<1x10240xf32, #tpu.memory_space<hbm>>
      tpu.enqueue_dma source(%arg5 : memref<1x10240xf32, #tpu.memory_space<vmem>>) target(%dma_start3A_38 : memref<1x10240xf32, #tpu.memory_space<hbm>>) target_semaphore(%run_scoped3A : memref<!tpu.dma_semaphore, #tpu.memory_space<semaphore_mem>>)
      %dma_wait3A_39 = arith.constant 0 : i32
      %dma_wait3A_40 = arith.constant 0 : i32
      %dma_wait3A_41 = tpu.memref_slice %arg3[%add3A, %dma_wait3A_39, %dma_wait3A_40] : memref<32x1x10240xf32, #tpu.memory_space<hbm>> -> memref<1x1x10240xf32, #tpu.memory_space<hbm>>
      %dma_wait3A_42 = tpu.memref_squeeze %dma_wait3A_41 : memref<1x1x10240xf32, #tpu.memory_space<hbm>> -> memref<1x10240xf32, #tpu.memory_space<hbm>>
      %dma_wait3A_43 = arith.constant 0 : i32
      %dma_wait3A_44 = arith.constant 0 : i32
      %dma_wait3A_45 = tpu.memref_slice %arg3[%add3A, %dma_wait3A_43, %dma_wait3A_44] : memref<32x1x10240xf32, #tpu.memory_space<hbm>> -> memref<1x1x10240xf32, #tpu.memory_space<hbm>>
      %dma_wait3A_46 = tpu.memref_squeeze %dma_wait3A_45 : memref<1x1x10240xf32, #tpu.memory_space<hbm>> -> memref<1x10240xf32, #tpu.memory_space<hbm>>
      tpu.wait_dma2 semaphore(%run_scoped3A : memref<!tpu.dma_semaphore, #tpu.memory_space<semaphore_mem>>) src(%arg5 : memref<1x10240xf32, #tpu.memory_space<vmem>>) dst(%dma_wait3A_46 : memref<1x10240xf32, #tpu.memory_space<hbm>>)
      tpu.yield
    }) : () -> ()
    return
  }
}

#map = affine_map<(d0, d1) -> (0, 0, 0, 0)>
#map1 = affine_map<(d0, d1) -> (0, 0)>
#map2 = affine_map<(d0, d1) -> (0, 0, 0)>
module attributes {stable_mosaic.version = 14 : i64} {
  func.func @_sc_edge_pass(%arg0: i32, %arg1: i32, %arg2: memref<32x125x1x80xi32, #tpu.memory_space<hbm>>, %arg3: memref<32x125x1x80xi32, #tpu.memory_space<hbm>>, %arg4: memref<10000x128xf32, #tpu.memory_space<hbm>>, %arg5: memref<10240x128xf32, #tpu.memory_space<hbm>>, %arg6: memref<2x10240x128xf32, #tpu.memory_space<hbm>>, %arg7: memref<4x80xi32, #tpu.memory_space<vmem>>, %arg8: memref<4x80xi32, #tpu.memory_space<vmem>>, %arg9: memref<4x80x128xf32, #tpu.memory_space<vmem>>, %arg10: memref<4x!tpu.dma_semaphore, #tpu.memory_space<semaphore_mem>>, %arg11: memref<4x!tpu.dma_semaphore, #tpu.memory_space<semaphore_mem>>, %arg12: memref<4x!tpu.dma_semaphore, #tpu.memory_space<semaphore_mem>>, %arg13: memref<4x!tpu.dma_semaphore, #tpu.memory_space<semaphore_mem>>, %arg14: memref<10240x128xf32, #tpu.memory_space<vmem_shared>>) attributes {dimension_semantics = [#tpu.dimension_semantics<core_parallel>, #tpu.dimension_semantics<subcore_parallel>], iteration_bounds = array<i64: 2, 16>, scalar_prefetch = 0 : i64, scratch_operands = 8 : i64, tpu.core_type = #tpu.core_type<sc_vector_subcore>, window_params = [{transform_indices = #map}, {transform_indices = #map}, {transform_indices = #map1}, {transform_indices = #map1}, {transform_indices = #map2}]} {
    %mul3A = arith.constant 16 : i32
    %mul3A_0 = arith.muli %arg0, %mul3A : i32
    %add3A = arith.addi %mul3A_0, %arg1 : i32
    %eq3A = arith.constant 0 : i32
    %eq3A_1 = arith.cmpi eq, %arg1, %eq3A : i32
    %convert_element_type3A = arith.extui %eq3A_1 : i1 to i32
    %cond3A = arith.constant 0 : i32
    %cond3A_2 = arith.cmpi ne, %convert_element_type3A, %cond3A : i32
    scf.if %cond3A_2 {
      "tpu.region"() ({
        %run_scoped3A = tpu.sem_alloc : memref<!tpu.dma_semaphore, #tpu.memory_space<semaphore_mem>>
        tpu.enqueue_dma source(%arg5 : memref<10240x128xf32, #tpu.memory_space<hbm>>) target(%arg14 : memref<10240x128xf32, #tpu.memory_space<vmem_shared>>) target_semaphore(%run_scoped3A : memref<!tpu.dma_semaphore, #tpu.memory_space<semaphore_mem>>)
        tpu.wait_dma2 semaphore(%run_scoped3A : memref<!tpu.dma_semaphore, #tpu.memory_space<semaphore_mem>>) src(%arg5 : memref<10240x128xf32, #tpu.memory_space<hbm>>) dst(%arg14 : memref<10240x128xf32, #tpu.memory_space<vmem_shared>>)
        tpu.yield
      }) : () -> ()
    } else {
    }
    %dma_start3A = arith.constant 0 : i32
    %dma_start3A_3 = arith.constant 0 : i32
    %dma_start3A_4 = arith.constant 0 : i32
    %dma_start3A_5 = arith.constant 0 : i32
    %dma_start3A_6 = arith.constant 0 : i32
    %dma_start3A_7 = tpu.memref_slice %arg7[%dma_start3A_4, %dma_start3A_6] : memref<4x80xi32, #tpu.memory_space<vmem>> -> memref<1x80xi32, #tpu.memory_space<vmem>>
    %dma_start3A_8 = tpu.memref_squeeze %dma_start3A_7 : memref<1x80xi32, #tpu.memory_space<vmem>> -> memref<80xi32, #tpu.memory_space<vmem>>
    %dma_start3A_9 = arith.constant 0 : i32
    %dma_start3A_10 = tpu.memref_slice %arg2[%add3A, %dma_start3A, %dma_start3A_3, %dma_start3A_9] : memref<32x125x1x80xi32, #tpu.memory_space<hbm>> -> memref<1x1x1x80xi32, #tpu.memory_space<hbm>>
    %dma_start3A_11 = tpu.memref_squeeze %dma_start3A_10 : memref<1x1x1x80xi32, #tpu.memory_space<hbm>> -> memref<80xi32, #tpu.memory_space<hbm>>
    %dma_start3A_12 = tpu.memref_slice %arg12[%dma_start3A_5] : memref<4x!tpu.dma_semaphore, #tpu.memory_space<semaphore_mem>> -> memref<1x!tpu.dma_semaphore, #tpu.memory_space<semaphore_mem>>
    %dma_start3A_13 = tpu.memref_squeeze %dma_start3A_12 : memref<1x!tpu.dma_semaphore, #tpu.memory_space<semaphore_mem>> -> memref<!tpu.dma_semaphore, #tpu.memory_space<semaphore_mem>>
    %dma_start3A_14 = arith.constant 0 : i32
    %dma_start3A_15 = tpu.memref_slice %arg7[%dma_start3A_4, %dma_start3A_14] : memref<4x80xi32, #tpu.memory_space<vmem>> -> memref<1x80xi32, #tpu.memory_space<vmem>>
    %dma_start3A_16 = tpu.memref_squeeze %dma_start3A_15 : memref<1x80xi32, #tpu.memory_space<vmem>> -> memref<80xi32, #tpu.memory_space<vmem>>
    %dma_start3A_17 = arith.constant 0 : i32
    %dma_start3A_18 = tpu.memref_slice %arg2[%add3A, %dma_start3A, %dma_start3A_3, %dma_start3A_17] : memref<32x125x1x80xi32, #tpu.memory_space<hbm>> -> memref<1x1x1x80xi32, #tpu.memory_space<hbm>>
    %dma_start3A_19 = tpu.memref_squeeze %dma_start3A_18 : memref<1x1x1x80xi32, #tpu.memory_space<hbm>> -> memref<80xi32, #tpu.memory_space<hbm>>
    tpu.enqueue_dma source(%dma_start3A_19 : memref<80xi32, #tpu.memory_space<hbm>>) target(%dma_start3A_16 : memref<80xi32, #tpu.memory_space<vmem>>) target_semaphore(%dma_start3A_13 : memref<!tpu.dma_semaphore, #tpu.memory_space<semaphore_mem>>)
    %dma_start3A_20 = arith.constant 1 : i32
    %dma_start3A_21 = arith.constant 0 : i32
    %dma_start3A_22 = arith.constant 1 : i32
    %dma_start3A_23 = arith.constant 1 : i32
    %dma_start3A_24 = arith.constant 0 : i32
    %dma_start3A_25 = tpu.memref_slice %arg7[%dma_start3A_22, %dma_start3A_24] : memref<4x80xi32, #tpu.memory_space<vmem>> -> memref<1x80xi32, #tpu.memory_space<vmem>>
    %dma_start3A_26 = tpu.memref_squeeze %dma_start3A_25 : memref<1x80xi32, #tpu.memory_space<vmem>> -> memref<80xi32, #tpu.memory_space<vmem>>
    %dma_start3A_27 = arith.constant 0 : i32
    %dma_start3A_28 = tpu.memref_slice %arg2[%add3A, %dma_start3A_20, %dma_start3A_21, %dma_start3A_27] : memref<32x125x1x80xi32, #tpu.memory_space<hbm>> -> memref<1x1x1x80xi32, #tpu.memory_space<hbm>>
    %dma_start3A_29 = tpu.memref_squeeze %dma_start3A_28 : memref<1x1x1x80xi32, #tpu.memory_space<hbm>> -> memref<80xi32, #tpu.memory_space<hbm>>
    %dma_start3A_30 = tpu.memref_slice %arg12[%dma_start3A_23] : memref<4x!tpu.dma_semaphore, #tpu.memory_space<semaphore_mem>> -> memref<1x!tpu.dma_semaphore, #tpu.memory_space<semaphore_mem>>
    %dma_start3A_31 = tpu.memref_squeeze %dma_start3A_30 : memref<1x!tpu.dma_semaphore, #tpu.memory_space<semaphore_mem>> -> memref<!tpu.dma_semaphore, #tpu.memory_space<semaphore_mem>>
    %dma_start3A_32 = arith.constant 0 : i32
    %dma_start3A_33 = tpu.memref_slice %arg7[%dma_start3A_22, %dma_start3A_32] : memref<4x80xi32, #tpu.memory_space<vmem>> -> memref<1x80xi32, #tpu.memory_space<vmem>>
    %dma_start3A_34 = tpu.memref_squeeze %dma_start3A_33 : memref<1x80xi32, #tpu.memory_space<vmem>> -> memref<80xi32, #tpu.memory_space<vmem>>
    %dma_start3A_35 = arith.constant 0 : i32
    %dma_start3A_36 = tpu.memref_slice %arg2[%add3A, %dma_start3A_20, %dma_start3A_21, %dma_start3A_35] : memref<32x125x1x80xi32, #tpu.memory_space<hbm>> -> memref<1x1x1x80xi32, #tpu.memory_space<hbm>>
    %dma_start3A_37 = tpu.memref_squeeze %dma_start3A_36 : memref<1x1x1x80xi32, #tpu.memory_space<hbm>> -> memref<80xi32, #tpu.memory_space<hbm>>
    tpu.enqueue_dma source(%dma_start3A_37 : memref<80xi32, #tpu.memory_space<hbm>>) target(%dma_start3A_34 : memref<80xi32, #tpu.memory_space<vmem>>) target_semaphore(%dma_start3A_31 : memref<!tpu.dma_semaphore, #tpu.memory_space<semaphore_mem>>)
    %dma_start3A_38 = arith.constant 2 : i32
    %dma_start3A_39 = arith.constant 0 : i32
    %dma_start3A_40 = arith.constant 2 : i32
    %dma_start3A_41 = arith.constant 2 : i32
    %dma_start3A_42 = arith.constant 0 : i32
    %dma_start3A_43 = tpu.memref_slice %arg7[%dma_start3A_40, %dma_start3A_42] : memref<4x80xi32, #tpu.memory_space<vmem>> -> memref<1x80xi32, #tpu.memory_space<vmem>>
    %dma_start3A_44 = tpu.memref_squeeze %dma_start3A_43 : memref<1x80xi32, #tpu.memory_space<vmem>> -> memref<80xi32, #tpu.memory_space<vmem>>
    %dma_start3A_45 = arith.constant 0 : i32
    %dma_start3A_46 = tpu.memref_slice %arg2[%add3A, %dma_start3A_38, %dma_start3A_39, %dma_start3A_45] : memref<32x125x1x80xi32, #tpu.memory_space<hbm>> -> memref<1x1x1x80xi32, #tpu.memory_space<hbm>>
    %dma_start3A_47 = tpu.memref_squeeze %dma_start3A_46 : memref<1x1x1x80xi32, #tpu.memory_space<hbm>> -> memref<80xi32, #tpu.memory_space<hbm>>
    %dma_start3A_48 = tpu.memref_slice %arg12[%dma_start3A_41] : memref<4x!tpu.dma_semaphore, #tpu.memory_space<semaphore_mem>> -> memref<1x!tpu.dma_semaphore, #tpu.memory_space<semaphore_mem>>
    %dma_start3A_49 = tpu.memref_squeeze %dma_start3A_48 : memref<1x!tpu.dma_semaphore, #tpu.memory_space<semaphore_mem>> -> memref<!tpu.dma_semaphore, #tpu.memory_space<semaphore_mem>>
    %dma_start3A_50 = arith.constant 0 : i32
    %dma_start3A_51 = tpu.memref_slice %arg7[%dma_start3A_40, %dma_start3A_50] : memref<4x80xi32, #tpu.memory_space<vmem>> -> memref<1x80xi32, #tpu.memory_space<vmem>>
    %dma_start3A_52 = tpu.memref_squeeze %dma_start3A_51 : memref<1x80xi32, #tpu.memory_space<vmem>> -> memref<80xi32, #tpu.memory_space<vmem>>
    %dma_start3A_53 = arith.constant 0 : i32
    %dma_start3A_54 = tpu.memref_slice %arg2[%add3A, %dma_start3A_38, %dma_start3A_39, %dma_start3A_53] : memref<32x125x1x80xi32, #tpu.memory_space<hbm>> -> memref<1x1x1x80xi32, #tpu.memory_space<hbm>>
    %dma_start3A_55 = tpu.memref_squeeze %dma_start3A_54 : memref<1x1x1x80xi32, #tpu.memory_space<hbm>> -> memref<80xi32, #tpu.memory_space<hbm>>
    tpu.enqueue_dma source(%dma_start3A_55 : memref<80xi32, #tpu.memory_space<hbm>>) target(%dma_start3A_52 : memref<80xi32, #tpu.memory_space<vmem>>) target_semaphore(%dma_start3A_49 : memref<!tpu.dma_semaphore, #tpu.memory_space<semaphore_mem>>)
    %dma_start3A_56 = arith.constant 3 : i32
    %dma_start3A_57 = arith.constant 0 : i32
    %dma_start3A_58 = arith.constant 3 : i32
    %dma_start3A_59 = arith.constant 3 : i32
    %dma_start3A_60 = arith.constant 0 : i32
    %dma_start3A_61 = tpu.memref_slice %arg7[%dma_start3A_58, %dma_start3A_60] : memref<4x80xi32, #tpu.memory_space<vmem>> -> memref<1x80xi32, #tpu.memory_space<vmem>>
    %dma_start3A_62 = tpu.memref_squeeze %dma_start3A_61 : memref<1x80xi32, #tpu.memory_space<vmem>> -> memref<80xi32, #tpu.memory_space<vmem>>
    %dma_start3A_63 = arith.constant 0 : i32
    %dma_start3A_64 = tpu.memref_slice %arg2[%add3A, %dma_start3A_56, %dma_start3A_57, %dma_start3A_63] : memref<32x125x1x80xi32, #tpu.memory_space<hbm>> -> memref<1x1x1x80xi32, #tpu.memory_space<hbm>>
    %dma_start3A_65 = tpu.memref_squeeze %dma_start3A_64 : memref<1x1x1x80xi32, #tpu.memory_space<hbm>> -> memref<80xi32, #tpu.memory_space<hbm>>
    %dma_start3A_66 = tpu.memref_slice %arg12[%dma_start3A_59] : memref<4x!tpu.dma_semaphore, #tpu.memory_space<semaphore_mem>> -> memref<1x!tpu.dma_semaphore, #tpu.memory_space<semaphore_mem>>
    %dma_start3A_67 = tpu.memref_squeeze %dma_start3A_66 : memref<1x!tpu.dma_semaphore, #tpu.memory_space<semaphore_mem>> -> memref<!tpu.dma_semaphore, #tpu.memory_space<semaphore_mem>>
    %dma_start3A_68 = arith.constant 0 : i32
    %dma_start3A_69 = tpu.memref_slice %arg7[%dma_start3A_58, %dma_start3A_68] : memref<4x80xi32, #tpu.memory_space<vmem>> -> memref<1x80xi32, #tpu.memory_space<vmem>>
    %dma_start3A_70 = tpu.memref_squeeze %dma_start3A_69 : memref<1x80xi32, #tpu.memory_space<vmem>> -> memref<80xi32, #tpu.memory_space<vmem>>
    %dma_start3A_71 = arith.constant 0 : i32
    %dma_start3A_72 = tpu.memref_slice %arg2[%add3A, %dma_start3A_56, %dma_start3A_57, %dma_start3A_71] : memref<32x125x1x80xi32, #tpu.memory_space<hbm>> -> memref<1x1x1x80xi32, #tpu.memory_space<hbm>>
    %dma_start3A_73 = tpu.memref_squeeze %dma_start3A_72 : memref<1x1x1x80xi32, #tpu.memory_space<hbm>> -> memref<80xi32, #tpu.memory_space<hbm>>
    tpu.enqueue_dma source(%dma_start3A_73 : memref<80xi32, #tpu.memory_space<hbm>>) target(%dma_start3A_70 : memref<80xi32, #tpu.memory_space<vmem>>) target_semaphore(%dma_start3A_67 : memref<!tpu.dma_semaphore, #tpu.memory_space<semaphore_mem>>)
    %dma_start3A_74 = arith.constant 0 : i32
    %dma_start3A_75 = arith.constant 0 : i32
    %dma_start3A_76 = arith.constant 0 : i32
    %dma_start3A_77 = arith.constant 0 : i32
    %dma_start3A_78 = arith.constant 0 : i32
    %dma_start3A_79 = tpu.memref_slice %arg8[%dma_start3A_76, %dma_start3A_78] : memref<4x80xi32, #tpu.memory_space<vmem>> -> memref<1x80xi32, #tpu.memory_space<vmem>>
    %dma_start3A_80 = tpu.memref_squeeze %dma_start3A_79 : memref<1x80xi32, #tpu.memory_space<vmem>> -> memref<80xi32, #tpu.memory_space<vmem>>
    %dma_start3A_81 = arith.constant 0 : i32
    %dma_start3A_82 = tpu.memref_slice %arg3[%add3A, %dma_start3A_74, %dma_start3A_75, %dma_start3A_81] : memref<32x125x1x80xi32, #tpu.memory_space<hbm>> -> memref<1x1x1x80xi32, #tpu.memory_space<hbm>>
    %dma_start3A_83 = tpu.memref_squeeze %dma_start3A_82 : memref<1x1x1x80xi32, #tpu.memory_space<hbm>> -> memref<80xi32, #tpu.memory_space<hbm>>
    %dma_start3A_84 = tpu.memref_slice %arg13[%dma_start3A_77] : memref<4x!tpu.dma_semaphore, #tpu.memory_space<semaphore_mem>> -> memref<1x!tpu.dma_semaphore, #tpu.memory_space<semaphore_mem>>
    %dma_start3A_85 = tpu.memref_squeeze %dma_start3A_84 : memref<1x!tpu.dma_semaphore, #tpu.memory_space<semaphore_mem>> -> memref<!tpu.dma_semaphore, #tpu.memory_space<semaphore_mem>>
    %dma_start3A_86 = arith.constant 0 : i32
    %dma_start3A_87 = tpu.memref_slice %arg8[%dma_start3A_76, %dma_start3A_86] : memref<4x80xi32, #tpu.memory_space<vmem>> -> memref<1x80xi32, #tpu.memory_space<vmem>>
    %dma_start3A_88 = tpu.memref_squeeze %dma_start3A_87 : memref<1x80xi32, #tpu.memory_space<vmem>> -> memref<80xi32, #tpu.memory_space<vmem>>
    %dma_start3A_89 = arith.constant 0 : i32
    %dma_start3A_90 = tpu.memref_slice %arg3[%add3A, %dma_start3A_74, %dma_start3A_75, %dma_start3A_89] : memref<32x125x1x80xi32, #tpu.memory_space<hbm>> -> memref<1x1x1x80xi32, #tpu.memory_space<hbm>>
    %dma_start3A_91 = tpu.memref_squeeze %dma_start3A_90 : memref<1x1x1x80xi32, #tpu.memory_space<hbm>> -> memref<80xi32, #tpu.memory_space<hbm>>
    tpu.enqueue_dma source(%dma_start3A_91 : memref<80xi32, #tpu.memory_space<hbm>>) target(%dma_start3A_88 : memref<80xi32, #tpu.memory_space<vmem>>) target_semaphore(%dma_start3A_85 : memref<!tpu.dma_semaphore, #tpu.memory_space<semaphore_mem>>)
    %dma_start3A_92 = arith.constant 1 : i32
    %dma_start3A_93 = arith.constant 0 : i32
    %dma_start3A_94 = arith.constant 1 : i32
    %dma_start3A_95 = arith.constant 1 : i32
    %dma_start3A_96 = arith.constant 0 : i32
    %dma_start3A_97 = tpu.memref_slice %arg8[%dma_start3A_94, %dma_start3A_96] : memref<4x80xi32, #tpu.memory_space<vmem>> -> memref<1x80xi32, #tpu.memory_space<vmem>>
    %dma_start3A_98 = tpu.memref_squeeze %dma_start3A_97 : memref<1x80xi32, #tpu.memory_space<vmem>> -> memref<80xi32, #tpu.memory_space<vmem>>
    %dma_start3A_99 = arith.constant 0 : i32
    %dma_start3A_100 = tpu.memref_slice %arg3[%add3A, %dma_start3A_92, %dma_start3A_93, %dma_start3A_99] : memref<32x125x1x80xi32, #tpu.memory_space<hbm>> -> memref<1x1x1x80xi32, #tpu.memory_space<hbm>>
    %dma_start3A_101 = tpu.memref_squeeze %dma_start3A_100 : memref<1x1x1x80xi32, #tpu.memory_space<hbm>> -> memref<80xi32, #tpu.memory_space<hbm>>
    %dma_start3A_102 = tpu.memref_slice %arg13[%dma_start3A_95] : memref<4x!tpu.dma_semaphore, #tpu.memory_space<semaphore_mem>> -> memref<1x!tpu.dma_semaphore, #tpu.memory_space<semaphore_mem>>
    %dma_start3A_103 = tpu.memref_squeeze %dma_start3A_102 : memref<1x!tpu.dma_semaphore, #tpu.memory_space<semaphore_mem>> -> memref<!tpu.dma_semaphore, #tpu.memory_space<semaphore_mem>>
    %dma_start3A_104 = arith.constant 0 : i32
    %dma_start3A_105 = tpu.memref_slice %arg8[%dma_start3A_94, %dma_start3A_104] : memref<4x80xi32, #tpu.memory_space<vmem>> -> memref<1x80xi32, #tpu.memory_space<vmem>>
    %dma_start3A_106 = tpu.memref_squeeze %dma_start3A_105 : memref<1x80xi32, #tpu.memory_space<vmem>> -> memref<80xi32, #tpu.memory_space<vmem>>
    %dma_start3A_107 = arith.constant 0 : i32
    %dma_start3A_108 = tpu.memref_slice %arg3[%add3A, %dma_start3A_92, %dma_start3A_93, %dma_start3A_107] : memref<32x125x1x80xi32, #tpu.memory_space<hbm>> -> memref<1x1x1x80xi32, #tpu.memory_space<hbm>>
    %dma_start3A_109 = tpu.memref_squeeze %dma_start3A_108 : memref<1x1x1x80xi32, #tpu.memory_space<hbm>> -> memref<80xi32, #tpu.memory_space<hbm>>
    tpu.enqueue_dma source(%dma_start3A_109 : memref<80xi32, #tpu.memory_space<hbm>>) target(%dma_start3A_106 : memref<80xi32, #tpu.memory_space<vmem>>) target_semaphore(%dma_start3A_103 : memref<!tpu.dma_semaphore, #tpu.memory_space<semaphore_mem>>)
    %dma_wait3A = arith.constant 0 : i32
    %dma_wait3A_110 = arith.constant 0 : i32
    %dma_wait3A_111 = arith.constant 0 : i32
    %dma_wait3A_112 = arith.constant 0 : i32
    %dma_wait3A_113 = arith.constant 0 : i32
    %dma_wait3A_114 = tpu.memref_slice %arg7[%dma_wait3A_111, %dma_wait3A_113] : memref<4x80xi32, #tpu.memory_space<vmem>> -> memref<1x80xi32, #tpu.memory_space<vmem>>
    %dma_wait3A_115 = tpu.memref_squeeze %dma_wait3A_114 : memref<1x80xi32, #tpu.memory_space<vmem>> -> memref<80xi32, #tpu.memory_space<vmem>>
    %dma_wait3A_116 = arith.constant 0 : i32
    %dma_wait3A_117 = tpu.memref_slice %arg2[%add3A, %dma_wait3A, %dma_wait3A_110, %dma_wait3A_116] : memref<32x125x1x80xi32, #tpu.memory_space<hbm>> -> memref<1x1x1x80xi32, #tpu.memory_space<hbm>>
    %dma_wait3A_118 = tpu.memref_squeeze %dma_wait3A_117 : memref<1x1x1x80xi32, #tpu.memory_space<hbm>> -> memref<80xi32, #tpu.memory_space<hbm>>
    %dma_wait3A_119 = tpu.memref_slice %arg12[%dma_wait3A_112] : memref<4x!tpu.dma_semaphore, #tpu.memory_space<semaphore_mem>> -> memref<1x!tpu.dma_semaphore, #tpu.memory_space<semaphore_mem>>
    %dma_wait3A_120 = tpu.memref_squeeze %dma_wait3A_119 : memref<1x!tpu.dma_semaphore, #tpu.memory_space<semaphore_mem>> -> memref<!tpu.dma_semaphore, #tpu.memory_space<semaphore_mem>>
    %dma_wait3A_121 = arith.constant 0 : i32
    %dma_wait3A_122 = tpu.memref_slice %arg7[%dma_wait3A_111, %dma_wait3A_121] : memref<4x80xi32, #tpu.memory_space<vmem>> -> memref<1x80xi32, #tpu.memory_space<vmem>>
    %dma_wait3A_123 = tpu.memref_squeeze %dma_wait3A_122 : memref<1x80xi32, #tpu.memory_space<vmem>> -> memref<80xi32, #tpu.memory_space<vmem>>
    %dma_wait3A_124 = arith.constant 0 : i32
    %dma_wait3A_125 = tpu.memref_slice %arg2[%add3A, %dma_wait3A, %dma_wait3A_110, %dma_wait3A_124] : memref<32x125x1x80xi32, #tpu.memory_space<hbm>> -> memref<1x1x1x80xi32, #tpu.memory_space<hbm>>
    %dma_wait3A_126 = tpu.memref_squeeze %dma_wait3A_125 : memref<1x1x1x80xi32, #tpu.memory_space<hbm>> -> memref<80xi32, #tpu.memory_space<hbm>>
    tpu.wait_dma2 semaphore(%dma_wait3A_120 : memref<!tpu.dma_semaphore, #tpu.memory_space<semaphore_mem>>) src(%dma_wait3A_126 : memref<80xi32, #tpu.memory_space<hbm>>) dst(%dma_wait3A_123 : memref<80xi32, #tpu.memory_space<vmem>>)
    %dma_start3A_127 = arith.constant 0 : i32
    %dma_start3A_128 = arith.constant 0 : i32
    %dma_start3A_129 = arith.constant 0 : i32
    %dma_start3A_130 = arith.constant 0 : i32
    %dma_start3A_131 = arith.constant 0 : i32
    %dma_start3A_132 = tpu.memref_slice %arg9[%dma_start3A_128, %dma_start3A_130, %dma_start3A_131] : memref<4x80x128xf32, #tpu.memory_space<vmem>> -> memref<1x80x128xf32, #tpu.memory_space<vmem>>
    %dma_start3A_133 = tpu.memref_squeeze %dma_start3A_132 : memref<1x80x128xf32, #tpu.memory_space<vmem>> -> memref<80x128xf32, #tpu.memory_space<vmem>>
    %dma_start3A_134 = arith.constant 0 : i32
    %dma_start3A_135 = tpu.memref_slice %arg7[%dma_start3A_127, %dma_start3A_134] : memref<4x80xi32, #tpu.memory_space<vmem>> -> memref<1x80xi32, #tpu.memory_space<vmem>>
    %dma_start3A_136 = tpu.memref_squeeze %dma_start3A_135 : memref<1x80xi32, #tpu.memory_space<vmem>> -> memref<80xi32, #tpu.memory_space<vmem>>
    %dma_start3A_137 = arith.constant 0 : i32
    %dma_start3A_138 = arith.constant 0 : i32
    %dma_start3A_139 = tpu.memref_slice %arg4[%dma_start3A_137, %dma_start3A_138] : memref<10000x128xf32, #tpu.memory_space<hbm>> -> memref<10000x128xf32, #tpu.memory_space<hbm>>
    %dma_start3A_140 = tpu.memref_slice %arg10[%dma_start3A_129] : memref<4x!tpu.dma_semaphore, #tpu.memory_space<semaphore_mem>> -> memref<1x!tpu.dma_semaphore, #tpu.memory_space<semaphore_mem>>
    %dma_start3A_141 = tpu.memref_squeeze %dma_start3A_140 : memref<1x!tpu.dma_semaphore, #tpu.memory_space<semaphore_mem>> -> memref<!tpu.dma_semaphore, #tpu.memory_space<semaphore_mem>>
    tpu.enqueue_indirect_dma source(%dma_start3A_139 : memref<10000x128xf32, #tpu.memory_space<hbm>>) target(%dma_start3A_133 : memref<80x128xf32, #tpu.memory_space<vmem>>) offsets(%dma_start3A_136 : memref<80xi32, #tpu.memory_space<vmem>>) semaphore(%dma_start3A_141 : memref<!tpu.dma_semaphore, #tpu.memory_space<semaphore_mem>>)
    %dma_wait3A_142 = arith.constant 0 : i32
    %dma_wait3A_143 = arith.constant 0 : i32
    %dma_wait3A_144 = arith.constant 1 : i32
    %dma_wait3A_145 = arith.constant 1 : i32
    %dma_wait3A_146 = arith.constant 0 : i32
    %dma_wait3A_147 = tpu.memref_slice %arg7[%dma_wait3A_144, %dma_wait3A_146] : memref<4x80xi32, #tpu.memory_space<vmem>> -> memref<1x80xi32, #tpu.memory_space<vmem>>
    %dma_wait3A_148 = tpu.memref_squeeze %dma_wait3A_147 : memref<1x80xi32, #tpu.memory_space<vmem>> -> memref<80xi32, #tpu.memory_space<vmem>>
    %dma_wait3A_149 = arith.constant 0 : i32
    %dma_wait3A_150 = tpu.memref_slice %arg2[%add3A, %dma_wait3A_142, %dma_wait3A_143, %dma_wait3A_149] : memref<32x125x1x80xi32, #tpu.memory_space<hbm>> -> memref<1x1x1x80xi32, #tpu.memory_space<hbm>>
    %dma_wait3A_151 = tpu.memref_squeeze %dma_wait3A_150 : memref<1x1x1x80xi32, #tpu.memory_space<hbm>> -> memref<80xi32, #tpu.memory_space<hbm>>
    %dma_wait3A_152 = tpu.memref_slice %arg12[%dma_wait3A_145] : memref<4x!tpu.dma_semaphore, #tpu.memory_space<semaphore_mem>> -> memref<1x!tpu.dma_semaphore, #tpu.memory_space<semaphore_mem>>
    %dma_wait3A_153 = tpu.memref_squeeze %dma_wait3A_152 : memref<1x!tpu.dma_semaphore, #tpu.memory_space<semaphore_mem>> -> memref<!tpu.dma_semaphore, #tpu.memory_space<semaphore_mem>>
    %dma_wait3A_154 = arith.constant 0 : i32
    %dma_wait3A_155 = tpu.memref_slice %arg7[%dma_wait3A_144, %dma_wait3A_154] : memref<4x80xi32, #tpu.memory_space<vmem>> -> memref<1x80xi32, #tpu.memory_space<vmem>>
    %dma_wait3A_156 = tpu.memref_squeeze %dma_wait3A_155 : memref<1x80xi32, #tpu.memory_space<vmem>> -> memref<80xi32, #tpu.memory_space<vmem>>
    %dma_wait3A_157 = arith.constant 0 : i32
    %dma_wait3A_158 = tpu.memref_slice %arg2[%add3A, %dma_wait3A_142, %dma_wait3A_143, %dma_wait3A_157] : memref<32x125x1x80xi32, #tpu.memory_space<hbm>> -> memref<1x1x1x80xi32, #tpu.memory_space<hbm>>
    %dma_wait3A_159 = tpu.memref_squeeze %dma_wait3A_158 : memref<1x1x1x80xi32, #tpu.memory_space<hbm>> -> memref<80xi32, #tpu.memory_space<hbm>>
    tpu.wait_dma2 semaphore(%dma_wait3A_153 : memref<!tpu.dma_semaphore, #tpu.memory_space<semaphore_mem>>) src(%dma_wait3A_159 : memref<80xi32, #tpu.memory_space<hbm>>) dst(%dma_wait3A_156 : memref<80xi32, #tpu.memory_space<vmem>>)
    %dma_start3A_160 = arith.constant 1 : i32
    %dma_start3A_161 = arith.constant 1 : i32
    %dma_start3A_162 = arith.constant 1 : i32
    %dma_start3A_163 = arith.constant 0 : i32
    %dma_start3A_164 = arith.constant 0 : i32
    %dma_start3A_165 = tpu.memref_slice %arg9[%dma_start3A_161, %dma_start3A_163, %dma_start3A_164] : memref<4x80x128xf32, #tpu.memory_space<vmem>> -> memref<1x80x128xf32, #tpu.memory_space<vmem>>
    %dma_start3A_166 = tpu.memref_squeeze %dma_start3A_165 : memref<1x80x128xf32, #tpu.memory_space<vmem>> -> memref<80x128xf32, #tpu.memory_space<vmem>>
    %dma_start3A_167 = arith.constant 0 : i32
    %dma_start3A_168 = tpu.memref_slice %arg7[%dma_start3A_160, %dma_start3A_167] : memref<4x80xi32, #tpu.memory_space<vmem>> -> memref<1x80xi32, #tpu.memory_space<vmem>>
    %dma_start3A_169 = tpu.memref_squeeze %dma_start3A_168 : memref<1x80xi32, #tpu.memory_space<vmem>> -> memref<80xi32, #tpu.memory_space<vmem>>
    %dma_start3A_170 = arith.constant 0 : i32
    %dma_start3A_171 = arith.constant 0 : i32
    %dma_start3A_172 = tpu.memref_slice %arg4[%dma_start3A_170, %dma_start3A_171] : memref<10000x128xf32, #tpu.memory_space<hbm>> -> memref<10000x128xf32, #tpu.memory_space<hbm>>
    %dma_start3A_173 = tpu.memref_slice %arg10[%dma_start3A_162] : memref<4x!tpu.dma_semaphore, #tpu.memory_space<semaphore_mem>> -> memref<1x!tpu.dma_semaphore, #tpu.memory_space<semaphore_mem>>
    %dma_start3A_174 = tpu.memref_squeeze %dma_start3A_173 : memref<1x!tpu.dma_semaphore, #tpu.memory_space<semaphore_mem>> -> memref<!tpu.dma_semaphore, #tpu.memory_space<semaphore_mem>>
    tpu.enqueue_indirect_dma source(%dma_start3A_172 : memref<10000x128xf32, #tpu.memory_space<hbm>>) target(%dma_start3A_166 : memref<80x128xf32, #tpu.memory_space<vmem>>) offsets(%dma_start3A_169 : memref<80xi32, #tpu.memory_space<vmem>>) semaphore(%dma_start3A_174 : memref<!tpu.dma_semaphore, #tpu.memory_space<semaphore_mem>>)
    %scan3A = arith.constant 0 : i32
    %scan3A_175 = arith.constant 31 : i32
    %scan3A_176 = arith.addi %scan3A, %scan3A_175 : i32
    %scan3A_177 = arith.constant 1 : i32
    scf.for %scan3A_277 = %scan3A to %scan3A_176 step %scan3A_177  : i32 {
      %mul3A_278 = arith.constant 1 : i32
      %mul3A_279 = arith.muli %scan3A_277, %mul3A_278 : i32
      %add3A_280 = arith.constant 0 : i32
      %add3A_281 = arith.addi %add3A_280, %mul3A_279 : i32
      %mul3A_282 = arith.constant 4 : i32
      %mul3A_283 = arith.muli %mul3A_282, %add3A_281 : i32
      %add3A_284 = arith.constant 0 : i32
      %add3A_285 = arith.addi %mul3A_283, %add3A_284 : i32
      %dma_wait3A_286 = arith.constant 0 : i32
      %dma_wait3A_287 = arith.constant 0 : i32
      %dma_wait3A_288 = arith.constant 0 : i32
      %dma_wait3A_289 = arith.constant 0 : i32
      %dma_wait3A_290 = arith.constant 0 : i32
      %dma_wait3A_291 = tpu.memref_slice %arg9[%dma_wait3A_287, %dma_wait3A_289, %dma_wait3A_290] : memref<4x80x128xf32, #tpu.memory_space<vmem>> -> memref<1x80x128xf32, #tpu.memory_space<vmem>>
      %dma_wait3A_292 = tpu.memref_squeeze %dma_wait3A_291 : memref<1x80x128xf32, #tpu.memory_space<vmem>> -> memref<80x128xf32, #tpu.memory_space<vmem>>
      %dma_wait3A_293 = arith.constant 0 : i32
      %dma_wait3A_294 = tpu.memref_slice %arg7[%dma_wait3A_286, %dma_wait3A_293] : memref<4x80xi32, #tpu.memory_space<vmem>> -> memref<1x80xi32, #tpu.memory_space<vmem>>
      %dma_wait3A_295 = tpu.memref_squeeze %dma_wait3A_294 : memref<1x80xi32, #tpu.memory_space<vmem>> -> memref<80xi32, #tpu.memory_space<vmem>>
      %dma_wait3A_296 = arith.constant 0 : i32
      %dma_wait3A_297 = arith.constant 0 : i32
      %dma_wait3A_298 = tpu.memref_slice %arg4[%dma_wait3A_296, %dma_wait3A_297] : memref<10000x128xf32, #tpu.memory_space<hbm>> -> memref<10000x128xf32, #tpu.memory_space<hbm>>
      %dma_wait3A_299 = tpu.memref_slice %arg10[%dma_wait3A_288] : memref<4x!tpu.dma_semaphore, #tpu.memory_space<semaphore_mem>> -> memref<1x!tpu.dma_semaphore, #tpu.memory_space<semaphore_mem>>
      %dma_wait3A_300 = tpu.memref_squeeze %dma_wait3A_299 : memref<1x!tpu.dma_semaphore, #tpu.memory_space<semaphore_mem>> -> memref<!tpu.dma_semaphore, #tpu.memory_space<semaphore_mem>>
      tpu.wait_indirect_dma semaphore(%dma_wait3A_300 : memref<!tpu.dma_semaphore, #tpu.memory_space<semaphore_mem>>) src(%dma_wait3A_298 : memref<10000x128xf32, #tpu.memory_space<hbm>>) dst(%dma_wait3A_292 : memref<80x128xf32, #tpu.memory_space<vmem>>)
      %add3A_301 = arith.constant 4 : i32
      %add3A_302 = arith.addi %add3A_285, %add3A_301 : i32
      %lt3A = arith.constant 125 : i32
      %lt3A_303 = arith.cmpi slt, %add3A_302, %lt3A : i32
      %convert_element_type3A_304 = arith.extui %lt3A_303 : i1 to i32
      %cond3A_305 = arith.constant 0 : i32
      %cond3A_306 = arith.cmpi ne, %convert_element_type3A_304, %cond3A_305 : i32
      scf.if %cond3A_306 {
        %add3A_564 = arith.constant 4 : i32
        %add3A_565 = arith.addi %add3A_285, %add3A_564 : i32
        %dma_start3A_566 = arith.constant 0 : i32
        %dma_start3A_567 = arith.constant 0 : i32
        %dma_start3A_568 = arith.constant 0 : i32
        %dma_start3A_569 = arith.constant 0 : i32
        %dma_start3A_570 = tpu.memref_slice %arg7[%dma_start3A_567, %dma_start3A_569] : memref<4x80xi32, #tpu.memory_space<vmem>> -> memref<1x80xi32, #tpu.memory_space<vmem>>
        %dma_start3A_571 = tpu.memref_squeeze %dma_start3A_570 : memref<1x80xi32, #tpu.memory_space<vmem>> -> memref<80xi32, #tpu.memory_space<vmem>>
        %dma_start3A_572 = arith.constant 0 : i32
        %dma_start3A_573 = tpu.memref_slice %arg2[%add3A, %add3A_565, %dma_start3A_566, %dma_start3A_572] : memref<32x125x1x80xi32, #tpu.memory_space<hbm>> -> memref<1x1x1x80xi32, #tpu.memory_space<hbm>>
        %dma_start3A_574 = tpu.memref_squeeze %dma_start3A_573 : memref<1x1x1x80xi32, #tpu.memory_space<hbm>> -> memref<80xi32, #tpu.memory_space<hbm>>
        %dma_start3A_575 = tpu.memref_slice %arg12[%dma_start3A_568] : memref<4x!tpu.dma_semaphore, #tpu.memory_space<semaphore_mem>> -> memref<1x!tpu.dma_semaphore, #tpu.memory_space<semaphore_mem>>
        %dma_start3A_576 = tpu.memref_squeeze %dma_start3A_575 : memref<1x!tpu.dma_semaphore, #tpu.memory_space<semaphore_mem>> -> memref<!tpu.dma_semaphore, #tpu.memory_space<semaphore_mem>>
        %dma_start3A_577 = arith.constant 0 : i32
        %dma_start3A_578 = tpu.memref_slice %arg7[%dma_start3A_567, %dma_start3A_577] : memref<4x80xi32, #tpu.memory_space<vmem>> -> memref<1x80xi32, #tpu.memory_space<vmem>>
        %dma_start3A_579 = tpu.memref_squeeze %dma_start3A_578 : memref<1x80xi32, #tpu.memory_space<vmem>> -> memref<80xi32, #tpu.memory_space<vmem>>
        %dma_start3A_580 = arith.constant 0 : i32
        %dma_start3A_581 = tpu.memref_slice %arg2[%add3A, %add3A_565, %dma_start3A_566, %dma_start3A_580] : memref<32x125x1x80xi32, #tpu.memory_space<hbm>> -> memref<1x1x1x80xi32, #tpu.memory_space<hbm>>
        %dma_start3A_582 = tpu.memref_squeeze %dma_start3A_581 : memref<1x1x1x80xi32, #tpu.memory_space<hbm>> -> memref<80xi32, #tpu.memory_space<hbm>>
        tpu.enqueue_dma source(%dma_start3A_582 : memref<80xi32, #tpu.memory_space<hbm>>) target(%dma_start3A_579 : memref<80xi32, #tpu.memory_space<vmem>>) target_semaphore(%dma_start3A_576 : memref<!tpu.dma_semaphore, #tpu.memory_space<semaphore_mem>>)
      } else {
      }
      %dma_wait3A_307 = arith.constant 0 : i32
      %dma_wait3A_308 = arith.constant 0 : i32
      %dma_wait3A_309 = arith.constant 0 : i32
      %dma_wait3A_310 = arith.constant 0 : i32
      %dma_wait3A_311 = arith.constant 0 : i32
      %dma_wait3A_312 = tpu.memref_slice %arg8[%dma_wait3A_309, %dma_wait3A_311] : memref<4x80xi32, #tpu.memory_space<vmem>> -> memref<1x80xi32, #tpu.memory_space<vmem>>
      %dma_wait3A_313 = tpu.memref_squeeze %dma_wait3A_312 : memref<1x80xi32, #tpu.memory_space<vmem>> -> memref<80xi32, #tpu.memory_space<vmem>>
      %dma_wait3A_314 = arith.constant 0 : i32
      %dma_wait3A_315 = tpu.memref_slice %arg3[%add3A, %dma_wait3A_307, %dma_wait3A_308, %dma_wait3A_314] : memref<32x125x1x80xi32, #tpu.memory_space<hbm>> -> memref<1x1x1x80xi32, #tpu.memory_space<hbm>>
      %dma_wait3A_316 = tpu.memref_squeeze %dma_wait3A_315 : memref<1x1x1x80xi32, #tpu.memory_space<hbm>> -> memref<80xi32, #tpu.memory_space<hbm>>
      %dma_wait3A_317 = tpu.memref_slice %arg13[%dma_wait3A_310] : memref<4x!tpu.dma_semaphore, #tpu.memory_space<semaphore_mem>> -> memref<1x!tpu.dma_semaphore, #tpu.memory_space<semaphore_mem>>
      %dma_wait3A_318 = tpu.memref_squeeze %dma_wait3A_317 : memref<1x!tpu.dma_semaphore, #tpu.memory_space<semaphore_mem>> -> memref<!tpu.dma_semaphore, #tpu.memory_space<semaphore_mem>>
      %dma_wait3A_319 = arith.constant 0 : i32
      %dma_wait3A_320 = tpu.memref_slice %arg8[%dma_wait3A_309, %dma_wait3A_319] : memref<4x80xi32, #tpu.memory_space<vmem>> -> memref<1x80xi32, #tpu.memory_space<vmem>>
      %dma_wait3A_321 = tpu.memref_squeeze %dma_wait3A_320 : memref<1x80xi32, #tpu.memory_space<vmem>> -> memref<80xi32, #tpu.memory_space<vmem>>
      %dma_wait3A_322 = arith.constant 0 : i32
      %dma_wait3A_323 = tpu.memref_slice %arg3[%add3A, %dma_wait3A_307, %dma_wait3A_308, %dma_wait3A_322] : memref<32x125x1x80xi32, #tpu.memory_space<hbm>> -> memref<1x1x1x80xi32, #tpu.memory_space<hbm>>
      %dma_wait3A_324 = tpu.memref_squeeze %dma_wait3A_323 : memref<1x1x1x80xi32, #tpu.memory_space<hbm>> -> memref<80xi32, #tpu.memory_space<hbm>>
      tpu.wait_dma2 semaphore(%dma_wait3A_318 : memref<!tpu.dma_semaphore, #tpu.memory_space<semaphore_mem>>) src(%dma_wait3A_324 : memref<80xi32, #tpu.memory_space<hbm>>) dst(%dma_wait3A_321 : memref<80xi32, #tpu.memory_space<vmem>>)
      %dma_start3A_325 = arith.constant 0 : i32
      %dma_start3A_326 = arith.constant 0 : i32
      %dma_start3A_327 = arith.constant 0 : i32
      %dma_start3A_328 = arith.constant 0 : i32
      %dma_start3A_329 = arith.constant 0 : i32
      %dma_start3A_330 = tpu.memref_slice %arg9[%dma_start3A_325, %dma_start3A_328, %dma_start3A_329] : memref<4x80x128xf32, #tpu.memory_space<vmem>> -> memref<1x80x128xf32, #tpu.memory_space<vmem>>
      %dma_start3A_331 = tpu.memref_squeeze %dma_start3A_330 : memref<1x80x128xf32, #tpu.memory_space<vmem>> -> memref<80x128xf32, #tpu.memory_space<vmem>>
      %dma_start3A_332 = arith.constant 0 : i32
      %dma_start3A_333 = tpu.memref_slice %arg8[%dma_start3A_326, %dma_start3A_332] : memref<4x80xi32, #tpu.memory_space<vmem>> -> memref<1x80xi32, #tpu.memory_space<vmem>>
      %dma_start3A_334 = tpu.memref_squeeze %dma_start3A_333 : memref<1x80xi32, #tpu.memory_space<vmem>> -> memref<80xi32, #tpu.memory_space<vmem>>
      %dma_start3A_335 = arith.constant 0 : i32
      %dma_start3A_336 = arith.constant 0 : i32
      %dma_start3A_337 = tpu.memref_slice %arg14[%dma_start3A_335, %dma_start3A_336] : memref<10240x128xf32, #tpu.memory_space<vmem_shared>> -> memref<10240x128xf32, #tpu.memory_space<vmem_shared>>
      %dma_start3A_338 = tpu.memref_slice %arg11[%dma_start3A_327] : memref<4x!tpu.dma_semaphore, #tpu.memory_space<semaphore_mem>> -> memref<1x!tpu.dma_semaphore, #tpu.memory_space<semaphore_mem>>
      %dma_start3A_339 = tpu.memref_squeeze %dma_start3A_338 : memref<1x!tpu.dma_semaphore, #tpu.memory_space<semaphore_mem>> -> memref<!tpu.dma_semaphore, #tpu.memory_space<semaphore_mem>>
      tpu.enqueue_indirect_dma source(%dma_start3A_331 : memref<80x128xf32, #tpu.memory_space<vmem>>) target(%dma_start3A_337 : memref<10240x128xf32, #tpu.memory_space<vmem_shared>>) offsets(%dma_start3A_334 : memref<80xi32, #tpu.memory_space<vmem>>) semaphore(%dma_start3A_339 : memref<!tpu.dma_semaphore, #tpu.memory_space<semaphore_mem>>) {add = true}
      %ge3A = arith.constant 2 : i32
      %ge3A_340 = arith.cmpi sge, %add3A_285, %ge3A : i32
      %convert_element_type3A_341 = arith.extui %ge3A_340 : i1 to i32
      %cond3A_342 = arith.constant 0 : i32
      %cond3A_343 = arith.cmpi ne, %convert_element_type3A_341, %cond3A_342 : i32
      scf.if %cond3A_343 {
        %dma_wait3A_564 = arith.constant 2 : i32
        %dma_wait3A_565 = arith.constant 2 : i32
        %dma_wait3A_566 = arith.constant 2 : i32
        %dma_wait3A_567 = arith.constant 0 : i32
        %dma_wait3A_568 = arith.constant 0 : i32
        %dma_wait3A_569 = tpu.memref_slice %arg9[%dma_wait3A_564, %dma_wait3A_567, %dma_wait3A_568] : memref<4x80x128xf32, #tpu.memory_space<vmem>> -> memref<1x80x128xf32, #tpu.memory_space<vmem>>
        %dma_wait3A_570 = tpu.memref_squeeze %dma_wait3A_569 : memref<1x80x128xf32, #tpu.memory_space<vmem>> -> memref<80x128xf32, #tpu.memory_space<vmem>>
        %dma_wait3A_571 = arith.constant 0 : i32
        %dma_wait3A_572 = tpu.memref_slice %arg8[%dma_wait3A_565, %dma_wait3A_571] : memref<4x80xi32, #tpu.memory_space<vmem>> -> memref<1x80xi32, #tpu.memory_space<vmem>>
        %dma_wait3A_573 = tpu.memref_squeeze %dma_wait3A_572 : memref<1x80xi32, #tpu.memory_space<vmem>> -> memref<80xi32, #tpu.memory_space<vmem>>
        %dma_wait3A_574 = arith.constant 0 : i32
        %dma_wait3A_575 = arith.constant 0 : i32
        %dma_wait3A_576 = tpu.memref_slice %arg14[%dma_wait3A_574, %dma_wait3A_575] : memref<10240x128xf32, #tpu.memory_space<vmem_shared>> -> memref<10240x128xf32, #tpu.memory_space<vmem_shared>>
        %dma_wait3A_577 = tpu.memref_slice %arg11[%dma_wait3A_566] : memref<4x!tpu.dma_semaphore, #tpu.memory_space<semaphore_mem>> -> memref<1x!tpu.dma_semaphore, #tpu.memory_space<semaphore_mem>>
        %dma_wait3A_578 = tpu.memref_squeeze %dma_wait3A_577 : memref<1x!tpu.dma_semaphore, #tpu.memory_space<semaphore_mem>> -> memref<!tpu.dma_semaphore, #tpu.memory_space<semaphore_mem>>
        tpu.wait_indirect_dma semaphore(%dma_wait3A_578 : memref<!tpu.dma_semaphore, #tpu.memory_space<semaphore_mem>>) src(%dma_wait3A_570 : memref<80x128xf32, #tpu.memory_space<vmem>>) dst(%dma_wait3A_576 : memref<10240x128xf32, #tpu.memory_space<vmem_shared>>)
      } else {
      }
      %add3A_344 = arith.constant 2 : i32
      %add3A_345 = arith.addi %add3A_285, %add3A_344 : i32
      %lt3A_346 = arith.constant 125 : i32
      %lt3A_347 = arith.cmpi slt, %add3A_345, %lt3A_346 : i32
      %convert_element_type3A_348 = arith.extui %lt3A_347 : i1 to i32
      %cond3A_349 = arith.constant 0 : i32
      %cond3A_350 = arith.cmpi ne, %convert_element_type3A_348, %cond3A_349 : i32
      scf.if %cond3A_350 {
        %add3A_564 = arith.constant 2 : i32
        %add3A_565 = arith.addi %add3A_285, %add3A_564 : i32
        %dma_start3A_566 = arith.constant 0 : i32
        %dma_start3A_567 = arith.constant 2 : i32
        %dma_start3A_568 = arith.constant 2 : i32
        %dma_start3A_569 = arith.constant 0 : i32
        %dma_start3A_570 = tpu.memref_slice %arg8[%dma_start3A_567, %dma_start3A_569] : memref<4x80xi32, #tpu.memory_space<vmem>> -> memref<1x80xi32, #tpu.memory_space<vmem>>
        %dma_start3A_571 = tpu.memref_squeeze %dma_start3A_570 : memref<1x80xi32, #tpu.memory_space<vmem>> -> memref<80xi32, #tpu.memory_space<vmem>>
        %dma_start3A_572 = arith.constant 0 : i32
        %dma_start3A_573 = tpu.memref_slice %arg3[%add3A, %add3A_565, %dma_start3A_566, %dma_start3A_572] : memref<32x125x1x80xi32, #tpu.memory_space<hbm>> -> memref<1x1x1x80xi32, #tpu.memory_space<hbm>>
        %dma_start3A_574 = tpu.memref_squeeze %dma_start3A_573 : memref<1x1x1x80xi32, #tpu.memory_space<hbm>> -> memref<80xi32, #tpu.memory_space<hbm>>
        %dma_start3A_575 = tpu.memref_slice %arg13[%dma_start3A_568] : memref<4x!tpu.dma_semaphore, #tpu.memory_space<semaphore_mem>> -> memref<1x!tpu.dma_semaphore, #tpu.memory_space<semaphore_mem>>
        %dma_start3A_576 = tpu.memref_squeeze %dma_start3A_575 : memref<1x!tpu.dma_semaphore, #tpu.memory_space<semaphore_mem>> -> memref<!tpu.dma_semaphore, #tpu.memory_space<semaphore_mem>>
        %dma_start3A_577 = arith.constant 0 : i32
        %dma_start3A_578 = tpu.memref_slice %arg8[%dma_start3A_567, %dma_start3A_577] : memref<4x80xi32, #tpu.memory_space<vmem>> -> memref<1x80xi32, #tpu.memory_space<vmem>>
        %dma_start3A_579 = tpu.memref_squeeze %dma_start3A_578 : memref<1x80xi32, #tpu.memory_space<vmem>> -> memref<80xi32, #tpu.memory_space<vmem>>
        %dma_start3A_580 = arith.constant 0 : i32
        %dma_start3A_581 = tpu.memref_slice %arg3[%add3A, %add3A_565, %dma_start3A_566, %dma_start3A_580] : memref<32x125x1x80xi32, #tpu.memory_space<hbm>> -> memref<1x1x1x80xi32, #tpu.memory_space<hbm>>
        %dma_start3A_582 = tpu.memref_squeeze %dma_start3A_581 : memref<1x1x1x80xi32, #tpu.memory_space<hbm>> -> memref<80xi32, #tpu.memory_space<hbm>>
        tpu.enqueue_dma source(%dma_start3A_582 : memref<80xi32, #tpu.memory_space<hbm>>) target(%dma_start3A_579 : memref<80xi32, #tpu.memory_space<vmem>>) target_semaphore(%dma_start3A_576 : memref<!tpu.dma_semaphore, #tpu.memory_space<semaphore_mem>>)
        %dma_wait3A_583 = arith.constant 0 : i32
        %dma_wait3A_584 = arith.constant 0 : i32
        %dma_wait3A_585 = arith.constant 2 : i32
        %dma_wait3A_586 = arith.constant 2 : i32
        %dma_wait3A_587 = arith.constant 0 : i32
        %dma_wait3A_588 = tpu.memref_slice %arg7[%dma_wait3A_585, %dma_wait3A_587] : memref<4x80xi32, #tpu.memory_space<vmem>> -> memref<1x80xi32, #tpu.memory_space<vmem>>
        %dma_wait3A_589 = tpu.memref_squeeze %dma_wait3A_588 : memref<1x80xi32, #tpu.memory_space<vmem>> -> memref<80xi32, #tpu.memory_space<vmem>>
        %dma_wait3A_590 = arith.constant 0 : i32
        %dma_wait3A_591 = tpu.memref_slice %arg2[%add3A, %dma_wait3A_583, %dma_wait3A_584, %dma_wait3A_590] : memref<32x125x1x80xi32, #tpu.memory_space<hbm>> -> memref<1x1x1x80xi32, #tpu.memory_space<hbm>>
        %dma_wait3A_592 = tpu.memref_squeeze %dma_wait3A_591 : memref<1x1x1x80xi32, #tpu.memory_space<hbm>> -> memref<80xi32, #tpu.memory_space<hbm>>
        %dma_wait3A_593 = tpu.memref_slice %arg12[%dma_wait3A_586] : memref<4x!tpu.dma_semaphore, #tpu.memory_space<semaphore_mem>> -> memref<1x!tpu.dma_semaphore, #tpu.memory_space<semaphore_mem>>
        %dma_wait3A_594 = tpu.memref_squeeze %dma_wait3A_593 : memref<1x!tpu.dma_semaphore, #tpu.memory_space<semaphore_mem>> -> memref<!tpu.dma_semaphore, #tpu.memory_space<semaphore_mem>>
        %dma_wait3A_595 = arith.constant 0 : i32
        %dma_wait3A_596 = tpu.memref_slice %arg7[%dma_wait3A_585, %dma_wait3A_595] : memref<4x80xi32, #tpu.memory_space<vmem>> -> memref<1x80xi32, #tpu.memory_space<vmem>>
        %dma_wait3A_597 = tpu.memref_squeeze %dma_wait3A_596 : memref<1x80xi32, #tpu.memory_space<vmem>> -> memref<80xi32, #tpu.memory_space<vmem>>
        %dma_wait3A_598 = arith.constant 0 : i32
        %dma_wait3A_599 = tpu.memref_slice %arg2[%add3A, %dma_wait3A_583, %dma_wait3A_584, %dma_wait3A_598] : memref<32x125x1x80xi32, #tpu.memory_space<hbm>> -> memref<1x1x1x80xi32, #tpu.memory_space<hbm>>
        %dma_wait3A_600 = tpu.memref_squeeze %dma_wait3A_599 : memref<1x1x1x80xi32, #tpu.memory_space<hbm>> -> memref<80xi32, #tpu.memory_space<hbm>>
        tpu.wait_dma2 semaphore(%dma_wait3A_594 : memref<!tpu.dma_semaphore, #tpu.memory_space<semaphore_mem>>) src(%dma_wait3A_600 : memref<80xi32, #tpu.memory_space<hbm>>) dst(%dma_wait3A_597 : memref<80xi32, #tpu.memory_space<vmem>>)
        %dma_start3A_601 = arith.constant 2 : i32
        %dma_start3A_602 = arith.constant 2 : i32
        %dma_start3A_603 = arith.constant 2 : i32
        %dma_start3A_604 = arith.constant 0 : i32
        %dma_start3A_605 = arith.constant 0 : i32
        %dma_start3A_606 = tpu.memref_slice %arg9[%dma_start3A_602, %dma_start3A_604, %dma_start3A_605] : memref<4x80x128xf32, #tpu.memory_space<vmem>> -> memref<1x80x128xf32, #tpu.memory_space<vmem>>
        %dma_start3A_607 = tpu.memref_squeeze %dma_start3A_606 : memref<1x80x128xf32, #tpu.memory_space<vmem>> -> memref<80x128xf32, #tpu.memory_space<vmem>>
        %dma_start3A_608 = arith.constant 0 : i32
        %dma_start3A_609 = tpu.memref_slice %arg7[%dma_start3A_601, %dma_start3A_608] : memref<4x80xi32, #tpu.memory_space<vmem>> -> memref<1x80xi32, #tpu.memory_space<vmem>>
        %dma_start3A_610 = tpu.memref_squeeze %dma_start3A_609 : memref<1x80xi32, #tpu.memory_space<vmem>> -> memref<80xi32, #tpu.memory_space<vmem>>
        %dma_start3A_611 = arith.constant 0 : i32
        %dma_start3A_612 = arith.constant 0 : i32
        %dma_start3A_613 = tpu.memref_slice %arg4[%dma_start3A_611, %dma_start3A_612] : memref<10000x128xf32, #tpu.memory_space<hbm>> -> memref<10000x128xf32, #tpu.memory_space<hbm>>
        %dma_start3A_614 = tpu.memref_slice %arg10[%dma_start3A_603] : memref<4x!tpu.dma_semaphore, #tpu.memory_space<semaphore_mem>> -> memref<1x!tpu.dma_semaphore, #tpu.memory_space<semaphore_mem>>
        %dma_start3A_615 = tpu.memref_squeeze %dma_start3A_614 : memref<1x!tpu.dma_semaphore, #tpu.memory_space<semaphore_mem>> -> memref<!tpu.dma_semaphore, #tpu.memory_space<semaphore_mem>>
        tpu.enqueue_indirect_dma source(%dma_start3A_613 : memref<10000x128xf32, #tpu.memory_space<hbm>>) target(%dma_start3A_607 : memref<80x128xf32, #tpu.memory_space<vmem>>) offsets(%dma_start3A_610 : memref<80xi32, #tpu.memory_space<vmem>>) semaphore(%dma_start3A_615 : memref<!tpu.dma_semaphore, #tpu.memory_space<semaphore_mem>>)
      } else {
      }
      %mul3A_351 = arith.constant 4 : i32
      %mul3A_352 = arith.muli %mul3A_351, %add3A_281 : i32
      %add3A_353 = arith.constant 1 : i32
      %add3A_354 = arith.addi %mul3A_352, %add3A_353 : i32
      %dma_wait3A_355 = arith.constant 1 : i32
      %dma_wait3A_356 = arith.constant 1 : i32
      %dma_wait3A_357 = arith.constant 1 : i32
      %dma_wait3A_358 = arith.constant 0 : i32
      %dma_wait3A_359 = arith.constant 0 : i32
      %dma_wait3A_360 = tpu.memref_slice %arg9[%dma_wait3A_356, %dma_wait3A_358, %dma_wait3A_359] : memref<4x80x128xf32, #tpu.memory_space<vmem>> -> memref<1x80x128xf32, #tpu.memory_space<vmem>>
      %dma_wait3A_361 = tpu.memref_squeeze %dma_wait3A_360 : memref<1x80x128xf32, #tpu.memory_space<vmem>> -> memref<80x128xf32, #tpu.memory_space<vmem>>
      %dma_wait3A_362 = arith.constant 0 : i32
      %dma_wait3A_363 = tpu.memref_slice %arg7[%dma_wait3A_355, %dma_wait3A_362] : memref<4x80xi32, #tpu.memory_space<vmem>> -> memref<1x80xi32, #tpu.memory_space<vmem>>
      %dma_wait3A_364 = tpu.memref_squeeze %dma_wait3A_363 : memref<1x80xi32, #tpu.memory_space<vmem>> -> memref<80xi32, #tpu.memory_space<vmem>>
      %dma_wait3A_365 = arith.constant 0 : i32
      %dma_wait3A_366 = arith.constant 0 : i32
      %dma_wait3A_367 = tpu.memref_slice %arg4[%dma_wait3A_365, %dma_wait3A_366] : memref<10000x128xf32, #tpu.memory_space<hbm>> -> memref<10000x128xf32, #tpu.memory_space<hbm>>
      %dma_wait3A_368 = tpu.memref_slice %arg10[%dma_wait3A_357] : memref<4x!tpu.dma_semaphore, #tpu.memory_space<semaphore_mem>> -> memref<1x!tpu.dma_semaphore, #tpu.memory_space<semaphore_mem>>
      %dma_wait3A_369 = tpu.memref_squeeze %dma_wait3A_368 : memref<1x!tpu.dma_semaphore, #tpu.memory_space<semaphore_mem>> -> memref<!tpu.dma_semaphore, #tpu.memory_space<semaphore_mem>>
      tpu.wait_indirect_dma semaphore(%dma_wait3A_369 : memref<!tpu.dma_semaphore, #tpu.memory_space<semaphore_mem>>) src(%dma_wait3A_367 : memref<10000x128xf32, #tpu.memory_space<hbm>>) dst(%dma_wait3A_361 : memref<80x128xf32, #tpu.memory_space<vmem>>)
      %add3A_370 = arith.constant 4 : i32
      %add3A_371 = arith.addi %add3A_354, %add3A_370 : i32
      %lt3A_372 = arith.constant 125 : i32
      %lt3A_373 = arith.cmpi slt, %add3A_371, %lt3A_372 : i32
      %convert_element_type3A_374 = arith.extui %lt3A_373 : i1 to i32
      %cond3A_375 = arith.constant 0 : i32
      %cond3A_376 = arith.cmpi ne, %convert_element_type3A_374, %cond3A_375 : i32
      scf.if %cond3A_376 {
        %add3A_564 = arith.constant 4 : i32
        %add3A_565 = arith.addi %add3A_354, %add3A_564 : i32
        %dma_start3A_566 = arith.constant 0 : i32
        %dma_start3A_567 = arith.constant 1 : i32
        %dma_start3A_568 = arith.constant 1 : i32
        %dma_start3A_569 = arith.constant 0 : i32
        %dma_start3A_570 = tpu.memref_slice %arg7[%dma_start3A_567, %dma_start3A_569] : memref<4x80xi32, #tpu.memory_space<vmem>> -> memref<1x80xi32, #tpu.memory_space<vmem>>
        %dma_start3A_571 = tpu.memref_squeeze %dma_start3A_570 : memref<1x80xi32, #tpu.memory_space<vmem>> -> memref<80xi32, #tpu.memory_space<vmem>>
        %dma_start3A_572 = arith.constant 0 : i32
        %dma_start3A_573 = tpu.memref_slice %arg2[%add3A, %add3A_565, %dma_start3A_566, %dma_start3A_572] : memref<32x125x1x80xi32, #tpu.memory_space<hbm>> -> memref<1x1x1x80xi32, #tpu.memory_space<hbm>>
        %dma_start3A_574 = tpu.memref_squeeze %dma_start3A_573 : memref<1x1x1x80xi32, #tpu.memory_space<hbm>> -> memref<80xi32, #tpu.memory_space<hbm>>
        %dma_start3A_575 = tpu.memref_slice %arg12[%dma_start3A_568] : memref<4x!tpu.dma_semaphore, #tpu.memory_space<semaphore_mem>> -> memref<1x!tpu.dma_semaphore, #tpu.memory_space<semaphore_mem>>
        %dma_start3A_576 = tpu.memref_squeeze %dma_start3A_575 : memref<1x!tpu.dma_semaphore, #tpu.memory_space<semaphore_mem>> -> memref<!tpu.dma_semaphore, #tpu.memory_space<semaphore_mem>>
        %dma_start3A_577 = arith.constant 0 : i32
        %dma_start3A_578 = tpu.memref_slice %arg7[%dma_start3A_567, %dma_start3A_577] : memref<4x80xi32, #tpu.memory_space<vmem>> -> memref<1x80xi32, #tpu.memory_space<vmem>>
        %dma_start3A_579 = tpu.memref_squeeze %dma_start3A_578 : memref<1x80xi32, #tpu.memory_space<vmem>> -> memref<80xi32, #tpu.memory_space<vmem>>
        %dma_start3A_580 = arith.constant 0 : i32
        %dma_start3A_581 = tpu.memref_slice %arg2[%add3A, %add3A_565, %dma_start3A_566, %dma_start3A_580] : memref<32x125x1x80xi32, #tpu.memory_space<hbm>> -> memref<1x1x1x80xi32, #tpu.memory_space<hbm>>
        %dma_start3A_582 = tpu.memref_squeeze %dma_start3A_581 : memref<1x1x1x80xi32, #tpu.memory_space<hbm>> -> memref<80xi32, #tpu.memory_space<hbm>>
        tpu.enqueue_dma source(%dma_start3A_582 : memref<80xi32, #tpu.memory_space<hbm>>) target(%dma_start3A_579 : memref<80xi32, #tpu.memory_space<vmem>>) target_semaphore(%dma_start3A_576 : memref<!tpu.dma_semaphore, #tpu.memory_space<semaphore_mem>>)
      } else {
      }
      %dma_wait3A_377 = arith.constant 0 : i32
      %dma_wait3A_378 = arith.constant 0 : i32
      %dma_wait3A_379 = arith.constant 1 : i32
      %dma_wait3A_380 = arith.constant 1 : i32
      %dma_wait3A_381 = arith.constant 0 : i32
      %dma_wait3A_382 = tpu.memref_slice %arg8[%dma_wait3A_379, %dma_wait3A_381] : memref<4x80xi32, #tpu.memory_space<vmem>> -> memref<1x80xi32, #tpu.memory_space<vmem>>
      %dma_wait3A_383 = tpu.memref_squeeze %dma_wait3A_382 : memref<1x80xi32, #tpu.memory_space<vmem>> -> memref<80xi32, #tpu.memory_space<vmem>>
      %dma_wait3A_384 = arith.constant 0 : i32
      %dma_wait3A_385 = tpu.memref_slice %arg3[%add3A, %dma_wait3A_377, %dma_wait3A_378, %dma_wait3A_384] : memref<32x125x1x80xi32, #tpu.memory_space<hbm>> -> memref<1x1x1x80xi32, #tpu.memory_space<hbm>>
      %dma_wait3A_386 = tpu.memref_squeeze %dma_wait3A_385 : memref<1x1x1x80xi32, #tpu.memory_space<hbm>> -> memref<80xi32, #tpu.memory_space<hbm>>
      %dma_wait3A_387 = tpu.memref_slice %arg13[%dma_wait3A_380] : memref<4x!tpu.dma_semaphore, #tpu.memory_space<semaphore_mem>> -> memref<1x!tpu.dma_semaphore, #tpu.memory_space<semaphore_mem>>
      %dma_wait3A_388 = tpu.memref_squeeze %dma_wait3A_387 : memref<1x!tpu.dma_semaphore, #tpu.memory_space<semaphore_mem>> -> memref<!tpu.dma_semaphore, #tpu.memory_space<semaphore_mem>>
      %dma_wait3A_389 = arith.constant 0 : i32
      %dma_wait3A_390 = tpu.memref_slice %arg8[%dma_wait3A_379, %dma_wait3A_389] : memref<4x80xi32, #tpu.memory_space<vmem>> -> memref<1x80xi32, #tpu.memory_space<vmem>>
      %dma_wait3A_391 = tpu.memref_squeeze %dma_wait3A_390 : memref<1x80xi32, #tpu.memory_space<vmem>> -> memref<80xi32, #tpu.memory_space<vmem>>
      %dma_wait3A_392 = arith.constant 0 : i32
      %dma_wait3A_393 = tpu.memref_slice %arg3[%add3A, %dma_wait3A_377, %dma_wait3A_378, %dma_wait3A_392] : memref<32x125x1x80xi32, #tpu.memory_space<hbm>> -> memref<1x1x1x80xi32, #tpu.memory_space<hbm>>
      %dma_wait3A_394 = tpu.memref_squeeze %dma_wait3A_393 : memref<1x1x1x80xi32, #tpu.memory_space<hbm>> -> memref<80xi32, #tpu.memory_space<hbm>>
      tpu.wait_dma2 semaphore(%dma_wait3A_388 : memref<!tpu.dma_semaphore, #tpu.memory_space<semaphore_mem>>) src(%dma_wait3A_394 : memref<80xi32, #tpu.memory_space<hbm>>) dst(%dma_wait3A_391 : memref<80xi32, #tpu.memory_space<vmem>>)
      %dma_start3A_395 = arith.constant 1 : i32
      %dma_start3A_396 = arith.constant 1 : i32
      %dma_start3A_397 = arith.constant 1 : i32
      %dma_start3A_398 = arith.constant 0 : i32
      %dma_start3A_399 = arith.constant 0 : i32
      %dma_start3A_400 = tpu.memref_slice %arg9[%dma_start3A_395, %dma_start3A_398, %dma_start3A_399] : memref<4x80x128xf32, #tpu.memory_space<vmem>> -> memref<1x80x128xf32, #tpu.memory_space<vmem>>
      %dma_start3A_401 = tpu.memref_squeeze %dma_start3A_400 : memref<1x80x128xf32, #tpu.memory_space<vmem>> -> memref<80x128xf32, #tpu.memory_space<vmem>>
      %dma_start3A_402 = arith.constant 0 : i32
      %dma_start3A_403 = tpu.memref_slice %arg8[%dma_start3A_396, %dma_start3A_402] : memref<4x80xi32, #tpu.memory_space<vmem>> -> memref<1x80xi32, #tpu.memory_space<vmem>>
      %dma_start3A_404 = tpu.memref_squeeze %dma_start3A_403 : memref<1x80xi32, #tpu.memory_space<vmem>> -> memref<80xi32, #tpu.memory_space<vmem>>
      %dma_start3A_405 = arith.constant 0 : i32
      %dma_start3A_406 = arith.constant 0 : i32
      %dma_start3A_407 = tpu.memref_slice %arg14[%dma_start3A_405, %dma_start3A_406] : memref<10240x128xf32, #tpu.memory_space<vmem_shared>> -> memref<10240x128xf32, #tpu.memory_space<vmem_shared>>
      %dma_start3A_408 = tpu.memref_slice %arg11[%dma_start3A_397] : memref<4x!tpu.dma_semaphore, #tpu.memory_space<semaphore_mem>> -> memref<1x!tpu.dma_semaphore, #tpu.memory_space<semaphore_mem>>
      %dma_start3A_409 = tpu.memref_squeeze %dma_start3A_408 : memref<1x!tpu.dma_semaphore, #tpu.memory_space<semaphore_mem>> -> memref<!tpu.dma_semaphore, #tpu.memory_space<semaphore_mem>>
      tpu.enqueue_indirect_dma source(%dma_start3A_401 : memref<80x128xf32, #tpu.memory_space<vmem>>) target(%dma_start3A_407 : memref<10240x128xf32, #tpu.memory_space<vmem_shared>>) offsets(%dma_start3A_404 : memref<80xi32, #tpu.memory_space<vmem>>) semaphore(%dma_start3A_409 : memref<!tpu.dma_semaphore, #tpu.memory_space<semaphore_mem>>) {add = true}
      %ge3A_410 = arith.constant 2 : i32
      %ge3A_411 = arith.cmpi sge, %add3A_354, %ge3A_410 : i32
      %convert_element_type3A_412 = arith.extui %ge3A_411 : i1 to i32
      %cond3A_413 = arith.constant 0 : i32
      %cond3A_414 = arith.cmpi ne, %convert_element_type3A_412, %cond3A_413 : i32
      scf.if %cond3A_414 {
        %dma_wait3A_564 = arith.constant 3 : i32
        %dma_wait3A_565 = arith.constant 3 : i32
        %dma_wait3A_566 = arith.constant 3 : i32
        %dma_wait3A_567 = arith.constant 0 : i32
        %dma_wait3A_568 = arith.constant 0 : i32
        %dma_wait3A_569 = tpu.memref_slice %arg9[%dma_wait3A_564, %dma_wait3A_567, %dma_wait3A_568] : memref<4x80x128xf32, #tpu.memory_space<vmem>> -> memref<1x80x128xf32, #tpu.memory_space<vmem>>
        %dma_wait3A_570 = tpu.memref_squeeze %dma_wait3A_569 : memref<1x80x128xf32, #tpu.memory_space<vmem>> -> memref<80x128xf32, #tpu.memory_space<vmem>>
        %dma_wait3A_571 = arith.constant 0 : i32
        %dma_wait3A_572 = tpu.memref_slice %arg8[%dma_wait3A_565, %dma_wait3A_571] : memref<4x80xi32, #tpu.memory_space<vmem>> -> memref<1x80xi32, #tpu.memory_space<vmem>>
        %dma_wait3A_573 = tpu.memref_squeeze %dma_wait3A_572 : memref<1x80xi32, #tpu.memory_space<vmem>> -> memref<80xi32, #tpu.memory_space<vmem>>
        %dma_wait3A_574 = arith.constant 0 : i32
        %dma_wait3A_575 = arith.constant 0 : i32
        %dma_wait3A_576 = tpu.memref_slice %arg14[%dma_wait3A_574, %dma_wait3A_575] : memref<10240x128xf32, #tpu.memory_space<vmem_shared>> -> memref<10240x128xf32, #tpu.memory_space<vmem_shared>>
        %dma_wait3A_577 = tpu.memref_slice %arg11[%dma_wait3A_566] : memref<4x!tpu.dma_semaphore, #tpu.memory_space<semaphore_mem>> -> memref<1x!tpu.dma_semaphore, #tpu.memory_space<semaphore_mem>>
        %dma_wait3A_578 = tpu.memref_squeeze %dma_wait3A_577 : memref<1x!tpu.dma_semaphore, #tpu.memory_space<semaphore_mem>> -> memref<!tpu.dma_semaphore, #tpu.memory_space<semaphore_mem>>
        tpu.wait_indirect_dma semaphore(%dma_wait3A_578 : memref<!tpu.dma_semaphore, #tpu.memory_space<semaphore_mem>>) src(%dma_wait3A_570 : memref<80x128xf32, #tpu.memory_space<vmem>>) dst(%dma_wait3A_576 : memref<10240x128xf32, #tpu.memory_space<vmem_shared>>)
      } else {
      }
      %add3A_415 = arith.constant 2 : i32
      %add3A_416 = arith.addi %add3A_354, %add3A_415 : i32
      %lt3A_417 = arith.constant 125 : i32
      %lt3A_418 = arith.cmpi slt, %add3A_416, %lt3A_417 : i32
      %convert_element_type3A_419 = arith.extui %lt3A_418 : i1 to i32
      %cond3A_420 = arith.constant 0 : i32
      %cond3A_421 = arith.cmpi ne, %convert_element_type3A_419, %cond3A_420 : i32
      scf.if %cond3A_421 {
        %add3A_564 = arith.constant 2 : i32
        %add3A_565 = arith.addi %add3A_354, %add3A_564 : i32
        %dma_start3A_566 = arith.constant 0 : i32
        %dma_start3A_567 = arith.constant 3 : i32
        %dma_start3A_568 = arith.constant 3 : i32
        %dma_start3A_569 = arith.constant 0 : i32
        %dma_start3A_570 = tpu.memref_slice %arg8[%dma_start3A_567, %dma_start3A_569] : memref<4x80xi32, #tpu.memory_space<vmem>> -> memref<1x80xi32, #tpu.memory_space<vmem>>
        %dma_start3A_571 = tpu.memref_squeeze %dma_start3A_570 : memref<1x80xi32, #tpu.memory_space<vmem>> -> memref<80xi32, #tpu.memory_space<vmem>>
        %dma_start3A_572 = arith.constant 0 : i32
        %dma_start3A_573 = tpu.memref_slice %arg3[%add3A, %add3A_565, %dma_start3A_566, %dma_start3A_572] : memref<32x125x1x80xi32, #tpu.memory_space<hbm>> -> memref<1x1x1x80xi32, #tpu.memory_space<hbm>>
        %dma_start3A_574 = tpu.memref_squeeze %dma_start3A_573 : memref<1x1x1x80xi32, #tpu.memory_space<hbm>> -> memref<80xi32, #tpu.memory_space<hbm>>
        %dma_start3A_575 = tpu.memref_slice %arg13[%dma_start3A_568] : memref<4x!tpu.dma_semaphore, #tpu.memory_space<semaphore_mem>> -> memref<1x!tpu.dma_semaphore, #tpu.memory_space<semaphore_mem>>
        %dma_start3A_576 = tpu.memref_squeeze %dma_start3A_575 : memref<1x!tpu.dma_semaphore, #tpu.memory_space<semaphore_mem>> -> memref<!tpu.dma_semaphore, #tpu.memory_space<semaphore_mem>>
        %dma_start3A_577 = arith.constant 0 : i32
        %dma_start3A_578 = tpu.memref_slice %arg8[%dma_start3A_567, %dma_start3A_577] : memref<4x80xi32, #tpu.memory_space<vmem>> -> memref<1x80xi32, #tpu.memory_space<vmem>>
        %dma_start3A_579 = tpu.memref_squeeze %dma_start3A_578 : memref<1x80xi32, #tpu.memory_space<vmem>> -> memref<80xi32, #tpu.memory_space<vmem>>
        %dma_start3A_580 = arith.constant 0 : i32
        %dma_start3A_581 = tpu.memref_slice %arg3[%add3A, %add3A_565, %dma_start3A_566, %dma_start3A_580] : memref<32x125x1x80xi32, #tpu.memory_space<hbm>> -> memref<1x1x1x80xi32, #tpu.memory_space<hbm>>
        %dma_start3A_582 = tpu.memref_squeeze %dma_start3A_581 : memref<1x1x1x80xi32, #tpu.memory_space<hbm>> -> memref<80xi32, #tpu.memory_space<hbm>>
        tpu.enqueue_dma source(%dma_start3A_582 : memref<80xi32, #tpu.memory_space<hbm>>) target(%dma_start3A_579 : memref<80xi32, #tpu.memory_space<vmem>>) target_semaphore(%dma_start3A_576 : memref<!tpu.dma_semaphore, #tpu.memory_space<semaphore_mem>>)
        %dma_wait3A_583 = arith.constant 0 : i32
        %dma_wait3A_584 = arith.constant 0 : i32
        %dma_wait3A_585 = arith.constant 3 : i32
        %dma_wait3A_586 = arith.constant 3 : i32
        %dma_wait3A_587 = arith.constant 0 : i32
        %dma_wait3A_588 = tpu.memref_slice %arg7[%dma_wait3A_585, %dma_wait3A_587] : memref<4x80xi32, #tpu.memory_space<vmem>> -> memref<1x80xi32, #tpu.memory_space<vmem>>
        %dma_wait3A_589 = tpu.memref_squeeze %dma_wait3A_588 : memref<1x80xi32, #tpu.memory_space<vmem>> -> memref<80xi32, #tpu.memory_space<vmem>>
        %dma_wait3A_590 = arith.constant 0 : i32
        %dma_wait3A_591 = tpu.memref_slice %arg2[%add3A, %dma_wait3A_583, %dma_wait3A_584, %dma_wait3A_590] : memref<32x125x1x80xi32, #tpu.memory_space<hbm>> -> memref<1x1x1x80xi32, #tpu.memory_space<hbm>>
        %dma_wait3A_592 = tpu.memref_squeeze %dma_wait3A_591 : memref<1x1x1x80xi32, #tpu.memory_space<hbm>> -> memref<80xi32, #tpu.memory_space<hbm>>
        %dma_wait3A_593 = tpu.memref_slice %arg12[%dma_wait3A_586] : memref<4x!tpu.dma_semaphore, #tpu.memory_space<semaphore_mem>> -> memref<1x!tpu.dma_semaphore, #tpu.memory_space<semaphore_mem>>
        %dma_wait3A_594 = tpu.memref_squeeze %dma_wait3A_593 : memref<1x!tpu.dma_semaphore, #tpu.memory_space<semaphore_mem>> -> memref<!tpu.dma_semaphore, #tpu.memory_space<semaphore_mem>>
        %dma_wait3A_595 = arith.constant 0 : i32
        %dma_wait3A_596 = tpu.memref_slice %arg7[%dma_wait3A_585, %dma_wait3A_595] : memref<4x80xi32, #tpu.memory_space<vmem>> -> memref<1x80xi32, #tpu.memory_space<vmem>>
        %dma_wait3A_597 = tpu.memref_squeeze %dma_wait3A_596 : memref<1x80xi32, #tpu.memory_space<vmem>> -> memref<80xi32, #tpu.memory_space<vmem>>
        %dma_wait3A_598 = arith.constant 0 : i32
        %dma_wait3A_599 = tpu.memref_slice %arg2[%add3A, %dma_wait3A_583, %dma_wait3A_584, %dma_wait3A_598] : memref<32x125x1x80xi32, #tpu.memory_space<hbm>> -> memref<1x1x1x80xi32, #tpu.memory_space<hbm>>
        %dma_wait3A_600 = tpu.memref_squeeze %dma_wait3A_599 : memref<1x1x1x80xi32, #tpu.memory_space<hbm>> -> memref<80xi32, #tpu.memory_space<hbm>>
        tpu.wait_dma2 semaphore(%dma_wait3A_594 : memref<!tpu.dma_semaphore, #tpu.memory_space<semaphore_mem>>) src(%dma_wait3A_600 : memref<80xi32, #tpu.memory_space<hbm>>) dst(%dma_wait3A_597 : memref<80xi32, #tpu.memory_space<vmem>>)
        %dma_start3A_601 = arith.constant 3 : i32
        %dma_start3A_602 = arith.constant 3 : i32
        %dma_start3A_603 = arith.constant 3 : i32
        %dma_start3A_604 = arith.constant 0 : i32
        %dma_start3A_605 = arith.constant 0 : i32
        %dma_start3A_606 = tpu.memref_slice %arg9[%dma_start3A_602, %dma_start3A_604, %dma_start3A_605] : memref<4x80x128xf32, #tpu.memory_space<vmem>> -> memref<1x80x128xf32, #tpu.memory_space<vmem>>
        %dma_start3A_607 = tpu.memref_squeeze %dma_start3A_606 : memref<1x80x128xf32, #tpu.memory_space<vmem>> -> memref<80x128xf32, #tpu.memory_space<vmem>>
        %dma_start3A_608 = arith.constant 0 : i32
        %dma_start3A_609 = tpu.memref_slice %arg7[%dma_start3A_601, %dma_start3A_608] : memref<4x80xi32, #tpu.memory_space<vmem>> -> memref<1x80xi32, #tpu.memory_space<vmem>>
        %dma_start3A_610 = tpu.memref_squeeze %dma_start3A_609 : memref<1x80xi32, #tpu.memory_space<vmem>> -> memref<80xi32, #tpu.memory_space<vmem>>
        %dma_start3A_611 = arith.constant 0 : i32
        %dma_start3A_612 = arith.constant 0 : i32
        %dma_start3A_613 = tpu.memref_slice %arg4[%dma_start3A_611, %dma_start3A_612] : memref<10000x128xf32, #tpu.memory_space<hbm>> -> memref<10000x128xf32, #tpu.memory_space<hbm>>
        %dma_start3A_614 = tpu.memref_slice %arg10[%dma_start3A_603] : memref<4x!tpu.dma_semaphore, #tpu.memory_space<semaphore_mem>> -> memref<1x!tpu.dma_semaphore, #tpu.memory_space<semaphore_mem>>
        %dma_start3A_615 = tpu.memref_squeeze %dma_start3A_614 : memref<1x!tpu.dma_semaphore, #tpu.memory_space<semaphore_mem>> -> memref<!tpu.dma_semaphore, #tpu.memory_space<semaphore_mem>>
        tpu.enqueue_indirect_dma source(%dma_start3A_613 : memref<10000x128xf32, #tpu.memory_space<hbm>>) target(%dma_start3A_607 : memref<80x128xf32, #tpu.memory_space<vmem>>) offsets(%dma_start3A_610 : memref<80xi32, #tpu.memory_space<vmem>>) semaphore(%dma_start3A_615 : memref<!tpu.dma_semaphore, #tpu.memory_space<semaphore_mem>>)
      } else {
      }
      %mul3A_422 = arith.constant 4 : i32
      %mul3A_423 = arith.muli %mul3A_422, %add3A_281 : i32
      %add3A_424 = arith.constant 2 : i32
      %add3A_425 = arith.addi %mul3A_423, %add3A_424 : i32
      %dma_wait3A_426 = arith.constant 2 : i32
      %dma_wait3A_427 = arith.constant 2 : i32
      %dma_wait3A_428 = arith.constant 2 : i32
      %dma_wait3A_429 = arith.constant 0 : i32
      %dma_wait3A_430 = arith.constant 0 : i32
      %dma_wait3A_431 = tpu.memref_slice %arg9[%dma_wait3A_427, %dma_wait3A_429, %dma_wait3A_430] : memref<4x80x128xf32, #tpu.memory_space<vmem>> -> memref<1x80x128xf32, #tpu.memory_space<vmem>>
      %dma_wait3A_432 = tpu.memref_squeeze %dma_wait3A_431 : memref<1x80x128xf32, #tpu.memory_space<vmem>> -> memref<80x128xf32, #tpu.memory_space<vmem>>
      %dma_wait3A_433 = arith.constant 0 : i32
      %dma_wait3A_434 = tpu.memref_slice %arg7[%dma_wait3A_426, %dma_wait3A_433] : memref<4x80xi32, #tpu.memory_space<vmem>> -> memref<1x80xi32, #tpu.memory_space<vmem>>
      %dma_wait3A_435 = tpu.memref_squeeze %dma_wait3A_434 : memref<1x80xi32, #tpu.memory_space<vmem>> -> memref<80xi32, #tpu.memory_space<vmem>>
      %dma_wait3A_436 = arith.constant 0 : i32
      %dma_wait3A_437 = arith.constant 0 : i32
      %dma_wait3A_438 = tpu.memref_slice %arg4[%dma_wait3A_436, %dma_wait3A_437] : memref<10000x128xf32, #tpu.memory_space<hbm>> -> memref<10000x128xf32, #tpu.memory_space<hbm>>
      %dma_wait3A_439 = tpu.memref_slice %arg10[%dma_wait3A_428] : memref<4x!tpu.dma_semaphore, #tpu.memory_space<semaphore_mem>> -> memref<1x!tpu.dma_semaphore, #tpu.memory_space<semaphore_mem>>
      %dma_wait3A_440 = tpu.memref_squeeze %dma_wait3A_439 : memref<1x!tpu.dma_semaphore, #tpu.memory_space<semaphore_mem>> -> memref<!tpu.dma_semaphore, #tpu.memory_space<semaphore_mem>>
      tpu.wait_indirect_dma semaphore(%dma_wait3A_440 : memref<!tpu.dma_semaphore, #tpu.memory_space<semaphore_mem>>) src(%dma_wait3A_438 : memref<10000x128xf32, #tpu.memory_space<hbm>>) dst(%dma_wait3A_432 : memref<80x128xf32, #tpu.memory_space<vmem>>)
      %add3A_441 = arith.constant 4 : i32
      %add3A_442 = arith.addi %add3A_425, %add3A_441 : i32
      %lt3A_443 = arith.constant 125 : i32
      %lt3A_444 = arith.cmpi slt, %add3A_442, %lt3A_443 : i32
      %convert_element_type3A_445 = arith.extui %lt3A_444 : i1 to i32
      %cond3A_446 = arith.constant 0 : i32
      %cond3A_447 = arith.cmpi ne, %convert_element_type3A_445, %cond3A_446 : i32
      scf.if %cond3A_447 {
        %add3A_564 = arith.constant 4 : i32
        %add3A_565 = arith.addi %add3A_425, %add3A_564 : i32
        %dma_start3A_566 = arith.constant 0 : i32
        %dma_start3A_567 = arith.constant 2 : i32
        %dma_start3A_568 = arith.constant 2 : i32
        %dma_start3A_569 = arith.constant 0 : i32
        %dma_start3A_570 = tpu.memref_slice %arg7[%dma_start3A_567, %dma_start3A_569] : memref<4x80xi32, #tpu.memory_space<vmem>> -> memref<1x80xi32, #tpu.memory_space<vmem>>
        %dma_start3A_571 = tpu.memref_squeeze %dma_start3A_570 : memref<1x80xi32, #tpu.memory_space<vmem>> -> memref<80xi32, #tpu.memory_space<vmem>>
        %dma_start3A_572 = arith.constant 0 : i32
        %dma_start3A_573 = tpu.memref_slice %arg2[%add3A, %add3A_565, %dma_start3A_566, %dma_start3A_572] : memref<32x125x1x80xi32, #tpu.memory_space<hbm>> -> memref<1x1x1x80xi32, #tpu.memory_space<hbm>>
        %dma_start3A_574 = tpu.memref_squeeze %dma_start3A_573 : memref<1x1x1x80xi32, #tpu.memory_space<hbm>> -> memref<80xi32, #tpu.memory_space<hbm>>
        %dma_start3A_575 = tpu.memref_slice %arg12[%dma_start3A_568] : memref<4x!tpu.dma_semaphore, #tpu.memory_space<semaphore_mem>> -> memref<1x!tpu.dma_semaphore, #tpu.memory_space<semaphore_mem>>
        %dma_start3A_576 = tpu.memref_squeeze %dma_start3A_575 : memref<1x!tpu.dma_semaphore, #tpu.memory_space<semaphore_mem>> -> memref<!tpu.dma_semaphore, #tpu.memory_space<semaphore_mem>>
        %dma_start3A_577 = arith.constant 0 : i32
        %dma_start3A_578 = tpu.memref_slice %arg7[%dma_start3A_567, %dma_start3A_577] : memref<4x80xi32, #tpu.memory_space<vmem>> -> memref<1x80xi32, #tpu.memory_space<vmem>>
        %dma_start3A_579 = tpu.memref_squeeze %dma_start3A_578 : memref<1x80xi32, #tpu.memory_space<vmem>> -> memref<80xi32, #tpu.memory_space<vmem>>
        %dma_start3A_580 = arith.constant 0 : i32
        %dma_start3A_581 = tpu.memref_slice %arg2[%add3A, %add3A_565, %dma_start3A_566, %dma_start3A_580] : memref<32x125x1x80xi32, #tpu.memory_space<hbm>> -> memref<1x1x1x80xi32, #tpu.memory_space<hbm>>
        %dma_start3A_582 = tpu.memref_squeeze %dma_start3A_581 : memref<1x1x1x80xi32, #tpu.memory_space<hbm>> -> memref<80xi32, #tpu.memory_space<hbm>>
        tpu.enqueue_dma source(%dma_start3A_582 : memref<80xi32, #tpu.memory_space<hbm>>) target(%dma_start3A_579 : memref<80xi32, #tpu.memory_space<vmem>>) target_semaphore(%dma_start3A_576 : memref<!tpu.dma_semaphore, #tpu.memory_space<semaphore_mem>>)
      } else {
      }
      %dma_wait3A_448 = arith.constant 0 : i32
      %dma_wait3A_449 = arith.constant 0 : i32
      %dma_wait3A_450 = arith.constant 2 : i32
      %dma_wait3A_451 = arith.constant 2 : i32
      %dma_wait3A_452 = arith.constant 0 : i32
      %dma_wait3A_453 = tpu.memref_slice %arg8[%dma_wait3A_450, %dma_wait3A_452] : memref<4x80xi32, #tpu.memory_space<vmem>> -> memref<1x80xi32, #tpu.memory_space<vmem>>
      %dma_wait3A_454 = tpu.memref_squeeze %dma_wait3A_453 : memref<1x80xi32, #tpu.memory_space<vmem>> -> memref<80xi32, #tpu.memory_space<vmem>>
      %dma_wait3A_455 = arith.constant 0 : i32
      %dma_wait3A_456 = tpu.memref_slice %arg3[%add3A, %dma_wait3A_448, %dma_wait3A_449, %dma_wait3A_455] : memref<32x125x1x80xi32, #tpu.memory_space<hbm>> -> memref<1x1x1x80xi32, #tpu.memory_space<hbm>>
      %dma_wait3A_457 = tpu.memref_squeeze %dma_wait3A_456 : memref<1x1x1x80xi32, #tpu.memory_space<hbm>> -> memref<80xi32, #tpu.memory_space<hbm>>
      %dma_wait3A_458 = tpu.memref_slice %arg13[%dma_wait3A_451] : memref<4x!tpu.dma_semaphore, #tpu.memory_space<semaphore_mem>> -> memref<1x!tpu.dma_semaphore, #tpu.memory_space<semaphore_mem>>
      %dma_wait3A_459 = tpu.memref_squeeze %dma_wait3A_458 : memref<1x!tpu.dma_semaphore, #tpu.memory_space<semaphore_mem>> -> memref<!tpu.dma_semaphore, #tpu.memory_space<semaphore_mem>>
      %dma_wait3A_460 = arith.constant 0 : i32
      %dma_wait3A_461 = tpu.memref_slice %arg8[%dma_wait3A_450, %dma_wait3A_460] : memref<4x80xi32, #tpu.memory_space<vmem>> -> memref<1x80xi32, #tpu.memory_space<vmem>>
      %dma_wait3A_462 = tpu.memref_squeeze %dma_wait3A_461 : memref<1x80xi32, #tpu.memory_space<vmem>> -> memref<80xi32, #tpu.memory_space<vmem>>
      %dma_wait3A_463 = arith.constant 0 : i32
      %dma_wait3A_464 = tpu.memref_slice %arg3[%add3A, %dma_wait3A_448, %dma_wait3A_449, %dma_wait3A_463] : memref<32x125x1x80xi32, #tpu.memory_space<hbm>> -> memref<1x1x1x80xi32, #tpu.memory_space<hbm>>
      %dma_wait3A_465 = tpu.memref_squeeze %dma_wait3A_464 : memref<1x1x1x80xi32, #tpu.memory_space<hbm>> -> memref<80xi32, #tpu.memory_space<hbm>>
      tpu.wait_dma2 semaphore(%dma_wait3A_459 : memref<!tpu.dma_semaphore, #tpu.memory_space<semaphore_mem>>) src(%dma_wait3A_465 : memref<80xi32, #tpu.memory_space<hbm>>) dst(%dma_wait3A_462 : memref<80xi32, #tpu.memory_space<vmem>>)
      %dma_start3A_466 = arith.constant 2 : i32
      %dma_start3A_467 = arith.constant 2 : i32
      %dma_start3A_468 = arith.constant 2 : i32
      %dma_start3A_469 = arith.constant 0 : i32
      %dma_start3A_470 = arith.constant 0 : i32
      %dma_start3A_471 = tpu.memref_slice %arg9[%dma_start3A_466, %dma_start3A_469, %dma_start3A_470] : memref<4x80x128xf32, #tpu.memory_space<vmem>> -> memref<1x80x128xf32, #tpu.memory_space<vmem>>
      %dma_start3A_472 = tpu.memref_squeeze %dma_start3A_471 : memref<1x80x128xf32, #tpu.memory_space<vmem>> -> memref<80x128xf32, #tpu.memory_space<vmem>>
      %dma_start3A_473 = arith.constant 0 : i32
      %dma_start3A_474 = tpu.memref_slice %arg8[%dma_start3A_467, %dma_start3A_473] : memref<4x80xi32, #tpu.memory_space<vmem>> -> memref<1x80xi32, #tpu.memory_space<vmem>>
      %dma_start3A_475 = tpu.memref_squeeze %dma_start3A_474 : memref<1x80xi32, #tpu.memory_space<vmem>> -> memref<80xi32, #tpu.memory_space<vmem>>
      %dma_start3A_476 = arith.constant 0 : i32
      %dma_start3A_477 = arith.constant 0 : i32
      %dma_start3A_478 = tpu.memref_slice %arg14[%dma_start3A_476, %dma_start3A_477] : memref<10240x128xf32, #tpu.memory_space<vmem_shared>> -> memref<10240x128xf32, #tpu.memory_space<vmem_shared>>
      %dma_start3A_479 = tpu.memref_slice %arg11[%dma_start3A_468] : memref<4x!tpu.dma_semaphore, #tpu.memory_space<semaphore_mem>> -> memref<1x!tpu.dma_semaphore, #tpu.memory_space<semaphore_mem>>
      %dma_start3A_480 = tpu.memref_squeeze %dma_start3A_479 : memref<1x!tpu.dma_semaphore, #tpu.memory_space<semaphore_mem>> -> memref<!tpu.dma_semaphore, #tpu.memory_space<semaphore_mem>>
      tpu.enqueue_indirect_dma source(%dma_start3A_472 : memref<80x128xf32, #tpu.memory_space<vmem>>) target(%dma_start3A_478 : memref<10240x128xf32, #tpu.memory_space<vmem_shared>>) offsets(%dma_start3A_475 : memref<80xi32, #tpu.memory_space<vmem>>) semaphore(%dma_start3A_480 : memref<!tpu.dma_semaphore, #tpu.memory_space<semaphore_mem>>) {add = true}
      %ge3A_481 = arith.constant 2 : i32
      %ge3A_482 = arith.cmpi sge, %add3A_425, %ge3A_481 : i32
      %convert_element_type3A_483 = arith.extui %ge3A_482 : i1 to i32
      %cond3A_484 = arith.constant 0 : i32
      %cond3A_485 = arith.cmpi ne, %convert_element_type3A_483, %cond3A_484 : i32
      scf.if %cond3A_485 {
        %dma_wait3A_564 = arith.constant 0 : i32
        %dma_wait3A_565 = arith.constant 0 : i32
        %dma_wait3A_566 = arith.constant 0 : i32
        %dma_wait3A_567 = arith.constant 0 : i32
        %dma_wait3A_568 = arith.constant 0 : i32
        %dma_wait3A_569 = tpu.memref_slice %arg9[%dma_wait3A_564, %dma_wait3A_567, %dma_wait3A_568] : memref<4x80x128xf32, #tpu.memory_space<vmem>> -> memref<1x80x128xf32, #tpu.memory_space<vmem>>
        %dma_wait3A_570 = tpu.memref_squeeze %dma_wait3A_569 : memref<1x80x128xf32, #tpu.memory_space<vmem>> -> memref<80x128xf32, #tpu.memory_space<vmem>>
        %dma_wait3A_571 = arith.constant 0 : i32
        %dma_wait3A_572 = tpu.memref_slice %arg8[%dma_wait3A_565, %dma_wait3A_571] : memref<4x80xi32, #tpu.memory_space<vmem>> -> memref<1x80xi32, #tpu.memory_space<vmem>>
        %dma_wait3A_573 = tpu.memref_squeeze %dma_wait3A_572 : memref<1x80xi32, #tpu.memory_space<vmem>> -> memref<80xi32, #tpu.memory_space<vmem>>
        %dma_wait3A_574 = arith.constant 0 : i32
        %dma_wait3A_575 = arith.constant 0 : i32
        %dma_wait3A_576 = tpu.memref_slice %arg14[%dma_wait3A_574, %dma_wait3A_575] : memref<10240x128xf32, #tpu.memory_space<vmem_shared>> -> memref<10240x128xf32, #tpu.memory_space<vmem_shared>>
        %dma_wait3A_577 = tpu.memref_slice %arg11[%dma_wait3A_566] : memref<4x!tpu.dma_semaphore, #tpu.memory_space<semaphore_mem>> -> memref<1x!tpu.dma_semaphore, #tpu.memory_space<semaphore_mem>>
        %dma_wait3A_578 = tpu.memref_squeeze %dma_wait3A_577 : memref<1x!tpu.dma_semaphore, #tpu.memory_space<semaphore_mem>> -> memref<!tpu.dma_semaphore, #tpu.memory_space<semaphore_mem>>
        tpu.wait_indirect_dma semaphore(%dma_wait3A_578 : memref<!tpu.dma_semaphore, #tpu.memory_space<semaphore_mem>>) src(%dma_wait3A_570 : memref<80x128xf32, #tpu.memory_space<vmem>>) dst(%dma_wait3A_576 : memref<10240x128xf32, #tpu.memory_space<vmem_shared>>)
      } else {
      }
      %add3A_486 = arith.constant 2 : i32
      %add3A_487 = arith.addi %add3A_425, %add3A_486 : i32
      %lt3A_488 = arith.constant 125 : i32
      %lt3A_489 = arith.cmpi slt, %add3A_487, %lt3A_488 : i32
      %convert_element_type3A_490 = arith.extui %lt3A_489 : i1 to i32
      %cond3A_491 = arith.constant 0 : i32
      %cond3A_492 = arith.cmpi ne, %convert_element_type3A_490, %cond3A_491 : i32
      scf.if %cond3A_492 {
        %add3A_564 = arith.constant 2 : i32
        %add3A_565 = arith.addi %add3A_425, %add3A_564 : i32
        %dma_start3A_566 = arith.constant 0 : i32
        %dma_start3A_567 = arith.constant 0 : i32
        %dma_start3A_568 = arith.constant 0 : i32
        %dma_start3A_569 = arith.constant 0 : i32
        %dma_start3A_570 = tpu.memref_slice %arg8[%dma_start3A_567, %dma_start3A_569] : memref<4x80xi32, #tpu.memory_space<vmem>> -> memref<1x80xi32, #tpu.memory_space<vmem>>
        %dma_start3A_571 = tpu.memref_squeeze %dma_start3A_570 : memref<1x80xi32, #tpu.memory_space<vmem>> -> memref<80xi32, #tpu.memory_space<vmem>>
        %dma_start3A_572 = arith.constant 0 : i32
        %dma_start3A_573 = tpu.memref_slice %arg3[%add3A, %add3A_565, %dma_start3A_566, %dma_start3A_572] : memref<32x125x1x80xi32, #tpu.memory_space<hbm>> -> memref<1x1x1x80xi32, #tpu.memory_space<hbm>>
        %dma_start3A_574 = tpu.memref_squeeze %dma_start3A_573 : memref<1x1x1x80xi32, #tpu.memory_space<hbm>> -> memref<80xi32, #tpu.memory_space<hbm>>
        %dma_start3A_575 = tpu.memref_slice %arg13[%dma_start3A_568] : memref<4x!tpu.dma_semaphore, #tpu.memory_space<semaphore_mem>> -> memref<1x!tpu.dma_semaphore, #tpu.memory_space<semaphore_mem>>
        %dma_start3A_576 = tpu.memref_squeeze %dma_start3A_575 : memref<1x!tpu.dma_semaphore, #tpu.memory_space<semaphore_mem>> -> memref<!tpu.dma_semaphore, #tpu.memory_space<semaphore_mem>>
        %dma_start3A_577 = arith.constant 0 : i32
        %dma_start3A_578 = tpu.memref_slice %arg8[%dma_start3A_567, %dma_start3A_577] : memref<4x80xi32, #tpu.memory_space<vmem>> -> memref<1x80xi32, #tpu.memory_space<vmem>>
        %dma_start3A_579 = tpu.memref_squeeze %dma_start3A_578 : memref<1x80xi32, #tpu.memory_space<vmem>> -> memref<80xi32, #tpu.memory_space<vmem>>
        %dma_start3A_580 = arith.constant 0 : i32
        %dma_start3A_581 = tpu.memref_slice %arg3[%add3A, %add3A_565, %dma_start3A_566, %dma_start3A_580] : memref<32x125x1x80xi32, #tpu.memory_space<hbm>> -> memref<1x1x1x80xi32, #tpu.memory_space<hbm>>
        %dma_start3A_582 = tpu.memref_squeeze %dma_start3A_581 : memref<1x1x1x80xi32, #tpu.memory_space<hbm>> -> memref<80xi32, #tpu.memory_space<hbm>>
        tpu.enqueue_dma source(%dma_start3A_582 : memref<80xi32, #tpu.memory_space<hbm>>) target(%dma_start3A_579 : memref<80xi32, #tpu.memory_space<vmem>>) target_semaphore(%dma_start3A_576 : memref<!tpu.dma_semaphore, #tpu.memory_space<semaphore_mem>>)
        %dma_wait3A_583 = arith.constant 0 : i32
        %dma_wait3A_584 = arith.constant 0 : i32
        %dma_wait3A_585 = arith.constant 0 : i32
        %dma_wait3A_586 = arith.constant 0 : i32
        %dma_wait3A_587 = arith.constant 0 : i32
        %dma_wait3A_588 = tpu.memref_slice %arg7[%dma_wait3A_585, %dma_wait3A_587] : memref<4x80xi32, #tpu.memory_space<vmem>> -> memref<1x80xi32, #tpu.memory_space<vmem>>
        %dma_wait3A_589 = tpu.memref_squeeze %dma_wait3A_588 : memref<1x80xi32, #tpu.memory_space<vmem>> -> memref<80xi32, #tpu.memory_space<vmem>>
        %dma_wait3A_590 = arith.constant 0 : i32
        %dma_wait3A_591 = tpu.memref_slice %arg2[%add3A, %dma_wait3A_583, %dma_wait3A_584, %dma_wait3A_590] : memref<32x125x1x80xi32, #tpu.memory_space<hbm>> -> memref<1x1x1x80xi32, #tpu.memory_space<hbm>>
        %dma_wait3A_592 = tpu.memref_squeeze %dma_wait3A_591 : memref<1x1x1x80xi32, #tpu.memory_space<hbm>> -> memref<80xi32, #tpu.memory_space<hbm>>
        %dma_wait3A_593 = tpu.memref_slice %arg12[%dma_wait3A_586] : memref<4x!tpu.dma_semaphore, #tpu.memory_space<semaphore_mem>> -> memref<1x!tpu.dma_semaphore, #tpu.memory_space<semaphore_mem>>
        %dma_wait3A_594 = tpu.memref_squeeze %dma_wait3A_593 : memref<1x!tpu.dma_semaphore, #tpu.memory_space<semaphore_mem>> -> memref<!tpu.dma_semaphore, #tpu.memory_space<semaphore_mem>>
        %dma_wait3A_595 = arith.constant 0 : i32
        %dma_wait3A_596 = tpu.memref_slice %arg7[%dma_wait3A_585, %dma_wait3A_595] : memref<4x80xi32, #tpu.memory_space<vmem>> -> memref<1x80xi32, #tpu.memory_space<vmem>>
        %dma_wait3A_597 = tpu.memref_squeeze %dma_wait3A_596 : memref<1x80xi32, #tpu.memory_space<vmem>> -> memref<80xi32, #tpu.memory_space<vmem>>
        %dma_wait3A_598 = arith.constant 0 : i32
        %dma_wait3A_599 = tpu.memref_slice %arg2[%add3A, %dma_wait3A_583, %dma_wait3A_584, %dma_wait3A_598] : memref<32x125x1x80xi32, #tpu.memory_space<hbm>> -> memref<1x1x1x80xi32, #tpu.memory_space<hbm>>
        %dma_wait3A_600 = tpu.memref_squeeze %dma_wait3A_599 : memref<1x1x1x80xi32, #tpu.memory_space<hbm>> -> memref<80xi32, #tpu.memory_space<hbm>>
        tpu.wait_dma2 semaphore(%dma_wait3A_594 : memref<!tpu.dma_semaphore, #tpu.memory_space<semaphore_mem>>) src(%dma_wait3A_600 : memref<80xi32, #tpu.memory_space<hbm>>) dst(%dma_wait3A_597 : memref<80xi32, #tpu.memory_space<vmem>>)
        %dma_start3A_601 = arith.constant 0 : i32
        %dma_start3A_602 = arith.constant 0 : i32
        %dma_start3A_603 = arith.constant 0 : i32
        %dma_start3A_604 = arith.constant 0 : i32
        %dma_start3A_605 = arith.constant 0 : i32
        %dma_start3A_606 = tpu.memref_slice %arg9[%dma_start3A_602, %dma_start3A_604, %dma_start3A_605] : memref<4x80x128xf32, #tpu.memory_space<vmem>> -> memref<1x80x128xf32, #tpu.memory_space<vmem>>
        %dma_start3A_607 = tpu.memref_squeeze %dma_start3A_606 : memref<1x80x128xf32, #tpu.memory_space<vmem>> -> memref<80x128xf32, #tpu.memory_space<vmem>>
        %dma_start3A_608 = arith.constant 0 : i32
        %dma_start3A_609 = tpu.memref_slice %arg7[%dma_start3A_601, %dma_start3A_608] : memref<4x80xi32, #tpu.memory_space<vmem>> -> memref<1x80xi32, #tpu.memory_space<vmem>>
        %dma_start3A_610 = tpu.memref_squeeze %dma_start3A_609 : memref<1x80xi32, #tpu.memory_space<vmem>> -> memref<80xi32, #tpu.memory_space<vmem>>
        %dma_start3A_611 = arith.constant 0 : i32
        %dma_start3A_612 = arith.constant 0 : i32
        %dma_start3A_613 = tpu.memref_slice %arg4[%dma_start3A_611, %dma_start3A_612] : memref<10000x128xf32, #tpu.memory_space<hbm>> -> memref<10000x128xf32, #tpu.memory_space<hbm>>
        %dma_start3A_614 = tpu.memref_slice %arg10[%dma_start3A_603] : memref<4x!tpu.dma_semaphore, #tpu.memory_space<semaphore_mem>> -> memref<1x!tpu.dma_semaphore, #tpu.memory_space<semaphore_mem>>
        %dma_start3A_615 = tpu.memref_squeeze %dma_start3A_614 : memref<1x!tpu.dma_semaphore, #tpu.memory_space<semaphore_mem>> -> memref<!tpu.dma_semaphore, #tpu.memory_space<semaphore_mem>>
        tpu.enqueue_indirect_dma source(%dma_start3A_613 : memref<10000x128xf32, #tpu.memory_space<hbm>>) target(%dma_start3A_607 : memref<80x128xf32, #tpu.memory_space<vmem>>) offsets(%dma_start3A_610 : memref<80xi32, #tpu.memory_space<vmem>>) semaphore(%dma_start3A_615 : memref<!tpu.dma_semaphore, #tpu.memory_space<semaphore_mem>>)
      } else {
      }
      %mul3A_493 = arith.constant 4 : i32
      %mul3A_494 = arith.muli %mul3A_493, %add3A_281 : i32
      %add3A_495 = arith.constant 3 : i32
      %add3A_496 = arith.addi %mul3A_494, %add3A_495 : i32
      %dma_wait3A_497 = arith.constant 3 : i32
      %dma_wait3A_498 = arith.constant 3 : i32
      %dma_wait3A_499 = arith.constant 3 : i32
      %dma_wait3A_500 = arith.constant 0 : i32
      %dma_wait3A_501 = arith.constant 0 : i32
      %dma_wait3A_502 = tpu.memref_slice %arg9[%dma_wait3A_498, %dma_wait3A_500, %dma_wait3A_501] : memref<4x80x128xf32, #tpu.memory_space<vmem>> -> memref<1x80x128xf32, #tpu.memory_space<vmem>>
      %dma_wait3A_503 = tpu.memref_squeeze %dma_wait3A_502 : memref<1x80x128xf32, #tpu.memory_space<vmem>> -> memref<80x128xf32, #tpu.memory_space<vmem>>
      %dma_wait3A_504 = arith.constant 0 : i32
      %dma_wait3A_505 = tpu.memref_slice %arg7[%dma_wait3A_497, %dma_wait3A_504] : memref<4x80xi32, #tpu.memory_space<vmem>> -> memref<1x80xi32, #tpu.memory_space<vmem>>
      %dma_wait3A_506 = tpu.memref_squeeze %dma_wait3A_505 : memref<1x80xi32, #tpu.memory_space<vmem>> -> memref<80xi32, #tpu.memory_space<vmem>>
      %dma_wait3A_507 = arith.constant 0 : i32
      %dma_wait3A_508 = arith.constant 0 : i32
      %dma_wait3A_509 = tpu.memref_slice %arg4[%dma_wait3A_507, %dma_wait3A_508] : memref<10000x128xf32, #tpu.memory_space<hbm>> -> memref<10000x128xf32, #tpu.memory_space<hbm>>
      %dma_wait3A_510 = tpu.memref_slice %arg10[%dma_wait3A_499] : memref<4x!tpu.dma_semaphore, #tpu.memory_space<semaphore_mem>> -> memref<1x!tpu.dma_semaphore, #tpu.memory_space<semaphore_mem>>
      %dma_wait3A_511 = tpu.memref_squeeze %dma_wait3A_510 : memref<1x!tpu.dma_semaphore, #tpu.memory_space<semaphore_mem>> -> memref<!tpu.dma_semaphore, #tpu.memory_space<semaphore_mem>>
      tpu.wait_indirect_dma semaphore(%dma_wait3A_511 : memref<!tpu.dma_semaphore, #tpu.memory_space<semaphore_mem>>) src(%dma_wait3A_509 : memref<10000x128xf32, #tpu.memory_space<hbm>>) dst(%dma_wait3A_503 : memref<80x128xf32, #tpu.memory_space<vmem>>)
      %add3A_512 = arith.constant 4 : i32
      %add3A_513 = arith.addi %add3A_496, %add3A_512 : i32
      %lt3A_514 = arith.constant 125 : i32
      %lt3A_515 = arith.cmpi slt, %add3A_513, %lt3A_514 : i32
      %convert_element_type3A_516 = arith.extui %lt3A_515 : i1 to i32
      %cond3A_517 = arith.constant 0 : i32
      %cond3A_518 = arith.cmpi ne, %convert_element_type3A_516, %cond3A_517 : i32
      scf.if %cond3A_518 {
        %add3A_564 = arith.constant 4 : i32
        %add3A_565 = arith.addi %add3A_496, %add3A_564 : i32
        %dma_start3A_566 = arith.constant 0 : i32
        %dma_start3A_567 = arith.constant 3 : i32
        %dma_start3A_568 = arith.constant 3 : i32
        %dma_start3A_569 = arith.constant 0 : i32
        %dma_start3A_570 = tpu.memref_slice %arg7[%dma_start3A_567, %dma_start3A_569] : memref<4x80xi32, #tpu.memory_space<vmem>> -> memref<1x80xi32, #tpu.memory_space<vmem>>
        %dma_start3A_571 = tpu.memref_squeeze %dma_start3A_570 : memref<1x80xi32, #tpu.memory_space<vmem>> -> memref<80xi32, #tpu.memory_space<vmem>>
        %dma_start3A_572 = arith.constant 0 : i32
        %dma_start3A_573 = tpu.memref_slice %arg2[%add3A, %add3A_565, %dma_start3A_566, %dma_start3A_572] : memref<32x125x1x80xi32, #tpu.memory_space<hbm>> -> memref<1x1x1x80xi32, #tpu.memory_space<hbm>>
        %dma_start3A_574 = tpu.memref_squeeze %dma_start3A_573 : memref<1x1x1x80xi32, #tpu.memory_space<hbm>> -> memref<80xi32, #tpu.memory_space<hbm>>
        %dma_start3A_575 = tpu.memref_slice %arg12[%dma_start3A_568] : memref<4x!tpu.dma_semaphore, #tpu.memory_space<semaphore_mem>> -> memref<1x!tpu.dma_semaphore, #tpu.memory_space<semaphore_mem>>
        %dma_start3A_576 = tpu.memref_squeeze %dma_start3A_575 : memref<1x!tpu.dma_semaphore, #tpu.memory_space<semaphore_mem>> -> memref<!tpu.dma_semaphore, #tpu.memory_space<semaphore_mem>>
        %dma_start3A_577 = arith.constant 0 : i32
        %dma_start3A_578 = tpu.memref_slice %arg7[%dma_start3A_567, %dma_start3A_577] : memref<4x80xi32, #tpu.memory_space<vmem>> -> memref<1x80xi32, #tpu.memory_space<vmem>>
        %dma_start3A_579 = tpu.memref_squeeze %dma_start3A_578 : memref<1x80xi32, #tpu.memory_space<vmem>> -> memref<80xi32, #tpu.memory_space<vmem>>
        %dma_start3A_580 = arith.constant 0 : i32
        %dma_start3A_581 = tpu.memref_slice %arg2[%add3A, %add3A_565, %dma_start3A_566, %dma_start3A_580] : memref<32x125x1x80xi32, #tpu.memory_space<hbm>> -> memref<1x1x1x80xi32, #tpu.memory_space<hbm>>
        %dma_start3A_582 = tpu.memref_squeeze %dma_start3A_581 : memref<1x1x1x80xi32, #tpu.memory_space<hbm>> -> memref<80xi32, #tpu.memory_space<hbm>>
        tpu.enqueue_dma source(%dma_start3A_582 : memref<80xi32, #tpu.memory_space<hbm>>) target(%dma_start3A_579 : memref<80xi32, #tpu.memory_space<vmem>>) target_semaphore(%dma_start3A_576 : memref<!tpu.dma_semaphore, #tpu.memory_space<semaphore_mem>>)
      } else {
      }
      %dma_wait3A_519 = arith.constant 0 : i32
      %dma_wait3A_520 = arith.constant 0 : i32
      %dma_wait3A_521 = arith.constant 3 : i32
      %dma_wait3A_522 = arith.constant 3 : i32
      %dma_wait3A_523 = arith.constant 0 : i32
      %dma_wait3A_524 = tpu.memref_slice %arg8[%dma_wait3A_521, %dma_wait3A_523] : memref<4x80xi32, #tpu.memory_space<vmem>> -> memref<1x80xi32, #tpu.memory_space<vmem>>
      %dma_wait3A_525 = tpu.memref_squeeze %dma_wait3A_524 : memref<1x80xi32, #tpu.memory_space<vmem>> -> memref<80xi32, #tpu.memory_space<vmem>>
      %dma_wait3A_526 = arith.constant 0 : i32
      %dma_wait3A_527 = tpu.memref_slice %arg3[%add3A, %dma_wait3A_519, %dma_wait3A_520, %dma_wait3A_526] : memref<32x125x1x80xi32, #tpu.memory_space<hbm>> -> memref<1x1x1x80xi32, #tpu.memory_space<hbm>>
      %dma_wait3A_528 = tpu.memref_squeeze %dma_wait3A_527 : memref<1x1x1x80xi32, #tpu.memory_space<hbm>> -> memref<80xi32, #tpu.memory_space<hbm>>
      %dma_wait3A_529 = tpu.memref_slice %arg13[%dma_wait3A_522] : memref<4x!tpu.dma_semaphore, #tpu.memory_space<semaphore_mem>> -> memref<1x!tpu.dma_semaphore, #tpu.memory_space<semaphore_mem>>
      %dma_wait3A_530 = tpu.memref_squeeze %dma_wait3A_529 : memref<1x!tpu.dma_semaphore, #tpu.memory_space<semaphore_mem>> -> memref<!tpu.dma_semaphore, #tpu.memory_space<semaphore_mem>>
      %dma_wait3A_531 = arith.constant 0 : i32
      %dma_wait3A_532 = tpu.memref_slice %arg8[%dma_wait3A_521, %dma_wait3A_531] : memref<4x80xi32, #tpu.memory_space<vmem>> -> memref<1x80xi32, #tpu.memory_space<vmem>>
      %dma_wait3A_533 = tpu.memref_squeeze %dma_wait3A_532 : memref<1x80xi32, #tpu.memory_space<vmem>> -> memref<80xi32, #tpu.memory_space<vmem>>
      %dma_wait3A_534 = arith.constant 0 : i32
      %dma_wait3A_535 = tpu.memref_slice %arg3[%add3A, %dma_wait3A_519, %dma_wait3A_520, %dma_wait3A_534] : memref<32x125x1x80xi32, #tpu.memory_space<hbm>> -> memref<1x1x1x80xi32, #tpu.memory_space<hbm>>
      %dma_wait3A_536 = tpu.memref_squeeze %dma_wait3A_535 : memref<1x1x1x80xi32, #tpu.memory_space<hbm>> -> memref<80xi32, #tpu.memory_space<hbm>>
      tpu.wait_dma2 semaphore(%dma_wait3A_530 : memref<!tpu.dma_semaphore, #tpu.memory_space<semaphore_mem>>) src(%dma_wait3A_536 : memref<80xi32, #tpu.memory_space<hbm>>) dst(%dma_wait3A_533 : memref<80xi32, #tpu.memory_space<vmem>>)
      %dma_start3A_537 = arith.constant 3 : i32
      %dma_start3A_538 = arith.constant 3 : i32
      %dma_start3A_539 = arith.constant 3 : i32
      %dma_start3A_540 = arith.constant 0 : i32
      %dma_start3A_541 = arith.constant 0 : i32
      %dma_start3A_542 = tpu.memref_slice %arg9[%dma_start3A_537, %dma_start3A_540, %dma_start3A_541] : memref<4x80x128xf32, #tpu.memory_space<vmem>> -> memref<1x80x128xf32, #tpu.memory_space<vmem>>
      %dma_start3A_543 = tpu.memref_squeeze %dma_start3A_542 : memref<1x80x128xf32, #tpu.memory_space<vmem>> -> memref<80x128xf32, #tpu.memory_space<vmem>>
      %dma_start3A_544 = arith.constant 0 : i32
      %dma_start3A_545 = tpu.memref_slice %arg8[%dma_start3A_538, %dma_start3A_544] : memref<4x80xi32, #tpu.memory_space<vmem>> -> memref<1x80xi32, #tpu.memory_space<vmem>>
      %dma_start3A_546 = tpu.memref_squeeze %dma_start3A_545 : memref<1x80xi32, #tpu.memory_space<vmem>> -> memref<80xi32, #tpu.memory_space<vmem>>
      %dma_start3A_547 = arith.constant 0 : i32
      %dma_start3A_548 = arith.constant 0 : i32
      %dma_start3A_549 = tpu.memref_slice %arg14[%dma_start3A_547, %dma_start3A_548] : memref<10240x128xf32, #tpu.memory_space<vmem_shared>> -> memref<10240x128xf32, #tpu.memory_space<vmem_shared>>
      %dma_start3A_550 = tpu.memref_slice %arg11[%dma_start3A_539] : memref<4x!tpu.dma_semaphore, #tpu.memory_space<semaphore_mem>> -> memref<1x!tpu.dma_semaphore, #tpu.memory_space<semaphore_mem>>
      %dma_start3A_551 = tpu.memref_squeeze %dma_start3A_550 : memref<1x!tpu.dma_semaphore, #tpu.memory_space<semaphore_mem>> -> memref<!tpu.dma_semaphore, #tpu.memory_space<semaphore_mem>>
      tpu.enqueue_indirect_dma source(%dma_start3A_543 : memref<80x128xf32, #tpu.memory_space<vmem>>) target(%dma_start3A_549 : memref<10240x128xf32, #tpu.memory_space<vmem_shared>>) offsets(%dma_start3A_546 : memref<80xi32, #tpu.memory_space<vmem>>) semaphore(%dma_start3A_551 : memref<!tpu.dma_semaphore, #tpu.memory_space<semaphore_mem>>) {add = true}
      %ge3A_552 = arith.constant 2 : i32
      %ge3A_553 = arith.cmpi sge, %add3A_496, %ge3A_552 : i32
      %convert_element_type3A_554 = arith.extui %ge3A_553 : i1 to i32
      %cond3A_555 = arith.constant 0 : i32
      %cond3A_556 = arith.cmpi ne, %convert_element_type3A_554, %cond3A_555 : i32
      scf.if %cond3A_556 {
        %dma_wait3A_564 = arith.constant 1 : i32
        %dma_wait3A_565 = arith.constant 1 : i32
        %dma_wait3A_566 = arith.constant 1 : i32
        %dma_wait3A_567 = arith.constant 0 : i32
        %dma_wait3A_568 = arith.constant 0 : i32
        %dma_wait3A_569 = tpu.memref_slice %arg9[%dma_wait3A_564, %dma_wait3A_567, %dma_wait3A_568] : memref<4x80x128xf32, #tpu.memory_space<vmem>> -> memref<1x80x128xf32, #tpu.memory_space<vmem>>
        %dma_wait3A_570 = tpu.memref_squeeze %dma_wait3A_569 : memref<1x80x128xf32, #tpu.memory_space<vmem>> -> memref<80x128xf32, #tpu.memory_space<vmem>>
        %dma_wait3A_571 = arith.constant 0 : i32
        %dma_wait3A_572 = tpu.memref_slice %arg8[%dma_wait3A_565, %dma_wait3A_571] : memref<4x80xi32, #tpu.memory_space<vmem>> -> memref<1x80xi32, #tpu.memory_space<vmem>>
        %dma_wait3A_573 = tpu.memref_squeeze %dma_wait3A_572 : memref<1x80xi32, #tpu.memory_space<vmem>> -> memref<80xi32, #tpu.memory_space<vmem>>
        %dma_wait3A_574 = arith.constant 0 : i32
        %dma_wait3A_575 = arith.constant 0 : i32
        %dma_wait3A_576 = tpu.memref_slice %arg14[%dma_wait3A_574, %dma_wait3A_575] : memref<10240x128xf32, #tpu.memory_space<vmem_shared>> -> memref<10240x128xf32, #tpu.memory_space<vmem_shared>>
        %dma_wait3A_577 = tpu.memref_slice %arg11[%dma_wait3A_566] : memref<4x!tpu.dma_semaphore, #tpu.memory_space<semaphore_mem>> -> memref<1x!tpu.dma_semaphore, #tpu.memory_space<semaphore_mem>>
        %dma_wait3A_578 = tpu.memref_squeeze %dma_wait3A_577 : memref<1x!tpu.dma_semaphore, #tpu.memory_space<semaphore_mem>> -> memref<!tpu.dma_semaphore, #tpu.memory_space<semaphore_mem>>
        tpu.wait_indirect_dma semaphore(%dma_wait3A_578 : memref<!tpu.dma_semaphore, #tpu.memory_space<semaphore_mem>>) src(%dma_wait3A_570 : memref<80x128xf32, #tpu.memory_space<vmem>>) dst(%dma_wait3A_576 : memref<10240x128xf32, #tpu.memory_space<vmem_shared>>)
      } else {
      }
      %add3A_557 = arith.constant 2 : i32
      %add3A_558 = arith.addi %add3A_496, %add3A_557 : i32
      %lt3A_559 = arith.constant 125 : i32
      %lt3A_560 = arith.cmpi slt, %add3A_558, %lt3A_559 : i32
      %convert_element_type3A_561 = arith.extui %lt3A_560 : i1 to i32
      %cond3A_562 = arith.constant 0 : i32
      %cond3A_563 = arith.cmpi ne, %convert_element_type3A_561, %cond3A_562 : i32
      scf.if %cond3A_563 {
        %add3A_564 = arith.constant 2 : i32
        %add3A_565 = arith.addi %add3A_496, %add3A_564 : i32
        %dma_start3A_566 = arith.constant 0 : i32
        %dma_start3A_567 = arith.constant 1 : i32
        %dma_start3A_568 = arith.constant 1 : i32
        %dma_start3A_569 = arith.constant 0 : i32
        %dma_start3A_570 = tpu.memref_slice %arg8[%dma_start3A_567, %dma_start3A_569] : memref<4x80xi32, #tpu.memory_space<vmem>> -> memref<1x80xi32, #tpu.memory_space<vmem>>
        %dma_start3A_571 = tpu.memref_squeeze %dma_start3A_570 : memref<1x80xi32, #tpu.memory_space<vmem>> -> memref<80xi32, #tpu.memory_space<vmem>>
        %dma_start3A_572 = arith.constant 0 : i32
        %dma_start3A_573 = tpu.memref_slice %arg3[%add3A, %add3A_565, %dma_start3A_566, %dma_start3A_572] : memref<32x125x1x80xi32, #tpu.memory_space<hbm>> -> memref<1x1x1x80xi32, #tpu.memory_space<hbm>>
        %dma_start3A_574 = tpu.memref_squeeze %dma_start3A_573 : memref<1x1x1x80xi32, #tpu.memory_space<hbm>> -> memref<80xi32, #tpu.memory_space<hbm>>
        %dma_start3A_575 = tpu.memref_slice %arg13[%dma_start3A_568] : memref<4x!tpu.dma_semaphore, #tpu.memory_space<semaphore_mem>> -> memref<1x!tpu.dma_semaphore, #tpu.memory_space<semaphore_mem>>
        %dma_start3A_576 = tpu.memref_squeeze %dma_start3A_575 : memref<1x!tpu.dma_semaphore, #tpu.memory_space<semaphore_mem>> -> memref<!tpu.dma_semaphore, #tpu.memory_space<semaphore_mem>>
        %dma_start3A_577 = arith.constant 0 : i32
        %dma_start3A_578 = tpu.memref_slice %arg8[%dma_start3A_567, %dma_start3A_577] : memref<4x80xi32, #tpu.memory_space<vmem>> -> memref<1x80xi32, #tpu.memory_space<vmem>>
        %dma_start3A_579 = tpu.memref_squeeze %dma_start3A_578 : memref<1x80xi32, #tpu.memory_space<vmem>> -> memref<80xi32, #tpu.memory_space<vmem>>
        %dma_start3A_580 = arith.constant 0 : i32
        %dma_start3A_581 = tpu.memref_slice %arg3[%add3A, %add3A_565, %dma_start3A_566, %dma_start3A_580] : memref<32x125x1x80xi32, #tpu.memory_space<hbm>> -> memref<1x1x1x80xi32, #tpu.memory_space<hbm>>
        %dma_start3A_582 = tpu.memref_squeeze %dma_start3A_581 : memref<1x1x1x80xi32, #tpu.memory_space<hbm>> -> memref<80xi32, #tpu.memory_space<hbm>>
        tpu.enqueue_dma source(%dma_start3A_582 : memref<80xi32, #tpu.memory_space<hbm>>) target(%dma_start3A_579 : memref<80xi32, #tpu.memory_space<vmem>>) target_semaphore(%dma_start3A_576 : memref<!tpu.dma_semaphore, #tpu.memory_space<semaphore_mem>>)
        %dma_wait3A_583 = arith.constant 0 : i32
        %dma_wait3A_584 = arith.constant 0 : i32
        %dma_wait3A_585 = arith.constant 1 : i32
        %dma_wait3A_586 = arith.constant 1 : i32
        %dma_wait3A_587 = arith.constant 0 : i32
        %dma_wait3A_588 = tpu.memref_slice %arg7[%dma_wait3A_585, %dma_wait3A_587] : memref<4x80xi32, #tpu.memory_space<vmem>> -> memref<1x80xi32, #tpu.memory_space<vmem>>
        %dma_wait3A_589 = tpu.memref_squeeze %dma_wait3A_588 : memref<1x80xi32, #tpu.memory_space<vmem>> -> memref<80xi32, #tpu.memory_space<vmem>>
        %dma_wait3A_590 = arith.constant 0 : i32
        %dma_wait3A_591 = tpu.memref_slice %arg2[%add3A, %dma_wait3A_583, %dma_wait3A_584, %dma_wait3A_590] : memref<32x125x1x80xi32, #tpu.memory_space<hbm>> -> memref<1x1x1x80xi32, #tpu.memory_space<hbm>>
        %dma_wait3A_592 = tpu.memref_squeeze %dma_wait3A_591 : memref<1x1x1x80xi32, #tpu.memory_space<hbm>> -> memref<80xi32, #tpu.memory_space<hbm>>
        %dma_wait3A_593 = tpu.memref_slice %arg12[%dma_wait3A_586] : memref<4x!tpu.dma_semaphore, #tpu.memory_space<semaphore_mem>> -> memref<1x!tpu.dma_semaphore, #tpu.memory_space<semaphore_mem>>
        %dma_wait3A_594 = tpu.memref_squeeze %dma_wait3A_593 : memref<1x!tpu.dma_semaphore, #tpu.memory_space<semaphore_mem>> -> memref<!tpu.dma_semaphore, #tpu.memory_space<semaphore_mem>>
        %dma_wait3A_595 = arith.constant 0 : i32
        %dma_wait3A_596 = tpu.memref_slice %arg7[%dma_wait3A_585, %dma_wait3A_595] : memref<4x80xi32, #tpu.memory_space<vmem>> -> memref<1x80xi32, #tpu.memory_space<vmem>>
        %dma_wait3A_597 = tpu.memref_squeeze %dma_wait3A_596 : memref<1x80xi32, #tpu.memory_space<vmem>> -> memref<80xi32, #tpu.memory_space<vmem>>
        %dma_wait3A_598 = arith.constant 0 : i32
        %dma_wait3A_599 = tpu.memref_slice %arg2[%add3A, %dma_wait3A_583, %dma_wait3A_584, %dma_wait3A_598] : memref<32x125x1x80xi32, #tpu.memory_space<hbm>> -> memref<1x1x1x80xi32, #tpu.memory_space<hbm>>
        %dma_wait3A_600 = tpu.memref_squeeze %dma_wait3A_599 : memref<1x1x1x80xi32, #tpu.memory_space<hbm>> -> memref<80xi32, #tpu.memory_space<hbm>>
        tpu.wait_dma2 semaphore(%dma_wait3A_594 : memref<!tpu.dma_semaphore, #tpu.memory_space<semaphore_mem>>) src(%dma_wait3A_600 : memref<80xi32, #tpu.memory_space<hbm>>) dst(%dma_wait3A_597 : memref<80xi32, #tpu.memory_space<vmem>>)
        %dma_start3A_601 = arith.constant 1 : i32
        %dma_start3A_602 = arith.constant 1 : i32
        %dma_start3A_603 = arith.constant 1 : i32
        %dma_start3A_604 = arith.constant 0 : i32
        %dma_start3A_605 = arith.constant 0 : i32
        %dma_start3A_606 = tpu.memref_slice %arg9[%dma_start3A_602, %dma_start3A_604, %dma_start3A_605] : memref<4x80x128xf32, #tpu.memory_space<vmem>> -> memref<1x80x128xf32, #tpu.memory_space<vmem>>
        %dma_start3A_607 = tpu.memref_squeeze %dma_start3A_606 : memref<1x80x128xf32, #tpu.memory_space<vmem>> -> memref<80x128xf32, #tpu.memory_space<vmem>>
        %dma_start3A_608 = arith.constant 0 : i32
        %dma_start3A_609 = tpu.memref_slice %arg7[%dma_start3A_601, %dma_start3A_608] : memref<4x80xi32, #tpu.memory_space<vmem>> -> memref<1x80xi32, #tpu.memory_space<vmem>>
        %dma_start3A_610 = tpu.memref_squeeze %dma_start3A_609 : memref<1x80xi32, #tpu.memory_space<vmem>> -> memref<80xi32, #tpu.memory_space<vmem>>
        %dma_start3A_611 = arith.constant 0 : i32
        %dma_start3A_612 = arith.constant 0 : i32
        %dma_start3A_613 = tpu.memref_slice %arg4[%dma_start3A_611, %dma_start3A_612] : memref<10000x128xf32, #tpu.memory_space<hbm>> -> memref<10000x128xf32, #tpu.memory_space<hbm>>
        %dma_start3A_614 = tpu.memref_slice %arg10[%dma_start3A_603] : memref<4x!tpu.dma_semaphore, #tpu.memory_space<semaphore_mem>> -> memref<1x!tpu.dma_semaphore, #tpu.memory_space<semaphore_mem>>
        %dma_start3A_615 = tpu.memref_squeeze %dma_start3A_614 : memref<1x!tpu.dma_semaphore, #tpu.memory_space<semaphore_mem>> -> memref<!tpu.dma_semaphore, #tpu.memory_space<semaphore_mem>>
        tpu.enqueue_indirect_dma source(%dma_start3A_613 : memref<10000x128xf32, #tpu.memory_space<hbm>>) target(%dma_start3A_607 : memref<80x128xf32, #tpu.memory_space<vmem>>) offsets(%dma_start3A_610 : memref<80xi32, #tpu.memory_space<vmem>>) semaphore(%dma_start3A_615 : memref<!tpu.dma_semaphore, #tpu.memory_space<semaphore_mem>>)
      } else {
      }
    }
    %scan3A_178 = arith.constant 31 : i32
    %dma_wait3A_179 = arith.constant 0 : i32
    %dma_wait3A_180 = arith.constant 0 : i32
    %dma_wait3A_181 = arith.constant 0 : i32
    %dma_wait3A_182 = arith.constant 0 : i32
    %dma_wait3A_183 = arith.constant 0 : i32
    %dma_wait3A_184 = tpu.memref_slice %arg9[%dma_wait3A_180, %dma_wait3A_182, %dma_wait3A_183] : memref<4x80x128xf32, #tpu.memory_space<vmem>> -> memref<1x80x128xf32, #tpu.memory_space<vmem>>
    %dma_wait3A_185 = tpu.memref_squeeze %dma_wait3A_184 : memref<1x80x128xf32, #tpu.memory_space<vmem>> -> memref<80x128xf32, #tpu.memory_space<vmem>>
    %dma_wait3A_186 = arith.constant 0 : i32
    %dma_wait3A_187 = tpu.memref_slice %arg7[%dma_wait3A_179, %dma_wait3A_186] : memref<4x80xi32, #tpu.memory_space<vmem>> -> memref<1x80xi32, #tpu.memory_space<vmem>>
    %dma_wait3A_188 = tpu.memref_squeeze %dma_wait3A_187 : memref<1x80xi32, #tpu.memory_space<vmem>> -> memref<80xi32, #tpu.memory_space<vmem>>
    %dma_wait3A_189 = arith.constant 0 : i32
    %dma_wait3A_190 = arith.constant 0 : i32
    %dma_wait3A_191 = tpu.memref_slice %arg4[%dma_wait3A_189, %dma_wait3A_190] : memref<10000x128xf32, #tpu.memory_space<hbm>> -> memref<10000x128xf32, #tpu.memory_space<hbm>>
    %dma_wait3A_192 = tpu.memref_slice %arg10[%dma_wait3A_181] : memref<4x!tpu.dma_semaphore, #tpu.memory_space<semaphore_mem>> -> memref<1x!tpu.dma_semaphore, #tpu.memory_space<semaphore_mem>>
    %dma_wait3A_193 = tpu.memref_squeeze %dma_wait3A_192 : memref<1x!tpu.dma_semaphore, #tpu.memory_space<semaphore_mem>> -> memref<!tpu.dma_semaphore, #tpu.memory_space<semaphore_mem>>
    tpu.wait_indirect_dma semaphore(%dma_wait3A_193 : memref<!tpu.dma_semaphore, #tpu.memory_space<semaphore_mem>>) src(%dma_wait3A_191 : memref<10000x128xf32, #tpu.memory_space<hbm>>) dst(%dma_wait3A_185 : memref<80x128xf32, #tpu.memory_space<vmem>>)
    %dma_wait3A_194 = arith.constant 0 : i32
    %dma_wait3A_195 = arith.constant 0 : i32
    %dma_wait3A_196 = arith.constant 0 : i32
    %dma_wait3A_197 = arith.constant 0 : i32
    %dma_wait3A_198 = arith.constant 0 : i32
    %dma_wait3A_199 = tpu.memref_slice %arg8[%dma_wait3A_196, %dma_wait3A_198] : memref<4x80xi32, #tpu.memory_space<vmem>> -> memref<1x80xi32, #tpu.memory_space<vmem>>
    %dma_wait3A_200 = tpu.memref_squeeze %dma_wait3A_199 : memref<1x80xi32, #tpu.memory_space<vmem>> -> memref<80xi32, #tpu.memory_space<vmem>>
    %dma_wait3A_201 = arith.constant 0 : i32
    %dma_wait3A_202 = tpu.memref_slice %arg3[%add3A, %dma_wait3A_194, %dma_wait3A_195, %dma_wait3A_201] : memref<32x125x1x80xi32, #tpu.memory_space<hbm>> -> memref<1x1x1x80xi32, #tpu.memory_space<hbm>>
    %dma_wait3A_203 = tpu.memref_squeeze %dma_wait3A_202 : memref<1x1x1x80xi32, #tpu.memory_space<hbm>> -> memref<80xi32, #tpu.memory_space<hbm>>
    %dma_wait3A_204 = tpu.memref_slice %arg13[%dma_wait3A_197] : memref<4x!tpu.dma_semaphore, #tpu.memory_space<semaphore_mem>> -> memref<1x!tpu.dma_semaphore, #tpu.memory_space<semaphore_mem>>
    %dma_wait3A_205 = tpu.memref_squeeze %dma_wait3A_204 : memref<1x!tpu.dma_semaphore, #tpu.memory_space<semaphore_mem>> -> memref<!tpu.dma_semaphore, #tpu.memory_space<semaphore_mem>>
    %dma_wait3A_206 = arith.constant 0 : i32
    %dma_wait3A_207 = tpu.memref_slice %arg8[%dma_wait3A_196, %dma_wait3A_206] : memref<4x80xi32, #tpu.memory_space<vmem>> -> memref<1x80xi32, #tpu.memory_space<vmem>>
    %dma_wait3A_208 = tpu.memref_squeeze %dma_wait3A_207 : memref<1x80xi32, #tpu.memory_space<vmem>> -> memref<80xi32, #tpu.memory_space<vmem>>
    %dma_wait3A_209 = arith.constant 0 : i32
    %dma_wait3A_210 = tpu.memref_slice %arg3[%add3A, %dma_wait3A_194, %dma_wait3A_195, %dma_wait3A_209] : memref<32x125x1x80xi32, #tpu.memory_space<hbm>> -> memref<1x1x1x80xi32, #tpu.memory_space<hbm>>
    %dma_wait3A_211 = tpu.memref_squeeze %dma_wait3A_210 : memref<1x1x1x80xi32, #tpu.memory_space<hbm>> -> memref<80xi32, #tpu.memory_space<hbm>>
    tpu.wait_dma2 semaphore(%dma_wait3A_205 : memref<!tpu.dma_semaphore, #tpu.memory_space<semaphore_mem>>) src(%dma_wait3A_211 : memref<80xi32, #tpu.memory_space<hbm>>) dst(%dma_wait3A_208 : memref<80xi32, #tpu.memory_space<vmem>>)
    %dma_start3A_212 = arith.constant 0 : i32
    %dma_start3A_213 = arith.constant 0 : i32
    %dma_start3A_214 = arith.constant 0 : i32
    %dma_start3A_215 = arith.constant 0 : i32
    %dma_start3A_216 = arith.constant 0 : i32
    %dma_start3A_217 = tpu.memref_slice %arg9[%dma_start3A_212, %dma_start3A_215, %dma_start3A_216] : memref<4x80x128xf32, #tpu.memory_space<vmem>> -> memref<1x80x128xf32, #tpu.memory_space<vmem>>
    %dma_start3A_218 = tpu.memref_squeeze %dma_start3A_217 : memref<1x80x128xf32, #tpu.memory_space<vmem>> -> memref<80x128xf32, #tpu.memory_space<vmem>>
    %dma_start3A_219 = arith.constant 0 : i32
    %dma_start3A_220 = tpu.memref_slice %arg8[%dma_start3A_213, %dma_start3A_219] : memref<4x80xi32, #tpu.memory_space<vmem>> -> memref<1x80xi32, #tpu.memory_space<vmem>>
    %dma_start3A_221 = tpu.memref_squeeze %dma_start3A_220 : memref<1x80xi32, #tpu.memory_space<vmem>> -> memref<80xi32, #tpu.memory_space<vmem>>
    %dma_start3A_222 = arith.constant 0 : i32
    %dma_start3A_223 = arith.constant 0 : i32
    %dma_start3A_224 = tpu.memref_slice %arg14[%dma_start3A_222, %dma_start3A_223] : memref<10240x128xf32, #tpu.memory_space<vmem_shared>> -> memref<10240x128xf32, #tpu.memory_space<vmem_shared>>
    %dma_start3A_225 = tpu.memref_slice %arg11[%dma_start3A_214] : memref<4x!tpu.dma_semaphore, #tpu.memory_space<semaphore_mem>> -> memref<1x!tpu.dma_semaphore, #tpu.memory_space<semaphore_mem>>
    %dma_start3A_226 = tpu.memref_squeeze %dma_start3A_225 : memref<1x!tpu.dma_semaphore, #tpu.memory_space<semaphore_mem>> -> memref<!tpu.dma_semaphore, #tpu.memory_space<semaphore_mem>>
    tpu.enqueue_indirect_dma source(%dma_start3A_218 : memref<80x128xf32, #tpu.memory_space<vmem>>) target(%dma_start3A_224 : memref<10240x128xf32, #tpu.memory_space<vmem_shared>>) offsets(%dma_start3A_221 : memref<80xi32, #tpu.memory_space<vmem>>) semaphore(%dma_start3A_226 : memref<!tpu.dma_semaphore, #tpu.memory_space<semaphore_mem>>) {add = true}
    %dma_wait3A_227 = arith.constant 2 : i32
    %dma_wait3A_228 = arith.constant 2 : i32
    %dma_wait3A_229 = arith.constant 2 : i32
    %dma_wait3A_230 = arith.constant 0 : i32
    %dma_wait3A_231 = arith.constant 0 : i32
    %dma_wait3A_232 = tpu.memref_slice %arg9[%dma_wait3A_227, %dma_wait3A_230, %dma_wait3A_231] : memref<4x80x128xf32, #tpu.memory_space<vmem>> -> memref<1x80x128xf32, #tpu.memory_space<vmem>>
    %dma_wait3A_233 = tpu.memref_squeeze %dma_wait3A_232 : memref<1x80x128xf32, #tpu.memory_space<vmem>> -> memref<80x128xf32, #tpu.memory_space<vmem>>
    %dma_wait3A_234 = arith.constant 0 : i32
    %dma_wait3A_235 = tpu.memref_slice %arg8[%dma_wait3A_228, %dma_wait3A_234] : memref<4x80xi32, #tpu.memory_space<vmem>> -> memref<1x80xi32, #tpu.memory_space<vmem>>
    %dma_wait3A_236 = tpu.memref_squeeze %dma_wait3A_235 : memref<1x80xi32, #tpu.memory_space<vmem>> -> memref<80xi32, #tpu.memory_space<vmem>>
    %dma_wait3A_237 = arith.constant 0 : i32
    %dma_wait3A_238 = arith.constant 0 : i32
    %dma_wait3A_239 = tpu.memref_slice %arg14[%dma_wait3A_237, %dma_wait3A_238] : memref<10240x128xf32, #tpu.memory_space<vmem_shared>> -> memref<10240x128xf32, #tpu.memory_space<vmem_shared>>
    %dma_wait3A_240 = tpu.memref_slice %arg11[%dma_wait3A_229] : memref<4x!tpu.dma_semaphore, #tpu.memory_space<semaphore_mem>> -> memref<1x!tpu.dma_semaphore, #tpu.memory_space<semaphore_mem>>
    %dma_wait3A_241 = tpu.memref_squeeze %dma_wait3A_240 : memref<1x!tpu.dma_semaphore, #tpu.memory_space<semaphore_mem>> -> memref<!tpu.dma_semaphore, #tpu.memory_space<semaphore_mem>>
    tpu.wait_indirect_dma semaphore(%dma_wait3A_241 : memref<!tpu.dma_semaphore, #tpu.memory_space<semaphore_mem>>) src(%dma_wait3A_233 : memref<80x128xf32, #tpu.memory_space<vmem>>) dst(%dma_wait3A_239 : memref<10240x128xf32, #tpu.memory_space<vmem_shared>>)
    %dma_wait3A_242 = arith.constant 3 : i32
    %dma_wait3A_243 = arith.constant 3 : i32
    %dma_wait3A_244 = arith.constant 3 : i32
    %dma_wait3A_245 = arith.constant 0 : i32
    %dma_wait3A_246 = arith.constant 0 : i32
    %dma_wait3A_247 = tpu.memref_slice %arg9[%dma_wait3A_242, %dma_wait3A_245, %dma_wait3A_246] : memref<4x80x128xf32, #tpu.memory_space<vmem>> -> memref<1x80x128xf32, #tpu.memory_space<vmem>>
    %dma_wait3A_248 = tpu.memref_squeeze %dma_wait3A_247 : memref<1x80x128xf32, #tpu.memory_space<vmem>> -> memref<80x128xf32, #tpu.memory_space<vmem>>
    %dma_wait3A_249 = arith.constant 0 : i32
    %dma_wait3A_250 = tpu.memref_slice %arg8[%dma_wait3A_243, %dma_wait3A_249] : memref<4x80xi32, #tpu.memory_space<vmem>> -> memref<1x80xi32, #tpu.memory_space<vmem>>
    %dma_wait3A_251 = tpu.memref_squeeze %dma_wait3A_250 : memref<1x80xi32, #tpu.memory_space<vmem>> -> memref<80xi32, #tpu.memory_space<vmem>>
    %dma_wait3A_252 = arith.constant 0 : i32
    %dma_wait3A_253 = arith.constant 0 : i32
    %dma_wait3A_254 = tpu.memref_slice %arg14[%dma_wait3A_252, %dma_wait3A_253] : memref<10240x128xf32, #tpu.memory_space<vmem_shared>> -> memref<10240x128xf32, #tpu.memory_space<vmem_shared>>
    %dma_wait3A_255 = tpu.memref_slice %arg11[%dma_wait3A_244] : memref<4x!tpu.dma_semaphore, #tpu.memory_space<semaphore_mem>> -> memref<1x!tpu.dma_semaphore, #tpu.memory_space<semaphore_mem>>
    %dma_wait3A_256 = tpu.memref_squeeze %dma_wait3A_255 : memref<1x!tpu.dma_semaphore, #tpu.memory_space<semaphore_mem>> -> memref<!tpu.dma_semaphore, #tpu.memory_space<semaphore_mem>>
    tpu.wait_indirect_dma semaphore(%dma_wait3A_256 : memref<!tpu.dma_semaphore, #tpu.memory_space<semaphore_mem>>) src(%dma_wait3A_248 : memref<80x128xf32, #tpu.memory_space<vmem>>) dst(%dma_wait3A_254 : memref<10240x128xf32, #tpu.memory_space<vmem_shared>>)
    %dma_wait3A_257 = arith.constant 0 : i32
    %dma_wait3A_258 = arith.constant 0 : i32
    %dma_wait3A_259 = arith.constant 0 : i32
    %dma_wait3A_260 = arith.constant 0 : i32
    %dma_wait3A_261 = arith.constant 0 : i32
    %dma_wait3A_262 = tpu.memref_slice %arg9[%dma_wait3A_257, %dma_wait3A_260, %dma_wait3A_261] : memref<4x80x128xf32, #tpu.memory_space<vmem>> -> memref<1x80x128xf32, #tpu.memory_space<vmem>>
    %dma_wait3A_263 = tpu.memref_squeeze %dma_wait3A_262 : memref<1x80x128xf32, #tpu.memory_space<vmem>> -> memref<80x128xf32, #tpu.memory_space<vmem>>
    %dma_wait3A_264 = arith.constant 0 : i32
    %dma_wait3A_265 = tpu.memref_slice %arg8[%dma_wait3A_258, %dma_wait3A_264] : memref<4x80xi32, #tpu.memory_space<vmem>> -> memref<1x80xi32, #tpu.memory_space<vmem>>
    %dma_wait3A_266 = tpu.memref_squeeze %dma_wait3A_265 : memref<1x80xi32, #tpu.memory_space<vmem>> -> memref<80xi32, #tpu.memory_space<vmem>>
    %dma_wait3A_267 = arith.constant 0 : i32
    %dma_wait3A_268 = arith.constant 0 : i32
    %dma_wait3A_269 = tpu.memref_slice %arg14[%dma_wait3A_267, %dma_wait3A_268] : memref<10240x128xf32, #tpu.memory_space<vmem_shared>> -> memref<10240x128xf32, #tpu.memory_space<vmem_shared>>
    %dma_wait3A_270 = tpu.memref_slice %arg11[%dma_wait3A_259] : memref<4x!tpu.dma_semaphore, #tpu.memory_space<semaphore_mem>> -> memref<1x!tpu.dma_semaphore, #tpu.memory_space<semaphore_mem>>
    %dma_wait3A_271 = tpu.memref_squeeze %dma_wait3A_270 : memref<1x!tpu.dma_semaphore, #tpu.memory_space<semaphore_mem>> -> memref<!tpu.dma_semaphore, #tpu.memory_space<semaphore_mem>>
    tpu.wait_indirect_dma semaphore(%dma_wait3A_271 : memref<!tpu.dma_semaphore, #tpu.memory_space<semaphore_mem>>) src(%dma_wait3A_263 : memref<80x128xf32, #tpu.memory_space<vmem>>) dst(%dma_wait3A_269 : memref<10240x128xf32, #tpu.memory_space<vmem_shared>>)
    %barrier3A = arith.constant 0 : index
    tpu.barrier barrier_id(%barrier3A)
    %eq3A_272 = arith.constant 0 : i32
    %eq3A_273 = arith.cmpi eq, %arg1, %eq3A_272 : i32
    %convert_element_type3A_274 = arith.extui %eq3A_273 : i1 to i32
    %cond3A_275 = arith.constant 0 : i32
    %cond3A_276 = arith.cmpi ne, %convert_element_type3A_274, %cond3A_275 : i32
    scf.if %cond3A_276 {
      "tpu.region"() ({
        %run_scoped3A = tpu.sem_alloc : memref<!tpu.dma_semaphore, #tpu.memory_space<semaphore_mem>>
        %dma_start3A_277 = arith.constant 0 : i32
        %dma_start3A_278 = arith.constant 0 : i32
        %dma_start3A_279 = tpu.memref_slice %arg6[%arg0, %dma_start3A_277, %dma_start3A_278] : memref<2x10240x128xf32, #tpu.memory_space<hbm>> -> memref<1x10240x128xf32, #tpu.memory_space<hbm>>
        %dma_start3A_280 = tpu.memref_squeeze %dma_start3A_279 : memref<1x10240x128xf32, #tpu.memory_space<hbm>> -> memref<10240x128xf32, #tpu.memory_space<hbm>>
        tpu.enqueue_dma source(%arg14 : memref<10240x128xf32, #tpu.memory_space<vmem_shared>>) target(%dma_start3A_280 : memref<10240x128xf32, #tpu.memory_space<hbm>>) target_semaphore(%run_scoped3A : memref<!tpu.dma_semaphore, #tpu.memory_space<semaphore_mem>>)
        %dma_wait3A_281 = arith.constant 0 : i32
        %dma_wait3A_282 = arith.constant 0 : i32
        %dma_wait3A_283 = tpu.memref_slice %arg6[%arg0, %dma_wait3A_281, %dma_wait3A_282] : memref<2x10240x128xf32, #tpu.memory_space<hbm>> -> memref<1x10240x128xf32, #tpu.memory_space<hbm>>
        %dma_wait3A_284 = tpu.memref_squeeze %dma_wait3A_283 : memref<1x10240x128xf32, #tpu.memory_space<hbm>> -> memref<10240x128xf32, #tpu.memory_space<hbm>>
        tpu.wait_dma2 semaphore(%run_scoped3A : memref<!tpu.dma_semaphore, #tpu.memory_space<semaphore_mem>>) src(%arg14 : memref<10240x128xf32, #tpu.memory_space<vmem_shared>>) dst(%dma_wait3A_284 : memref<10240x128xf32, #tpu.memory_space<hbm>>)
        tpu.yield
      }) : () -> ()
    } else {
    }
    return
  }
}

module attributes {stable_mosaic.version = 14 : i64} {
  func.func @_tc1_body(%arg0: i32, %arg1: memref<400x128xf32, #tpu.memory_space<vmem>>, %arg2: memref<128x128xf32, #tpu.memory_space<vmem>>, %arg3: memref<400x1xf32, #tpu.memory_space<vmem>>, %arg4: memref<400x128xf32, #tpu.memory_space<vmem>>) attributes {dimension_semantics = [#tpu.dimension_semantics<arbitrary>], iteration_bounds = array<i64: 25>, scalar_prefetch = 0 : i64, scratch_operands = 0 : i64, tpu.core_type = #tpu.core_type<tc>, window_params = [{transform_indices = @transform_0, window_bounds = array<i64: 400, 128>}, {pipeline_mode = #tpu.pipeline_mode<synchronous>, transform_indices = @transform_1, window_bounds = array<i64: 128, 128>}, {transform_indices = @transform_2, window_bounds = array<i64: 400, 1>}, {transform_indices = @transform_3, window_bounds = array<i64: 400, 128>}]} {
    %get3A = arith.constant 0 : index
    %get3A_0 = arith.constant 0 : index
    %get3A_1 = vector.load %arg1[%get3A, %get3A_0] : memref<400x128xf32, #tpu.memory_space<vmem>>, vector<400x128xf32>
    %get3A_2 = arith.constant 0 : index
    %get3A_3 = arith.constant 0 : index
    %get3A_4 = vector.load %arg2[%get3A_2, %get3A_3] : memref<128x128xf32, #tpu.memory_space<vmem>>, vector<128x128xf32>
    %dot_general3A = arith.constant dense<0.000000e+00> : vector<400x128xf32>
    %dot_general3A_5 = tpu.matmul %get3A_1, %get3A_4, %dot_general3A {dimension_numbers = #tpu.dot_dimension_numbers<[1], [0], [0], [1], [0, 0, 1, 1], [], []>, transpose_lhs_hint = false} : vector<400x128xf32>, vector<128x128xf32>, vector<400x128xf32> -> vector<400x128xf32>
    %get3A_6 = arith.constant 0 : index
    %get3A_7 = arith.constant 0 : index
    %get3A_8 = vector.load %arg3[%get3A_6, %get3A_7] : memref<400x1xf32, #tpu.memory_space<vmem>>, vector<400x1xf32>
    %mul3A = vector.broadcast %get3A_8 : vector<400x1xf32> to vector<400x128xf32>
    %mul3A_9 = arith.mulf %dot_general3A_5, %mul3A : vector<400x128xf32>
    %swap3A = arith.constant 0 : index
    %swap3A_10 = arith.constant 0 : index
    %swap3A_11 = vector.load %arg4[%swap3A, %swap3A_10] : memref<400x128xf32, #tpu.memory_space<vmem>>, vector<400x128xf32>
    tpu.vector_store %arg4[%swap3A, %swap3A_10], %mul3A_9 {strides = array<i32>} : memref<400x128xf32, #tpu.memory_space<vmem>>, vector<400x128xf32>,
    return
  }
  func.func @transform_0(%arg0: i32) -> (i32, i32) {
    %c0_i32 = arith.constant 0 : i32
    %c0_i32_0 = arith.constant 0 : i32
    return %arg0, %c0_i32 : i32, i32
  }
  func.func @transform_1(%arg0: i32) -> (i32, i32) {
    %c0_i32 = arith.constant 0 : i32
    %c0_i32_0 = arith.constant 0 : i32
    %c0_i32_1 = arith.constant 0 : i32
    return %c0_i32, %c0_i32_0 : i32, i32
  }
  func.func @transform_2(%arg0: i32) -> (i32, i32) {
    %c0_i32 = arith.constant 0 : i32
    %c0_i32_0 = arith.constant 0 : i32
    return %arg0, %c0_i32 : i32, i32
  }
  func.func @transform_3(%arg0: i32) -> (i32, i32) {
    %c0_i32 = arith.constant 0 : i32
    %c0_i32_0 = arith.constant 0 : i32
    return %arg0, %c0_i32 : i32, i32
  }
}

module attributes {stable_mosaic.version = 14 : i64} {
  func.func @_tc0_body(%arg0: memref<32x1x10240xf32, #tpu.memory_space<vmem>>, %arg1: memref<10240x1xf32, #tpu.memory_space<vmem>>) attributes {dimension_semantics = [], scalar_prefetch = 0 : i64, scratch_operands = 0 : i64, tpu.core_type = #tpu.core_type<tc>} {
    %get3A = arith.constant 0 : index
    %get3A_0 = arith.constant 0 : index
    %get3A_1 = arith.constant 0 : index
    %get3A_2 = vector.load %arg0[%get3A, %get3A_0, %get3A_1] : memref<32x1x10240xf32, #tpu.memory_space<vmem>>, vector<32x1x10240xf32>
    %reduce_sum3A = arith.constant dense<0.000000e+00> : vector<1x10240xf32>
    %reduce_sum3A_3 = vector.multi_reduction <add>, %get3A_2, %reduce_sum3A [0] : vector<32x1x10240xf32> to vector<1x10240xf32>
    %add3A = arith.constant 1.000000e+00 : f32
    %add3A_4 = vector.broadcast %add3A : f32 to vector<1x10240xf32>
    %add3A_5 = arith.addf %reduce_sum3A_3, %add3A_4 : vector<1x10240xf32>
    %rsqrt3A = math.rsqrt %add3A_5 : vector<1x10240xf32>
    %reshape3A = vector.shape_cast %rsqrt3A : vector<1x10240xf32> to vector<10240x1xf32>
    %swap3A = arith.constant 0 : index
    %swap3A_6 = arith.constant 0 : index
    %swap3A_7 = vector.load %arg1[%swap3A, %swap3A_6] : memref<10240x1xf32, #tpu.memory_space<vmem>>, vector<10240x1xf32>
    tpu.vector_store %arg1[%swap3A, %swap3A_6], %reshape3A {strides = array<i32>} : memref<10240x1xf32, #tpu.memory_space<vmem>>, vector<10240x1xf32>,
    return
  }
}

module attributes {stable_mosaic.version = 14 : i64} {
  func.func @_tc2_body(%arg0: i32, %arg1: memref<2x400x128xf32, #tpu.memory_space<vmem>>, %arg2: memref<400x128xf32, #tpu.memory_space<vmem>>, %arg3: memref<400x1xf32, #tpu.memory_space<vmem>>, %arg4: memref<1x128xf32, #tpu.memory_space<vmem>>, %arg5: memref<128x128xf32, #tpu.memory_space<vmem>>, %arg6: memref<400x128xf32, #tpu.memory_space<vmem>>) attributes {dimension_semantics = [#tpu.dimension_semantics<arbitrary>], iteration_bounds = array<i64: 25>, scalar_prefetch = 0 : i64, scratch_operands = 0 : i64, tpu.core_type = #tpu.core_type<tc>, window_params = [{transform_indices = @transform_0, window_bounds = array<i64: 2, 400, 128>}, {transform_indices = @transform_1, window_bounds = array<i64: 400, 128>}, {transform_indices = @transform_2, window_bounds = array<i64: 400, 1>}, {pipeline_mode = #tpu.pipeline_mode<synchronous>, transform_indices = @transform_3, window_bounds = array<i64: 1, 128>}, {pipeline_mode = #tpu.pipeline_mode<synchronous>, transform_indices = @transform_4, window_bounds = array<i64: 128, 128>}, {transform_indices = @transform_5, window_bounds = array<i64: 400, 128>}]} {
    %get3A = arith.constant 0 : index
    %get3A_0 = arith.constant 0 : index
    %get3A_1 = vector.load %arg3[%get3A, %get3A_0] : memref<400x1xf32, #tpu.memory_space<vmem>>, vector<400x1xf32>
    %get3A_2 = arith.constant 0 : index
    %get3A_3 = arith.constant 0 : index
    %get3A_4 = arith.constant 0 : index
    %get3A_5 = vector.load %arg1[%get3A_2, %get3A_3, %get3A_4] : memref<2x400x128xf32, #tpu.memory_space<vmem>>, vector<1x400x128xf32>
    %get3A_6 = vector.shape_cast %get3A_5 : vector<1x400x128xf32> to vector<400x128xf32>
    %get3A_7 = arith.constant 1 : index
    %get3A_8 = arith.constant 0 : index
    %get3A_9 = arith.constant 0 : index
    %get3A_10 = vector.load %arg1[%get3A_7, %get3A_8, %get3A_9] : memref<2x400x128xf32, #tpu.memory_space<vmem>>, vector<1x400x128xf32>
    %get3A_11 = vector.shape_cast %get3A_10 : vector<1x400x128xf32> to vector<400x128xf32>
    %add3A = arith.addf %get3A_6, %get3A_11 : vector<400x128xf32>
    %get3A_12 = arith.constant 0 : index
    %get3A_13 = arith.constant 0 : index
    %get3A_14 = vector.load %arg2[%get3A_12, %get3A_13] : memref<400x128xf32, #tpu.memory_space<vmem>>, vector<400x128xf32>
    %add3A_15 = arith.addf %add3A, %get3A_14 : vector<400x128xf32>
    %mul3A = vector.broadcast %get3A_1 : vector<400x1xf32> to vector<400x128xf32>
    %mul3A_16 = arith.mulf %add3A_15, %mul3A : vector<400x128xf32>
    %get3A_17 = arith.constant 0 : index
    %get3A_18 = arith.constant 0 : index
    %get3A_19 = vector.load %arg4[%get3A_17, %get3A_18] : memref<1x128xf32, #tpu.memory_space<vmem>>, vector<1x128xf32>
    %add3A_20 = vector.broadcast %get3A_19 : vector<1x128xf32> to vector<400x128xf32>
    %add3A_21 = arith.addf %mul3A_16, %add3A_20 : vector<400x128xf32>
    %max3A = arith.constant 0.000000e+00 : f32
    %max3A_22 = vector.broadcast %max3A : f32 to vector<400x128xf32>
    %max3A_23 = arith.maximumf %add3A_21, %max3A_22 : vector<400x128xf32>
    %get3A_24 = arith.constant 0 : index
    %get3A_25 = arith.constant 0 : index
    %get3A_26 = vector.load %arg5[%get3A_24, %get3A_25] : memref<128x128xf32, #tpu.memory_space<vmem>>, vector<128x128xf32>
    %dot_general3A = arith.constant dense<0.000000e+00> : vector<400x128xf32>
    %dot_general3A_27 = tpu.matmul %max3A_23, %get3A_26, %dot_general3A {dimension_numbers = #tpu.dot_dimension_numbers<[1], [0], [0], [1], [0, 0, 1, 1], [], []>, transpose_lhs_hint = false} : vector<400x128xf32>, vector<128x128xf32>, vector<400x128xf32> -> vector<400x128xf32>
    %mul3A_28 = vector.broadcast %get3A_1 : vector<400x1xf32> to vector<400x128xf32>
    %mul3A_29 = arith.mulf %dot_general3A_27, %mul3A_28 : vector<400x128xf32>
    %swap3A = arith.constant 0 : index
    %swap3A_30 = arith.constant 0 : index
    %swap3A_31 = vector.load %arg6[%swap3A, %swap3A_30] : memref<400x128xf32, #tpu.memory_space<vmem>>, vector<400x128xf32>
    tpu.vector_store %arg6[%swap3A, %swap3A_30], %mul3A_29 {strides = array<i32>} : memref<400x128xf32, #tpu.memory_space<vmem>>, vector<400x128xf32>,
    return
  }
  func.func @transform_0(%arg0: i32) -> (i32, i32, i32) {
    %c0_i32 = arith.constant 0 : i32
    %c0_i32_0 = arith.constant 0 : i32
    %c0_i32_1 = arith.constant 0 : i32
    return %c0_i32, %arg0, %c0_i32_0 : i32, i32, i32
  }
  func.func @transform_1(%arg0: i32) -> (i32, i32) {
    %c0_i32 = arith.constant 0 : i32
    %c0_i32_0 = arith.constant 0 : i32
    return %arg0, %c0_i32 : i32, i32
  }
  func.func @transform_2(%arg0: i32) -> (i32, i32) {
    %c0_i32 = arith.constant 0 : i32
    %c0_i32_0 = arith.constant 0 : i32
    return %arg0, %c0_i32 : i32, i32
  }
  func.func @transform_3(%arg0: i32) -> (i32, i32) {
    %c0_i32 = arith.constant 0 : i32
    %c0_i32_0 = arith.constant 0 : i32
    %c0_i32_1 = arith.constant 0 : i32
    return %c0_i32, %c0_i32_0 : i32, i32
  }
  func.func @transform_4(%arg0: i32) -> (i32, i32) {
    %c0_i32 = arith.constant 0 : i32
    %c0_i32_0 = arith.constant 0 : i32
    %c0_i32_1 = arith.constant 0 : i32
    return %c0_i32, %c0_i32_0 : i32, i32
  }
  func.func @transform_5(%arg0: i32) -> (i32, i32) {
    %c0_i32 = arith.constant 0 : i32
    %c0_i32_0 = arith.constant 0 : i32
    return %arg0, %c0_i32 : i32, i32
  }
}

module attributes {stable_mosaic.version = 14 : i64} {
  func.func @_tcf_body(%arg0: memref<2xi32, #tpu.memory_space<smem>>, %arg1: memref<2x10240x128xf32, #tpu.memory_space<vmem>>, %arg2: memref<10000x128xf32, #tpu.memory_space<vmem>>, %arg3: memref<10240x1xf32, #tpu.memory_space<vmem>>, %arg4: memref<1x128xf32, #tpu.memory_space<vmem>>, %arg5: memref<2x128xf32, #tpu.memory_space<vmem>>, %arg6: memref<1x1xf32, #tpu.memory_space<vmem>>, %arg7: memref<1x1xf32, #tpu.memory_space<vmem>>) attributes {dimension_semantics = [], scalar_prefetch = 0 : i64, scratch_operands = 0 : i64, tpu.core_type = #tpu.core_type<tc>} {
    %get3A = arith.constant 0 : index
    %get3A_0 = memref.load %arg0[%get3A] : memref<2xi32, #tpu.memory_space<smem>>
    %get3A_1 = arith.constant 0 : index
    %get3A_2 = arith.index_cast %get3A_0 : i32 to index
    %get3A_3 = arith.constant 0 : index
    %get3A_4 = vector.load %arg1[%get3A_1, %get3A_2, %get3A_3] : memref<2x10240x128xf32, #tpu.memory_space<vmem>>, vector<1x1x128xf32>
    %get3A_5 = vector.shape_cast %get3A_4 : vector<1x1x128xf32> to vector<1x128xf32>
    %get3A_6 = arith.constant 1 : index
    %get3A_7 = arith.index_cast %get3A_0 : i32 to index
    %get3A_8 = arith.constant 0 : index
    %get3A_9 = vector.load %arg1[%get3A_6, %get3A_7, %get3A_8] : memref<2x10240x128xf32, #tpu.memory_space<vmem>>, vector<1x1x128xf32>
    %get3A_10 = vector.shape_cast %get3A_9 : vector<1x1x128xf32> to vector<1x128xf32>
    %add3A = arith.addf %get3A_5, %get3A_10 : vector<1x128xf32>
    %get3A_11 = arith.index_cast %get3A_0 : i32 to index
    %get3A_12 = arith.constant 0 : index
    %get3A_13 = vector.load %arg2[%get3A_11, %get3A_12] : memref<10000x128xf32, #tpu.memory_space<vmem>>, vector<1x128xf32>
    %add3A_14 = arith.addf %add3A, %get3A_13 : vector<1x128xf32>
    %get3A_15 = arith.index_cast %get3A_0 : i32 to index
    %get3A_16 = arith.constant 0 : index
    %get3A_17 = vector.load %arg3[%get3A_15, %get3A_16] : memref<10240x1xf32, #tpu.memory_space<vmem>>, vector<1x1xf32>
    %mul3A = vector.broadcast %get3A_17 : vector<1x1xf32> to vector<1x128xf32>
    %mul3A_18 = arith.mulf %add3A_14, %mul3A : vector<1x128xf32>
    %get3A_19 = arith.constant 0 : index
    %get3A_20 = arith.constant 0 : index
    %get3A_21 = vector.load %arg4[%get3A_19, %get3A_20] : memref<1x128xf32, #tpu.memory_space<vmem>>, vector<1x128xf32>
    %add3A_22 = arith.addf %mul3A_18, %get3A_21 : vector<1x128xf32>
    %max3A = arith.constant 0.000000e+00 : f32
    %max3A_23 = vector.broadcast %max3A : f32 to vector<1x128xf32>
    %max3A_24 = arith.maximumf %add3A_22, %max3A_23 : vector<1x128xf32>
    %get3A_25 = arith.constant 1 : index
    %get3A_26 = memref.load %arg0[%get3A_25] : memref<2xi32, #tpu.memory_space<smem>>
    %get3A_27 = arith.constant 0 : index
    %get3A_28 = arith.index_cast %get3A_26 : i32 to index
    %get3A_29 = arith.constant 0 : index
    %get3A_30 = vector.load %arg1[%get3A_27, %get3A_28, %get3A_29] : memref<2x10240x128xf32, #tpu.memory_space<vmem>>, vector<1x1x128xf32>
    %get3A_31 = vector.shape_cast %get3A_30 : vector<1x1x128xf32> to vector<1x128xf32>
    %get3A_32 = arith.constant 1 : index
    %get3A_33 = arith.index_cast %get3A_26 : i32 to index
    %get3A_34 = arith.constant 0 : index
    %get3A_35 = vector.load %arg1[%get3A_32, %get3A_33, %get3A_34] : memref<2x10240x128xf32, #tpu.memory_space<vmem>>, vector<1x1x128xf32>
    %get3A_36 = vector.shape_cast %get3A_35 : vector<1x1x128xf32> to vector<1x128xf32>
    %add3A_37 = arith.addf %get3A_31, %get3A_36 : vector<1x128xf32>
    %get3A_38 = arith.index_cast %get3A_26 : i32 to index
    %get3A_39 = arith.constant 0 : index
    %get3A_40 = vector.load %arg2[%get3A_38, %get3A_39] : memref<10000x128xf32, #tpu.memory_space<vmem>>, vector<1x128xf32>
    %add3A_41 = arith.addf %add3A_37, %get3A_40 : vector<1x128xf32>
    %get3A_42 = arith.index_cast %get3A_26 : i32 to index
    %get3A_43 = arith.constant 0 : index
    %get3A_44 = vector.load %arg3[%get3A_42, %get3A_43] : memref<10240x1xf32, #tpu.memory_space<vmem>>, vector<1x1xf32>
    %mul3A_45 = vector.broadcast %get3A_44 : vector<1x1xf32> to vector<1x128xf32>
    %mul3A_46 = arith.mulf %add3A_41, %mul3A_45 : vector<1x128xf32>
    %get3A_47 = arith.constant 0 : index
    %get3A_48 = arith.constant 0 : index
    %get3A_49 = vector.load %arg4[%get3A_47, %get3A_48] : memref<1x128xf32, #tpu.memory_space<vmem>>, vector<1x128xf32>
    %add3A_50 = arith.addf %mul3A_46, %get3A_49 : vector<1x128xf32>
    %max3A_51 = arith.constant 0.000000e+00 : f32
    %max3A_52 = vector.broadcast %max3A_51 : f32 to vector<1x128xf32>
    %max3A_53 = arith.maximumf %add3A_50, %max3A_52 : vector<1x128xf32>
    %get3A_54 = arith.constant 0 : index
    %get3A_55 = arith.constant 0 : index
    %get3A_56 = vector.load %arg5[%get3A_54, %get3A_55] : memref<2x128xf32, #tpu.memory_space<vmem>>, vector<1x128xf32>
    %mul3A_57 = arith.mulf %max3A_24, %get3A_56 : vector<1x128xf32>
    %reduce_sum3A = vector.shape_cast %mul3A_57 : vector<1x128xf32> to vector<1x1x128xf32>
    %reduce_sum3A_58 = arith.constant dense<0.000000e+00> : vector<1xf32>
    %reduce_sum3A_59 = vector.multi_reduction <add>, %reduce_sum3A, %reduce_sum3A_58 [1, 2] : vector<1x1x128xf32> to vector<1xf32>
    %reduce_sum3A_60 = vector.shape_cast %reduce_sum3A_59 : vector<1xf32> to vector<1x1x1xf32>
    %reduce_sum3A_61 = vector.extract %reduce_sum3A_60[0, 0, 0] : f32 from vector<1x1x1xf32>
    %get3A_62 = arith.constant 1 : index
    %get3A_63 = arith.constant 0 : index
    %get3A_64 = vector.load %arg5[%get3A_62, %get3A_63] : memref<2x128xf32, #tpu.memory_space<vmem>>, vector<1x128xf32>
    %mul3A_65 = arith.mulf %max3A_53, %get3A_64 : vector<1x128xf32>
    %reduce_sum3A_66 = vector.shape_cast %mul3A_65 : vector<1x128xf32> to vector<1x1x128xf32>
    %reduce_sum3A_67 = arith.constant dense<0.000000e+00> : vector<1xf32>
    %reduce_sum3A_68 = vector.multi_reduction <add>, %reduce_sum3A_66, %reduce_sum3A_67 [1, 2] : vector<1x1x128xf32> to vector<1xf32>
    %reduce_sum3A_69 = vector.shape_cast %reduce_sum3A_68 : vector<1xf32> to vector<1x1x1xf32>
    %reduce_sum3A_70 = vector.extract %reduce_sum3A_69[0, 0, 0] : f32 from vector<1x1x1xf32>
    %add3A_71 = arith.addf %reduce_sum3A_61, %reduce_sum3A_70 : f32
    %get3A_72 = arith.constant 0 : index
    %get3A_73 = arith.constant 0 : index
    %get3A_74 = vector.load %arg6[%get3A_72, %get3A_73] : memref<1x1xf32, #tpu.memory_space<vmem>>, vector<1x1xf32>
    %get3A_75 = vector.extract %get3A_74[0, 0] : f32 from vector<1x1xf32>
    %add3A_76 = arith.addf %add3A_71, %get3A_75 : f32
    %logistic3A = arith.negf %add3A_76 : f32
    %logistic3A_77 = math.exp %logistic3A : f32
    %logistic3A_78 = arith.constant 1.000000e+00 : f32
    %logistic3A_79 = arith.addf %logistic3A_78, %logistic3A_77 : f32
    %logistic3A_80 = arith.divf %logistic3A_78, %logistic3A_79 : f32
    %broadcast_in_dim3A = vector.broadcast %logistic3A_80 : f32 to vector<1x1xf32>
    %swap3A = arith.constant 0 : index
    %swap3A_81 = arith.constant 0 : index
    %swap3A_82 = vector.load %arg7[%swap3A, %swap3A_81] : memref<1x1xf32, #tpu.memory_space<vmem>>, vector<1x1xf32>
    tpu.vector_store %arg7[%swap3A, %swap3A_81], %broadcast_in_dim3A {strides = array<i32>} : memref<1x1xf32, #tpu.memory_space<vmem>>, vector<1x1xf32>,
    return
  }
}

</mosaic_0001>

<sc_bundles>
// kernel: kernel.12.cloned.1.call-start
scs
__scs_entry_jumppad:
0x0: {  	(pc) =	sbr.rel $0x88, $3  }
0x1: {  	(tag) =	ssettag $0x0;
	lr =	simm.s32 $0x1  }
0x2: {  	[smem:$0x3F98] =	sst lr;
	_ =	strace $0xD0000000  }
0x3: {  	_ = 	snop  }
0x4: {  	_ = 	snop  }
0x5: {  	_ = 	snop  }
0x6: {  	_ = 	snop  }
0x7: {  	_ = 	snop  }
__scs_overlays_trampoline_lowered:
0x8: {  	[smem:$0x3FA7] =	sst s0  }
0x9: {  	[smem:$0x3FA8] =	sst s1  }
0xa: {  	[smem:$0x3FA9] =	sst s2  }
0xb: {  	[smem:$0x3FAA] =	sst s3  }
0xc: {  	[smem:$0x3FAB] =	sst s4  }
0xd: {  	[smem:$0x3FAC] =	sst s5  }
0xe: {  	[smem:$0x3FAD] =	sst s6  }
0xf: {  	[smem:$0x3FAE] =	sst s7  }
0x10: {  	[smem:$0x3FAF] =	sst s8  }
0x11: {  	[smem:$0x3FB0] =	sst s9;
	s0 =	simm.s32 @!p0 $0x0  }
0x12: {  	s1 =	sld [smem:$0x3F96];
	s0 =	simm.s32 @p0 $0x1  }
0x13: {  	[smem:$0x3FB1] =	sst s0;
	s0 =	simm.s32 @!p1 $0x0  }
0x14: {  	s2 =	sld [smem:$0x3F95];
	s0 =	simm.s32 @p1 $0x1  }
0x15: {  	[smem:$0x3FB2] =	sst s0;
	s0 =	simm.s32 @!p2 $0x0  }
0x16: {  	s3 =	sld [smem:$0x3FDB];
	s0 =	simm.s32 @p2 $0x1  }
0x17: {  	s4 =	simm.s32 $0x1BF5;
	[smem:$0x3FB4] =	sst s0  }
0x18: {  	s0 =	sld [smem:$0x3F97];
	_ =	swait.ge [sflag:s4], $0x0  }
0x19: {  	s7 =	sld [smem:$0x3F98]  }
0x1a: {  	s8 =	sadd.s32 $0xFFFFE003, lr  }
0x1b: {  	s9 =	sadd.s32 $0xFFFFFEF7, lr;
	s5 =	simm.s32 $0xFFFFFFFF;
	p2 =	slt.u32 s8, $0xFFFFF086  }
0x1c: {  	p1 =	slt.u32 s9, $0xF7A;
	s5 =	simm.s32 @!p2 $0x0  }
0x1d: {  	s5 =	simm.s32 @p1 $0x1;
	p0 =	seq.s32 s7, s2  }
0x1e: {  	s7 =	smul.u32 @!p0 $0xF7A, s2;
	p2 =	seq.s32 @!p0 s5, $0x0  }
0x1f: {  	s9 =	smul.u32 $0xF7A, s1;
	s8 =	simm.s32 @!p0 $0x1BF5;
	p2 =	por !p2, p0  }
0x20: {  	[sflag:s8] =	ssyncset.s32 @!p0 $0xFFFFF086;
	s6 =	sadd.s32 @!p0 s3, s7;
	s7 =	simm.s32 @!p0 $0x108  }
0x21: {  	s3 =	sadd.s32 s3, s9;
	s6 =	sadd.s32 @!p0 $0x88, s6;
	s7 =	simm.s32 @p2 $0x1082  }
0x22: {  	[simem:s7], [sflag:s8] =	dma.local @!p0 [hbm:s6], $0xF7A  }
0x23: {  	s9 =	sor.u32 $0xD0000000, s2;
	s6 =	simm.s32 $0x108;
	_ =	swait.ge @!p0 [sflag:s8], $0x0  }
0x24: {  	s3 =	sadd.s32 $0x88, s3;
	s6 =	simm.s32 @!p1 $0x1082;
	[sflag:s4] =	ssyncset.s32 $0xFFFFF086  }
0x25: {  	[simem:s6], [sflag:s4] =	dma.local [hbm:s3], $0xF7A  }
0x26: {  	[smem:$0x3F98] =	sst s1;
	(tag) =	ssettag s2;
	_ =	strace s9  }
0x27: {  	s1 =	sld [smem:$0x3FA8]  }
0x28: {  	s2 =	sld [smem:$0x3FA9]  }
0x29: {  	s4 =	sld [smem:$0x3FAB]  }
0x2a: {  	p0 =	seq.s32 s5, $0x0;
	s5 =	sld [smem:$0x3FAC]  }
0x2b: {  	s6 =	sld [smem:$0x3FAD]  }
0x2c: {  	s7 =	sld [smem:$0x3FAE]  }
0x2d: {  	s3 =	simm.s32 $0x108;
	s8 =	sld [smem:$0x3FAF]  }
0x2e: {  	s3 =	simm.s32 @!p0 $0x1082;
	s9 =	sld [smem:$0x3FB0]  }
0x2f: {  	lr =	sadd.s32 s0, s3;
	s0 =	sld [smem:$0x3FA7]  }
0x30: {  	s3 =	sld [smem:$0x3FAA]  }
0x31: {  	[smem:$0x3FB3] =	sst s10  }
0x32: {  	s10 =	sld [smem:$0x3FB1];
	_ =	sdelay $0x3  }
0x33: {  	p0 =	seq.s32 s10, $0x1;
	s10 =	sld [smem:$0x3FB3];
	_ =	sdelay $0x3  }
0x34: {  	[smem:$0x3FB3] =	sst s10  }
0x35: {  	s10 =	sld [smem:$0x3FB2];
	_ =	sdelay $0x3  }
0x36: {  	p1 =	seq.s32 s10, $0x1;
	s10 =	sld [smem:$0x3FB3];
	_ =	sdelay $0x3  }
0x37: {  	[smem:$0x3FB3] =	sst s10  }
0x38: {  	s10 =	sld [smem:$0x3FB4]  }
0x39: {  	_ = 	snop;
	(pc) =	sbr.ind lr, $3  }
0x3a: {  	_ = 	snop  }
0x3b: {  	_ = 	snop  }
0x3c: {  	p2 =	seq.s32 s10, $0x1;
	s10 =	sld [smem:$0x3FB3]  }
0x3d: {  	_ =	shalt  }
0x3e: {  	_ =	shalt  }
0x3f: {  	_ =	shalt  }
0x40: {  	_ =	shalt  }
0x41: {  	_ =	shalt  }
0x42: {  	_ =	shalt  }
0x43: {  	_ =	shalt  }
0x44: {  	_ =	shalt  }
0x45: {  	_ =	shalt  }
0x46: {  	_ =	shalt  }
0x47: {  	_ =	shalt  }
0x48: {  	_ =	shalt  }
0x49: {  	_ =	shalt  }
0x4a: {  	_ =	shalt  }
0x4b: {  	_ =	shalt  }
0x4c: {  	_ =	shalt  }
0x4d: {  	_ =	shalt  }
0x4e: {  	_ =	shalt  }
0x4f: {  	_ =	shalt  }
0x50: {  	_ =	shalt  }
0x51: {  	_ =	shalt  }
0x52: {  	_ =	shalt  }
0x53: {  	_ =	shalt  }
0x54: {  	_ =	shalt  }
0x55: {  	_ =	shalt  }
0x56: {  	_ =	shalt  }
0x57: {  	_ =	shalt  }
0x58: {  	_ =	shalt  }
0x59: {  	_ =	shalt  }
0x5a: {  	_ =	shalt  }
0x5b: {  	_ =	shalt  }
0x5c: {  	_ =	shalt  }
0x5d: {  	_ =	shalt  }
0x5e: {  	_ =	shalt  }
0x5f: {  	_ =	shalt  }
0x60: {  	_ =	shalt  }
0x61: {  	_ =	shalt  }
0x62: {  	_ =	shalt  }
0x63: {  	_ =	shalt  }
0x64: {  	_ =	shalt  }
0x65: {  	_ =	shalt  }
0x66: {  	_ =	shalt  }
0x67: {  	_ =	shalt  }
0x68: {  	_ =	shalt  }
0x69: {  	_ =	shalt  }
0x6a: {  	_ =	shalt  }
0x6b: {  	_ =	shalt  }
0x6c: {  	_ =	shalt  }
0x6d: {  	_ =	shalt  }
0x6e: {  	_ =	shalt  }
0x6f: {  	_ =	shalt  }
0x70: {  	_ =	shalt  }
0x71: {  	_ =	shalt  }
0x72: {  	_ =	shalt  }
0x73: {  	_ =	shalt  }
0x74: {  	_ =	shalt  }
0x75: {  	_ =	shalt  }
0x76: {  	_ =	shalt  }
0x77: {  	_ =	shalt  }
0x78: {  	_ =	shalt  }
0x79: {  	_ =	shalt  }
0x7a: {  	_ =	shalt  }
0x7b: {  	_ =	shalt  }
0x7c: {  	_ =	shalt  }
0x7d: {  	_ =	shalt  }
0x7e: {  	_ =	shalt  }
0x7f: {  	_ =	shalt  }
0x80: {  	_ =	shalt  }
0x81: {  	_ =	shalt  }
0x82: {  	_ =	shalt  }
0x83: {  	_ =	shalt  }
0x84: {  	_ =	shalt  }
0x85: {  	_ =	shalt  }
0x86: {  	_ =	shalt  }
0x87: {  	_ =	shalt  }
.Lfunc_end0:
.L_simem_size_0:
called_computation.1_lowered:
.L_overlay_start_0:
0x88: {  	s2 =	sld [smem:$0x3FD9]  }
0x89: {  	s3 =	sld [smem:$0x3FFE];
	_ =	sdelay $0x1  }
0x8a: {  	s1 =	srdreg.scid  }
0x8b: {  	s0 =	sand.u32 $0x1, s1  }
0x8c: {  	s16 =	sshll.u32 s0, $0xA;
	s2 =	sadd.s32 s3, s2  }
0x8d: {  	s2 =	sadd.s32 s2, s16  }
0x8e: {  	[smem:$0x3FBF] =	sst s2  }
0x8f: {  	_ = 	snop  }
0x90: {  	(tm) =	ssettm $0x1  }
0x91: {  	s17 =	sld [smem:$0x3FFB];
	_ =	sdelay $0x3  }
0x92: {  	_ =	strace s17  }
0x93: {  	s2 =	sld [smem:$0x3FFC];
	_ =	sdelay $0x3  }
0x94: {  	_ =	strace s2  }
0x95: {  	s2 =	sld [smem:$0x3FFD];
	_ =	sdelay $0x3  }
0x96: {  	_ =	strace s2  }
0x97: {  	_ =	strace $0x8FFFFFFF  }
0x98: {  	s18 =	sld [smem:$0x3FDB];
	_ =	sdelay $0x1  }
0x99: {  	s19 =	simm.s32 $_scs_section_size  }
0x9a: {  	s4 =	simm.s32 $_size__tile_overlayer_lowered;
	s5 =	simm.s32 $_tile_overlayer_lowered  }
0x9b: {  	s22 =	simm.s32 $0x1BFF;
	s21 =	sshll.u32 s5, $0x1;
	s2 =	sadd.s32 s19, s18  }
0x9c: {  	s6 =	simm.s32 $0x0;
	s20 =	sshll.u32 s4, $0x1;
	s4 =	sadd.s32 s21, s2  }
0x9d: {  	[timem:s6], [sflag:s22] =	dma.local [hbm:s4], s20  }
0x9e: {  	_ =	swait.ge [sflag:s22], s20  }
0x9f: {  	s3 =	ssub.s32 $0x0, s20;
	[sflag:s22] =	ssyncset.done $0x0  }
0xa0: {  	[sflag:s22] =	ssyncadd.s32 s3;
	_ =	sdelay $0x1  }
0xa1: {  	s23 =	simm.s32 $0x1B8B  }
0xa2: {  	_ =	swait.ge [sflag:s23], $0x1  }
0xa3: {  	[sflag:s23] =	ssyncset.done $0x0  }
0xa4: {  	s25 =	simm.s32 $0x1B8E;
	s24 =	sld [smem:$0x3FFE];
	[sflag:s23] =	ssyncadd.s32 $0xFFFFFFFF  }
0xa5: {  	s26 =	simm.s32 $execute0_lowered;
	[smem:$0x3FD2] =	sst s25  }
0xa6: {  	s4 =	sshll.u32 s26, $0x1;
	_ =	strace $0x80000049;
	[dreg:$0x1] =	wrdreg $0xFFFFFFFF  }
0xa7: {  	s28 =	simm.s32 $_size_execute0_lowered;
	s2 =	sadd.s32 s2, s4;
	[dreg:$0x0] =	wrdreg $0x0  }
0xa8: {  	s4 =	sshll.u32 s28, $0x1;
	[dreg:$0x2] =	wrdreg s2  }
0xa9: {  	[dreg:$0x3] =	wrdreg s4  }
0xaa: {  	[dreg:$0x4] =	wrdreg $0xC0  }
0xab: {  	_ =	task [dreg:s6], $0x5FFFF  }
0xac: {  	[dreg:$0x1] =	wrdreg $0xFFFFFFFF  }
0xad: {  	[dreg:$0x0] =	wrdreg $0x60  }
0xae: {  	[dreg:$0x2] =	wrdreg s24  }
0xaf: {  	[dreg:$0x3] =	wrdreg $0xA4000  }
0xb0: {  	[dreg:$0x4] =	wrdreg $0x9  }
0xb1: {  	_ =	task.clear_ibuf [dreg:s6], $0x5FFFF;
	_ =	strace $0x90000049  }
0xb2: {  	s29 =	simm.s32 $0x9;
	_ =	strace $0x8000004B  }
0xb3: {  	_ =	swait.ge [sflag:s29], $0x1  }
0xb4: {  	[sflag:s29] =	ssyncadd.s32 $0xFFFFFFFF  }
0xb5: {  	_ =	strace $0x9000004B  }
0xb6: {  	_ =	sfence  }
0xb7: {  	s30 =	sld [smem:$0x0];
	_ =	sdelay $0x2  }
0xb8: {  	s31 =	sshll.u32 s1, $0xD;
	s1 =	sshrl.u32 s1, $0x2  }
0xb9: {  	s3 =	sand.u32 $0x4000, s31;
	s1 =	sadd.s32 s1, s30  }
0xba: {  	s0 =	sor.u32 s3, s0;
	s1 =	sshll.u32 s1, $0x11  }
0xbb: {  	s0 =	sor.u32 s1, s0  }
0xbc: {  	s0 =	sadd.s32 $0x8F2B, s0  }
0xbd: {  	[sflag:s0] =	ssyncadd.remote.s32 $0x1  }
0xbe: {  	_ =	sfence.sel $0xFFFF  }
0xbf: {  	[dreg:$0x0] =	wrdreg $0xFFFFFFFF;
	(pc) =	sbr.abs _section_cstart, $3  }
0xc0: {  	[dreg:$0x1] =	wrdreg $0xFFFFFFFF  }
0xc1: {  	_ =	task.clear_ibuf [dreg:s6], $0x2FFFF;
	_ =	strace $0x9FFFFFFF  }
0xc2: {  	(tm) =	ssettm $0x7FFFFFFF  }
0xc3: {  	_ =	shalt  }
tec
execute0_lowered:
.L_overlay_start_1:
0x0: {  	(tag) =	ssettag $0x1  }
0x1: {  	s0 =	rddreg [dreg:$0x0]  }
0x2: {  	s1 =	rddreg [dreg:$0x1];
	s3 =	srdreg.scid  }
0x3: {  	s2 =	simm.s32 $0x0;
	s6 =	stileid.u32;
	s28 =	simm.s32 $0x200  }
0x4: {  	s31 =	simm.s32 $0x50;
	s29 =	simm.s32 $0x400;
	s3 =	sand.u32 $0x1, s3  }
0x5: {  	[smem:$0x7FF] =	sst s2;
	s11 =	sadd.s32 $0x1BE00, s0;
	s9 =	sadd.s32 $0x52A00, s0  }
0x6: {  	p0 =	sne.s32 s6, $0x0;
	s4 =	sshll.u32 s3, $0x4;
	_ =	strace $0x8000004A  }
0x7: {  	s7 =	smul.u32 $0x28000, s3;
	[dreg:$0x4] =	wrdreg s9;
	s10 =	ssub.s32 $0x2, s3  }
0x8: {  	s3 =	smul.u32 $0x3E800, s3;
	[dreg:$0x3] =	wrdreg s11;
	s9 =	simm.s32 $0x1  }
0x9: {  	s5 =	sor.u32 s6, s4;
	s4 =	sadd.s32 $0x2400, s0;
	s12 =	sshrl.u32 s10, $0x1  }
0xa: {  	s8 =	smul.u32 $0x3E80, s5;
	s5 =	sadd.s32 $0x2B800, s0;
	s0 =	sadd.s32 s7, s0  }
0xb: {  	s7 =	ssub.s32 s10, s12;
	s10 =	smul.u32 $0x3E80, s6;
	s0 =	sadd.s32 $0x7AA00, s0  }
0xc: {  	s6 =	simm.s32 $0x0;
	s7 =	smax.u32 s7, $0x1;
	[dreg:$0xd] =	wrdreg s0  }
0xd: {  	s8 =	sshrl.u32 s8, $0x3;
	s3 =	sadd.s32 s10, s3;
	[dreg:$0xe] =	wrdreg s7  }
0xe: {  	s10 =	simm.s32 $0xD;
	s13 =	sadd.s32 s11, s8;
	s14 =	sadd.s32 $0x10, s8  }
0xf: {  	s12 =	sadd.s32 $0x20, s8;
	s15 =	sadd.s32 $0x30, s8;
	s8 =	sadd.s32 s4, s8  }
0x10: {  	s17 =	sadd.s32 $0x380, s3;
	s18 =	sadd.s32 $0x300, s3;
	[dreg:$0x5] =	wrdreg s13  }
0x11: {  	s22 =	sadd.s32 $0x180, s3;
	s23 =	sadd.s32 $0x100, s3;
	[dreg:$0x6] =	wrdreg s12  }
0x12: {  	s24 =	sadd.s32 $0x280, s3;
	s3 =	sadd.s32 $0x200, s3;
	[dreg:$0x9] =	wrdreg s15  }
0x13: {  	s13 =	sadd.s32 s11, s14;
	s12 =	sadd.s32 s11, s12;
	[dreg:$0xb] =	wrdreg s8  }
0x14: {  	s16 =	sadd.s32 s4, s14;
	s19 =	sshrl.u32 s17, $0x3;
	s20 =	sshrl.u32 s18, $0x3  }
0x15: {  	s25 =	sshrl.u32 s23, $0x3;
	s26 =	sshrl.u32 s24, $0x3;
	[dreg:$0x13] =	wrdreg s3  }
0x16: {  	s23 =	simm.s32 $0x180;
	s24 =	simm.s32 $0xC;
	s3 =	simm.s32 $0x3  }
0x17: {  	s8 =	simm.s32 $0xF;
	s17 =	simm.s32 $0x4;
	[dreg:$0x7] =	wrdreg s13  }
0x18: {  	s18 =	simm.s32 $0x10;
	s14 =	simm.s32 $0x2C00;
	[dreg:$0x8] =	wrdreg s12  }
0x19: {  	s12 =	sadd.s32 s11, s15;
	[dreg:$0xc] =	wrdreg s16;
	s0 =	sadd.s32 s19, s11  }
0x1a: {  	s21 =	sadd.s32 s20, s11;
	[dreg:$0x12] =	wrdreg s25;
	s30 =	sadd.s32 s26, s4  }
0x1b: {  	s13 =	simm.s32 $0xB;
	s15 =	simm.s32 $0x2;
	[dreg:$0xa] =	wrdreg s12  }
.Ltmp0:
0x1c: {  	s16 =	simm.s32 $0xE;
	[dreg:$0xf] =	wrdreg s0;
	(pc) =	sbr.rel .LBB2_1-.Ltmp0, $4  }
0x1d: {  	s25 =	simm.s32 $0x5400;
	[dreg:$0x10] =	wrdreg s21;
	s0 =	sshrl.u32 s22, $0x3  }
0x1e: {  	[dreg:$0x14] =	wrdreg s30;
	s12 =	simm.s32 $0x2C00;
	s22 =	simm.s32 $0x6  }
0x1f: {  	s21 =	simm.s32 $0x300;
	[dreg:$0x11] =	wrdreg s0;
	s0 =	sadd.s32 s26, s11  }
0x20: {  	s11 =	simm.s32 $0x5;
	[dreg:$0x15] =	wrdreg s0;
	s0 =	simm.s32 $0x280  }
.LBB2_4:
0x21: {  	_ =	swait.ge [sflag:s18], $0x80  }
0x22: {  	[sflag:s18] =	ssyncset.done $0x0  }
0x23: {  	[sflag:s18] =	ssyncadd.s32 $0xFFFFFF80  }
0x24: {  	[spmem:s1] =	stream.indirect.scatter.add.f32 [tilespmem:s12], [sflag:$0x8], $0x80, s6, s31, $0xb8;
	[tilespmem:$0x1E400] =	vst v63  }
0x25: {  	_ =	swait.ge [sflag:s22], $0x2800  }
0x26: {  	[sflag:s22] =	ssyncset.done $0x0  }
0x27: {  	[sflag:s22] =	ssyncadd.s32 $0xFFFFD800  }
0x28: {  	_ =	swait.ge [sflag:s9], $0x2800  }
0x29: {  	[sflag:s9] =	ssyncset.done $0x0  }
0x2a: {  	[sflag:s9] =	ssyncadd.s32 $0xFFFFD800  }
0x2b: {  	_ =	swait.ge [sflag:s10], $0x80  }
0x2c: {  	[sflag:s10] =	ssyncset.done $0x0  }
0x2d: {  	s0 =	simm.s32 $0x7;
	[sflag:s10] =	ssyncadd.s32 $0xFFFFFF80  }
0x2e: {  	[spmem:s1] =	stream.indirect.scatter.add.f32 [tilespmem:s29], [sflag:$0x5], $0x80, s28, s31, $0xb8;
	[tilespmem:$0x1E400] =	vst v63  }
0x2f: {  	_ =	swait.ge [sflag:s0], $0x2800  }
0x30: {  	[sflag:s0] =	ssyncset.done $0x0  }
0x31: {  	s20 =	simm.s32 $0x8;
	[sflag:s0] =	ssyncadd.s32 $0xFFFFD800  }
0x32: {  	_ =	swait.ge [sflag:s20], $0x2800  }
0x33: {  	[sflag:s20] =	ssyncset.done $0x0  }
0x34: {  	[sflag:s20] =	ssyncadd.s32 $0xFFFFD800  }
0x35: {  	_ =	swait.ge [sflag:s11], $0x2800  }
0x36: {  	[sflag:s11] =	ssyncset.done $0x0  }
0x37: {  	[sflag:s11] =	ssyncadd.s32 $0xFFFFD800  }
0x38: {  	[bflag:$0x0] =	sbarrier.arrive $0xFFFF  }
0x39: {  	s19 =	rddreg [dreg:$0xd]  }
0x3a: {  	s7 =	simm.s32 @!p0 $0x1C11;
	s0 =	rddreg [dreg:$0x17]  }
0x3b: {  	[hbm:s19], [sflag:s7] =	dma.local @!p0 [spmem:s0], $0x28000  }
0x3c: {  	s7 =	simm.s32 @!p0 $0x11  }
0x3d: {  	_ =	swait.ge @!p0 [sflag:s7], $0x28000  }
0x3e: {  	s26 =	rddreg [dreg:$0x16]  }
0x3f: {  	s30 =	rddreg [dreg:$0xe];
	s6 =	sadd.s32 $0x1, s26  }
0x40: {  	p1 =	sne.s32 s6, s30  }
.Ltmp1:
0x41: {  	_ = 	snop;
	(pc) =	sbr.rel @!p1 .LBB2_5-.Ltmp1, $3  }
0x42: {  	_ =	sdelay $0x1  }
0x43: {  	[sflag:s7] =	ssyncset.done @!p0 $0x0  }
0x44: {  	s12 =	simm.s32 $0x2C00;
	s0 =	simm.s32 $0x280;
	[sflag:s7] =	ssyncadd.s32 @!p0 $0xFFFD8000  }
.LBB2_1:
0x45: {  	[dreg:$0x16] =	wrdreg s6  }
0x46: {  	s6 =	sshrl.u32 @!p0 s1, $0x3;
	s7 =	rddreg [dreg:$0x4]  }
0x47: {  	s19 =	simm.s32 @!p0 $0x1C11;
	[dreg:$0x17] =	wrdreg s6  }
0x48: {  	[spmem:s6], [sflag:s19] =	dma.local @!p0 [hbm:s7], $0x28000  }
0x49: {  	s19 =	simm.s32 @!p0 $0x11  }
0x4a: {  	_ =	swait.ge @!p0 [sflag:s19], $0x28000  }
0x4b: {  	[sflag:s19] =	ssyncset.done @!p0 $0x0  }
0x4c: {  	s20 =	rddreg [dreg:$0x5];
	[sflag:s19] =	ssyncadd.s32 @!p0 $0xFFFD8000  }
0x4d: {  	[tilespmem:s2], [sflag:$0x9] =	stream.linear.gather [hbm4b:s20+s2], $0x80, $0x38;
	[tilespmem:$0x1E400] =	vst v63  }
0x4e: {  	s26 =	rddreg [dreg:$0x7];
	s19 =	simm.s32 $0x80  }
0x4f: {  	[tilespmem:s19], [sflag:$0xA] =	stream.linear.gather [hbm4b:s26+s2], $0x80, $0x38;
	[tilespmem:$0x1E400] =	vst v63  }
0x50: {  	s6 =	rddreg [dreg:$0x8];
	s20 =	simm.s32 $0x100  }
0x51: {  	[tilespmem:s20], [sflag:$0xB] =	stream.linear.gather [hbm4b:s6+s2], $0x80, $0x38;
	[tilespmem:$0x1E400] =	vst v63  }
0x52: {  	s26 =	rddreg [dreg:$0xa]  }
0x53: {  	[tilespmem:s23], [sflag:$0xC] =	stream.linear.gather [hbm4b:s26+s2], $0x80, $0x38;
	[tilespmem:$0x1E400] =	vst v63  }
0x54: {  	s6 =	rddreg [dreg:$0xb]  }
0x55: {  	[tilespmem:s28], [sflag:$0xD] =	stream.linear.gather [hbm4b:s6+s2], $0x80, $0x38;
	[tilespmem:$0x1E400] =	vst v63  }
0x56: {  	s20 =	rddreg [dreg:$0xc];
	s23 =	simm.s32 $0x9  }
0x57: {  	[tilespmem:s0], [sflag:$0xE] =	stream.linear.gather [hbm4b:s20+s2], $0x80, $0x38;
	[tilespmem:$0x1E400] =	vst v63  }
0x58: {  	_ =	swait.ge [sflag:s23], $0x80  }
0x59: {  	[sflag:s23] =	ssyncset.done $0x0  }
0x5a: {  	s26 =	simm.s32 $0xA;
	[sflag:s23] =	ssyncadd.s32 $0xFFFFFF80  }
0x5b: {  	[tilespmem:s29], [sflag:$0x1] =	stream.indirect.gather [hbm4b:s5+s31], $0x80, s2, s31, $0xb8;
	[tilespmem:$0x1E400] =	vst v63  }
0x5c: {  	_ =	swait.ge [sflag:s26], $0x80  }
0x5d: {  	s30 =	simm.s32 $0x7C00;
	[sflag:s26] =	ssyncset.done $0x0  }
0x5e: {  	s6 =	simm.s32 $0x380;
	s20 =	simm.s32 $0x0;
	[sflag:s26] =	ssyncadd.s32 $0xFFFFFF80  }
0x5f: {  	[tilespmem:s12], [sflag:$0x2] =	stream.indirect.gather [hbm4b:s5+s31], $0x80, s19, s31, $0xb8;
	[tilespmem:$0x1E400] =	vst v63  }
0x60: {  	s0 =	simm.s32 $0x280;
	s19 =	rddreg [dreg:$0x13];
	s12 =	simm.s32 $0x180  }
.LBB2_2:
0x61: {  	_ =	swait.ge [sflag:s9], $0x2800  }
0x62: {  	s23 =	sshrl.u32 s19, $0x3;
	[sflag:s9] =	ssyncset.done $0x0;
	s7 =	rddreg [dreg:$0x3]  }
0x63: {  	[sflag:s9] =	ssyncadd.s32 $0xFFFFD800;
	s26 =	sadd.s32 s7, s23  }
0x64: {  	[tilespmem:s2], [sflag:$0x9] =	stream.linear.gather [hbm4b:s26+s2], $0x80, $0x38;
	[tilespmem:$0x1E400] =	vst v63  }
0x65: {  	_ =	swait.ge [sflag:s10], $0x80  }
0x66: {  	p2 =	seq.s32 s20, $0x0;
	[sflag:s10] =	ssyncset.done $0x0  }
0x67: {  	s26 =	simm.s32 @!p2 $0x7;
	[sflag:s10] =	ssyncadd.s32 $0xFFFFFF80  }
0x68: {  	[spmem:s1] =	stream.indirect.scatter.add.f32 [tilespmem:s29], [sflag:$0x5], $0x80, s28, s31, $0xb8;
	[tilespmem:$0x1E400] =	vst v63  }
0x69: {  	_ =	swait.ge @!p2 [sflag:s26], $0x2800  }
0x6a: {  	s7 =	rddreg [dreg:$0x12]  }
0x6b: {  	s29 =	sadd.s32 @!p2 s20, s7;
	s7 =	rddreg [dreg:$0x6]  }
0x6c: {  	[sflag:s26] =	ssyncset.done @!p2 $0x0;
	s29 =	smov.u32 @p2 s7  }
0x6d: {  	[sflag:s26] =	ssyncadd.s32 @!p2 $0xFFFFD800;
	s7 =	sadd.s32 s4, s29  }
0x6e: {  	[tilespmem:s21], [sflag:$0xF] =	stream.linear.gather [hbm4b:s7+s2], $0x80, $0x38;
	[tilespmem:$0x1E400] =	vst v63  }
0x6f: {  	_ =	swait.ge [sflag:s13], $0x80  }
0x70: {  	[sflag:s13] =	ssyncset.done $0x0  }
0x71: {  	s26 =	simm.s32 $0x100;
	[sflag:s13] =	ssyncadd.s32 $0xFFFFFF80  }
0x72: {  	[tilespmem:s25], [sflag:$0x3] =	stream.indirect.gather [hbm4b:s5+s31], $0x80, s26, s31, $0xb8;
	[tilespmem:$0x1E400] =	vst v63  }
0x73: {  	p1 =	seq.s32 s20, $0x780;
	_ =	swait.ge [sflag:s15], $0x2800  }
0x74: {  	s29 =	simm.s32 @!p1 $0x0;
	[sflag:s15] =	ssyncset.done $0x0;
	s7 =	rddreg [dreg:$0x15]  }
0x75: {  	[sflag:s15] =	ssyncadd.s32 $0xFFFFD800;
	s26 =	sadd.s32 @!p1 s20, s7;
	s7 =	simm.s32 @!p1 $0x80  }
0x76: {  	[tilespmem:s7], [sflag:$0xA] =	stream.linear.gather @!p1 [hbm4b:s26+s29], $0x80, $0x38;
	[tilespmem:$0x1E400] =	vst v63  }
0x77: {  	_ =	swait.ge [sflag:s16], $0x80  }
0x78: {  	[sflag:s16] =	ssyncset.done $0x0  }
0x79: {  	s7 =	simm.s32 @!p2 $0x8;
	[sflag:s16] =	ssyncadd.s32 $0xFFFFFF80  }
0x7a: {  	[spmem:s1] =	stream.indirect.scatter.add.f32 [tilespmem:s14], [sflag:$0x6], $0x80, s0, s31, $0xb8;
	[tilespmem:$0x1E400] =	vst v63  }
0x7b: {  	_ =	swait.ge @!p2 [sflag:s7], $0x2800  }
0x7c: {  	s26 =	rddreg [dreg:$0x11]  }
0x7d: {  	s28 =	rddreg [dreg:$0x9];
	s26 =	sadd.s32 @!p2 s20, s26  }
0x7e: {  	[sflag:s7] =	ssyncset.done @!p2 $0x0;
	s26 =	smov.u32 @p2 s28  }
0x7f: {  	[sflag:s7] =	ssyncadd.s32 @!p2 $0xFFFFD800;
	s26 =	sadd.s32 s4, s26  }
0x80: {  	[tilespmem:s6], [sflag:$0x10] =	stream.linear.gather [hbm4b:s26+s2], $0x80, $0x38;
	[tilespmem:$0x1E400] =	vst v63  }
0x81: {  	_ =	swait.ge [sflag:s24], $0x80  }
0x82: {  	[sflag:s24] =	ssyncset.done $0x0  }
0x83: {  	[sflag:s24] =	ssyncadd.s32 $0xFFFFFF80  }
0x84: {  	[tilespmem:s30], [sflag:$0x4] =	stream.indirect.gather [hbm4b:s5+s31], $0x80, s12, s31, $0xb8;
	[tilespmem:$0x1E400] =	vst v63  }
0x85: {  	_ =	swait.ge [sflag:s3], $0x2800  }
0x86: {  	[sflag:s3] =	ssyncset.done $0x0;
	s7 =	rddreg [dreg:$0x10]  }
0x87: {  	s26 =	simm.s32 @!p1 $0x100;
	[sflag:s3] =	ssyncadd.s32 $0xFFFFD800;
	s7 =	sadd.s32 @!p1 s20, s7  }
0x88: {  	[tilespmem:s26], [sflag:$0xB] =	stream.linear.gather @!p1 [hbm4b:s7+s29], $0x80, $0x38;
	[tilespmem:$0x1E400] =	vst v63  }
0x89: {  	_ =	swait.ge [sflag:s8], $0x80  }
0x8a: {  	[sflag:s8] =	ssyncset.done $0x0  }
0x8b: {  	[sflag:s8] =	ssyncadd.s32 $0xFFFFFF80  }
0x8c: {  	[spmem:s1] =	stream.indirect.scatter.add.f32 [tilespmem:s25], [sflag:$0x7], $0x80, s21, s31, $0xb8;
	[tilespmem:$0x1E400] =	vst v63  }
0x8d: {  	_ =	swait.ge [sflag:s11], $0x2800  }
0x8e: {  	s28 =	simm.s32 $0x200;
	[sflag:s11] =	ssyncset.done $0x0  }
0x8f: {  	s30 =	simm.s32 $0x9;
	s26 =	sadd.s32 s4, s23;
	[sflag:s11] =	ssyncadd.s32 $0xFFFFD800  }
0x90: {  	[tilespmem:s28], [sflag:$0xD] =	stream.linear.gather [hbm4b:s26+s2], $0x80, $0x38;
	[tilespmem:$0x1E400] =	vst v63  }
0x91: {  	_ =	swait.ge [sflag:s30], $0x80  }
0x92: {  	[sflag:s30] =	ssyncset.done $0x0  }
.Ltmp2:
0x93: {  	s29 =	simm.s32 $0x400;
	[sflag:s30] =	ssyncadd.s32 $0xFFFFFF80;
	(pc) =	sbr.rel @p1 .LBB2_4-.Ltmp2, $4  }
0x94: {  	[tilespmem:s29], [sflag:$0x1] =	stream.indirect.gather [hbm4b:s5+s31], $0x80, s2, s31, $0xb8;
	[tilespmem:$0x1E400] =	vst v63  }
0x95: {  	_ =	swait.ge [sflag:s17], $0x2800  }
0x96: {  	[sflag:s17] =	ssyncset.done $0x0  }
0x97: {  	s12 =	simm.s32 $0x7C00;
	s23 =	simm.s32 $0x180;
	[sflag:s17] =	ssyncadd.s32 $0xFFFFD800  }
0x98: {  	s7 =	rddreg [dreg:$0xf]  }
0x99: {  	s7 =	sadd.s32 s20, s7  }
0x9a: {  	[tilespmem:s23], [sflag:$0xC] =	stream.linear.gather [hbm4b:s7+s2], $0x80, $0x38;
	[tilespmem:$0x1E400] =	vst v63  }
0x9b: {  	_ =	swait.ge [sflag:s18], $0x80  }
0x9c: {  	[sflag:s18] =	ssyncset.done $0x0  }
0x9d: {  	[sflag:s18] =	ssyncadd.s32 $0xFFFFFF80  }
0x9e: {  	[spmem:s1] =	stream.indirect.scatter.add.f32 [tilespmem:s12], [sflag:$0x8], $0x80, s6, s31, $0xb8;
	[tilespmem:$0x1E400] =	vst v63  }
0x9f: {  	_ =	swait.ge [sflag:s22], $0x2800  }
0xa0: {  	[sflag:s22] =	ssyncset.done $0x0;
	s12 =	rddreg [dreg:$0x14]  }
0xa1: {  	[sflag:s22] =	ssyncadd.s32 $0xFFFFD800;
	s7 =	sadd.s32 s20, s12  }
0xa2: {  	[tilespmem:s0], [sflag:$0xE] =	stream.linear.gather [hbm4b:s7+s2], $0x80, $0x38;
	[tilespmem:$0x1E400] =	vst v63  }
.Ltmp3:
0xa3: {  	s23 =	simm.s32 $0xA;
	(pc) =	sbr.rel .LBB2_2-.Ltmp3, $4  }
0xa4: {  	s26 =	simm.s32 $0x80;
	_ =	swait.ge [sflag:s23], $0x80  }
0xa5: {  	s19 =	sadd.s32 $0x200, s19;
	s30 =	simm.s32 $0x7C00;
	[sflag:s23] =	ssyncset.done $0x0  }
0xa6: {  	s20 =	sadd.s32 $0x40, s20;
	s12 =	simm.s32 $0x180;
	[sflag:s23] =	ssyncadd.s32 $0xFFFFFF80  }
0xa7: {  	[tilespmem:s14], [sflag:$0x2] =	stream.indirect.gather [hbm4b:s5+s31], $0x80, s26, s31, $0xb8;
	[tilespmem:$0x1E400] =	vst v63  }
.LBB2_5:
0xa8: {  	_ =	sfence.sel $0x180000  }
0xa9: {  	[bflag:$0x0] =	sbarrier.arrive $0xFFFF  }
0xaa: {  	_ =	strace $0x9000004A  }
0xab: {  	[bflag:$0x2] =	sbarrier.arrive $0xFFFF  }
0xac: {  	s0 =	rddreg [dreg:$0x2]  }
0xad: {  	s0 =	sadd.s32 @!p0 $0x100000, s0  }
0xae: {  	[sflag:s0] =	ssyncadd.tile.s32 @!p0 $0x1;
	_ =	shalt  }
.Lfunc_end2:
_tile_overlayer_lowered:
.L_overlay_start_2:
0xaf: {  	(tag) =	ssettag $0x2  }
0xb0: {  	s0 =	rddreg [dreg:$0x0];
	s2 =	stileid.u32  }
0xb1: {  	s1 =	rddreg [dreg:$0x1];
	p0 =	sne.s32 s2, $0x0  }
0xb2: {  	s3 =	rddreg [dreg:$0x2];
	[bflag:$0x3] =	sbarrier.arrive $0xFFFF;
	s2 =	simm.s32 @!p0 $0x1C11  }
0xb3: {  	[timem:s3], [sflag:s2] =	dma.local @!p0 [hbm:s0], s1  }
0xb4: {  	s0 =	simm.s32 @!p0 $0x11  }
0xb5: {  	_ =	swait.ge @!p0 [sflag:s0], s1  }
0xb6: {  	s1 =	ssub.s32 @!p0 $0x0, s1;
	[sflag:s0] =	ssyncset.done @!p0 $0x0  }
0xb7: {  	[sflag:s0] =	ssyncadd.s32 @!p0 s1  }
0xb8: {  	[bflag:$0x3] =	sbarrier.arrive $0xFFFF  }
0xb9: {  	_ =	shalt  }

// kernel: kernel.15.cloned.1.call-start
scs
__scs_entry_jumppad:
0x0: {  	(pc) =	sbr.rel $0x88, $3  }
0x1: {  	(tag) =	ssettag $0x0;
	lr =	simm.s32 $0x1  }
0x2: {  	[smem:$0x3F98] =	sst lr;
	_ =	strace $0xD0000000  }
0x3: {  	_ = 	snop  }
0x4: {  	_ = 	snop  }
0x5: {  	_ = 	snop  }
0x6: {  	_ = 	snop  }
0x7: {  	_ = 	snop  }
__scs_overlays_trampoline_lowered:
0x8: {  	[smem:$0x3FA7] =	sst s0  }
0x9: {  	[smem:$0x3FA8] =	sst s1  }
0xa: {  	[smem:$0x3FA9] =	sst s2  }
0xb: {  	[smem:$0x3FAA] =	sst s3  }
0xc: {  	[smem:$0x3FAB] =	sst s4  }
0xd: {  	[smem:$0x3FAC] =	sst s5  }
0xe: {  	[smem:$0x3FAD] =	sst s6  }
0xf: {  	[smem:$0x3FAE] =	sst s7  }
0x10: {  	[smem:$0x3FAF] =	sst s8  }
0x11: {  	[smem:$0x3FB0] =	sst s9;
	s0 =	simm.s32 @!p0 $0x0  }
0x12: {  	s1 =	sld [smem:$0x3F96];
	s0 =	simm.s32 @p0 $0x1  }
0x13: {  	[smem:$0x3FB1] =	sst s0;
	s0 =	simm.s32 @!p1 $0x0  }
0x14: {  	s2 =	sld [smem:$0x3F95];
	s0 =	simm.s32 @p1 $0x1  }
0x15: {  	[smem:$0x3FB2] =	sst s0;
	s0 =	simm.s32 @!p2 $0x0  }
0x16: {  	s3 =	sld [smem:$0x3FDB];
	s0 =	simm.s32 @p2 $0x1  }
0x17: {  	s4 =	simm.s32 $0x1BF5;
	[smem:$0x3FB4] =	sst s0  }
0x18: {  	s0 =	sld [smem:$0x3F97];
	_ =	swait.ge [sflag:s4], $0x0  }
0x19: {  	s7 =	sld [smem:$0x3F98]  }
0x1a: {  	s8 =	sadd.s32 $0xFFFFE003, lr  }
0x1b: {  	s9 =	sadd.s32 $0xFFFFFEF7, lr;
	s5 =	simm.s32 $0xFFFFFFFF;
	p2 =	slt.u32 s8, $0xFFFFF086  }
0x1c: {  	p1 =	slt.u32 s9, $0xF7A;
	s5 =	simm.s32 @!p2 $0x0  }
0x1d: {  	s5 =	simm.s32 @p1 $0x1;
	p0 =	seq.s32 s7, s2  }
0x1e: {  	s7 =	smul.u32 @!p0 $0xF7A, s2;
	p2 =	seq.s32 @!p0 s5, $0x0  }
0x1f: {  	s9 =	smul.u32 $0xF7A, s1;
	s8 =	simm.s32 @!p0 $0x1BF5;
	p2 =	por !p2, p0  }
0x20: {  	[sflag:s8] =	ssyncset.s32 @!p0 $0xFFFFF086;
	s6 =	sadd.s32 @!p0 s3, s7;
	s7 =	simm.s32 @!p0 $0x108  }
0x21: {  	s3 =	sadd.s32 s3, s9;
	s6 =	sadd.s32 @!p0 $0x88, s6;
	s7 =	simm.s32 @p2 $0x1082  }
0x22: {  	[simem:s7], [sflag:s8] =	dma.local @!p0 [hbm:s6], $0xF7A  }
0x23: {  	s9 =	sor.u32 $0xD0000000, s2;
	s6 =	simm.s32 $0x108;
	_ =	swait.ge @!p0 [sflag:s8], $0x0  }
0x24: {  	s3 =	sadd.s32 $0x88, s3;
	s6 =	simm.s32 @!p1 $0x1082;
	[sflag:s4] =	ssyncset.s32 $0xFFFFF086  }
0x25: {  	[simem:s6], [sflag:s4] =	dma.local [hbm:s3], $0xF7A  }
0x26: {  	[smem:$0x3F98] =	sst s1;
	(tag) =	ssettag s2;
	_ =	strace s9  }
0x27: {  	s1 =	sld [smem:$0x3FA8]  }
0x28: {  	s2 =	sld [smem:$0x3FA9]  }
0x29: {  	s4 =	sld [smem:$0x3FAB]  }
0x2a: {  	p0 =	seq.s32 s5, $0x0;
	s5 =	sld [smem:$0x3FAC]  }
0x2b: {  	s6 =	sld [smem:$0x3FAD]  }
0x2c: {  	s7 =	sld [smem:$0x3FAE]  }
0x2d: {  	s3 =	simm.s32 $0x108;
	s8 =	sld [smem:$0x3FAF]  }
0x2e: {  	s3 =	simm.s32 @!p0 $0x1082;
	s9 =	sld [smem:$0x3FB0]  }
0x2f: {  	lr =	sadd.s32 s0, s3;
	s0 =	sld [smem:$0x3FA7]  }
0x30: {  	s3 =	sld [smem:$0x3FAA]  }
0x31: {  	[smem:$0x3FB3] =	sst s10  }
0x32: {  	s10 =	sld [smem:$0x3FB1];
	_ =	sdelay $0x3  }
0x33: {  	p0 =	seq.s32 s10, $0x1;
	s10 =	sld [smem:$0x3FB3];
	_ =	sdelay $0x3  }
0x34: {  	[smem:$0x3FB3] =	sst s10  }
0x35: {  	s10 =	sld [smem:$0x3FB2];
	_ =	sdelay $0x3  }
0x36: {  	p1 =	seq.s32 s10, $0x1;
	s10 =	sld [smem:$0x3FB3];
	_ =	sdelay $0x3  }
0x37: {  	[smem:$0x3FB3] =	sst s10  }
0x38: {  	s10 =	sld [smem:$0x3FB4]  }
0x39: {  	_ = 	snop;
	(pc) =	sbr.ind lr, $3  }
0x3a: {  	_ = 	snop  }
0x3b: {  	_ = 	snop  }
0x3c: {  	p2 =	seq.s32 s10, $0x1;
	s10 =	sld [smem:$0x3FB3]  }
0x3d: {  	_ =	shalt  }
0x3e: {  	_ =	shalt  }
0x3f: {  	_ =	shalt  }
0x40: {  	_ =	shalt  }
0x41: {  	_ =	shalt  }
0x42: {  	_ =	shalt  }
0x43: {  	_ =	shalt  }
0x44: {  	_ =	shalt  }
0x45: {  	_ =	shalt  }
0x46: {  	_ =	shalt  }
0x47: {  	_ =	shalt  }
0x48: {  	_ =	shalt  }
0x49: {  	_ =	shalt  }
0x4a: {  	_ =	shalt  }
0x4b: {  	_ =	shalt  }
0x4c: {  	_ =	shalt  }
0x4d: {  	_ =	shalt  }
0x4e: {  	_ =	shalt  }
0x4f: {  	_ =	shalt  }
0x50: {  	_ =	shalt  }
0x51: {  	_ =	shalt  }
0x52: {  	_ =	shalt  }
0x53: {  	_ =	shalt  }
0x54: {  	_ =	shalt  }
0x55: {  	_ =	shalt  }
0x56: {  	_ =	shalt  }
0x57: {  	_ =	shalt  }
0x58: {  	_ =	shalt  }
0x59: {  	_ =	shalt  }
0x5a: {  	_ =	shalt  }
0x5b: {  	_ =	shalt  }
0x5c: {  	_ =	shalt  }
0x5d: {  	_ =	shalt  }
0x5e: {  	_ =	shalt  }
0x5f: {  	_ =	shalt  }
0x60: {  	_ =	shalt  }
0x61: {  	_ =	shalt  }
0x62: {  	_ =	shalt  }
0x63: {  	_ =	shalt  }
0x64: {  	_ =	shalt  }
0x65: {  	_ =	shalt  }
0x66: {  	_ =	shalt  }
0x67: {  	_ =	shalt  }
0x68: {  	_ =	shalt  }
0x69: {  	_ =	shalt  }
0x6a: {  	_ =	shalt  }
0x6b: {  	_ =	shalt  }
0x6c: {  	_ =	shalt  }
0x6d: {  	_ =	shalt  }
0x6e: {  	_ =	shalt  }
0x6f: {  	_ =	shalt  }
0x70: {  	_ =	shalt  }
0x71: {  	_ =	shalt  }
0x72: {  	_ =	shalt  }
0x73: {  	_ =	shalt  }
0x74: {  	_ =	shalt  }
0x75: {  	_ =	shalt  }
0x76: {  	_ =	shalt  }
0x77: {  	_ =	shalt  }
0x78: {  	_ =	shalt  }
0x79: {  	_ =	shalt  }
0x7a: {  	_ =	shalt  }
0x7b: {  	_ =	shalt  }
0x7c: {  	_ =	shalt  }
0x7d: {  	_ =	shalt  }
0x7e: {  	_ =	shalt  }
0x7f: {  	_ =	shalt  }
0x80: {  	_ =	shalt  }
0x81: {  	_ =	shalt  }
0x82: {  	_ =	shalt  }
0x83: {  	_ =	shalt  }
0x84: {  	_ =	shalt  }
0x85: {  	_ =	shalt  }
0x86: {  	_ =	shalt  }
0x87: {  	_ =	shalt  }
.Lfunc_end0:
.L_simem_size_0:
called_computation.2_lowered:
.L_overlay_start_0:
0x88: {  	s2 =	sld [smem:$0x3FD9]  }
0x89: {  	s3 =	sld [smem:$0x3FFE];
	_ =	sdelay $0x1  }
0x8a: {  	s1 =	srdreg.scid  }
0x8b: {  	s0 =	sand.u32 $0x1, s1  }
0x8c: {  	s16 =	sshll.u32 s0, $0xA;
	s2 =	sadd.s32 s3, s2  }
0x8d: {  	s2 =	sadd.s32 s2, s16  }
0x8e: {  	[smem:$0x3FBF] =	sst s2  }
0x8f: {  	_ = 	snop  }
0x90: {  	(tm) =	ssettm $0x1  }
0x91: {  	s17 =	sld [smem:$0x3FFB];
	_ =	sdelay $0x3  }
0x92: {  	_ =	strace s17  }
0x93: {  	s2 =	sld [smem:$0x3FFC];
	_ =	sdelay $0x3  }
0x94: {  	_ =	strace s2  }
0x95: {  	s2 =	sld [smem:$0x3FFD];
	_ =	sdelay $0x3  }
0x96: {  	_ =	strace s2  }
0x97: {  	_ =	strace $0x8FFFFFFF  }
0x98: {  	s18 =	sld [smem:$0x3FDB];
	_ =	sdelay $0x1  }
0x99: {  	s19 =	simm.s32 $_scs_section_size  }
0x9a: {  	s4 =	simm.s32 $_size__tile_overlayer_lowered;
	s5 =	simm.s32 $_tile_overlayer_lowered  }
0x9b: {  	s22 =	simm.s32 $0x1BFF;
	s21 =	sshll.u32 s5, $0x1;
	s2 =	sadd.s32 s19, s18  }
0x9c: {  	s6 =	simm.s32 $0x0;
	s20 =	sshll.u32 s4, $0x1;
	s4 =	sadd.s32 s21, s2  }
0x9d: {  	[timem:s6], [sflag:s22] =	dma.local [hbm:s4], s20  }
0x9e: {  	_ =	swait.ge [sflag:s22], s20  }
0x9f: {  	s3 =	ssub.s32 $0x0, s20;
	[sflag:s22] =	ssyncset.done $0x0  }
0xa0: {  	[sflag:s22] =	ssyncadd.s32 s3;
	_ =	sdelay $0x1  }
0xa1: {  	s23 =	simm.s32 $0x1B8B  }
0xa2: {  	_ =	swait.ge [sflag:s23], $0x1  }
0xa3: {  	[sflag:s23] =	ssyncset.done $0x0  }
0xa4: {  	s25 =	simm.s32 $0x1B8E;
	s24 =	sld [smem:$0x3FFE];
	[sflag:s23] =	ssyncadd.s32 $0xFFFFFFFF  }
0xa5: {  	s26 =	simm.s32 $execute0_lowered;
	[smem:$0x3FD2] =	sst s25  }
0xa6: {  	s4 =	sshll.u32 s26, $0x1;
	_ =	strace $0x8000004C;
	[dreg:$0x1] =	wrdreg $0xFFFFFFFF  }
0xa7: {  	s28 =	simm.s32 $_size_execute0_lowered;
	s2 =	sadd.s32 s2, s4;
	[dreg:$0x0] =	wrdreg $0x0  }
0xa8: {  	s4 =	sshll.u32 s28, $0x1;
	[dreg:$0x2] =	wrdreg s2  }
0xa9: {  	[dreg:$0x3] =	wrdreg s4  }
0xaa: {  	[dreg:$0x4] =	wrdreg $0xC0  }
0xab: {  	_ =	task [dreg:s6], $0x5FFFF  }
0xac: {  	[dreg:$0x1] =	wrdreg $0xFFFFFFFF  }
0xad: {  	[dreg:$0x0] =	wrdreg $0x60  }
0xae: {  	[dreg:$0x2] =	wrdreg s24  }
0xaf: {  	[dreg:$0x3] =	wrdreg $0xA4000  }
0xb0: {  	[dreg:$0x4] =	wrdreg $0x9  }
0xb1: {  	_ =	task.clear_ibuf [dreg:s6], $0x5FFFF;
	_ =	strace $0x9000004C  }
0xb2: {  	s29 =	simm.s32 $0x9;
	_ =	strace $0x8000004E  }
0xb3: {  	_ =	swait.ge [sflag:s29], $0x1  }
0xb4: {  	[sflag:s29] =	ssyncadd.s32 $0xFFFFFFFF  }
0xb5: {  	_ =	strace $0x9000004E  }
0xb6: {  	_ =	sfence  }
0xb7: {  	s30 =	sld [smem:$0x0];
	_ =	sdelay $0x2  }
0xb8: {  	s31 =	sshll.u32 s1, $0xD;
	s1 =	sshrl.u32 s1, $0x2  }
0xb9: {  	s3 =	sand.u32 $0x4000, s31;
	s1 =	sadd.s32 s1, s30  }
0xba: {  	s0 =	sor.u32 s3, s0;
	s1 =	sshll.u32 s1, $0x11  }
0xbb: {  	s0 =	sor.u32 s1, s0  }
0xbc: {  	s0 =	sadd.s32 $0x8F2B, s0  }
0xbd: {  	[sflag:s0] =	ssyncadd.remote.s32 $0x1  }
0xbe: {  	_ =	sfence.sel $0xFFFF  }
0xbf: {  	[dreg:$0x0] =	wrdreg $0xFFFFFFFF;
	(pc) =	sbr.abs _section_cstart, $3  }
0xc0: {  	[dreg:$0x1] =	wrdreg $0xFFFFFFFF  }
0xc1: {  	_ =	task.clear_ibuf [dreg:s6], $0x2FFFF;
	_ =	strace $0x9FFFFFFF  }
0xc2: {  	(tm) =	ssettm $0x7FFFFFFF  }
0xc3: {  	_ =	shalt  }
tec
execute0_lowered:
.L_overlay_start_1:
0x0: {  	(tag) =	ssettag $0x1  }
0x1: {  	s0 =	rddreg [dreg:$0x0]  }
0x2: {  	s1 =	rddreg [dreg:$0x1];
	s3 =	srdreg.scid  }
0x3: {  	s2 =	simm.s32 $0x0;
	s6 =	stileid.u32;
	s28 =	simm.s32 $0x200  }
0x4: {  	s31 =	simm.s32 $0x50;
	s29 =	simm.s32 $0x400;
	s3 =	sand.u32 $0x1, s3  }
0x5: {  	[smem:$0x7FF] =	sst s2;
	s11 =	sadd.s32 $0x1BE00, s0;
	s9 =	sadd.s32 $0x52A00, s0  }
0x6: {  	p0 =	sne.s32 s6, $0x0;
	s4 =	sshll.u32 s3, $0x4;
	_ =	strace $0x8000004D  }
0x7: {  	s7 =	smul.u32 $0x28000, s3;
	[dreg:$0x4] =	wrdreg s9;
	s10 =	ssub.s32 $0x2, s3  }
0x8: {  	s3 =	smul.u32 $0x3E800, s3;
	[dreg:$0x3] =	wrdreg s11;
	s9 =	simm.s32 $0x1  }
0x9: {  	s5 =	sor.u32 s6, s4;
	s4 =	sadd.s32 $0x2400, s0;
	s12 =	sshrl.u32 s10, $0x1  }
0xa: {  	s8 =	smul.u32 $0x3E80, s5;
	s5 =	sadd.s32 $0x2B800, s0;
	s0 =	sadd.s32 s7, s0  }
0xb: {  	s7 =	ssub.s32 s10, s12;
	s10 =	smul.u32 $0x3E80, s6;
	s0 =	sadd.s32 $0x7AA00, s0  }
0xc: {  	s6 =	simm.s32 $0x0;
	s7 =	smax.u32 s7, $0x1;
	[dreg:$0xd] =	wrdreg s0  }
0xd: {  	s8 =	sshrl.u32 s8, $0x3;
	s3 =	sadd.s32 s10, s3;
	[dreg:$0xe] =	wrdreg s7  }
0xe: {  	s10 =	simm.s32 $0xD;
	s13 =	sadd.s32 s11, s8;
	s14 =	sadd.s32 $0x10, s8  }
0xf: {  	s12 =	sadd.s32 $0x20, s8;
	s15 =	sadd.s32 $0x30, s8;
	s8 =	sadd.s32 s4, s8  }
0x10: {  	s17 =	sadd.s32 $0x380, s3;
	s18 =	sadd.s32 $0x300, s3;
	[dreg:$0x5] =	wrdreg s13  }
0x11: {  	s22 =	sadd.s32 $0x180, s3;
	s23 =	sadd.s32 $0x100, s3;
	[dreg:$0x6] =	wrdreg s12  }
0x12: {  	s24 =	sadd.s32 $0x280, s3;
	s3 =	sadd.s32 $0x200, s3;
	[dreg:$0x9] =	wrdreg s15  }
0x13: {  	s13 =	sadd.s32 s11, s14;
	s12 =	sadd.s32 s11, s12;
	[dreg:$0xb] =	wrdreg s8  }
0x14: {  	s16 =	sadd.s32 s4, s14;
	s19 =	sshrl.u32 s17, $0x3;
	s20 =	sshrl.u32 s18, $0x3  }
0x15: {  	s25 =	sshrl.u32 s23, $0x3;
	s26 =	sshrl.u32 s24, $0x3;
	[dreg:$0x13] =	wrdreg s3  }
0x16: {  	s23 =	simm.s32 $0x180;
	s24 =	simm.s32 $0xC;
	s3 =	simm.s32 $0x3  }
0x17: {  	s8 =	simm.s32 $0xF;
	s17 =	simm.s32 $0x4;
	[dreg:$0x7] =	wrdreg s13  }
0x18: {  	s18 =	simm.s32 $0x10;
	s14 =	simm.s32 $0x2C00;
	[dreg:$0x8] =	wrdreg s12  }
0x19: {  	s12 =	sadd.s32 s11, s15;
	[dreg:$0xc] =	wrdreg s16;
	s0 =	sadd.s32 s19, s11  }
0x1a: {  	s21 =	sadd.s32 s20, s11;
	[dreg:$0x12] =	wrdreg s25;
	s30 =	sadd.s32 s26, s4  }
0x1b: {  	s13 =	simm.s32 $0xB;
	s15 =	simm.s32 $0x2;
	[dreg:$0xa] =	wrdreg s12  }
.Ltmp0:
0x1c: {  	s16 =	simm.s32 $0xE;
	[dreg:$0xf] =	wrdreg s0;
	(pc) =	sbr.rel .LBB2_1-.Ltmp0, $4  }
0x1d: {  	s25 =	simm.s32 $0x5400;
	[dreg:$0x10] =	wrdreg s21;
	s0 =	sshrl.u32 s22, $0x3  }
0x1e: {  	[dreg:$0x14] =	wrdreg s30;
	s12 =	simm.s32 $0x2C00;
	s22 =	simm.s32 $0x6  }
0x1f: {  	s21 =	simm.s32 $0x300;
	[dreg:$0x11] =	wrdreg s0;
	s0 =	sadd.s32 s26, s11  }
0x20: {  	s11 =	simm.s32 $0x5;
	[dreg:$0x15] =	wrdreg s0;
	s0 =	simm.s32 $0x280  }
.LBB2_4:
0x21: {  	_ =	swait.ge [sflag:s18], $0x80  }
0x22: {  	[sflag:s18] =	ssyncset.done $0x0  }
0x23: {  	[sflag:s18] =	ssyncadd.s32 $0xFFFFFF80  }
0x24: {  	[spmem:s1] =	stream.indirect.scatter.add.f32 [tilespmem:s12], [sflag:$0x8], $0x80, s6, s31, $0xb8;
	[tilespmem:$0x1E400] =	vst v63  }
0x25: {  	_ =	swait.ge [sflag:s22], $0x2800  }
0x26: {  	[sflag:s22] =	ssyncset.done $0x0  }
0x27: {  	[sflag:s22] =	ssyncadd.s32 $0xFFFFD800  }
0x28: {  	_ =	swait.ge [sflag:s9], $0x2800  }
0x29: {  	[sflag:s9] =	ssyncset.done $0x0  }
0x2a: {  	[sflag:s9] =	ssyncadd.s32 $0xFFFFD800  }
0x2b: {  	_ =	swait.ge [sflag:s10], $0x80  }
0x2c: {  	[sflag:s10] =	ssyncset.done $0x0  }
0x2d: {  	s0 =	simm.s32 $0x7;
	[sflag:s10] =	ssyncadd.s32 $0xFFFFFF80  }
0x2e: {  	[spmem:s1] =	stream.indirect.scatter.add.f32 [tilespmem:s29], [sflag:$0x5], $0x80, s28, s31, $0xb8;
	[tilespmem:$0x1E400] =	vst v63  }
0x2f: {  	_ =	swait.ge [sflag:s0], $0x2800  }
0x30: {  	[sflag:s0] =	ssyncset.done $0x0  }
0x31: {  	s20 =	simm.s32 $0x8;
	[sflag:s0] =	ssyncadd.s32 $0xFFFFD800  }
0x32: {  	_ =	swait.ge [sflag:s20], $0x2800  }
0x33: {  	[sflag:s20] =	ssyncset.done $0x0  }
0x34: {  	[sflag:s20] =	ssyncadd.s32 $0xFFFFD800  }
0x35: {  	_ =	swait.ge [sflag:s11], $0x2800  }
0x36: {  	[sflag:s11] =	ssyncset.done $0x0  }
0x37: {  	[sflag:s11] =	ssyncadd.s32 $0xFFFFD800  }
0x38: {  	[bflag:$0x0] =	sbarrier.arrive $0xFFFF  }
0x39: {  	s19 =	rddreg [dreg:$0xd]  }
0x3a: {  	s7 =	simm.s32 @!p0 $0x1C11;
	s0 =	rddreg [dreg:$0x17]  }
0x3b: {  	[hbm:s19], [sflag:s7] =	dma.local @!p0 [spmem:s0], $0x28000  }
0x3c: {  	s7 =	simm.s32 @!p0 $0x11  }
0x3d: {  	_ =	swait.ge @!p0 [sflag:s7], $0x28000  }
0x3e: {  	s26 =	rddreg [dreg:$0x16]  }
0x3f: {  	s30 =	rddreg [dreg:$0xe];
	s6 =	sadd.s32 $0x1, s26  }
0x40: {  	p1 =	sne.s32 s6, s30  }
.Ltmp1:
0x41: {  	_ = 	snop;
	(pc) =	sbr.rel @!p1 .LBB2_5-.Ltmp1, $3  }
0x42: {  	_ =	sdelay $0x1  }
0x43: {  	[sflag:s7] =	ssyncset.done @!p0 $0x0  }
0x44: {  	s12 =	simm.s32 $0x2C00;
	s0 =	simm.s32 $0x280;
	[sflag:s7] =	ssyncadd.s32 @!p0 $0xFFFD8000  }
.LBB2_1:
0x45: {  	[dreg:$0x16] =	wrdreg s6  }
0x46: {  	s6 =	sshrl.u32 @!p0 s1, $0x3;
	s7 =	rddreg [dreg:$0x4]  }
0x47: {  	s19 =	simm.s32 @!p0 $0x1C11;
	[dreg:$0x17] =	wrdreg s6  }
0x48: {  	[spmem:s6], [sflag:s19] =	dma.local @!p0 [hbm:s7], $0x28000  }
0x49: {  	s19 =	simm.s32 @!p0 $0x11  }
0x4a: {  	_ =	swait.ge @!p0 [sflag:s19], $0x28000  }
0x4b: {  	[sflag:s19] =	ssyncset.done @!p0 $0x0  }
0x4c: {  	s20 =	rddreg [dreg:$0x5];
	[sflag:s19] =	ssyncadd.s32 @!p0 $0xFFFD8000  }
0x4d: {  	[tilespmem:s2], [sflag:$0x9] =	stream.linear.gather [hbm4b:s20+s2], $0x80, $0x38;
	[tilespmem:$0x1E400] =	vst v63  }
0x4e: {  	s26 =	rddreg [dreg:$0x7];
	s19 =	simm.s32 $0x80  }
0x4f: {  	[tilespmem:s19], [sflag:$0xA] =	stream.linear.gather [hbm4b:s26+s2], $0x80, $0x38;
	[tilespmem:$0x1E400] =	vst v63  }
0x50: {  	s6 =	rddreg [dreg:$0x8];
	s20 =	simm.s32 $0x100  }
0x51: {  	[tilespmem:s20], [sflag:$0xB] =	stream.linear.gather [hbm4b:s6+s2], $0x80, $0x38;
	[tilespmem:$0x1E400] =	vst v63  }
0x52: {  	s26 =	rddreg [dreg:$0xa]  }
0x53: {  	[tilespmem:s23], [sflag:$0xC] =	stream.linear.gather [hbm4b:s26+s2], $0x80, $0x38;
	[tilespmem:$0x1E400] =	vst v63  }
0x54: {  	s6 =	rddreg [dreg:$0xb]  }
0x55: {  	[tilespmem:s28], [sflag:$0xD] =	stream.linear.gather [hbm4b:s6+s2], $0x80, $0x38;
	[tilespmem:$0x1E400] =	vst v63  }
0x56: {  	s20 =	rddreg [dreg:$0xc];
	s23 =	simm.s32 $0x9  }
0x57: {  	[tilespmem:s0], [sflag:$0xE] =	stream.linear.gather [hbm4b:s20+s2], $0x80, $0x38;
	[tilespmem:$0x1E400] =	vst v63  }
0x58: {  	_ =	swait.ge [sflag:s23], $0x80  }
0x59: {  	[sflag:s23] =	ssyncset.done $0x0  }
0x5a: {  	s26 =	simm.s32 $0xA;
	[sflag:s23] =	ssyncadd.s32 $0xFFFFFF80  }
0x5b: {  	[tilespmem:s29], [sflag:$0x1] =	stream.indirect.gather [hbm4b:s5+s31], $0x80, s2, s31, $0xb8;
	[tilespmem:$0x1E400] =	vst v63  }
0x5c: {  	_ =	swait.ge [sflag:s26], $0x80  }
0x5d: {  	s30 =	simm.s32 $0x7C00;
	[sflag:s26] =	ssyncset.done $0x0  }
0x5e: {  	s6 =	simm.s32 $0x380;
	s20 =	simm.s32 $0x0;
	[sflag:s26] =	ssyncadd.s32 $0xFFFFFF80  }
0x5f: {  	[tilespmem:s12], [sflag:$0x2] =	stream.indirect.gather [hbm4b:s5+s31], $0x80, s19, s31, $0xb8;
	[tilespmem:$0x1E400] =	vst v63  }
0x60: {  	s0 =	simm.s32 $0x280;
	s19 =	rddreg [dreg:$0x13];
	s12 =	simm.s32 $0x180  }
.LBB2_2:
0x61: {  	_ =	swait.ge [sflag:s9], $0x2800  }
0x62: {  	s23 =	sshrl.u32 s19, $0x3;
	[sflag:s9] =	ssyncset.done $0x0;
	s7 =	rddreg [dreg:$0x3]  }
0x63: {  	[sflag:s9] =	ssyncadd.s32 $0xFFFFD800;
	s26 =	sadd.s32 s7, s23  }
0x64: {  	[tilespmem:s2], [sflag:$0x9] =	stream.linear.gather [hbm4b:s26+s2], $0x80, $0x38;
	[tilespmem:$0x1E400] =	vst v63  }
0x65: {  	_ =	swait.ge [sflag:s10], $0x80  }
0x66: {  	p2 =	seq.s32 s20, $0x0;
	[sflag:s10] =	ssyncset.done $0x0  }
0x67: {  	s26 =	simm.s32 @!p2 $0x7;
	[sflag:s10] =	ssyncadd.s32 $0xFFFFFF80  }
0x68: {  	[spmem:s1] =	stream.indirect.scatter.add.f32 [tilespmem:s29], [sflag:$0x5], $0x80, s28, s31, $0xb8;
	[tilespmem:$0x1E400] =	vst v63  }
0x69: {  	_ =	swait.ge @!p2 [sflag:s26], $0x2800  }
0x6a: {  	s7 =	rddreg [dreg:$0x12]  }
0x6b: {  	s29 =	sadd.s32 @!p2 s20, s7;
	s7 =	rddreg [dreg:$0x6]  }
0x6c: {  	[sflag:s26] =	ssyncset.done @!p2 $0x0;
	s29 =	smov.u32 @p2 s7  }
0x6d: {  	[sflag:s26] =	ssyncadd.s32 @!p2 $0xFFFFD800;
	s7 =	sadd.s32 s4, s29  }
0x6e: {  	[tilespmem:s21], [sflag:$0xF] =	stream.linear.gather [hbm4b:s7+s2], $0x80, $0x38;
	[tilespmem:$0x1E400] =	vst v63  }
0x6f: {  	_ =	swait.ge [sflag:s13], $0x80  }
0x70: {  	[sflag:s13] =	ssyncset.done $0x0  }
0x71: {  	s26 =	simm.s32 $0x100;
	[sflag:s13] =	ssyncadd.s32 $0xFFFFFF80  }
0x72: {  	[tilespmem:s25], [sflag:$0x3] =	stream.indirect.gather [hbm4b:s5+s31], $0x80, s26, s31, $0xb8;
	[tilespmem:$0x1E400] =	vst v63  }
0x73: {  	p1 =	seq.s32 s20, $0x780;
	_ =	swait.ge [sflag:s15], $0x2800  }
0x74: {  	s29 =	simm.s32 @!p1 $0x0;
	[sflag:s15] =	ssyncset.done $0x0;
	s7 =	rddreg [dreg:$0x15]  }
0x75: {  	[sflag:s15] =	ssyncadd.s32 $0xFFFFD800;
	s26 =	sadd.s32 @!p1 s20, s7;
	s7 =	simm.s32 @!p1 $0x80  }
0x76: {  	[tilespmem:s7], [sflag:$0xA] =	stream.linear.gather @!p1 [hbm4b:s26+s29], $0x80, $0x38;
	[tilespmem:$0x1E400] =	vst v63  }
0x77: {  	_ =	swait.ge [sflag:s16], $0x80  }
0x78: {  	[sflag:s16] =	ssyncset.done $0x0  }
0x79: {  	s7 =	simm.s32 @!p2 $0x8;
	[sflag:s16] =	ssyncadd.s32 $0xFFFFFF80  }
0x7a: {  	[spmem:s1] =	stream.indirect.scatter.add.f32 [tilespmem:s14], [sflag:$0x6], $0x80, s0, s31, $0xb8;
	[tilespmem:$0x1E400] =	vst v63  }
0x7b: {  	_ =	swait.ge @!p2 [sflag:s7], $0x2800  }
0x7c: {  	s26 =	rddreg [dreg:$0x11]  }
0x7d: {  	s28 =	rddreg [dreg:$0x9];
	s26 =	sadd.s32 @!p2 s20, s26  }
0x7e: {  	[sflag:s7] =	ssyncset.done @!p2 $0x0;
	s26 =	smov.u32 @p2 s28  }
0x7f: {  	[sflag:s7] =	ssyncadd.s32 @!p2 $0xFFFFD800;
	s26 =	sadd.s32 s4, s26  }
0x80: {  	[tilespmem:s6], [sflag:$0x10] =	stream.linear.gather [hbm4b:s26+s2], $0x80, $0x38;
	[tilespmem:$0x1E400] =	vst v63  }
0x81: {  	_ =	swait.ge [sflag:s24], $0x80  }
0x82: {  	[sflag:s24] =	ssyncset.done $0x0  }
0x83: {  	[sflag:s24] =	ssyncadd.s32 $0xFFFFFF80  }
0x84: {  	[tilespmem:s30], [sflag:$0x4] =	stream.indirect.gather [hbm4b:s5+s31], $0x80, s12, s31, $0xb8;
	[tilespmem:$0x1E400] =	vst v63  }
0x85: {  	_ =	swait.ge [sflag:s3], $0x2800  }
0x86: {  	[sflag:s3] =	ssyncset.done $0x0;
	s7 =	rddreg [dreg:$0x10]  }
0x87: {  	s26 =	simm.s32 @!p1 $0x100;
	[sflag:s3] =	ssyncadd.s32 $0xFFFFD800;
	s7 =	sadd.s32 @!p1 s20, s7  }
0x88: {  	[tilespmem:s26], [sflag:$0xB] =	stream.linear.gather @!p1 [hbm4b:s7+s29], $0x80, $0x38;
	[tilespmem:$0x1E400] =	vst v63  }
0x89: {  	_ =	swait.ge [sflag:s8], $0x80  }
0x8a: {  	[sflag:s8] =	ssyncset.done $0x0  }
0x8b: {  	[sflag:s8] =	ssyncadd.s32 $0xFFFFFF80  }
0x8c: {  	[spmem:s1] =	stream.indirect.scatter.add.f32 [tilespmem:s25], [sflag:$0x7], $0x80, s21, s31, $0xb8;
	[tilespmem:$0x1E400] =	vst v63  }
0x8d: {  	_ =	swait.ge [sflag:s11], $0x2800  }
0x8e: {  	s28 =	simm.s32 $0x200;
	[sflag:s11] =	ssyncset.done $0x0  }
0x8f: {  	s30 =	simm.s32 $0x9;
	s26 =	sadd.s32 s4, s23;
	[sflag:s11] =	ssyncadd.s32 $0xFFFFD800  }
0x90: {  	[tilespmem:s28], [sflag:$0xD] =	stream.linear.gather [hbm4b:s26+s2], $0x80, $0x38;
	[tilespmem:$0x1E400] =	vst v63  }
0x91: {  	_ =	swait.ge [sflag:s30], $0x80  }
0x92: {  	[sflag:s30] =	ssyncset.done $0x0  }
.Ltmp2:
0x93: {  	s29 =	simm.s32 $0x400;
	[sflag:s30] =	ssyncadd.s32 $0xFFFFFF80;
	(pc) =	sbr.rel @p1 .LBB2_4-.Ltmp2, $4  }
0x94: {  	[tilespmem:s29], [sflag:$0x1] =	stream.indirect.gather [hbm4b:s5+s31], $0x80, s2, s31, $0xb8;
	[tilespmem:$0x1E400] =	vst v63  }
0x95: {  	_ =	swait.ge [sflag:s17], $0x2800  }
0x96: {  	[sflag:s17] =	ssyncset.done $0x0  }
0x97: {  	s12 =	simm.s32 $0x7C00;
	s23 =	simm.s32 $0x180;
	[sflag:s17] =	ssyncadd.s32 $0xFFFFD800  }
0x98: {  	s7 =	rddreg [dreg:$0xf]  }
0x99: {  	s7 =	sadd.s32 s20, s7  }
0x9a: {  	[tilespmem:s23], [sflag:$0xC] =	stream.linear.gather [hbm4b:s7+s2], $0x80, $0x38;
	[tilespmem:$0x1E400] =	vst v63  }
0x9b: {  	_ =	swait.ge [sflag:s18], $0x80  }
0x9c: {  	[sflag:s18] =	ssyncset.done $0x0  }
0x9d: {  	[sflag:s18] =	ssyncadd.s32 $0xFFFFFF80  }
0x9e: {  	[spmem:s1] =	stream.indirect.scatter.add.f32 [tilespmem:s12], [sflag:$0x8], $0x80, s6, s31, $0xb8;
	[tilespmem:$0x1E400] =	vst v63  }
0x9f: {  	_ =	swait.ge [sflag:s22], $0x2800  }
0xa0: {  	[sflag:s22] =	ssyncset.done $0x0;
	s12 =	rddreg [dreg:$0x14]  }
0xa1: {  	[sflag:s22] =	ssyncadd.s32 $0xFFFFD800;
	s7 =	sadd.s32 s20, s12  }
0xa2: {  	[tilespmem:s0], [sflag:$0xE] =	stream.linear.gather [hbm4b:s7+s2], $0x80, $0x38;
	[tilespmem:$0x1E400] =	vst v63  }
.Ltmp3:
0xa3: {  	s23 =	simm.s32 $0xA;
	(pc) =	sbr.rel .LBB2_2-.Ltmp3, $4  }
0xa4: {  	s26 =	simm.s32 $0x80;
	_ =	swait.ge [sflag:s23], $0x80  }
0xa5: {  	s19 =	sadd.s32 $0x200, s19;
	s30 =	simm.s32 $0x7C00;
	[sflag:s23] =	ssyncset.done $0x0  }
0xa6: {  	s20 =	sadd.s32 $0x40, s20;
	s12 =	simm.s32 $0x180;
	[sflag:s23] =	ssyncadd.s32 $0xFFFFFF80  }
0xa7: {  	[tilespmem:s14], [sflag:$0x2] =	stream.indirect.gather [hbm4b:s5+s31], $0x80, s26, s31, $0xb8;
	[tilespmem:$0x1E400] =	vst v63  }
.LBB2_5:
0xa8: {  	_ =	sfence.sel $0x180000  }
0xa9: {  	[bflag:$0x0] =	sbarrier.arrive $0xFFFF  }
0xaa: {  	_ =	strace $0x9000004D  }
0xab: {  	[bflag:$0x2] =	sbarrier.arrive $0xFFFF  }
0xac: {  	s0 =	rddreg [dreg:$0x2]  }
0xad: {  	s0 =	sadd.s32 @!p0 $0x100000, s0  }
0xae: {  	[sflag:s0] =	ssyncadd.tile.s32 @!p0 $0x1;
	_ =	shalt  }
.Lfunc_end2:
_tile_overlayer_lowered:
.L_overlay_start_2:
0xaf: {  	(tag) =	ssettag $0x2  }
0xb0: {  	s0 =	rddreg [dreg:$0x0];
	s2 =	stileid.u32  }
0xb1: {  	s1 =	rddreg [dreg:$0x1];
	p0 =	sne.s32 s2, $0x0  }
0xb2: {  	s3 =	rddreg [dreg:$0x2];
	[bflag:$0x3] =	sbarrier.arrive $0xFFFF;
	s2 =	simm.s32 @!p0 $0x1C11  }
0xb3: {  	[timem:s3], [sflag:s2] =	dma.local @!p0 [hbm:s0], s1  }
0xb4: {  	s0 =	simm.s32 @!p0 $0x11  }
0xb5: {  	_ =	swait.ge @!p0 [sflag:s0], s1  }
0xb6: {  	s1 =	ssub.s32 @!p0 $0x0, s1;
	[sflag:s0] =	ssyncset.done @!p0 $0x0  }
0xb7: {  	[sflag:s0] =	ssyncadd.s32 @!p0 s1  }
0xb8: {  	[bflag:$0x3] =	sbarrier.arrive $0xFFFF  }
0xb9: {  	_ =	shalt  }

// kernel: kernel.9.cloned.1.call-start
scs
__scs_entry_jumppad:
0x0: {  	(pc) =	sbr.rel $0x88, $3  }
0x1: {  	(tag) =	ssettag $0x0;
	lr =	simm.s32 $0x1  }
0x2: {  	[smem:$0x3F98] =	sst lr;
	_ =	strace $0xD0000000  }
0x3: {  	_ = 	snop  }
0x4: {  	_ = 	snop  }
0x5: {  	_ = 	snop  }
0x6: {  	_ = 	snop  }
0x7: {  	_ = 	snop  }
__scs_overlays_trampoline_lowered:
0x8: {  	[smem:$0x3FA7] =	sst s0  }
0x9: {  	[smem:$0x3FA8] =	sst s1  }
0xa: {  	[smem:$0x3FA9] =	sst s2  }
0xb: {  	[smem:$0x3FAA] =	sst s3  }
0xc: {  	[smem:$0x3FAB] =	sst s4  }
0xd: {  	[smem:$0x3FAC] =	sst s5  }
0xe: {  	[smem:$0x3FAD] =	sst s6  }
0xf: {  	[smem:$0x3FAE] =	sst s7  }
0x10: {  	[smem:$0x3FAF] =	sst s8  }
0x11: {  	[smem:$0x3FB0] =	sst s9;
	s0 =	simm.s32 @!p0 $0x0  }
0x12: {  	s1 =	sld [smem:$0x3F96];
	s0 =	simm.s32 @p0 $0x1  }
0x13: {  	[smem:$0x3FB1] =	sst s0;
	s0 =	simm.s32 @!p1 $0x0  }
0x14: {  	s2 =	sld [smem:$0x3F95];
	s0 =	simm.s32 @p1 $0x1  }
0x15: {  	[smem:$0x3FB2] =	sst s0;
	s0 =	simm.s32 @!p2 $0x0  }
0x16: {  	s3 =	sld [smem:$0x3FDB];
	s0 =	simm.s32 @p2 $0x1  }
0x17: {  	s4 =	simm.s32 $0x1BF5;
	[smem:$0x3FB4] =	sst s0  }
0x18: {  	s0 =	sld [smem:$0x3F97];
	_ =	swait.ge [sflag:s4], $0x0  }
0x19: {  	s7 =	sld [smem:$0x3F98]  }
0x1a: {  	s8 =	sadd.s32 $0xFFFFE003, lr  }
0x1b: {  	s9 =	sadd.s32 $0xFFFFFEF7, lr;
	s5 =	simm.s32 $0xFFFFFFFF;
	p2 =	slt.u32 s8, $0xFFFFF086  }
0x1c: {  	p1 =	slt.u32 s9, $0xF7A;
	s5 =	simm.s32 @!p2 $0x0  }
0x1d: {  	s5 =	simm.s32 @p1 $0x1;
	p0 =	seq.s32 s7, s2  }
0x1e: {  	s7 =	smul.u32 @!p0 $0xF7A, s2;
	p2 =	seq.s32 @!p0 s5, $0x0  }
0x1f: {  	s9 =	smul.u32 $0xF7A, s1;
	s8 =	simm.s32 @!p0 $0x1BF5;
	p2 =	por !p2, p0  }
0x20: {  	[sflag:s8] =	ssyncset.s32 @!p0 $0xFFFFF086;
	s6 =	sadd.s32 @!p0 s3, s7;
	s7 =	simm.s32 @!p0 $0x108  }
0x21: {  	s3 =	sadd.s32 s3, s9;
	s6 =	sadd.s32 @!p0 $0x88, s6;
	s7 =	simm.s32 @p2 $0x1082  }
0x22: {  	[simem:s7], [sflag:s8] =	dma.local @!p0 [hbm:s6], $0xF7A  }
0x23: {  	s9 =	sor.u32 $0xD0000000, s2;
	s6 =	simm.s32 $0x108;
	_ =	swait.ge @!p0 [sflag:s8], $0x0  }
0x24: {  	s3 =	sadd.s32 $0x88, s3;
	s6 =	simm.s32 @!p1 $0x1082;
	[sflag:s4] =	ssyncset.s32 $0xFFFFF086  }
0x25: {  	[simem:s6], [sflag:s4] =	dma.local [hbm:s3], $0xF7A  }
0x26: {  	[smem:$0x3F98] =	sst s1;
	(tag) =	ssettag s2;
	_ =	strace s9  }
0x27: {  	s1 =	sld [smem:$0x3FA8]  }
0x28: {  	s2 =	sld [smem:$0x3FA9]  }
0x29: {  	s4 =	sld [smem:$0x3FAB]  }
0x2a: {  	p0 =	seq.s32 s5, $0x0;
	s5 =	sld [smem:$0x3FAC]  }
0x2b: {  	s6 =	sld [smem:$0x3FAD]  }
0x2c: {  	s7 =	sld [smem:$0x3FAE]  }
0x2d: {  	s3 =	simm.s32 $0x108;
	s8 =	sld [smem:$0x3FAF]  }
0x2e: {  	s3 =	simm.s32 @!p0 $0x1082;
	s9 =	sld [smem:$0x3FB0]  }
0x2f: {  	lr =	sadd.s32 s0, s3;
	s0 =	sld [smem:$0x3FA7]  }
0x30: {  	s3 =	sld [smem:$0x3FAA]  }
0x31: {  	[smem:$0x3FB3] =	sst s10  }
0x32: {  	s10 =	sld [smem:$0x3FB1];
	_ =	sdelay $0x3  }
0x33: {  	p0 =	seq.s32 s10, $0x1;
	s10 =	sld [smem:$0x3FB3];
	_ =	sdelay $0x3  }
0x34: {  	[smem:$0x3FB3] =	sst s10  }
0x35: {  	s10 =	sld [smem:$0x3FB2];
	_ =	sdelay $0x3  }
0x36: {  	p1 =	seq.s32 s10, $0x1;
	s10 =	sld [smem:$0x3FB3];
	_ =	sdelay $0x3  }
0x37: {  	[smem:$0x3FB3] =	sst s10  }
0x38: {  	s10 =	sld [smem:$0x3FB4]  }
0x39: {  	_ = 	snop;
	(pc) =	sbr.ind lr, $3  }
0x3a: {  	_ = 	snop  }
0x3b: {  	_ = 	snop  }
0x3c: {  	p2 =	seq.s32 s10, $0x1;
	s10 =	sld [smem:$0x3FB3]  }
0x3d: {  	_ =	shalt  }
0x3e: {  	_ =	shalt  }
0x3f: {  	_ =	shalt  }
0x40: {  	_ =	shalt  }
0x41: {  	_ =	shalt  }
0x42: {  	_ =	shalt  }
0x43: {  	_ =	shalt  }
0x44: {  	_ =	shalt  }
0x45: {  	_ =	shalt  }
0x46: {  	_ =	shalt  }
0x47: {  	_ =	shalt  }
0x48: {  	_ =	shalt  }
0x49: {  	_ =	shalt  }
0x4a: {  	_ =	shalt  }
0x4b: {  	_ =	shalt  }
0x4c: {  	_ =	shalt  }
0x4d: {  	_ =	shalt  }
0x4e: {  	_ =	shalt  }
0x4f: {  	_ =	shalt  }
0x50: {  	_ =	shalt  }
0x51: {  	_ =	shalt  }
0x52: {  	_ =	shalt  }
0x53: {  	_ =	shalt  }
0x54: {  	_ =	shalt  }
0x55: {  	_ =	shalt  }
0x56: {  	_ =	shalt  }
0x57: {  	_ =	shalt  }
0x58: {  	_ =	shalt  }
0x59: {  	_ =	shalt  }
0x5a: {  	_ =	shalt  }
0x5b: {  	_ =	shalt  }
0x5c: {  	_ =	shalt  }
0x5d: {  	_ =	shalt  }
0x5e: {  	_ =	shalt  }
0x5f: {  	_ =	shalt  }
0x60: {  	_ =	shalt  }
0x61: {  	_ =	shalt  }
0x62: {  	_ =	shalt  }
0x63: {  	_ =	shalt  }
0x64: {  	_ =	shalt  }
0x65: {  	_ =	shalt  }
0x66: {  	_ =	shalt  }
0x67: {  	_ =	shalt  }
0x68: {  	_ =	shalt  }
0x69: {  	_ =	shalt  }
0x6a: {  	_ =	shalt  }
0x6b: {  	_ =	shalt  }
0x6c: {  	_ =	shalt  }
0x6d: {  	_ =	shalt  }
0x6e: {  	_ =	shalt  }
0x6f: {  	_ =	shalt  }
0x70: {  	_ =	shalt  }
0x71: {  	_ =	shalt  }
0x72: {  	_ =	shalt  }
0x73: {  	_ =	shalt  }
0x74: {  	_ =	shalt  }
0x75: {  	_ =	shalt  }
0x76: {  	_ =	shalt  }
0x77: {  	_ =	shalt  }
0x78: {  	_ =	shalt  }
0x79: {  	_ =	shalt  }
0x7a: {  	_ =	shalt  }
0x7b: {  	_ =	shalt  }
0x7c: {  	_ =	shalt  }
0x7d: {  	_ =	shalt  }
0x7e: {  	_ =	shalt  }
0x7f: {  	_ =	shalt  }
0x80: {  	_ =	shalt  }
0x81: {  	_ =	shalt  }
0x82: {  	_ =	shalt  }
0x83: {  	_ =	shalt  }
0x84: {  	_ =	shalt  }
0x85: {  	_ =	shalt  }
0x86: {  	_ =	shalt  }
0x87: {  	_ =	shalt  }
.Lfunc_end0:
.L_simem_size_0:
called_computation_lowered:
.L_overlay_start_0:
0x88: {  	s2 =	sld [smem:$0x3FD9]  }
0x89: {  	s3 =	sld [smem:$0x3FFE];
	_ =	sdelay $0x1  }
0x8a: {  	s1 =	srdreg.scid  }
0x8b: {  	s0 =	sand.u32 $0x1, s1  }
0x8c: {  	s16 =	sshll.u32 s0, $0xA;
	s2 =	sadd.s32 s3, s2  }
0x8d: {  	s2 =	sadd.s32 s2, s16  }
0x8e: {  	[smem:$0x3FBF] =	sst s2  }
0x8f: {  	_ = 	snop  }
0x90: {  	(tm) =	ssettm $0x1  }
0x91: {  	s17 =	sld [smem:$0x3FFB];
	_ =	sdelay $0x3  }
0x92: {  	_ =	strace s17  }
0x93: {  	s2 =	sld [smem:$0x3FFC];
	_ =	sdelay $0x3  }
0x94: {  	_ =	strace s2  }
0x95: {  	s2 =	sld [smem:$0x3FFD];
	_ =	sdelay $0x3  }
0x96: {  	_ =	strace s2  }
0x97: {  	_ =	strace $0x8FFFFFFF  }
0x98: {  	s18 =	sld [smem:$0x3FDB];
	_ =	sdelay $0x1  }
0x99: {  	s19 =	simm.s32 $_scs_section_size  }
0x9a: {  	s4 =	simm.s32 $_size__tile_overlayer_lowered;
	s5 =	simm.s32 $_tile_overlayer_lowered  }
0x9b: {  	s22 =	simm.s32 $0x1BFF;
	s21 =	sshll.u32 s5, $0x1;
	s2 =	sadd.s32 s19, s18  }
0x9c: {  	s6 =	simm.s32 $0x0;
	s20 =	sshll.u32 s4, $0x1;
	s4 =	sadd.s32 s21, s2  }
0x9d: {  	[timem:s6], [sflag:s22] =	dma.local [hbm:s4], s20  }
0x9e: {  	_ =	swait.ge [sflag:s22], s20  }
0x9f: {  	s3 =	ssub.s32 $0x0, s20;
	[sflag:s22] =	ssyncset.done $0x0  }
0xa0: {  	[sflag:s22] =	ssyncadd.s32 s3;
	_ =	sdelay $0x1  }
0xa1: {  	s23 =	simm.s32 $0x1B8B  }
0xa2: {  	_ =	swait.ge [sflag:s23], $0x1  }
0xa3: {  	[sflag:s23] =	ssyncset.done $0x0  }
0xa4: {  	s25 =	simm.s32 $0x1B8E;
	s24 =	sld [smem:$0x3FFE];
	[sflag:s23] =	ssyncadd.s32 $0xFFFFFFFF  }
0xa5: {  	s26 =	simm.s32 $execute0_lowered;
	[smem:$0x3FD2] =	sst s25  }
0xa6: {  	s4 =	sshll.u32 s26, $0x1;
	_ =	strace $0x80000046;
	[dreg:$0x1] =	wrdreg $0xFFFFFFFF  }
0xa7: {  	s28 =	simm.s32 $_size_execute0_lowered;
	s2 =	sadd.s32 s2, s4;
	[dreg:$0x0] =	wrdreg $0x0  }
0xa8: {  	s4 =	sshll.u32 s28, $0x1;
	[dreg:$0x2] =	wrdreg s2  }
0xa9: {  	[dreg:$0x3] =	wrdreg s4  }
0xaa: {  	[dreg:$0x4] =	wrdreg $0xC0  }
0xab: {  	_ =	task [dreg:s6], $0x5FFFF  }
0xac: {  	[dreg:$0x1] =	wrdreg $0xFFFFFFFF  }
0xad: {  	[dreg:$0x0] =	wrdreg $0x60  }
0xae: {  	[dreg:$0x2] =	wrdreg s24  }
0xaf: {  	[dreg:$0x3] =	wrdreg $0x9  }
0xb0: {  	_ =	task.clear_ibuf [dreg:s6], $0x4FFFF;
	_ =	strace $0x90000046  }
0xb1: {  	s29 =	simm.s32 $0x9;
	_ =	strace $0x80000048  }
0xb2: {  	_ =	swait.ge [sflag:s29], $0x1  }
0xb3: {  	[sflag:s29] =	ssyncadd.s32 $0xFFFFFFFF  }
0xb4: {  	_ =	strace $0x90000048  }
0xb5: {  	_ =	sfence  }
0xb6: {  	s30 =	sld [smem:$0x0];
	_ =	sdelay $0x2  }
0xb7: {  	s31 =	sshll.u32 s1, $0xD;
	s1 =	sshrl.u32 s1, $0x2  }
0xb8: {  	s3 =	sand.u32 $0x4000, s31;
	s1 =	sadd.s32 s1, s30  }
0xb9: {  	s0 =	sor.u32 s3, s0;
	s1 =	sshll.u32 s1, $0x11  }
0xba: {  	s0 =	sor.u32 s1, s0  }
0xbb: {  	s0 =	sadd.s32 $0x8F2B, s0  }
0xbc: {  	[sflag:s0] =	ssyncadd.remote.s32 $0x1  }
0xbd: {  	_ =	sfence.sel $0xFFFF  }
0xbe: {  	[dreg:$0x0] =	wrdreg $0xFFFFFFFF;
	(pc) =	sbr.abs _section_cstart, $3  }
0xbf: {  	[dreg:$0x1] =	wrdreg $0xFFFFFFFF  }
0xc0: {  	_ =	task.clear_ibuf [dreg:s6], $0x2FFFF;
	_ =	strace $0x9FFFFFFF  }
0xc1: {  	(tm) =	ssettm $0x7FFFFFFF  }
tec
execute0_lowered:
.L_overlay_start_1:
0x0: {  	(tag) =	ssettag $0x1  }
0x1: {  	s0 =	srdreg.scid  }
0x2: {  	s4 =	rddreg [dreg:$0x0];
	s3 =	sand.u32 $0x1, s0  }
0x3: {  	s2 =	simm.s32 $0x0;
	s0 =	stileid.u32;
	s1 =	sshll.u32 s3, $0x4  }
0x4: {  	s8 =	simm.s32 $0x2;
	s9 =	simm.s32 $0x0;
	s5 =	sor.u32 s0, s1  }
0x5: {  	[smem:$0x7FF] =	sst s2;
	s3 =	ssub.s32 $0x2, s3;
	s6 =	smul.u32 $0x7D0, s5  }
0x6: {  	s1 =	rddreg [dreg:$0x1];
	s7 =	sshrl.u32 s3, $0x1;
	s5 =	smul.u32 $0x500, s5  }
0x7: {  	_ =	strace $0x80000047;
	s31 =	ssub.s32 s3, s7;
	s7 =	simm.s32 $0x3E80  }
0x8: {  	s6 =	sadd.s32 s6, s4;
	s4 =	sadd.s32 s5, s4;
	s5 =	smax.u32 s31, $0x1  }
0x9: {  	v0 =	vimm.f32 $0.0e+00;
	v1 =	vimm.f32 $1.000000000e+00;
	s3 =	sadd.s32 $0x2400, s6;
	s4 =	sadd.s32 $0x11E00, s4;
	s6 =	simm.s32 $0x1  }
.LBB2_1:
0xa: {  	[tilespmem:s2], [sflag:$0x1] =	stream.linear.gather [hbm4b:s3+s2], $0x3E80, $0x38;
	[tilespmem:$0x6680] =	vst v63  }
0xb: {  	_ =	swait.ge [sflag:s6], $0x3E80  }
0xc: {  	[sflag:s6] =	ssyncset.done $0x0  }
0xd: {  	s10 =	simm.s32 $0x0;
	[sflag:s6] =	ssyncadd.s32 $0xFFFFC180  }
.LBB2_2:
0xe: {  	p0 =	sne.s32 s10, $0x9FC0  }
.Ltmp0:
0xf: {  	_ = 	snop;
	(pc) =	sbr.rel @p0 .LBB2_2-.Ltmp0, $3  }
0x10: {  	_ =	sdelay $0x1  }
0x11: {  	s11 =	sshra.s32 s10, $0x2  }
0x12: {  	s10 =	sadd.s32 $0x40, s10;
	[tilespmem:s11+$0x3E80] =	vst v0  }
0x13: {  	s10 =	simm.s32 $0x100  }
.LBB2_4:
0x14: {  	s11 =	sshra.s32 s10, $0x2  }
0x15: {  	v2 =	vld [tilespmem:s11+$0xFFFFFFC0];
	_ =	sdelay $0x7  }
0x16: {  	[tilespmem:v2+s7+$0x0] =	vst.idx.add.f32.msk $0xffff, v1  }
0x17: {  	v2 =	vld [tilespmem:s11+$0xFFFFFFD0];
	_ =	sdelay $0x7  }
0x18: {  	[tilespmem:v2+s7+$0x0] =	vst.idx.add.f32.msk $0xffff, v1  }
0x19: {  	v2 =	vld [tilespmem:s11+$0xFFFFFFE0];
	_ =	sdelay $0x7  }
0x1a: {  	[tilespmem:v2+s7+$0x0] =	vst.idx.add.f32.msk $0xffff, v1  }
0x1b: {  	v2 =	vld [tilespmem:s11+$0xFFFFFFF0];
	_ =	sdelay $0x7  }
0x1c: {  	[tilespmem:v2+s7+$0x0] =	vst.idx.add.f32.msk $0xffff, v1  }
0x1d: {  	v2 =	vld [tilespmem:s11+$0x0];
	_ =	sdelay $0x2  }
0x1e: {  	p0 =	sne.s32 s10, $0xF900  }
.Ltmp1:
0x1f: {  	_ = 	snop;
	(pc) =	sbr.rel @p0 .LBB2_4-.Ltmp1, $2  }
0x20: {  	_ =	sdelay $0x2  }
0x21: {  	s10 =	sadd.s32 $0x200, s10;
	[tilespmem:v2+s7+$0x0] =	vst.idx.add.f32.msk $0xffff, v1  }
0x22: {  	s9 =	sadd.s32 $0x1, s9  }
0x23: {  	p0 =	sne.s32 s9, s5  }
.Ltmp2:
0x24: {  	_ = 	snop;
	(pc) =	sbr.rel @p0 .LBB2_1-.Ltmp2, $4  }
0x25: {  	[hbm4b:s4+s2] =	stream.linear.scatter [tilespmem:s7], [sflag:$0x2], $0x2800, $0x38;
	[tilespmem:$0x6680] =	vst v63  }
0x26: {  	_ =	swait.ge [sflag:s8], $0x2800  }
0x27: {  	[sflag:s8] =	ssyncset.done $0x0  }
0x28: {  	[sflag:s8] =	ssyncadd.s32 $0xFFFFD800  }
0x29: {  	_ =	sfence.sel $0x180000  }
0x2a: {  	[bflag:$0x0] =	sbarrier.arrive $0xFFFF  }
0x2b: {  	p0 =	sne.s32 s0, $0x0;
	_ =	strace $0x90000047  }
0x2c: {  	s0 =	sadd.s32 @!p0 $0x100000, s1;
	[bflag:$0x2] =	sbarrier.arrive $0xFFFF  }
0x2d: {  	[sflag:s0] =	ssyncadd.tile.s32 @!p0 $0x1;
	_ =	shalt  }
.Lfunc_end2:
_tile_overlayer_lowered:
.L_overlay_start_2:
0x2e: {  	(tag) =	ssettag $0x2  }
0x2f: {  	s0 =	rddreg [dreg:$0x0];
	s2 =	stileid.u32  }
0x30: {  	s1 =	rddreg [dreg:$0x1];
	p0 =	sne.s32 s2, $0x0  }
0x31: {  	s3 =	rddreg [dreg:$0x2];
	[bflag:$0x3] =	sbarrier.arrive $0xFFFF;
	s2 =	simm.s32 @!p0 $0x1C02  }
0x32: {  	[timem:s3], [sflag:s2] =	dma.local @!p0 [hbm:s0], s1  }
0x33: {  	s0 =	simm.s32 @!p0 $0x2  }
0x34: {  	_ =	swait.ge @!p0 [sflag:s0], s1  }
0x35: {  	s1 =	ssub.s32 @!p0 $0x0, s1;
	[sflag:s0] =	ssyncset.done @!p0 $0x0  }
0x36: {  	[sflag:s0] =	ssyncadd.s32 @!p0 s1  }
0x37: {  	[bflag:$0x3] =	sbarrier.arrive $0xFFFF  }
0x38: {  	_ =	shalt  }

</sc_bundles>
